<compile_context>
chip_gen: v7x
topology: tpu7x:2x2x1
jax: 0.10.2.dev20260603
libtpu: 0.0.44.dev20260713+nightly
codegen_flags: <defaults>
</compile_context>

<pallas_src>
import dataclasses
import functools
import math

import jax
import jax.numpy as jnp
from jax import lax
from jax.experimental import pallas as pl
from jax.experimental.pallas import tpu as pltpu
from jax.experimental.pallas import tpu_sc as plsc

EPS_BN = 1e-5
GSCALE = 1.0 / math.sqrt(1.0 + EPS_BN)

NSUB = 16
NCORE = 2


def _sc_mesh():
    return plsc.VectorSubcoreMesh(core_axis_name="c", subcore_axis_name="s")


def _sc_degree(col, n):
    e = col.shape[0]
    epc = e // NCORE
    per = (epc // NSUB) & ~15
    ext = epc - per * NSUB
    m_lo = per // 16
    m_hi = (per + ext) // 16
    nr = -(-n // 128)
    nr = -(-nr // 8) * 8
    zr = nr // 8

    ar_h = jnp.arange(nr, dtype=jnp.int32)

    cp = pltpu.CompilerParams()
    if "needs_layout_passes" in pltpu.CompilerParams.__dataclass_fields__:
        cp = dataclasses.replace(cp, needs_layout_passes=False)

    @functools.partial(
        pl.kernel,
        out_type=jax.ShapeDtypeStruct((NCORE, nr, 128), jnp.float32),
        mesh=_sc_mesh(),
        compiler_params=cp,
        scratch_types=[
            pltpu.VMEM((per + ext,), jnp.int32),
            pltpu.VMEM((nr, 128), jnp.float32),
            pltpu.VMEM((nr,), jnp.int32),
            pltpu.VMEM((8, 128), jnp.float32),
            pltpu.VMEM_SHARED((nr, 128), jnp.float32),
        ],
    )
    def k(col_hbm, ar_hbm, out_hbm, colsv, histv, arv, zbuf, accum):
        c = lax.axis_index("c")
        s = lax.axis_index("s")
        base = c * epc + s * per
        pltpu.sync_copy(col_hbm.at[pl.ds(base, per)], colsv.at[pl.ds(0, per)])

        @pl.when(s == NSUB - 1)
        def _():
            pltpu.sync_copy(col_hbm.at[pl.ds(base + per, ext)],
                            colsv.at[pl.ds(per, ext)])

        pltpu.sync_copy(ar_hbm, arv)

        @pl.loop(0, nr)
        def _(r):
            @pl.loop(0, 128, step=16)
            def _(i):
                histv[r, pl.ds(i, 16)] = jnp.zeros((16,), jnp.float32)

        @pl.loop(0, 8)
        def _(r):
            @pl.loop(0, 128, step=16)
            def _(i):
                zbuf[r, pl.ds(i, 16)] = jnp.zeros((16,), jnp.float32)

        @pl.when(s < zr)
        def _():
            pltpu.sync_copy(zbuf, accum.at[pl.ds(s * 8, 8)])

        m = jnp.where(s == NSUB - 1, m_hi, m_lo)
        ones16 = jnp.ones((16,), jnp.float32)

        @pl.loop(0, m_hi)
        def _(k2):
            @pl.when(k2 < m)
            def _():
                ii = colsv[pl.ds(k2 * 16, 16)]
                rr = lax.shift_right_logical(ii, 7)
                ll = jnp.bitwise_and(ii, 127)
                plsc.addupdate_scatter(histv, [rr, ll], ones16)

        plsc.subcore_barrier()
        pltpu.sync_copy(histv, accum.at[arv], add=True)
        plsc.subcore_barrier()

        @pl.when(s < zr)
        def _():
            pltpu.sync_copy(accum.at[pl.ds(s * 8, 8)],
                            out_hbm.at[c, pl.ds(s * 8, 8)])

    return k(col, ar_h)


def _sc_scatter(xws_flat, rows2, col, n):
    e = col.shape[0]
    ch = 128
    per = (e // NSUB) & ~(ch - 1)
    m_lo = per // ch
    m_hi = (e - per * (NSUB - 1)) // ch
    npt = (n // NSUB) & ~7
    tail = n - npt * NSUB

    @functools.partial(
        pl.kernel,
        out_type=jax.ShapeDtypeStruct((NCORE, n, 128), jnp.float32),
        mesh=_sc_mesh(),
        scratch_types=[
            pltpu.VMEM((4, ch), jnp.int32),
            pltpu.VMEM((4, ch), jnp.int32),
            pltpu.VMEM((3, ch, 128), jnp.float32),
            pltpu.VMEM_SHARED((n, 128), jnp.float32),
        ] + [pltpu.SemaphoreType.DMA] * 9,
    )
    def k(xws_hbm, rows_hbm, col_hbm, out_hbm, rowv, colv, msgv, accum,
          g0, g1, g2, s0, s1, s2, i0, i1, i2):
        gsem = [g0, g1, g2]
        ssem = [s0, s1, s2]
        isem = [i0, i1, i2]
        c = lax.axis_index("c")
        s = lax.axis_index("s")
        m = jnp.where(s == NSUB - 1, m_hi, m_lo)
        base = s * per

        def load_idx_sync(j, q):
            pltpu.sync_copy(rows_hbm.at[pl.ds(c * e + base + j * ch, ch)], rowv.at[q])
            pltpu.sync_copy(col_hbm.at[pl.ds(base + j * ch, ch)], colv.at[q])

        load_idx_sync(0, 0)
        load_idx_sync(1, 1)
        load_idx_sync(2, 2)
        pltpu.async_copy(xws_hbm.at[rowv.at[0]], msgv.at[0], gsem[0])
        pltpu.async_copy(xws_hbm.at[rowv.at[1]], msgv.at[1], gsem[1])

        pltpu.sync_copy(xws_hbm.at[pl.ds(c * n + s * npt, npt)],
                        accum.at[pl.ds(s * npt, npt)])

        @pl.when(s == 0)
        def _():
            pltpu.sync_copy(xws_hbm.at[pl.ds(c * n + npt * NSUB, tail)],
                            accum.at[pl.ds(npt * NSUB, tail)])

        plsc.subcore_barrier()

        @pl.loop(0, m_hi + (3 - m_hi % 3) % 3, step=3)
        def _(i):
            for b in range(3):
                j = i + b
                b2 = (b + 2) % 3

                @pl.when(j < m)
                def _(j=j, b=b):
                    pltpu.make_async_copy(
                        xws_hbm.at[rowv.at[j & 3]], msgv.at[b], gsem[b]).wait()
                    pltpu.async_copy(
                        msgv.at[b], accum.at[colv.at[j & 3]], ssem[b], add=True)

                @pl.when(j + 2 < m)
                def _(j=j, b2=b2):
                    @pl.when(j >= 1)
                    def _():
                        pltpu.make_async_copy(
                            msgv.at[b2], accum.at[colv.at[(j - 1) & 3]],
                            ssem[b2]).wait()
                        pltpu.make_async_copy(
                            rows_hbm.at[pl.ds(0, ch)], rowv.at[(j + 2) & 3],
                            isem[b2]).wait()
                        pltpu.make_async_copy(
                            col_hbm.at[pl.ds(0, ch)], colv.at[(j + 2) & 3],
                            isem[b2]).wait()
                    pltpu.async_copy(
                        xws_hbm.at[rowv.at[(j + 2) & 3]], msgv.at[b2], gsem[b2])

                @pl.when(j + 3 < m)
                def _(j=j, b=b):
                    q = (j + 3) & 3
                    pltpu.async_copy(
                        rows_hbm.at[pl.ds(c * e + base + (j + 3) * ch, ch)],
                        rowv.at[q], isem[b])
                    pltpu.async_copy(
                        col_hbm.at[pl.ds(base + (j + 3) * ch, ch)],
                        colv.at[q], isem[b])

        pltpu.make_async_copy(msgv.at[0], accum.at[colv.at[0]], ssem[0]).wait()
        pltpu.make_async_copy(msgv.at[1], accum.at[colv.at[1]], ssem[1]).wait()
        pltpu.make_async_copy(msgv.at[2], accum.at[colv.at[2]], ssem[2]).wait()
        plsc.subcore_barrier()
        pltpu.sync_copy(accum.at[pl.ds(s * npt, npt)], out_hbm.at[c, pl.ds(s * npt, npt)])

        @pl.when(s == 0)
        def _():
            pltpu.sync_copy(accum.at[pl.ds(npt * NSUB, tail)],
                            out_hbm.at[c, pl.ds(npt * NSUB, tail)])

    return k(xws_flat, rows2, col)


def _dinv_block(deg_ref):
    d = deg_ref[:, 0:1] + deg_ref[:, 1:2] + 1.0
    return lax.rsqrt(d)


def _t0_body(deg_ref, x_ref, w_ref, out_ref):
    d = _dinv_block(deg_ref)
    xw = jnp.dot(x_ref[...], w_ref[...], preferred_element_type=jnp.float32)
    xws = xw * d
    out_ref[0] = xws[:, :128]
    out_ref[1] = xws[:, 128:]


def _tmid_body(deg_ref, s_ref, b_ref, g_ref, be_ref, w_ref, out_ref):
    d = _dinv_block(deg_ref)
    gs = g_ref[...] * GSCALE
    off = b_ref[...] * gs + be_ref[...]
    h0 = jnp.maximum(s_ref[0] * d * gs[:, :128] + off[:, :128], 0.0)
    h1 = jnp.maximum(s_ref[1] * d * gs[:, 128:] + off[:, 128:], 0.0)
    res = jnp.dot(h0, w_ref[0:128, :], preferred_element_type=jnp.float32)
    res = res + jnp.dot(h1, w_ref[128:256, :], preferred_element_type=jnp.float32)
    xws = res * d
    out_ref[0] = xws[:, :128]
    out_ref[1] = xws[:, 128:]


def _tlast_body(deg_ref, s_ref, b_ref, g_ref, be_ref, wc_ref, bc_ref, out_ref):
    d = _dinv_block(deg_ref)
    gs = g_ref[...] * GSCALE
    off = b_ref[...] * gs + be_ref[...]
    h0 = jnp.maximum(s_ref[0] * d * gs[:, :128] + off[:, :128], 0.0)
    h1 = jnp.maximum(s_ref[1] * d * gs[:, 128:] + off[:, 128:], 0.0)
    res = jnp.dot(h0, wc_ref[0:128, :], preferred_element_type=jnp.float32)
    res = res + jnp.dot(h1, wc_ref[128:256, :], preferred_element_type=jnp.float32)
    out_ref[...] = res + bc_ref[...]


_R = 1000


def _t0(degp, x, w):
    n = x.shape[0]
    return pl.pallas_call(
        _t0_body,
        grid=(n // _R,),
        in_specs=[
            pl.BlockSpec((_R, 2), lambda i: (i, 0)),
            pl.BlockSpec((_R, 256), lambda i: (i, 0)),
            pl.BlockSpec((256, 256), lambda i: (0, 0)),
        ],
        out_specs=pl.BlockSpec((2, _R, 128), lambda i: (0, i, 0)),
        out_shape=jax.ShapeDtypeStruct((2, n, 128), jnp.float32),
    )(degp, x, w)


def _tmid(degp, s2, b, g, be, w):
    n = s2.shape[1]
    return pl.pallas_call(
        _tmid_body,
        grid=(n // _R,),
        in_specs=[
            pl.BlockSpec((_R, 2), lambda i: (i, 0)),
            pl.BlockSpec((2, _R, 128), lambda i: (0, i, 0)),
            pl.BlockSpec((1, 256), lambda i: (0, 0)),
            pl.BlockSpec((1, 256), lambda i: (0, 0)),
            pl.BlockSpec((1, 256), lambda i: (0, 0)),
            pl.BlockSpec((256, 256), lambda i: (0, 0)),
        ],
        out_specs=pl.BlockSpec((2, _R, 128), lambda i: (0, i, 0)),
        out_shape=jax.ShapeDtypeStruct((2, n, 128), jnp.float32),
    )(degp, s2, b.reshape(1, -1), g.reshape(1, -1), be.reshape(1, -1), w)


def _tlast(degp, s2, b, g, be, wc, bc):
    n = s2.shape[1]
    cdim = wc.shape[1]
    return pl.pallas_call(
        _tlast_body,
        grid=(n // _R,),
        in_specs=[
            pl.BlockSpec((_R, 2), lambda i: (i, 0)),
            pl.BlockSpec((2, _R, 128), lambda i: (0, i, 0)),
            pl.BlockSpec((1, 256), lambda i: (0, 0)),
            pl.BlockSpec((1, 256), lambda i: (0, 0)),
            pl.BlockSpec((1, 256), lambda i: (0, 0)),
            pl.BlockSpec((256, cdim), lambda i: (0, 0)),
            pl.BlockSpec((1, cdim), lambda i: (0, 0)),
        ],
        out_specs=pl.BlockSpec((_R, cdim), lambda i: (i, 0)),
        out_shape=jax.ShapeDtypeStruct((n, cdim), jnp.float32),
    )(degp, s2, b.reshape(1, -1), g.reshape(1, -1), be.reshape(1, -1), wc,
      bc.reshape(1, -1))


def kernel(x, edge_index, W0, b0, g0, be0, W1, b1, g1, be1, W2, b2, g2, be2, Wc, bc):
    n = x.shape[0]
    row = edge_index[0]
    col = edge_index[1]
    rows2 = jnp.concatenate([row, row + n])

    degh = _sc_degree(col, n)
    degp = degh.reshape(2, -1)[:, :n].T

    xws0 = _t0(degp, x, W0)
    s0 = _sc_scatter(xws0.reshape(2 * n, 128), rows2, col, n)
    xws1 = _tmid(degp, s0, b0, g0, be0, W1)
    s1 = _sc_scatter(xws1.reshape(2 * n, 128), rows2, col, n)
    xws2 = _tmid(degp, s1, b1, g1, be1, W2)
    s2 = _sc_scatter(xws2.reshape(2 * n, 128), rows2, col, n)
    return _tlast(degp, s2, b2, g2, be2, Wc, bc)

# --- scband reference (transcript-rebuilt; emitter-appended) ---
"""Pipeline reference for scband-gcn-13898514170720 (READ-ONLY COPY).

The authoritative reference and input builder live on the scoring server;
editing this copy changes nothing except your own understanding.
"""

import jax, jax.numpy as jnp
import numpy as np

N = 10000
E = 160000
D = 256
H = 256
C = 64
EPS = 1e-5

def _glorot(key, shape):
    fan_in, fan_out = shape
    s = jnp.sqrt(6.0 / (fan_in + fan_out))
    return jax.random.uniform(key, shape, jnp.float32, -s, s)

def setup_inputs(seed: int = 0):
    key = jax.random.key(seed)
    ks = jax.random.split(key, 20)
    inp = {}
    inp["x"] = jax.random.normal(ks[0], (N, D), dtype=jnp.float32)
    inp["edge_index"] = jax.random.randint(ks[1], (2, E), 0, N, dtype=jnp.int32)
    dims = [(D, H), (H, H), (H, H)]
    for i, (di, do) in enumerate(dims):
        inp[f"W{i}"] = _glorot(ks[2 + 4 * i], (di, do))
        inp[f"b{i}"] = jnp.zeros((do,), jnp.float32)
        inp[f"g{i}"] = jnp.ones((do,), jnp.float32)
        inp[f"be{i}"] = jnp.zeros((do,), jnp.float32)
    inp["Wc"] = _glorot(ks[14], (H, C))
    inp["bc"] = jnp.zeros((C,), jnp.float32)
    return inp

def _prep(edge_index, num_nodes):
    # GCNConv normalization: add self-loops, symmetric D^-1/2 A D^-1/2
    loop = jnp.arange(num_nodes, dtype=edge_index.dtype)
    row = jnp.concatenate([edge_index[0], loop])
    col = jnp.concatenate([edge_index[1], loop])
    deg = jnp.zeros((num_nodes,), jnp.float32).at[col].add(1.0)
    dinv = jnp.where(deg > 0, jax.lax.rsqrt(deg), 0.0)
    norm = dinv[row] * dinv[col]
    return row, col, norm

def _gcn_conv(x, row, col, norm, W, b):
    xw = x @ W
    msg = xw[row] * norm[:, None]
    out = jnp.zeros((x.shape[0], xw.shape[1]), x.dtype).at[col].add(msg)
    return out + b

def reference(x, edge_index, W0, b0, g0, be0, W1, b1, g1, be1, W2, b2, g2, be2, Wc, bc):
    row, col, norm = _prep(edge_index, x.shape[0])
    Ws = [W0, W1, W2]; bs = [b0, b1, b2]; gs = [g0, g1, g2]; bes = [be0, be1, be2]
    h = x
    for i in range(3):
        h = _gcn_conv(h, row, col, norm, Ws[i], bs[i])
        # eval-mode BatchNorm1d: running_mean=0, running_var=1
        h = (h / jnp.sqrt(1.0 + EPS)) * gs[i] + bes[i]
        h = jax.nn.relu(h)
        # dropout is identity in eval mode
    return h @ Wc + bc

if __name__ == "__main__":
    import jax
    _d = setup_inputs()
    print(jax.jit(kernel)(*tuple(_d.values())))

</pallas_src>

<mosaic_0001>
#map = affine_map<(d0, d1) -> (0)>
#map1 = affine_map<(d0, d1) -> (0, 0, 0)>
module attributes {stable_mosaic.version = 14 : i64} {
  func.func @k(%arg0: i32, %arg1: i32, %arg2: memref<160000xi32, #tpu.memory_space<hbm>>, %arg3: memref<80xi32, #tpu.memory_space<hbm>>, %arg4: memref<2x80x128xf32, #tpu.memory_space<hbm>>, %arg5: memref<5120xi32, #tpu.memory_space<vmem>>, %arg6: memref<80x128xf32, #tpu.memory_space<vmem>>, %arg7: memref<80xi32, #tpu.memory_space<vmem>>, %arg8: memref<8x128xf32, #tpu.memory_space<vmem>>, %arg9: memref<80x128xf32, #tpu.memory_space<vmem_shared>>) attributes {dimension_semantics = [#tpu.dimension_semantics<core_parallel>, #tpu.dimension_semantics<subcore_parallel>], iteration_bounds = array<i64: 2, 16>, scalar_prefetch = 0 : i64, scratch_operands = 5 : i64, tpu.core_type = #tpu.core_type<sc_vector_subcore>, window_params = [{transform_indices = #map}, {transform_indices = #map}, {transform_indices = #map1}]} {
    %mul3A = arith.constant 80000 : i32
    %mul3A_0 = arith.muli %arg0, %mul3A : i32
    %mul3A_1 = arith.constant 4992 : i32
    %mul3A_2 = arith.muli %arg1, %mul3A_1 : i32
    %add3A = arith.addi %mul3A_0, %mul3A_2 : i32
    "tpu.region"() ({
      %run_scoped3A = tpu.sem_alloc : memref<!tpu.dma_semaphore, #tpu.memory_space<semaphore_mem>>
      %dma_start3A = arith.constant 0 : i32
      %dma_start3A_33 = tpu.memref_slice %arg5[%dma_start3A] : memref<5120xi32, #tpu.memory_space<vmem>> -> memref<4992xi32, #tpu.memory_space<vmem>>
      %dma_start3A_34 = tpu.memref_slice %arg2[%add3A] : memref<160000xi32, #tpu.memory_space<hbm>> -> memref<4992xi32, #tpu.memory_space<hbm>>
      %dma_start3A_35 = arith.constant 0 : i32
      %dma_start3A_36 = tpu.memref_slice %arg5[%dma_start3A_35] : memref<5120xi32, #tpu.memory_space<vmem>> -> memref<4992xi32, #tpu.memory_space<vmem>>
      %dma_start3A_37 = tpu.memref_slice %arg2[%add3A] : memref<160000xi32, #tpu.memory_space<hbm>> -> memref<4992xi32, #tpu.memory_space<hbm>>
      tpu.enqueue_dma source(%dma_start3A_37 : memref<4992xi32, #tpu.memory_space<hbm>>) target(%dma_start3A_36 : memref<4992xi32, #tpu.memory_space<vmem>>) target_semaphore(%run_scoped3A : memref<!tpu.dma_semaphore, #tpu.memory_space<semaphore_mem>>)
      %dma_wait3A = arith.constant 0 : i32
      %dma_wait3A_38 = tpu.memref_slice %arg5[%dma_wait3A] : memref<5120xi32, #tpu.memory_space<vmem>> -> memref<4992xi32, #tpu.memory_space<vmem>>
      %dma_wait3A_39 = tpu.memref_slice %arg2[%add3A] : memref<160000xi32, #tpu.memory_space<hbm>> -> memref<4992xi32, #tpu.memory_space<hbm>>
      %dma_wait3A_40 = arith.constant 0 : i32
      %dma_wait3A_41 = tpu.memref_slice %arg5[%dma_wait3A_40] : memref<5120xi32, #tpu.memory_space<vmem>> -> memref<4992xi32, #tpu.memory_space<vmem>>
      %dma_wait3A_42 = tpu.memref_slice %arg2[%add3A] : memref<160000xi32, #tpu.memory_space<hbm>> -> memref<4992xi32, #tpu.memory_space<hbm>>
      tpu.wait_dma2 semaphore(%run_scoped3A : memref<!tpu.dma_semaphore, #tpu.memory_space<semaphore_mem>>) src(%dma_wait3A_42 : memref<4992xi32, #tpu.memory_space<hbm>>) dst(%dma_wait3A_41 : memref<4992xi32, #tpu.memory_space<vmem>>)
      tpu.yield
    }) : () -> ()
    %eq3A = arith.constant 15 : i32
    %eq3A_3 = arith.cmpi eq, %arg1, %eq3A : i32
    %convert_element_type3A = arith.extui %eq3A_3 : i1 to i32
    %cond3A = arith.constant 0 : i32
    %cond3A_4 = arith.cmpi ne, %convert_element_type3A, %cond3A : i32
    scf.if %cond3A_4 {
      %add3A_33 = arith.constant 4992 : i32
      %add3A_34 = arith.addi %add3A, %add3A_33 : i32
      "tpu.region"() ({
        %run_scoped3A = tpu.sem_alloc : memref<!tpu.dma_semaphore, #tpu.memory_space<semaphore_mem>>
        %dma_start3A = arith.constant 4992 : i32
        %dma_start3A_35 = tpu.memref_slice %arg5[%dma_start3A] : memref<5120xi32, #tpu.memory_space<vmem>> -> memref<128xi32, #tpu.memory_space<vmem>>
        %dma_start3A_36 = tpu.memref_slice %arg2[%add3A_34] : memref<160000xi32, #tpu.memory_space<hbm>> -> memref<128xi32, #tpu.memory_space<hbm>>
        %dma_start3A_37 = arith.constant 4992 : i32
        %dma_start3A_38 = tpu.memref_slice %arg5[%dma_start3A_37] : memref<5120xi32, #tpu.memory_space<vmem>> -> memref<128xi32, #tpu.memory_space<vmem>>
        %dma_start3A_39 = tpu.memref_slice %arg2[%add3A_34] : memref<160000xi32, #tpu.memory_space<hbm>> -> memref<128xi32, #tpu.memory_space<hbm>>
        tpu.enqueue_dma source(%dma_start3A_39 : memref<128xi32, #tpu.memory_space<hbm>>) target(%dma_start3A_38 : memref<128xi32, #tpu.memory_space<vmem>>) target_semaphore(%run_scoped3A : memref<!tpu.dma_semaphore, #tpu.memory_space<semaphore_mem>>)
        %dma_wait3A = arith.constant 4992 : i32
        %dma_wait3A_40 = tpu.memref_slice %arg5[%dma_wait3A] : memref<5120xi32, #tpu.memory_space<vmem>> -> memref<128xi32, #tpu.memory_space<vmem>>
        %dma_wait3A_41 = tpu.memref_slice %arg2[%add3A_34] : memref<160000xi32, #tpu.memory_space<hbm>> -> memref<128xi32, #tpu.memory_space<hbm>>
        %dma_wait3A_42 = arith.constant 4992 : i32
        %dma_wait3A_43 = tpu.memref_slice %arg5[%dma_wait3A_42] : memref<5120xi32, #tpu.memory_space<vmem>> -> memref<128xi32, #tpu.memory_space<vmem>>
        %dma_wait3A_44 = tpu.memref_slice %arg2[%add3A_34] : memref<160000xi32, #tpu.memory_space<hbm>> -> memref<128xi32, #tpu.memory_space<hbm>>
        tpu.wait_dma2 semaphore(%run_scoped3A : memref<!tpu.dma_semaphore, #tpu.memory_space<semaphore_mem>>) src(%dma_wait3A_44 : memref<128xi32, #tpu.memory_space<hbm>>) dst(%dma_wait3A_43 : memref<128xi32, #tpu.memory_space<vmem>>)
        tpu.yield
      }) : () -> ()
    } else {
    }
    "tpu.region"() ({
      %run_scoped3A = tpu.sem_alloc : memref<!tpu.dma_semaphore, #tpu.memory_space<semaphore_mem>>
      tpu.enqueue_dma source(%arg3 : memref<80xi32, #tpu.memory_space<hbm>>) target(%arg7 : memref<80xi32, #tpu.memory_space<vmem>>) target_semaphore(%run_scoped3A : memref<!tpu.dma_semaphore, #tpu.memory_space<semaphore_mem>>)
      tpu.wait_dma2 semaphore(%run_scoped3A : memref<!tpu.dma_semaphore, #tpu.memory_space<semaphore_mem>>) src(%arg3 : memref<80xi32, #tpu.memory_space<hbm>>) dst(%arg7 : memref<80xi32, #tpu.memory_space<vmem>>)
      tpu.yield
    }) : () -> ()
    %scan3A = arith.constant 0 : i32
    %scan3A_5 = arith.constant 80 : i32
    %scan3A_6 = arith.addi %scan3A, %scan3A_5 : i32
    %scan3A_7 = arith.constant 1 : i32
    scf.for %scan3A_33 = %scan3A to %scan3A_6 step %scan3A_7  : i32 {
      %mul3A_34 = arith.constant 1 : i32
      %mul3A_35 = arith.muli %scan3A_33, %mul3A_34 : i32
      %add3A_36 = arith.constant 0 : i32
      %add3A_37 = arith.addi %add3A_36, %mul3A_35 : i32
      %scan3A_38 = arith.constant 0 : i32
      %scan3A_39 = arith.constant 8 : i32
      %scan3A_40 = arith.addi %scan3A_38, %scan3A_39 : i32
      %scan3A_41 = arith.constant 1 : i32
      scf.for %scan3A_43 = %scan3A_38 to %scan3A_40 step %scan3A_41  : i32 {
        %mul3A_44 = arith.constant 16 : i32
        %mul3A_45 = arith.muli %scan3A_43, %mul3A_44 : i32
        %add3A_46 = arith.constant 0 : i32
        %add3A_47 = arith.addi %add3A_46, %mul3A_45 : i32
        %broadcast_in_dim3A_48 = arith.constant 0.000000e+00 : f32
        %broadcast_in_dim3A_49 = vector.broadcast %broadcast_in_dim3A_48 : f32 to vector<16xf32>
        %swap3A = arith.index_cast %add3A_37 : i32 to index
        %swap3A_50 = arith.index_cast %add3A_47 : i32 to index
        %swap3A_51 = tpu.vector_load %arg6[%swap3A, %swap3A_50] {strides = array<i32>} : memref<80x128xf32, #tpu.memory_space<vmem>>, vector<16xf32>,
        tpu.vector_store %arg6[%swap3A, %swap3A_50], %broadcast_in_dim3A_49 {strides = array<i32>} : memref<80x128xf32, #tpu.memory_space<vmem>>, vector<16xf32>,
      }
      %scan3A_42 = arith.constant 8 : i32
    }
    %scan3A_8 = arith.constant 80 : i32
    %scan3A_9 = arith.constant 0 : i32
    %scan3A_10 = arith.constant 8 : i32
    %scan3A_11 = arith.addi %scan3A_9, %scan3A_10 : i32
    %scan3A_12 = arith.constant 1 : i32
    scf.for %scan3A_33 = %scan3A_9 to %scan3A_11 step %scan3A_12  : i32 {
      %mul3A_34 = arith.constant 1 : i32
      %mul3A_35 = arith.muli %scan3A_33, %mul3A_34 : i32
      %add3A_36 = arith.constant 0 : i32
      %add3A_37 = arith.addi %add3A_36, %mul3A_35 : i32
      %scan3A_38 = arith.constant 0 : i32
      %scan3A_39 = arith.constant 8 : i32
      %scan3A_40 = arith.addi %scan3A_38, %scan3A_39 : i32
      %scan3A_41 = arith.constant 1 : i32
      scf.for %scan3A_43 = %scan3A_38 to %scan3A_40 step %scan3A_41  : i32 {
        %mul3A_44 = arith.constant 16 : i32
        %mul3A_45 = arith.muli %scan3A_43, %mul3A_44 : i32
        %add3A_46 = arith.constant 0 : i32
        %add3A_47 = arith.addi %add3A_46, %mul3A_45 : i32
        %broadcast_in_dim3A_48 = arith.constant 0.000000e+00 : f32
        %broadcast_in_dim3A_49 = vector.broadcast %broadcast_in_dim3A_48 : f32 to vector<16xf32>
        %swap3A = arith.index_cast %add3A_37 : i32 to index
        %swap3A_50 = arith.index_cast %add3A_47 : i32 to index
        %swap3A_51 = tpu.vector_load %arg8[%swap3A, %swap3A_50] {strides = array<i32>} : memref<8x128xf32, #tpu.memory_space<vmem>>, vector<16xf32>,
        tpu.vector_store %arg8[%swap3A, %swap3A_50], %broadcast_in_dim3A_49 {strides = array<i32>} : memref<8x128xf32, #tpu.memory_space<vmem>>, vector<16xf32>,
      }
      %scan3A_42 = arith.constant 8 : i32
    }
    %scan3A_13 = arith.constant 8 : i32
    %lt3A = arith.constant 10 : i32
    %lt3A_14 = arith.cmpi slt, %arg1, %lt3A : i32
    %convert_element_type3A_15 = arith.extui %lt3A_14 : i1 to i32
    %cond3A_16 = arith.constant 0 : i32
    %cond3A_17 = arith.cmpi ne, %convert_element_type3A_15, %cond3A_16 : i32
    scf.if %cond3A_17 {
      %mul3A_33 = arith.constant 8 : i32
      %mul3A_34 = arith.muli %arg1, %mul3A_33 : i32
      "tpu.region"() ({
        %run_scoped3A = tpu.sem_alloc : memref<!tpu.dma_semaphore, #tpu.memory_space<semaphore_mem>>
        %dma_start3A = arith.constant 0 : i32
        %dma_start3A_35 = tpu.memref_slice %arg9[%mul3A_34, %dma_start3A] : memref<80x128xf32, #tpu.memory_space<vmem_shared>> -> memref<8x128xf32, #tpu.memory_space<vmem_shared>>
        %dma_start3A_36 = arith.constant 0 : i32
        %dma_start3A_37 = tpu.memref_slice %arg9[%mul3A_34, %dma_start3A_36] : memref<80x128xf32, #tpu.memory_space<vmem_shared>> -> memref<8x128xf32, #tpu.memory_space<vmem_shared>>
        tpu.enqueue_dma source(%arg8 : memref<8x128xf32, #tpu.memory_space<vmem>>) target(%dma_start3A_37 : memref<8x128xf32, #tpu.memory_space<vmem_shared>>) target_semaphore(%run_scoped3A : memref<!tpu.dma_semaphore, #tpu.memory_space<semaphore_mem>>)
        %dma_wait3A = arith.constant 0 : i32
        %dma_wait3A_38 = tpu.memref_slice %arg9[%mul3A_34, %dma_wait3A] : memref<80x128xf32, #tpu.memory_space<vmem_shared>> -> memref<8x128xf32, #tpu.memory_space<vmem_shared>>
        %dma_wait3A_39 = arith.constant 0 : i32
        %dma_wait3A_40 = tpu.memref_slice %arg9[%mul3A_34, %dma_wait3A_39] : memref<80x128xf32, #tpu.memory_space<vmem_shared>> -> memref<8x128xf32, #tpu.memory_space<vmem_shared>>
        tpu.wait_dma2 semaphore(%run_scoped3A : memref<!tpu.dma_semaphore, #tpu.memory_space<semaphore_mem>>) src(%arg8 : memref<8x128xf32, #tpu.memory_space<vmem>>) dst(%dma_wait3A_40 : memref<8x128xf32, #tpu.memory_space<vmem_shared>>)
        tpu.yield
      }) : () -> ()
    } else {
    }
    %eq3A_18 = arith.constant 15 : i32
    %eq3A_19 = arith.cmpi eq, %arg1, %eq3A_18 : i32
    %jit3A = arith.constant 320 : i32
    %jit3A_20 = arith.constant 312 : i32
    %select_n3A = arith.select %eq3A_19, %jit3A, %jit3A_20 : i32
    %broadcast_in_dim3A = arith.constant 1.000000e+00 : f32
    %broadcast_in_dim3A_21 = vector.broadcast %broadcast_in_dim3A : f32 to vector<16xf32>
    %scan3A_22 = arith.constant 0 : i32
    %scan3A_23 = arith.constant 320 : i32
    %scan3A_24 = arith.addi %scan3A_22, %scan3A_23 : i32
    %scan3A_25 = arith.constant 1 : i32
    scf.for %scan3A_33 = %scan3A_22 to %scan3A_24 step %scan3A_25  : i32 {
      %mul3A_34 = arith.constant 1 : i32
      %mul3A_35 = arith.muli %scan3A_33, %mul3A_34 : i32
      %add3A_36 = arith.constant 0 : i32
      %add3A_37 = arith.addi %add3A_36, %mul3A_35 : i32
      %lt3A_38 = arith.cmpi slt, %add3A_37, %select_n3A : i32
      %convert_element_type3A_39 = arith.extui %lt3A_38 : i1 to i32
      %cond3A_40 = arith.constant 0 : i32
      %cond3A_41 = arith.cmpi ne, %convert_element_type3A_39, %cond3A_40 : i32
      scf.if %cond3A_41 {
        %mul3A_42 = arith.constant 16 : i32
        %mul3A_43 = arith.muli %add3A_37, %mul3A_42 : i32
        %get3A = arith.index_cast %mul3A_43 : i32 to index
        %get3A_44 = tpu.vector_load %arg5[%get3A] {strides = array<i32>} : memref<5120xi32, #tpu.memory_space<vmem>>, vector<16xi32>,
        %shift_right_logical3A = arith.constant 7 : i32
        %shift_right_logical3A_45 = vector.broadcast %shift_right_logical3A : i32 to vector<16xi32>
        %shift_right_logical3A_46 = arith.shrui %get3A_44, %shift_right_logical3A_45 : vector<16xi32>
        %and3A = arith.constant 127 : i32
        %and3A_47 = vector.broadcast %and3A : i32 to vector<16xi32>
        %and3A_48 = arith.andi %get3A_44, %and3A_47 : vector<16xi32>
        tpu.vector_store_idx %arg6[%shift_right_logical3A_46, %and3A_48], %broadcast_in_dim3A_21 {add = true} : memref<80x128xf32, #tpu.memory_space<vmem>>[vector<16xi32>, vector<16xi32>], vector<16xf32>,
      } else {
      }
    }
    %scan3A_26 = arith.constant 320 : i32
    %barrier3A = arith.constant 0 : index
    tpu.barrier barrier_id(%barrier3A)
    "tpu.region"() ({
      %run_scoped3A = tpu.sem_alloc : memref<!tpu.dma_semaphore, #tpu.memory_space<semaphore_mem>>
      %dma_start3A = arith.constant 0 : i32
      %dma_start3A_33 = arith.constant 0 : i32
      %dma_start3A_34 = tpu.memref_slice %arg9[%dma_start3A, %dma_start3A_33] : memref<80x128xf32, #tpu.memory_space<vmem_shared>> -> memref<80x128xf32, #tpu.memory_space<vmem_shared>>
      tpu.enqueue_indirect_dma source(%arg6 : memref<80x128xf32, #tpu.memory_space<vmem>>) target(%dma_start3A_34 : memref<80x128xf32, #tpu.memory_space<vmem_shared>>) offsets(%arg7 : memref<80xi32, #tpu.memory_space<vmem>>) semaphore(%run_scoped3A : memref<!tpu.dma_semaphore, #tpu.memory_space<semaphore_mem>>) {add = true}
      %dma_wait3A = arith.constant 0 : i32
      %dma_wait3A_35 = arith.constant 0 : i32
      %dma_wait3A_36 = tpu.memref_slice %arg9[%dma_wait3A, %dma_wait3A_35] : memref<80x128xf32, #tpu.memory_space<vmem_shared>> -> memref<80x128xf32, #tpu.memory_space<vmem_shared>>
      tpu.wait_indirect_dma semaphore(%run_scoped3A : memref<!tpu.dma_semaphore, #tpu.memory_space<semaphore_mem>>) src(%arg6 : memref<80x128xf32, #tpu.memory_space<vmem>>) dst(%dma_wait3A_36 : memref<80x128xf32, #tpu.memory_space<vmem_shared>>)
      tpu.yield
    }) : () -> ()
    %barrier3A_27 = arith.constant 0 : index
    tpu.barrier barrier_id(%barrier3A_27)
    %lt3A_28 = arith.constant 10 : i32
    %lt3A_29 = arith.cmpi slt, %arg1, %lt3A_28 : i32
    %convert_element_type3A_30 = arith.extui %lt3A_29 : i1 to i32
    %cond3A_31 = arith.constant 0 : i32
    %cond3A_32 = arith.cmpi ne, %convert_element_type3A_30, %cond3A_31 : i32
    scf.if %cond3A_32 {
      %mul3A_33 = arith.constant 8 : i32
      %mul3A_34 = arith.muli %arg1, %mul3A_33 : i32
      %mul3A_35 = arith.constant 8 : i32
      %mul3A_36 = arith.muli %arg1, %mul3A_35 : i32
      "tpu.region"() ({
        %run_scoped3A = tpu.sem_alloc : memref<!tpu.dma_semaphore, #tpu.memory_space<semaphore_mem>>
        %dma_start3A = arith.constant 0 : i32
        %dma_start3A_37 = tpu.memref_slice %arg4[%arg0, %mul3A_36, %dma_start3A] : memref<2x80x128xf32, #tpu.memory_space<hbm>> -> memref<1x8x128xf32, #tpu.memory_space<hbm>>
        %dma_start3A_38 = tpu.memref_squeeze %dma_start3A_37 : memref<1x8x128xf32, #tpu.memory_space<hbm>> -> memref<8x128xf32, #tpu.memory_space<hbm>>
        %dma_start3A_39 = arith.constant 0 : i32
        %dma_start3A_40 = tpu.memref_slice %arg9[%mul3A_34, %dma_start3A_39] : memref<80x128xf32, #tpu.memory_space<vmem_shared>> -> memref<8x128xf32, #tpu.memory_space<vmem_shared>>
        tpu.enqueue_dma source(%dma_start3A_40 : memref<8x128xf32, #tpu.memory_space<vmem_shared>>) target(%dma_start3A_38 : memref<8x128xf32, #tpu.memory_space<hbm>>) target_semaphore(%run_scoped3A : memref<!tpu.dma_semaphore, #tpu.memory_space<semaphore_mem>>)
        %dma_wait3A = arith.constant 0 : i32
        %dma_wait3A_41 = tpu.memref_slice %arg4[%arg0, %mul3A_36, %dma_wait3A] : memref<2x80x128xf32, #tpu.memory_space<hbm>> -> memref<1x8x128xf32, #tpu.memory_space<hbm>>
        %dma_wait3A_42 = tpu.memref_squeeze %dma_wait3A_41 : memref<1x8x128xf32, #tpu.memory_space<hbm>> -> memref<8x128xf32, #tpu.memory_space<hbm>>
        %dma_wait3A_43 = arith.constant 0 : i32
        %dma_wait3A_44 = tpu.memref_slice %arg9[%mul3A_34, %dma_wait3A_43] : memref<80x128xf32, #tpu.memory_space<vmem_shared>> -> memref<8x128xf32, #tpu.memory_space<vmem_shared>>
        tpu.wait_dma2 semaphore(%run_scoped3A : memref<!tpu.dma_semaphore, #tpu.memory_space<semaphore_mem>>) src(%dma_wait3A_44 : memref<8x128xf32, #tpu.memory_space<vmem_shared>>) dst(%dma_wait3A_42 : memref<8x128xf32, #tpu.memory_space<hbm>>)
        tpu.yield
      }) : () -> ()
    } else {
    }
    return
  }
}

#map = affine_map<(d0, d1) -> (0, 0)>
#map1 = affine_map<(d0, d1) -> (0)>
#map2 = affine_map<(d0, d1) -> (0, 0, 0)>
module attributes {stable_mosaic.version = 14 : i64} {
  func.func @k(%arg0: i32, %arg1: i32, %arg2: memref<20000x128xf32, #tpu.memory_space<hbm>>, %arg3: memref<320000xi32, #tpu.memory_space<hbm>>, %arg4: memref<160000xi32, #tpu.memory_space<hbm>>, %arg5: memref<2x10000x128xf32, #tpu.memory_space<hbm>>, %arg6: memref<4x128xi32, #tpu.memory_space<vmem>>, %arg7: memref<4x128xi32, #tpu.memory_space<vmem>>, %arg8: memref<3x128x128xf32, #tpu.memory_space<vmem>>, %arg9: memref<10000x128xf32, #tpu.memory_space<vmem_shared>>, %arg10: memref<!tpu.dma_semaphore, #tpu.memory_space<semaphore_mem>>, %arg11: memref<!tpu.dma_semaphore, #tpu.memory_space<semaphore_mem>>, %arg12: memref<!tpu.dma_semaphore, #tpu.memory_space<semaphore_mem>>, %arg13: memref<!tpu.dma_semaphore, #tpu.memory_space<semaphore_mem>>, %arg14: memref<!tpu.dma_semaphore, #tpu.memory_space<semaphore_mem>>, %arg15: memref<!tpu.dma_semaphore, #tpu.memory_space<semaphore_mem>>, %arg16: memref<!tpu.dma_semaphore, #tpu.memory_space<semaphore_mem>>, %arg17: memref<!tpu.dma_semaphore, #tpu.memory_space<semaphore_mem>>, %arg18: memref<!tpu.dma_semaphore, #tpu.memory_space<semaphore_mem>>) attributes {dimension_semantics = [#tpu.dimension_semantics<core_parallel>, #tpu.dimension_semantics<subcore_parallel>], iteration_bounds = array<i64: 2, 16>, scalar_prefetch = 0 : i64, scratch_operands = 13 : i64, tpu.core_type = #tpu.core_type<sc_vector_subcore>, window_params = [{transform_indices = #map}, {transform_indices = #map1}, {transform_indices = #map1}, {transform_indices = #map2}]} {
    %eq3A = arith.constant 15 : i32
    %eq3A_0 = arith.cmpi eq, %arg1, %eq3A : i32
    %jit3A = arith.constant 80 : i32
    %jit3A_1 = arith.constant 78 : i32
    %select_n3A = arith.select %eq3A_0, %jit3A, %jit3A_1 : i32
    %mul3A = arith.constant 9984 : i32
    %mul3A_2 = arith.muli %arg1, %mul3A : i32
    %mul3A_3 = arith.constant 160000 : i32
    %mul3A_4 = arith.muli %arg0, %mul3A_3 : i32
    %add3A = arith.addi %mul3A_4, %mul3A_2 : i32
    %add3A_5 = arith.constant 0 : i32
    %add3A_6 = arith.addi %add3A, %add3A_5 : i32
    %run_scoped3A = arith.constant 0 : i32
    "tpu.region"() ({
      %run_scoped3A_110 = tpu.sem_alloc : memref<!tpu.dma_semaphore, #tpu.memory_space<semaphore_mem>>
      %dma_start3A_111 = arith.constant 0 : i32
      %dma_start3A_112 = tpu.memref_slice %arg6[%run_scoped3A, %dma_start3A_111] : memref<4x128xi32, #tpu.memory_space<vmem>> -> memref<1x128xi32, #tpu.memory_space<vmem>>
      %dma_start3A_113 = tpu.memref_squeeze %dma_start3A_112 : memref<1x128xi32, #tpu.memory_space<vmem>> -> memref<128xi32, #tpu.memory_space<vmem>>
      %dma_start3A_114 = tpu.memref_slice %arg3[%add3A_6] : memref<320000xi32, #tpu.memory_space<hbm>> -> memref<128xi32, #tpu.memory_space<hbm>>
      %dma_start3A_115 = arith.constant 0 : i32
      %dma_start3A_116 = tpu.memref_slice %arg6[%run_scoped3A, %dma_start3A_115] : memref<4x128xi32, #tpu.memory_space<vmem>> -> memref<1x128xi32, #tpu.memory_space<vmem>>
      %dma_start3A_117 = tpu.memref_squeeze %dma_start3A_116 : memref<1x128xi32, #tpu.memory_space<vmem>> -> memref<128xi32, #tpu.memory_space<vmem>>
      %dma_start3A_118 = tpu.memref_slice %arg3[%add3A_6] : memref<320000xi32, #tpu.memory_space<hbm>> -> memref<128xi32, #tpu.memory_space<hbm>>
      tpu.enqueue_dma source(%dma_start3A_118 : memref<128xi32, #tpu.memory_space<hbm>>) target(%dma_start3A_117 : memref<128xi32, #tpu.memory_space<vmem>>) target_semaphore(%run_scoped3A_110 : memref<!tpu.dma_semaphore, #tpu.memory_space<semaphore_mem>>)
      %dma_wait3A_119 = arith.constant 0 : i32
      %dma_wait3A_120 = tpu.memref_slice %arg6[%run_scoped3A, %dma_wait3A_119] : memref<4x128xi32, #tpu.memory_space<vmem>> -> memref<1x128xi32, #tpu.memory_space<vmem>>
      %dma_wait3A_121 = tpu.memref_squeeze %dma_wait3A_120 : memref<1x128xi32, #tpu.memory_space<vmem>> -> memref<128xi32, #tpu.memory_space<vmem>>
      %dma_wait3A_122 = tpu.memref_slice %arg3[%add3A_6] : memref<320000xi32, #tpu.memory_space<hbm>> -> memref<128xi32, #tpu.memory_space<hbm>>
      %dma_wait3A_123 = arith.constant 0 : i32
      %dma_wait3A_124 = tpu.memref_slice %arg6[%run_scoped3A, %dma_wait3A_123] : memref<4x128xi32, #tpu.memory_space<vmem>> -> memref<1x128xi32, #tpu.memory_space<vmem>>
      %dma_wait3A_125 = tpu.memref_squeeze %dma_wait3A_124 : memref<1x128xi32, #tpu.memory_space<vmem>> -> memref<128xi32, #tpu.memory_space<vmem>>
      %dma_wait3A_126 = tpu.memref_slice %arg3[%add3A_6] : memref<320000xi32, #tpu.memory_space<hbm>> -> memref<128xi32, #tpu.memory_space<hbm>>
      tpu.wait_dma2 semaphore(%run_scoped3A_110 : memref<!tpu.dma_semaphore, #tpu.memory_space<semaphore_mem>>) src(%dma_wait3A_126 : memref<128xi32, #tpu.memory_space<hbm>>) dst(%dma_wait3A_125 : memref<128xi32, #tpu.memory_space<vmem>>)
      tpu.yield
    }) : () -> ()
    %add3A_7 = arith.constant 0 : i32
    %add3A_8 = arith.addi %mul3A_2, %add3A_7 : i32
    %run_scoped3A_9 = arith.constant 0 : i32
    "tpu.region"() ({
      %run_scoped3A_110 = tpu.sem_alloc : memref<!tpu.dma_semaphore, #tpu.memory_space<semaphore_mem>>
      %dma_start3A_111 = arith.constant 0 : i32
      %dma_start3A_112 = tpu.memref_slice %arg7[%run_scoped3A_9, %dma_start3A_111] : memref<4x128xi32, #tpu.memory_space<vmem>> -> memref<1x128xi32, #tpu.memory_space<vmem>>
      %dma_start3A_113 = tpu.memref_squeeze %dma_start3A_112 : memref<1x128xi32, #tpu.memory_space<vmem>> -> memref<128xi32, #tpu.memory_space<vmem>>
      %dma_start3A_114 = tpu.memref_slice %arg4[%add3A_8] : memref<160000xi32, #tpu.memory_space<hbm>> -> memref<128xi32, #tpu.memory_space<hbm>>
      %dma_start3A_115 = arith.constant 0 : i32
      %dma_start3A_116 = tpu.memref_slice %arg7[%run_scoped3A_9, %dma_start3A_115] : memref<4x128xi32, #tpu.memory_space<vmem>> -> memref<1x128xi32, #tpu.memory_space<vmem>>
      %dma_start3A_117 = tpu.memref_squeeze %dma_start3A_116 : memref<1x128xi32, #tpu.memory_space<vmem>> -> memref<128xi32, #tpu.memory_space<vmem>>
      %dma_start3A_118 = tpu.memref_slice %arg4[%add3A_8] : memref<160000xi32, #tpu.memory_space<hbm>> -> memref<128xi32, #tpu.memory_space<hbm>>
      tpu.enqueue_dma source(%dma_start3A_118 : memref<128xi32, #tpu.memory_space<hbm>>) target(%dma_start3A_117 : memref<128xi32, #tpu.memory_space<vmem>>) target_semaphore(%run_scoped3A_110 : memref<!tpu.dma_semaphore, #tpu.memory_space<semaphore_mem>>)
      %dma_wait3A_119 = arith.constant 0 : i32
      %dma_wait3A_120 = tpu.memref_slice %arg7[%run_scoped3A_9, %dma_wait3A_119] : memref<4x128xi32, #tpu.memory_space<vmem>> -> memref<1x128xi32, #tpu.memory_space<vmem>>
      %dma_wait3A_121 = tpu.memref_squeeze %dma_wait3A_120 : memref<1x128xi32, #tpu.memory_space<vmem>> -> memref<128xi32, #tpu.memory_space<vmem>>
      %dma_wait3A_122 = tpu.memref_slice %arg4[%add3A_8] : memref<160000xi32, #tpu.memory_space<hbm>> -> memref<128xi32, #tpu.memory_space<hbm>>
      %dma_wait3A_123 = arith.constant 0 : i32
      %dma_wait3A_124 = tpu.memref_slice %arg7[%run_scoped3A_9, %dma_wait3A_123] : memref<4x128xi32, #tpu.memory_space<vmem>> -> memref<1x128xi32, #tpu.memory_space<vmem>>
      %dma_wait3A_125 = tpu.memref_squeeze %dma_wait3A_124 : memref<1x128xi32, #tpu.memory_space<vmem>> -> memref<128xi32, #tpu.memory_space<vmem>>
      %dma_wait3A_126 = tpu.memref_slice %arg4[%add3A_8] : memref<160000xi32, #tpu.memory_space<hbm>> -> memref<128xi32, #tpu.memory_space<hbm>>
      tpu.wait_dma2 semaphore(%run_scoped3A_110 : memref<!tpu.dma_semaphore, #tpu.memory_space<semaphore_mem>>) src(%dma_wait3A_126 : memref<128xi32, #tpu.memory_space<hbm>>) dst(%dma_wait3A_125 : memref<128xi32, #tpu.memory_space<vmem>>)
      tpu.yield
    }) : () -> ()
    %mul3A_10 = arith.constant 160000 : i32
    %mul3A_11 = arith.muli %arg0, %mul3A_10 : i32
    %add3A_12 = arith.addi %mul3A_11, %mul3A_2 : i32
    %add3A_13 = arith.constant 128 : i32
    %add3A_14 = arith.addi %add3A_12, %add3A_13 : i32
    %run_scoped3A_15 = arith.constant 1 : i32
    "tpu.region"() ({
      %run_scoped3A_110 = tpu.sem_alloc : memref<!tpu.dma_semaphore, #tpu.memory_space<semaphore_mem>>
      %dma_start3A_111 = arith.constant 0 : i32
      %dma_start3A_112 = tpu.memref_slice %arg6[%run_scoped3A_15, %dma_start3A_111] : memref<4x128xi32, #tpu.memory_space<vmem>> -> memref<1x128xi32, #tpu.memory_space<vmem>>
      %dma_start3A_113 = tpu.memref_squeeze %dma_start3A_112 : memref<1x128xi32, #tpu.memory_space<vmem>> -> memref<128xi32, #tpu.memory_space<vmem>>
      %dma_start3A_114 = tpu.memref_slice %arg3[%add3A_14] : memref<320000xi32, #tpu.memory_space<hbm>> -> memref<128xi32, #tpu.memory_space<hbm>>
      %dma_start3A_115 = arith.constant 0 : i32
      %dma_start3A_116 = tpu.memref_slice %arg6[%run_scoped3A_15, %dma_start3A_115] : memref<4x128xi32, #tpu.memory_space<vmem>> -> memref<1x128xi32, #tpu.memory_space<vmem>>
      %dma_start3A_117 = tpu.memref_squeeze %dma_start3A_116 : memref<1x128xi32, #tpu.memory_space<vmem>> -> memref<128xi32, #tpu.memory_space<vmem>>
      %dma_start3A_118 = tpu.memref_slice %arg3[%add3A_14] : memref<320000xi32, #tpu.memory_space<hbm>> -> memref<128xi32, #tpu.memory_space<hbm>>
      tpu.enqueue_dma source(%dma_start3A_118 : memref<128xi32, #tpu.memory_space<hbm>>) target(%dma_start3A_117 : memref<128xi32, #tpu.memory_space<vmem>>) target_semaphore(%run_scoped3A_110 : memref<!tpu.dma_semaphore, #tpu.memory_space<semaphore_mem>>)
      %dma_wait3A_119 = arith.constant 0 : i32
      %dma_wait3A_120 = tpu.memref_slice %arg6[%run_scoped3A_15, %dma_wait3A_119] : memref<4x128xi32, #tpu.memory_space<vmem>> -> memref<1x128xi32, #tpu.memory_space<vmem>>
      %dma_wait3A_121 = tpu.memref_squeeze %dma_wait3A_120 : memref<1x128xi32, #tpu.memory_space<vmem>> -> memref<128xi32, #tpu.memory_space<vmem>>
      %dma_wait3A_122 = tpu.memref_slice %arg3[%add3A_14] : memref<320000xi32, #tpu.memory_space<hbm>> -> memref<128xi32, #tpu.memory_space<hbm>>
      %dma_wait3A_123 = arith.constant 0 : i32
      %dma_wait3A_124 = tpu.memref_slice %arg6[%run_scoped3A_15, %dma_wait3A_123] : memref<4x128xi32, #tpu.memory_space<vmem>> -> memref<1x128xi32, #tpu.memory_space<vmem>>
      %dma_wait3A_125 = tpu.memref_squeeze %dma_wait3A_124 : memref<1x128xi32, #tpu.memory_space<vmem>> -> memref<128xi32, #tpu.memory_space<vmem>>
      %dma_wait3A_126 = tpu.memref_slice %arg3[%add3A_14] : memref<320000xi32, #tpu.memory_space<hbm>> -> memref<128xi32, #tpu.memory_space<hbm>>
      tpu.wait_dma2 semaphore(%run_scoped3A_110 : memref<!tpu.dma_semaphore, #tpu.memory_space<semaphore_mem>>) src(%dma_wait3A_126 : memref<128xi32, #tpu.memory_space<hbm>>) dst(%dma_wait3A_125 : memref<128xi32, #tpu.memory_space<vmem>>)
      tpu.yield
    }) : () -> ()
    %add3A_16 = arith.constant 128 : i32
    %add3A_17 = arith.addi %mul3A_2, %add3A_16 : i32
    %run_scoped3A_18 = arith.constant 1 : i32
    "tpu.region"() ({
      %run_scoped3A_110 = tpu.sem_alloc : memref<!tpu.dma_semaphore, #tpu.memory_space<semaphore_mem>>
      %dma_start3A_111 = arith.constant 0 : i32
      %dma_start3A_112 = tpu.memref_slice %arg7[%run_scoped3A_18, %dma_start3A_111] : memref<4x128xi32, #tpu.memory_space<vmem>> -> memref<1x128xi32, #tpu.memory_space<vmem>>
      %dma_start3A_113 = tpu.memref_squeeze %dma_start3A_112 : memref<1x128xi32, #tpu.memory_space<vmem>> -> memref<128xi32, #tpu.memory_space<vmem>>
      %dma_start3A_114 = tpu.memref_slice %arg4[%add3A_17] : memref<160000xi32, #tpu.memory_space<hbm>> -> memref<128xi32, #tpu.memory_space<hbm>>
      %dma_start3A_115 = arith.constant 0 : i32
      %dma_start3A_116 = tpu.memref_slice %arg7[%run_scoped3A_18, %dma_start3A_115] : memref<4x128xi32, #tpu.memory_space<vmem>> -> memref<1x128xi32, #tpu.memory_space<vmem>>
      %dma_start3A_117 = tpu.memref_squeeze %dma_start3A_116 : memref<1x128xi32, #tpu.memory_space<vmem>> -> memref<128xi32, #tpu.memory_space<vmem>>
      %dma_start3A_118 = tpu.memref_slice %arg4[%add3A_17] : memref<160000xi32, #tpu.memory_space<hbm>> -> memref<128xi32, #tpu.memory_space<hbm>>
      tpu.enqueue_dma source(%dma_start3A_118 : memref<128xi32, #tpu.memory_space<hbm>>) target(%dma_start3A_117 : memref<128xi32, #tpu.memory_space<vmem>>) target_semaphore(%run_scoped3A_110 : memref<!tpu.dma_semaphore, #tpu.memory_space<semaphore_mem>>)
      %dma_wait3A_119 = arith.constant 0 : i32
      %dma_wait3A_120 = tpu.memref_slice %arg7[%run_scoped3A_18, %dma_wait3A_119] : memref<4x128xi32, #tpu.memory_space<vmem>> -> memref<1x128xi32, #tpu.memory_space<vmem>>
      %dma_wait3A_121 = tpu.memref_squeeze %dma_wait3A_120 : memref<1x128xi32, #tpu.memory_space<vmem>> -> memref<128xi32, #tpu.memory_space<vmem>>
      %dma_wait3A_122 = tpu.memref_slice %arg4[%add3A_17] : memref<160000xi32, #tpu.memory_space<hbm>> -> memref<128xi32, #tpu.memory_space<hbm>>
      %dma_wait3A_123 = arith.constant 0 : i32
      %dma_wait3A_124 = tpu.memref_slice %arg7[%run_scoped3A_18, %dma_wait3A_123] : memref<4x128xi32, #tpu.memory_space<vmem>> -> memref<1x128xi32, #tpu.memory_space<vmem>>
      %dma_wait3A_125 = tpu.memref_squeeze %dma_wait3A_124 : memref<1x128xi32, #tpu.memory_space<vmem>> -> memref<128xi32, #tpu.memory_space<vmem>>
      %dma_wait3A_126 = tpu.memref_slice %arg4[%add3A_17] : memref<160000xi32, #tpu.memory_space<hbm>> -> memref<128xi32, #tpu.memory_space<hbm>>
      tpu.wait_dma2 semaphore(%run_scoped3A_110 : memref<!tpu.dma_semaphore, #tpu.memory_space<semaphore_mem>>) src(%dma_wait3A_126 : memref<128xi32, #tpu.memory_space<hbm>>) dst(%dma_wait3A_125 : memref<128xi32, #tpu.memory_space<vmem>>)
      tpu.yield
    }) : () -> ()
    %mul3A_19 = arith.constant 160000 : i32
    %mul3A_20 = arith.muli %arg0, %mul3A_19 : i32
    %add3A_21 = arith.addi %mul3A_20, %mul3A_2 : i32
    %add3A_22 = arith.constant 256 : i32
    %add3A_23 = arith.addi %add3A_21, %add3A_22 : i32
    %run_scoped3A_24 = arith.constant 2 : i32
    "tpu.region"() ({
      %run_scoped3A_110 = tpu.sem_alloc : memref<!tpu.dma_semaphore, #tpu.memory_space<semaphore_mem>>
      %dma_start3A_111 = arith.constant 0 : i32
      %dma_start3A_112 = tpu.memref_slice %arg6[%run_scoped3A_24, %dma_start3A_111] : memref<4x128xi32, #tpu.memory_space<vmem>> -> memref<1x128xi32, #tpu.memory_space<vmem>>
      %dma_start3A_113 = tpu.memref_squeeze %dma_start3A_112 : memref<1x128xi32, #tpu.memory_space<vmem>> -> memref<128xi32, #tpu.memory_space<vmem>>
      %dma_start3A_114 = tpu.memref_slice %arg3[%add3A_23] : memref<320000xi32, #tpu.memory_space<hbm>> -> memref<128xi32, #tpu.memory_space<hbm>>
      %dma_start3A_115 = arith.constant 0 : i32
      %dma_start3A_116 = tpu.memref_slice %arg6[%run_scoped3A_24, %dma_start3A_115] : memref<4x128xi32, #tpu.memory_space<vmem>> -> memref<1x128xi32, #tpu.memory_space<vmem>>
      %dma_start3A_117 = tpu.memref_squeeze %dma_start3A_116 : memref<1x128xi32, #tpu.memory_space<vmem>> -> memref<128xi32, #tpu.memory_space<vmem>>
      %dma_start3A_118 = tpu.memref_slice %arg3[%add3A_23] : memref<320000xi32, #tpu.memory_space<hbm>> -> memref<128xi32, #tpu.memory_space<hbm>>
      tpu.enqueue_dma source(%dma_start3A_118 : memref<128xi32, #tpu.memory_space<hbm>>) target(%dma_start3A_117 : memref<128xi32, #tpu.memory_space<vmem>>) target_semaphore(%run_scoped3A_110 : memref<!tpu.dma_semaphore, #tpu.memory_space<semaphore_mem>>)
      %dma_wait3A_119 = arith.constant 0 : i32
      %dma_wait3A_120 = tpu.memref_slice %arg6[%run_scoped3A_24, %dma_wait3A_119] : memref<4x128xi32, #tpu.memory_space<vmem>> -> memref<1x128xi32, #tpu.memory_space<vmem>>
      %dma_wait3A_121 = tpu.memref_squeeze %dma_wait3A_120 : memref<1x128xi32, #tpu.memory_space<vmem>> -> memref<128xi32, #tpu.memory_space<vmem>>
      %dma_wait3A_122 = tpu.memref_slice %arg3[%add3A_23] : memref<320000xi32, #tpu.memory_space<hbm>> -> memref<128xi32, #tpu.memory_space<hbm>>
      %dma_wait3A_123 = arith.constant 0 : i32
      %dma_wait3A_124 = tpu.memref_slice %arg6[%run_scoped3A_24, %dma_wait3A_123] : memref<4x128xi32, #tpu.memory_space<vmem>> -> memref<1x128xi32, #tpu.memory_space<vmem>>
      %dma_wait3A_125 = tpu.memref_squeeze %dma_wait3A_124 : memref<1x128xi32, #tpu.memory_space<vmem>> -> memref<128xi32, #tpu.memory_space<vmem>>
      %dma_wait3A_126 = tpu.memref_slice %arg3[%add3A_23] : memref<320000xi32, #tpu.memory_space<hbm>> -> memref<128xi32, #tpu.memory_space<hbm>>
      tpu.wait_dma2 semaphore(%run_scoped3A_110 : memref<!tpu.dma_semaphore, #tpu.memory_space<semaphore_mem>>) src(%dma_wait3A_126 : memref<128xi32, #tpu.memory_space<hbm>>) dst(%dma_wait3A_125 : memref<128xi32, #tpu.memory_space<vmem>>)
      tpu.yield
    }) : () -> ()
    %add3A_25 = arith.constant 256 : i32
    %add3A_26 = arith.addi %mul3A_2, %add3A_25 : i32
    %run_scoped3A_27 = arith.constant 2 : i32
    "tpu.region"() ({
      %run_scoped3A_110 = tpu.sem_alloc : memref<!tpu.dma_semaphore, #tpu.memory_space<semaphore_mem>>
      %dma_start3A_111 = arith.constant 0 : i32
      %dma_start3A_112 = tpu.memref_slice %arg7[%run_scoped3A_27, %dma_start3A_111] : memref<4x128xi32, #tpu.memory_space<vmem>> -> memref<1x128xi32, #tpu.memory_space<vmem>>
      %dma_start3A_113 = tpu.memref_squeeze %dma_start3A_112 : memref<1x128xi32, #tpu.memory_space<vmem>> -> memref<128xi32, #tpu.memory_space<vmem>>
      %dma_start3A_114 = tpu.memref_slice %arg4[%add3A_26] : memref<160000xi32, #tpu.memory_space<hbm>> -> memref<128xi32, #tpu.memory_space<hbm>>
      %dma_start3A_115 = arith.constant 0 : i32
      %dma_start3A_116 = tpu.memref_slice %arg7[%run_scoped3A_27, %dma_start3A_115] : memref<4x128xi32, #tpu.memory_space<vmem>> -> memref<1x128xi32, #tpu.memory_space<vmem>>
      %dma_start3A_117 = tpu.memref_squeeze %dma_start3A_116 : memref<1x128xi32, #tpu.memory_space<vmem>> -> memref<128xi32, #tpu.memory_space<vmem>>
      %dma_start3A_118 = tpu.memref_slice %arg4[%add3A_26] : memref<160000xi32, #tpu.memory_space<hbm>> -> memref<128xi32, #tpu.memory_space<hbm>>
      tpu.enqueue_dma source(%dma_start3A_118 : memref<128xi32, #tpu.memory_space<hbm>>) target(%dma_start3A_117 : memref<128xi32, #tpu.memory_space<vmem>>) target_semaphore(%run_scoped3A_110 : memref<!tpu.dma_semaphore, #tpu.memory_space<semaphore_mem>>)
      %dma_wait3A_119 = arith.constant 0 : i32
      %dma_wait3A_120 = tpu.memref_slice %arg7[%run_scoped3A_27, %dma_wait3A_119] : memref<4x128xi32, #tpu.memory_space<vmem>> -> memref<1x128xi32, #tpu.memory_space<vmem>>
      %dma_wait3A_121 = tpu.memref_squeeze %dma_wait3A_120 : memref<1x128xi32, #tpu.memory_space<vmem>> -> memref<128xi32, #tpu.memory_space<vmem>>
      %dma_wait3A_122 = tpu.memref_slice %arg4[%add3A_26] : memref<160000xi32, #tpu.memory_space<hbm>> -> memref<128xi32, #tpu.memory_space<hbm>>
      %dma_wait3A_123 = arith.constant 0 : i32
      %dma_wait3A_124 = tpu.memref_slice %arg7[%run_scoped3A_27, %dma_wait3A_123] : memref<4x128xi32, #tpu.memory_space<vmem>> -> memref<1x128xi32, #tpu.memory_space<vmem>>
      %dma_wait3A_125 = tpu.memref_squeeze %dma_wait3A_124 : memref<1x128xi32, #tpu.memory_space<vmem>> -> memref<128xi32, #tpu.memory_space<vmem>>
      %dma_wait3A_126 = tpu.memref_slice %arg4[%add3A_26] : memref<160000xi32, #tpu.memory_space<hbm>> -> memref<128xi32, #tpu.memory_space<hbm>>
      tpu.wait_dma2 semaphore(%run_scoped3A_110 : memref<!tpu.dma_semaphore, #tpu.memory_space<semaphore_mem>>) src(%dma_wait3A_126 : memref<128xi32, #tpu.memory_space<hbm>>) dst(%dma_wait3A_125 : memref<128xi32, #tpu.memory_space<vmem>>)
      tpu.yield
    }) : () -> ()
    %dma_start3A = arith.constant 0 : i32
    %dma_start3A_28 = arith.constant 0 : i32
    %dma_start3A_29 = arith.constant 0 : i32
    %dma_start3A_30 = arith.constant 0 : i32
    %dma_start3A_31 = tpu.memref_slice %arg8[%dma_start3A_28, %dma_start3A_29, %dma_start3A_30] : memref<3x128x128xf32, #tpu.memory_space<vmem>> -> memref<1x128x128xf32, #tpu.memory_space<vmem>>
    %dma_start3A_32 = tpu.memref_squeeze %dma_start3A_31 : memref<1x128x128xf32, #tpu.memory_space<vmem>> -> memref<128x128xf32, #tpu.memory_space<vmem>>
    %dma_start3A_33 = arith.constant 0 : i32
    %dma_start3A_34 = tpu.memref_slice %arg6[%dma_start3A, %dma_start3A_33] : memref<4x128xi32, #tpu.memory_space<vmem>> -> memref<1x128xi32, #tpu.memory_space<vmem>>
    %dma_start3A_35 = tpu.memref_squeeze %dma_start3A_34 : memref<1x128xi32, #tpu.memory_space<vmem>> -> memref<128xi32, #tpu.memory_space<vmem>>
    %dma_start3A_36 = arith.constant 0 : i32
    %dma_start3A_37 = arith.constant 0 : i32
    %dma_start3A_38 = tpu.memref_slice %arg2[%dma_start3A_36, %dma_start3A_37] : memref<20000x128xf32, #tpu.memory_space<hbm>> -> memref<20000x128xf32, #tpu.memory_space<hbm>>
    tpu.enqueue_indirect_dma source(%dma_start3A_38 : memref<20000x128xf32, #tpu.memory_space<hbm>>) target(%dma_start3A_32 : memref<128x128xf32, #tpu.memory_space<vmem>>) offsets(%dma_start3A_35 : memref<128xi32, #tpu.memory_space<vmem>>) semaphore(%arg10 : memref<!tpu.dma_semaphore, #tpu.memory_space<semaphore_mem>>)
    %dma_start3A_39 = arith.constant 1 : i32
    %dma_start3A_40 = arith.constant 1 : i32
    %dma_start3A_41 = arith.constant 0 : i32
    %dma_start3A_42 = arith.constant 0 : i32
    %dma_start3A_43 = tpu.memref_slice %arg8[%dma_start3A_40, %dma_start3A_41, %dma_start3A_42] : memref<3x128x128xf32, #tpu.memory_space<vmem>> -> memref<1x128x128xf32, #tpu.memory_space<vmem>>
    %dma_start3A_44 = tpu.memref_squeeze %dma_start3A_43 : memref<1x128x128xf32, #tpu.memory_space<vmem>> -> memref<128x128xf32, #tpu.memory_space<vmem>>
    %dma_start3A_45 = arith.constant 0 : i32
    %dma_start3A_46 = tpu.memref_slice %arg6[%dma_start3A_39, %dma_start3A_45] : memref<4x128xi32, #tpu.memory_space<vmem>> -> memref<1x128xi32, #tpu.memory_space<vmem>>
    %dma_start3A_47 = tpu.memref_squeeze %dma_start3A_46 : memref<1x128xi32, #tpu.memory_space<vmem>> -> memref<128xi32, #tpu.memory_space<vmem>>
    %dma_start3A_48 = arith.constant 0 : i32
    %dma_start3A_49 = arith.constant 0 : i32
    %dma_start3A_50 = tpu.memref_slice %arg2[%dma_start3A_48, %dma_start3A_49] : memref<20000x128xf32, #tpu.memory_space<hbm>> -> memref<20000x128xf32, #tpu.memory_space<hbm>>
    tpu.enqueue_indirect_dma source(%dma_start3A_50 : memref<20000x128xf32, #tpu.memory_space<hbm>>) target(%dma_start3A_44 : memref<128x128xf32, #tpu.memory_space<vmem>>) offsets(%dma_start3A_47 : memref<128xi32, #tpu.memory_space<vmem>>) semaphore(%arg11 : memref<!tpu.dma_semaphore, #tpu.memory_space<semaphore_mem>>)
    %mul3A_51 = arith.constant 10000 : i32
    %mul3A_52 = arith.muli %arg0, %mul3A_51 : i32
    %mul3A_53 = arith.constant 624 : i32
    %mul3A_54 = arith.muli %arg1, %mul3A_53 : i32
    %add3A_55 = arith.addi %mul3A_52, %mul3A_54 : i32
    %mul3A_56 = arith.constant 624 : i32
    %mul3A_57 = arith.muli %arg1, %mul3A_56 : i32
    "tpu.region"() ({
      %run_scoped3A_110 = tpu.sem_alloc : memref<!tpu.dma_semaphore, #tpu.memory_space<semaphore_mem>>
      %dma_start3A_111 = arith.constant 0 : i32
      %dma_start3A_112 = tpu.memref_slice %arg9[%mul3A_57, %dma_start3A_111] : memref<10000x128xf32, #tpu.memory_space<vmem_shared>> -> memref<624x128xf32, #tpu.memory_space<vmem_shared>>
      %dma_start3A_113 = arith.constant 0 : i32
      %dma_start3A_114 = tpu.memref_slice %arg2[%add3A_55, %dma_start3A_113] : memref<20000x128xf32, #tpu.memory_space<hbm>> -> memref<624x128xf32, #tpu.memory_space<hbm>>
      tpu.enqueue_dma source(%dma_start3A_114 : memref<624x128xf32, #tpu.memory_space<hbm>>) target(%dma_start3A_112 : memref<624x128xf32, #tpu.memory_space<vmem_shared>>) target_semaphore(%run_scoped3A_110 : memref<!tpu.dma_semaphore, #tpu.memory_space<semaphore_mem>>)
      %dma_wait3A_115 = arith.constant 0 : i32
      %dma_wait3A_116 = tpu.memref_slice %arg9[%mul3A_57, %dma_wait3A_115] : memref<10000x128xf32, #tpu.memory_space<vmem_shared>> -> memref<624x128xf32, #tpu.memory_space<vmem_shared>>
      %dma_wait3A_117 = arith.constant 0 : i32
      %dma_wait3A_118 = tpu.memref_slice %arg2[%add3A_55, %dma_wait3A_117] : memref<20000x128xf32, #tpu.memory_space<hbm>> -> memref<624x128xf32, #tpu.memory_space<hbm>>
      tpu.wait_dma2 semaphore(%run_scoped3A_110 : memref<!tpu.dma_semaphore, #tpu.memory_space<semaphore_mem>>) src(%dma_wait3A_118 : memref<624x128xf32, #tpu.memory_space<hbm>>) dst(%dma_wait3A_116 : memref<624x128xf32, #tpu.memory_space<vmem_shared>>)
      tpu.yield
    }) : () -> ()
    %eq3A_58 = arith.constant 0 : i32
    %eq3A_59 = arith.cmpi eq, %arg1, %eq3A_58 : i32
    %convert_element_type3A = arith.extui %eq3A_59 : i1 to i32
    %cond3A = arith.constant 0 : i32
    %cond3A_60 = arith.cmpi ne, %convert_element_type3A, %cond3A : i32
    scf.if %cond3A_60 {
      %mul3A_110 = arith.constant 10000 : i32
      %mul3A_111 = arith.muli %arg0, %mul3A_110 : i32
      %add3A_112 = arith.constant 9984 : i32
      %add3A_113 = arith.addi %mul3A_111, %add3A_112 : i32
      "tpu.region"() ({
        %run_scoped3A_114 = tpu.sem_alloc : memref<!tpu.dma_semaphore, #tpu.memory_space<semaphore_mem>>
        %dma_start3A_115 = arith.constant 9984 : i32
        %dma_start3A_116 = arith.constant 0 : i32
        %dma_start3A_117 = tpu.memref_slice %arg9[%dma_start3A_115, %dma_start3A_116] : memref<10000x128xf32, #tpu.memory_space<vmem_shared>> -> memref<16x128xf32, #tpu.memory_space<vmem_shared>>
        %dma_start3A_118 = arith.constant 0 : i32
        %dma_start3A_119 = tpu.memref_slice %arg2[%add3A_113, %dma_start3A_118] : memref<20000x128xf32, #tpu.memory_space<hbm>> -> memref<16x128xf32, #tpu.memory_space<hbm>>
        tpu.enqueue_dma source(%dma_start3A_119 : memref<16x128xf32, #tpu.memory_space<hbm>>) target(%dma_start3A_117 : memref<16x128xf32, #tpu.memory_space<vmem_shared>>) target_semaphore(%run_scoped3A_114 : memref<!tpu.dma_semaphore, #tpu.memory_space<semaphore_mem>>)
        %dma_wait3A_120 = arith.constant 9984 : i32
        %dma_wait3A_121 = arith.constant 0 : i32
        %dma_wait3A_122 = tpu.memref_slice %arg9[%dma_wait3A_120, %dma_wait3A_121] : memref<10000x128xf32, #tpu.memory_space<vmem_shared>> -> memref<16x128xf32, #tpu.memory_space<vmem_shared>>
        %dma_wait3A_123 = arith.constant 0 : i32
        %dma_wait3A_124 = tpu.memref_slice %arg2[%add3A_113, %dma_wait3A_123] : memref<20000x128xf32, #tpu.memory_space<hbm>> -> memref<16x128xf32, #tpu.memory_space<hbm>>
        tpu.wait_dma2 semaphore(%run_scoped3A_114 : memref<!tpu.dma_semaphore, #tpu.memory_space<semaphore_mem>>) src(%dma_wait3A_124 : memref<16x128xf32, #tpu.memory_space<hbm>>) dst(%dma_wait3A_122 : memref<16x128xf32, #tpu.memory_space<vmem_shared>>)
        tpu.yield
      }) : () -> ()
    } else {
    }
    %barrier3A = arith.constant 0 : index
    tpu.barrier barrier_id(%barrier3A)
    %scan3A = arith.constant 0 : i32
    %scan3A_61 = arith.constant 27 : i32
    %scan3A_62 = arith.addi %scan3A, %scan3A_61 : i32
    %scan3A_63 = arith.constant 1 : i32
    scf.for %scan3A_110 = %scan3A to %scan3A_62 step %scan3A_63  : i32 {
      %mul3A_111 = arith.constant 3 : i32
      %mul3A_112 = arith.muli %scan3A_110, %mul3A_111 : i32
      %add3A_113 = arith.constant 0 : i32
      %add3A_114 = arith.addi %add3A_113, %mul3A_112 : i32
      %add3A_115 = arith.constant 0 : i32
      %add3A_116 = arith.addi %add3A_114, %add3A_115 : i32
      %lt3A = arith.cmpi slt, %add3A_116, %select_n3A : i32
      %convert_element_type3A_117 = arith.extui %lt3A : i1 to i32
      %cond3A_118 = arith.constant 0 : i32
      %cond3A_119 = arith.cmpi ne, %convert_element_type3A_117, %cond3A_118 : i32
      scf.if %cond3A_119 {
        %and3A = arith.constant 3 : i32
        %and3A_168 = arith.andi %add3A_116, %and3A : i32
        %dma_wait3A_169 = arith.constant 0 : i32
        %dma_wait3A_170 = arith.constant 0 : i32
        %dma_wait3A_171 = arith.constant 0 : i32
        %dma_wait3A_172 = tpu.memref_slice %arg8[%dma_wait3A_169, %dma_wait3A_170, %dma_wait3A_171] : memref<3x128x128xf32, #tpu.memory_space<vmem>> -> memref<1x128x128xf32, #tpu.memory_space<vmem>>
        %dma_wait3A_173 = tpu.memref_squeeze %dma_wait3A_172 : memref<1x128x128xf32, #tpu.memory_space<vmem>> -> memref<128x128xf32, #tpu.memory_space<vmem>>
        %dma_wait3A_174 = arith.constant 0 : i32
        %dma_wait3A_175 = tpu.memref_slice %arg6[%and3A_168, %dma_wait3A_174] : memref<4x128xi32, #tpu.memory_space<vmem>> -> memref<1x128xi32, #tpu.memory_space<vmem>>
        %dma_wait3A_176 = tpu.memref_squeeze %dma_wait3A_175 : memref<1x128xi32, #tpu.memory_space<vmem>> -> memref<128xi32, #tpu.memory_space<vmem>>
        %dma_wait3A_177 = arith.constant 0 : i32
        %dma_wait3A_178 = arith.constant 0 : i32
        %dma_wait3A_179 = tpu.memref_slice %arg2[%dma_wait3A_177, %dma_wait3A_178] : memref<20000x128xf32, #tpu.memory_space<hbm>> -> memref<20000x128xf32, #tpu.memory_space<hbm>>
        tpu.wait_indirect_dma semaphore(%arg10 : memref<!tpu.dma_semaphore, #tpu.memory_space<semaphore_mem>>) src(%dma_wait3A_179 : memref<20000x128xf32, #tpu.memory_space<hbm>>) dst(%dma_wait3A_173 : memref<128x128xf32, #tpu.memory_space<vmem>>)
        %and3A_180 = arith.constant 3 : i32
        %and3A_181 = arith.andi %add3A_116, %and3A_180 : i32
        %dma_start3A_182 = arith.constant 0 : i32
        %dma_start3A_183 = arith.constant 0 : i32
        %dma_start3A_184 = arith.constant 0 : i32
        %dma_start3A_185 = tpu.memref_slice %arg8[%dma_start3A_182, %dma_start3A_183, %dma_start3A_184] : memref<3x128x128xf32, #tpu.memory_space<vmem>> -> memref<1x128x128xf32, #tpu.memory_space<vmem>>
        %dma_start3A_186 = tpu.memref_squeeze %dma_start3A_185 : memref<1x128x128xf32, #tpu.memory_space<vmem>> -> memref<128x128xf32, #tpu.memory_space<vmem>>
        %dma_start3A_187 = arith.constant 0 : i32
        %dma_start3A_188 = tpu.memref_slice %arg7[%and3A_181, %dma_start3A_187] : memref<4x128xi32, #tpu.memory_space<vmem>> -> memref<1x128xi32, #tpu.memory_space<vmem>>
        %dma_start3A_189 = tpu.memref_squeeze %dma_start3A_188 : memref<1x128xi32, #tpu.memory_space<vmem>> -> memref<128xi32, #tpu.memory_space<vmem>>
        %dma_start3A_190 = arith.constant 0 : i32
        %dma_start3A_191 = arith.constant 0 : i32
        %dma_start3A_192 = tpu.memref_slice %arg9[%dma_start3A_190, %dma_start3A_191] : memref<10000x128xf32, #tpu.memory_space<vmem_shared>> -> memref<10000x128xf32, #tpu.memory_space<vmem_shared>>
        tpu.enqueue_indirect_dma source(%dma_start3A_186 : memref<128x128xf32, #tpu.memory_space<vmem>>) target(%dma_start3A_192 : memref<10000x128xf32, #tpu.memory_space<vmem_shared>>) offsets(%dma_start3A_189 : memref<128xi32, #tpu.memory_space<vmem>>) semaphore(%arg13 : memref<!tpu.dma_semaphore, #tpu.memory_space<semaphore_mem>>) {add = true}
      } else {
      }
      %add3A_120 = arith.constant 2 : i32
      %add3A_121 = arith.addi %add3A_116, %add3A_120 : i32
      %lt3A_122 = arith.cmpi slt, %add3A_121, %select_n3A : i32
      %convert_element_type3A_123 = arith.extui %lt3A_122 : i1 to i32
      %cond3A_124 = arith.constant 0 : i32
      %cond3A_125 = arith.cmpi ne, %convert_element_type3A_123, %cond3A_124 : i32
      scf.if %cond3A_125 {
        %ge3A = arith.constant 1 : i32
        %ge3A_168 = arith.cmpi sge, %add3A_116, %ge3A : i32
        %convert_element_type3A_169 = arith.extui %ge3A_168 : i1 to i32
        %cond3A_170 = arith.constant 0 : i32
        %cond3A_171 = arith.cmpi ne, %convert_element_type3A_169, %cond3A_170 : i32
        scf.if %cond3A_171 {
          %sub3A = arith.constant 1 : i32
          %sub3A_186 = arith.subi %add3A_116, %sub3A : i32
          %and3A_187 = arith.constant 3 : i32
          %and3A_188 = arith.andi %sub3A_186, %and3A_187 : i32
          %dma_wait3A_189 = arith.constant 2 : i32
          %dma_wait3A_190 = arith.constant 0 : i32
          %dma_wait3A_191 = arith.constant 0 : i32
          %dma_wait3A_192 = tpu.memref_slice %arg8[%dma_wait3A_189, %dma_wait3A_190, %dma_wait3A_191] : memref<3x128x128xf32, #tpu.memory_space<vmem>> -> memref<1x128x128xf32, #tpu.memory_space<vmem>>
          %dma_wait3A_193 = tpu.memref_squeeze %dma_wait3A_192 : memref<1x128x128xf32, #tpu.memory_space<vmem>> -> memref<128x128xf32, #tpu.memory_space<vmem>>
          %dma_wait3A_194 = arith.constant 0 : i32
          %dma_wait3A_195 = tpu.memref_slice %arg7[%and3A_188, %dma_wait3A_194] : memref<4x128xi32, #tpu.memory_space<vmem>> -> memref<1x128xi32, #tpu.memory_space<vmem>>
          %dma_wait3A_196 = tpu.memref_squeeze %dma_wait3A_195 : memref<1x128xi32, #tpu.memory_space<vmem>> -> memref<128xi32, #tpu.memory_space<vmem>>
          %dma_wait3A_197 = arith.constant 0 : i32
          %dma_wait3A_198 = arith.constant 0 : i32
          %dma_wait3A_199 = tpu.memref_slice %arg9[%dma_wait3A_197, %dma_wait3A_198] : memref<10000x128xf32, #tpu.memory_space<vmem_shared>> -> memref<10000x128xf32, #tpu.memory_space<vmem_shared>>
          tpu.wait_indirect_dma semaphore(%arg15 : memref<!tpu.dma_semaphore, #tpu.memory_space<semaphore_mem>>) src(%dma_wait3A_193 : memref<128x128xf32, #tpu.memory_space<vmem>>) dst(%dma_wait3A_199 : memref<10000x128xf32, #tpu.memory_space<vmem_shared>>)
          %add3A_200 = arith.constant 2 : i32
          %add3A_201 = arith.addi %add3A_116, %add3A_200 : i32
          %and3A_202 = arith.constant 3 : i32
          %and3A_203 = arith.andi %add3A_201, %and3A_202 : i32
          %dma_wait3A_204 = arith.constant 0 : i32
          %dma_wait3A_205 = tpu.memref_slice %arg6[%and3A_203, %dma_wait3A_204] : memref<4x128xi32, #tpu.memory_space<vmem>> -> memref<1x128xi32, #tpu.memory_space<vmem>>
          %dma_wait3A_206 = tpu.memref_squeeze %dma_wait3A_205 : memref<1x128xi32, #tpu.memory_space<vmem>> -> memref<128xi32, #tpu.memory_space<vmem>>
          %dma_wait3A_207 = arith.constant 0 : i32
          %dma_wait3A_208 = tpu.memref_slice %arg3[%dma_wait3A_207] : memref<320000xi32, #tpu.memory_space<hbm>> -> memref<128xi32, #tpu.memory_space<hbm>>
          %dma_wait3A_209 = arith.constant 0 : i32
          %dma_wait3A_210 = tpu.memref_slice %arg6[%and3A_203, %dma_wait3A_209] : memref<4x128xi32, #tpu.memory_space<vmem>> -> memref<1x128xi32, #tpu.memory_space<vmem>>
          %dma_wait3A_211 = tpu.memref_squeeze %dma_wait3A_210 : memref<1x128xi32, #tpu.memory_space<vmem>> -> memref<128xi32, #tpu.memory_space<vmem>>
          %dma_wait3A_212 = arith.constant 0 : i32
          %dma_wait3A_213 = tpu.memref_slice %arg3[%dma_wait3A_212] : memref<320000xi32, #tpu.memory_space<hbm>> -> memref<128xi32, #tpu.memory_space<hbm>>
          tpu.wait_dma2 semaphore(%arg18 : memref<!tpu.dma_semaphore, #tpu.memory_space<semaphore_mem>>) src(%dma_wait3A_213 : memref<128xi32, #tpu.memory_space<hbm>>) dst(%dma_wait3A_211 : memref<128xi32, #tpu.memory_space<vmem>>)
          %add3A_214 = arith.constant 2 : i32
          %add3A_215 = arith.addi %add3A_116, %add3A_214 : i32
          %and3A_216 = arith.constant 3 : i32
          %and3A_217 = arith.andi %add3A_215, %and3A_216 : i32
          %dma_wait3A_218 = arith.constant 0 : i32
          %dma_wait3A_219 = tpu.memref_slice %arg7[%and3A_217, %dma_wait3A_218] : memref<4x128xi32, #tpu.memory_space<vmem>> -> memref<1x128xi32, #tpu.memory_space<vmem>>
          %dma_wait3A_220 = tpu.memref_squeeze %dma_wait3A_219 : memref<1x128xi32, #tpu.memory_space<vmem>> -> memref<128xi32, #tpu.memory_space<vmem>>
          %dma_wait3A_221 = arith.constant 0 : i32
          %dma_wait3A_222 = tpu.memref_slice %arg4[%dma_wait3A_221] : memref<160000xi32, #tpu.memory_space<hbm>> -> memref<128xi32, #tpu.memory_space<hbm>>
          %dma_wait3A_223 = arith.constant 0 : i32
          %dma_wait3A_224 = tpu.memref_slice %arg7[%and3A_217, %dma_wait3A_223] : memref<4x128xi32, #tpu.memory_space<vmem>> -> memref<1x128xi32, #tpu.memory_space<vmem>>
          %dma_wait3A_225 = tpu.memref_squeeze %dma_wait3A_224 : memref<1x128xi32, #tpu.memory_space<vmem>> -> memref<128xi32, #tpu.memory_space<vmem>>
          %dma_wait3A_226 = arith.constant 0 : i32
          %dma_wait3A_227 = tpu.memref_slice %arg4[%dma_wait3A_226] : memref<160000xi32, #tpu.memory_space<hbm>> -> memref<128xi32, #tpu.memory_space<hbm>>
          tpu.wait_dma2 semaphore(%arg18 : memref<!tpu.dma_semaphore, #tpu.memory_space<semaphore_mem>>) src(%dma_wait3A_227 : memref<128xi32, #tpu.memory_space<hbm>>) dst(%dma_wait3A_225 : memref<128xi32, #tpu.memory_space<vmem>>)
        } else {
        }
        %add3A_172 = arith.constant 2 : i32
        %add3A_173 = arith.addi %add3A_116, %add3A_172 : i32
        %and3A = arith.constant 3 : i32
        %and3A_174 = arith.andi %add3A_173, %and3A : i32
        %dma_start3A_175 = arith.constant 2 : i32
        %dma_start3A_176 = arith.constant 0 : i32
        %dma_start3A_177 = arith.constant 0 : i32
        %dma_start3A_178 = tpu.memref_slice %arg8[%dma_start3A_175, %dma_start3A_176, %dma_start3A_177] : memref<3x128x128xf32, #tpu.memory_space<vmem>> -> memref<1x128x128xf32, #tpu.memory_space<vmem>>
        %dma_start3A_179 = tpu.memref_squeeze %dma_start3A_178 : memref<1x128x128xf32, #tpu.memory_space<vmem>> -> memref<128x128xf32, #tpu.memory_space<vmem>>
        %dma_start3A_180 = arith.constant 0 : i32
        %dma_start3A_181 = tpu.memref_slice %arg6[%and3A_174, %dma_start3A_180] : memref<4x128xi32, #tpu.memory_space<vmem>> -> memref<1x128xi32, #tpu.memory_space<vmem>>
        %dma_start3A_182 = tpu.memref_squeeze %dma_start3A_181 : memref<1x128xi32, #tpu.memory_space<vmem>> -> memref<128xi32, #tpu.memory_space<vmem>>
        %dma_start3A_183 = arith.constant 0 : i32
        %dma_start3A_184 = arith.constant 0 : i32
        %dma_start3A_185 = tpu.memref_slice %arg2[%dma_start3A_183, %dma_start3A_184] : memref<20000x128xf32, #tpu.memory_space<hbm>> -> memref<20000x128xf32, #tpu.memory_space<hbm>>
        tpu.enqueue_indirect_dma source(%dma_start3A_185 : memref<20000x128xf32, #tpu.memory_space<hbm>>) target(%dma_start3A_179 : memref<128x128xf32, #tpu.memory_space<vmem>>) offsets(%dma_start3A_182 : memref<128xi32, #tpu.memory_space<vmem>>) semaphore(%arg12 : memref<!tpu.dma_semaphore, #tpu.memory_space<semaphore_mem>>)
      } else {
      }
      %add3A_126 = arith.constant 3 : i32
      %add3A_127 = arith.addi %add3A_116, %add3A_126 : i32
      %lt3A_128 = arith.cmpi slt, %add3A_127, %select_n3A : i32
      %convert_element_type3A_129 = arith.extui %lt3A_128 : i1 to i32
      %cond3A_130 = arith.constant 0 : i32
      %cond3A_131 = arith.cmpi ne, %convert_element_type3A_129, %cond3A_130 : i32
      scf.if %cond3A_131 {
        %add3A_168 = arith.constant 3 : i32
        %add3A_169 = arith.addi %add3A_116, %add3A_168 : i32
        %and3A = arith.constant 3 : i32
        %and3A_170 = arith.andi %add3A_169, %and3A : i32
        %mul3A_171 = arith.constant 160000 : i32
        %mul3A_172 = arith.muli %arg0, %mul3A_171 : i32
        %add3A_173 = arith.addi %mul3A_172, %mul3A_2 : i32
        %add3A_174 = arith.constant 3 : i32
        %add3A_175 = arith.addi %add3A_116, %add3A_174 : i32
        %mul3A_176 = arith.constant 128 : i32
        %mul3A_177 = arith.muli %add3A_175, %mul3A_176 : i32
        %add3A_178 = arith.addi %add3A_173, %mul3A_177 : i32
        %dma_start3A_179 = arith.constant 0 : i32
        %dma_start3A_180 = tpu.memref_slice %arg6[%and3A_170, %dma_start3A_179] : memref<4x128xi32, #tpu.memory_space<vmem>> -> memref<1x128xi32, #tpu.memory_space<vmem>>
        %dma_start3A_181 = tpu.memref_squeeze %dma_start3A_180 : memref<1x128xi32, #tpu.memory_space<vmem>> -> memref<128xi32, #tpu.memory_space<vmem>>
        %dma_start3A_182 = tpu.memref_slice %arg3[%add3A_178] : memref<320000xi32, #tpu.memory_space<hbm>> -> memref<128xi32, #tpu.memory_space<hbm>>
        %dma_start3A_183 = arith.constant 0 : i32
        %dma_start3A_184 = tpu.memref_slice %arg6[%and3A_170, %dma_start3A_183] : memref<4x128xi32, #tpu.memory_space<vmem>> -> memref<1x128xi32, #tpu.memory_space<vmem>>
        %dma_start3A_185 = tpu.memref_squeeze %dma_start3A_184 : memref<1x128xi32, #tpu.memory_space<vmem>> -> memref<128xi32, #tpu.memory_space<vmem>>
        %dma_start3A_186 = tpu.memref_slice %arg3[%add3A_178] : memref<320000xi32, #tpu.memory_space<hbm>> -> memref<128xi32, #tpu.memory_space<hbm>>
        tpu.enqueue_dma source(%dma_start3A_186 : memref<128xi32, #tpu.memory_space<hbm>>) target(%dma_start3A_185 : memref<128xi32, #tpu.memory_space<vmem>>) target_semaphore(%arg16 : memref<!tpu.dma_semaphore, #tpu.memory_space<semaphore_mem>>)
        %add3A_187 = arith.constant 3 : i32
        %add3A_188 = arith.addi %add3A_116, %add3A_187 : i32
        %mul3A_189 = arith.constant 128 : i32
        %mul3A_190 = arith.muli %add3A_188, %mul3A_189 : i32
        %add3A_191 = arith.addi %mul3A_2, %mul3A_190 : i32
        %dma_start3A_192 = arith.constant 0 : i32
        %dma_start3A_193 = tpu.memref_slice %arg7[%and3A_170, %dma_start3A_192] : memref<4x128xi32, #tpu.memory_space<vmem>> -> memref<1x128xi32, #tpu.memory_space<vmem>>
        %dma_start3A_194 = tpu.memref_squeeze %dma_start3A_193 : memref<1x128xi32, #tpu.memory_space<vmem>> -> memref<128xi32, #tpu.memory_space<vmem>>
        %dma_start3A_195 = tpu.memref_slice %arg4[%add3A_191] : memref<160000xi32, #tpu.memory_space<hbm>> -> memref<128xi32, #tpu.memory_space<hbm>>
        %dma_start3A_196 = arith.constant 0 : i32
        %dma_start3A_197 = tpu.memref_slice %arg7[%and3A_170, %dma_start3A_196] : memref<4x128xi32, #tpu.memory_space<vmem>> -> memref<1x128xi32, #tpu.memory_space<vmem>>
        %dma_start3A_198 = tpu.memref_squeeze %dma_start3A_197 : memref<1x128xi32, #tpu.memory_space<vmem>> -> memref<128xi32, #tpu.memory_space<vmem>>
        %dma_start3A_199 = tpu.memref_slice %arg4[%add3A_191] : memref<160000xi32, #tpu.memory_space<hbm>> -> memref<128xi32, #tpu.memory_space<hbm>>
        tpu.enqueue_dma source(%dma_start3A_199 : memref<128xi32, #tpu.memory_space<hbm>>) target(%dma_start3A_198 : memref<128xi32, #tpu.memory_space<vmem>>) target_semaphore(%arg16 : memref<!tpu.dma_semaphore, #tpu.memory_space<semaphore_mem>>)
      } else {
      }
      %add3A_132 = arith.constant 1 : i32
      %add3A_133 = arith.addi %add3A_114, %add3A_132 : i32
      %lt3A_134 = arith.cmpi slt, %add3A_133, %select_n3A : i32
      %convert_element_type3A_135 = arith.extui %lt3A_134 : i1 to i32
      %cond3A_136 = arith.constant 0 : i32
      %cond3A_137 = arith.cmpi ne, %convert_element_type3A_135, %cond3A_136 : i32
      scf.if %cond3A_137 {
        %and3A = arith.constant 3 : i32
        %and3A_168 = arith.andi %add3A_133, %and3A : i32
        %dma_wait3A_169 = arith.constant 1 : i32
        %dma_wait3A_170 = arith.constant 0 : i32
        %dma_wait3A_171 = arith.constant 0 : i32
        %dma_wait3A_172 = tpu.memref_slice %arg8[%dma_wait3A_169, %dma_wait3A_170, %dma_wait3A_171] : memref<3x128x128xf32, #tpu.memory_space<vmem>> -> memref<1x128x128xf32, #tpu.memory_space<vmem>>
        %dma_wait3A_173 = tpu.memref_squeeze %dma_wait3A_172 : memref<1x128x128xf32, #tpu.memory_space<vmem>> -> memref<128x128xf32, #tpu.memory_space<vmem>>
        %dma_wait3A_174 = arith.constant 0 : i32
        %dma_wait3A_175 = tpu.memref_slice %arg6[%and3A_168, %dma_wait3A_174] : memref<4x128xi32, #tpu.memory_space<vmem>> -> memref<1x128xi32, #tpu.memory_space<vmem>>
        %dma_wait3A_176 = tpu.memref_squeeze %dma_wait3A_175 : memref<1x128xi32, #tpu.memory_space<vmem>> -> memref<128xi32, #tpu.memory_space<vmem>>
        %dma_wait3A_177 = arith.constant 0 : i32
        %dma_wait3A_178 = arith.constant 0 : i32
        %dma_wait3A_179 = tpu.memref_slice %arg2[%dma_wait3A_177, %dma_wait3A_178] : memref<20000x128xf32, #tpu.memory_space<hbm>> -> memref<20000x128xf32, #tpu.memory_space<hbm>>
        tpu.wait_indirect_dma semaphore(%arg11 : memref<!tpu.dma_semaphore, #tpu.memory_space<semaphore_mem>>) src(%dma_wait3A_179 : memref<20000x128xf32, #tpu.memory_space<hbm>>) dst(%dma_wait3A_173 : memref<128x128xf32, #tpu.memory_space<vmem>>)
        %and3A_180 = arith.constant 3 : i32
        %and3A_181 = arith.andi %add3A_133, %and3A_180 : i32
        %dma_start3A_182 = arith.constant 1 : i32
        %dma_start3A_183 = arith.constant 0 : i32
        %dma_start3A_184 = arith.constant 0 : i32
        %dma_start3A_185 = tpu.memref_slice %arg8[%dma_start3A_182, %dma_start3A_183, %dma_start3A_184] : memref<3x128x128xf32, #tpu.memory_space<vmem>> -> memref<1x128x128xf32, #tpu.memory_space<vmem>>
        %dma_start3A_186 = tpu.memref_squeeze %dma_start3A_185 : memref<1x128x128xf32, #tpu.memory_space<vmem>> -> memref<128x128xf32, #tpu.memory_space<vmem>>
        %dma_start3A_187 = arith.constant 0 : i32
        %dma_start3A_188 = tpu.memref_slice %arg7[%and3A_181, %dma_start3A_187] : memref<4x128xi32, #tpu.memory_space<vmem>> -> memref<1x128xi32, #tpu.memory_space<vmem>>
        %dma_start3A_189 = tpu.memref_squeeze %dma_start3A_188 : memref<1x128xi32, #tpu.memory_space<vmem>> -> memref<128xi32, #tpu.memory_space<vmem>>
        %dma_start3A_190 = arith.constant 0 : i32
        %dma_start3A_191 = arith.constant 0 : i32
        %dma_start3A_192 = tpu.memref_slice %arg9[%dma_start3A_190, %dma_start3A_191] : memref<10000x128xf32, #tpu.memory_space<vmem_shared>> -> memref<10000x128xf32, #tpu.memory_space<vmem_shared>>
        tpu.enqueue_indirect_dma source(%dma_start3A_186 : memref<128x128xf32, #tpu.memory_space<vmem>>) target(%dma_start3A_192 : memref<10000x128xf32, #tpu.memory_space<vmem_shared>>) offsets(%dma_start3A_189 : memref<128xi32, #tpu.memory_space<vmem>>) semaphore(%arg14 : memref<!tpu.dma_semaphore, #tpu.memory_space<semaphore_mem>>) {add = true}
      } else {
      }
      %add3A_138 = arith.constant 2 : i32
      %add3A_139 = arith.addi %add3A_133, %add3A_138 : i32
      %lt3A_140 = arith.cmpi slt, %add3A_139, %select_n3A : i32
      %convert_element_type3A_141 = arith.extui %lt3A_140 : i1 to i32
      %cond3A_142 = arith.constant 0 : i32
      %cond3A_143 = arith.cmpi ne, %convert_element_type3A_141, %cond3A_142 : i32
      scf.if %cond3A_143 {
        %ge3A = arith.constant 1 : i32
        %ge3A_168 = arith.cmpi sge, %add3A_133, %ge3A : i32
        %convert_element_type3A_169 = arith.extui %ge3A_168 : i1 to i32
        %cond3A_170 = arith.constant 0 : i32
        %cond3A_171 = arith.cmpi ne, %convert_element_type3A_169, %cond3A_170 : i32
        scf.if %cond3A_171 {
          %sub3A = arith.constant 1 : i32
          %sub3A_186 = arith.subi %add3A_133, %sub3A : i32
          %and3A_187 = arith.constant 3 : i32
          %and3A_188 = arith.andi %sub3A_186, %and3A_187 : i32
          %dma_wait3A_189 = arith.constant 0 : i32
          %dma_wait3A_190 = arith.constant 0 : i32
          %dma_wait3A_191 = arith.constant 0 : i32
          %dma_wait3A_192 = tpu.memref_slice %arg8[%dma_wait3A_189, %dma_wait3A_190, %dma_wait3A_191] : memref<3x128x128xf32, #tpu.memory_space<vmem>> -> memref<1x128x128xf32, #tpu.memory_space<vmem>>
          %dma_wait3A_193 = tpu.memref_squeeze %dma_wait3A_192 : memref<1x128x128xf32, #tpu.memory_space<vmem>> -> memref<128x128xf32, #tpu.memory_space<vmem>>
          %dma_wait3A_194 = arith.constant 0 : i32
          %dma_wait3A_195 = tpu.memref_slice %arg7[%and3A_188, %dma_wait3A_194] : memref<4x128xi32, #tpu.memory_space<vmem>> -> memref<1x128xi32, #tpu.memory_space<vmem>>
          %dma_wait3A_196 = tpu.memref_squeeze %dma_wait3A_195 : memref<1x128xi32, #tpu.memory_space<vmem>> -> memref<128xi32, #tpu.memory_space<vmem>>
          %dma_wait3A_197 = arith.constant 0 : i32
          %dma_wait3A_198 = arith.constant 0 : i32
          %dma_wait3A_199 = tpu.memref_slice %arg9[%dma_wait3A_197, %dma_wait3A_198] : memref<10000x128xf32, #tpu.memory_space<vmem_shared>> -> memref<10000x128xf32, #tpu.memory_space<vmem_shared>>
          tpu.wait_indirect_dma semaphore(%arg13 : memref<!tpu.dma_semaphore, #tpu.memory_space<semaphore_mem>>) src(%dma_wait3A_193 : memref<128x128xf32, #tpu.memory_space<vmem>>) dst(%dma_wait3A_199 : memref<10000x128xf32, #tpu.memory_space<vmem_shared>>)
          %add3A_200 = arith.constant 2 : i32
          %add3A_201 = arith.addi %add3A_133, %add3A_200 : i32
          %and3A_202 = arith.constant 3 : i32
          %and3A_203 = arith.andi %add3A_201, %and3A_202 : i32
          %dma_wait3A_204 = arith.constant 0 : i32
          %dma_wait3A_205 = tpu.memref_slice %arg6[%and3A_203, %dma_wait3A_204] : memref<4x128xi32, #tpu.memory_space<vmem>> -> memref<1x128xi32, #tpu.memory_space<vmem>>
          %dma_wait3A_206 = tpu.memref_squeeze %dma_wait3A_205 : memref<1x128xi32, #tpu.memory_space<vmem>> -> memref<128xi32, #tpu.memory_space<vmem>>
          %dma_wait3A_207 = arith.constant 0 : i32
          %dma_wait3A_208 = tpu.memref_slice %arg3[%dma_wait3A_207] : memref<320000xi32, #tpu.memory_space<hbm>> -> memref<128xi32, #tpu.memory_space<hbm>>
          %dma_wait3A_209 = arith.constant 0 : i32
          %dma_wait3A_210 = tpu.memref_slice %arg6[%and3A_203, %dma_wait3A_209] : memref<4x128xi32, #tpu.memory_space<vmem>> -> memref<1x128xi32, #tpu.memory_space<vmem>>
          %dma_wait3A_211 = tpu.memref_squeeze %dma_wait3A_210 : memref<1x128xi32, #tpu.memory_space<vmem>> -> memref<128xi32, #tpu.memory_space<vmem>>
          %dma_wait3A_212 = arith.constant 0 : i32
          %dma_wait3A_213 = tpu.memref_slice %arg3[%dma_wait3A_212] : memref<320000xi32, #tpu.memory_space<hbm>> -> memref<128xi32, #tpu.memory_space<hbm>>
          tpu.wait_dma2 semaphore(%arg16 : memref<!tpu.dma_semaphore, #tpu.memory_space<semaphore_mem>>) src(%dma_wait3A_213 : memref<128xi32, #tpu.memory_space<hbm>>) dst(%dma_wait3A_211 : memref<128xi32, #tpu.memory_space<vmem>>)
          %add3A_214 = arith.constant 2 : i32
          %add3A_215 = arith.addi %add3A_133, %add3A_214 : i32
          %and3A_216 = arith.constant 3 : i32
          %and3A_217 = arith.andi %add3A_215, %and3A_216 : i32
          %dma_wait3A_218 = arith.constant 0 : i32
          %dma_wait3A_219 = tpu.memref_slice %arg7[%and3A_217, %dma_wait3A_218] : memref<4x128xi32, #tpu.memory_space<vmem>> -> memref<1x128xi32, #tpu.memory_space<vmem>>
          %dma_wait3A_220 = tpu.memref_squeeze %dma_wait3A_219 : memref<1x128xi32, #tpu.memory_space<vmem>> -> memref<128xi32, #tpu.memory_space<vmem>>
          %dma_wait3A_221 = arith.constant 0 : i32
          %dma_wait3A_222 = tpu.memref_slice %arg4[%dma_wait3A_221] : memref<160000xi32, #tpu.memory_space<hbm>> -> memref<128xi32, #tpu.memory_space<hbm>>
          %dma_wait3A_223 = arith.constant 0 : i32
          %dma_wait3A_224 = tpu.memref_slice %arg7[%and3A_217, %dma_wait3A_223] : memref<4x128xi32, #tpu.memory_space<vmem>> -> memref<1x128xi32, #tpu.memory_space<vmem>>
          %dma_wait3A_225 = tpu.memref_squeeze %dma_wait3A_224 : memref<1x128xi32, #tpu.memory_space<vmem>> -> memref<128xi32, #tpu.memory_space<vmem>>
          %dma_wait3A_226 = arith.constant 0 : i32
          %dma_wait3A_227 = tpu.memref_slice %arg4[%dma_wait3A_226] : memref<160000xi32, #tpu.memory_space<hbm>> -> memref<128xi32, #tpu.memory_space<hbm>>
          tpu.wait_dma2 semaphore(%arg16 : memref<!tpu.dma_semaphore, #tpu.memory_space<semaphore_mem>>) src(%dma_wait3A_227 : memref<128xi32, #tpu.memory_space<hbm>>) dst(%dma_wait3A_225 : memref<128xi32, #tpu.memory_space<vmem>>)
        } else {
        }
        %add3A_172 = arith.constant 2 : i32
        %add3A_173 = arith.addi %add3A_133, %add3A_172 : i32
        %and3A = arith.constant 3 : i32
        %and3A_174 = arith.andi %add3A_173, %and3A : i32
        %dma_start3A_175 = arith.constant 0 : i32
        %dma_start3A_176 = arith.constant 0 : i32
        %dma_start3A_177 = arith.constant 0 : i32
        %dma_start3A_178 = tpu.memref_slice %arg8[%dma_start3A_175, %dma_start3A_176, %dma_start3A_177] : memref<3x128x128xf32, #tpu.memory_space<vmem>> -> memref<1x128x128xf32, #tpu.memory_space<vmem>>
        %dma_start3A_179 = tpu.memref_squeeze %dma_start3A_178 : memref<1x128x128xf32, #tpu.memory_space<vmem>> -> memref<128x128xf32, #tpu.memory_space<vmem>>
        %dma_start3A_180 = arith.constant 0 : i32
        %dma_start3A_181 = tpu.memref_slice %arg6[%and3A_174, %dma_start3A_180] : memref<4x128xi32, #tpu.memory_space<vmem>> -> memref<1x128xi32, #tpu.memory_space<vmem>>
        %dma_start3A_182 = tpu.memref_squeeze %dma_start3A_181 : memref<1x128xi32, #tpu.memory_space<vmem>> -> memref<128xi32, #tpu.memory_space<vmem>>
        %dma_start3A_183 = arith.constant 0 : i32
        %dma_start3A_184 = arith.constant 0 : i32
        %dma_start3A_185 = tpu.memref_slice %arg2[%dma_start3A_183, %dma_start3A_184] : memref<20000x128xf32, #tpu.memory_space<hbm>> -> memref<20000x128xf32, #tpu.memory_space<hbm>>
        tpu.enqueue_indirect_dma source(%dma_start3A_185 : memref<20000x128xf32, #tpu.memory_space<hbm>>) target(%dma_start3A_179 : memref<128x128xf32, #tpu.memory_space<vmem>>) offsets(%dma_start3A_182 : memref<128xi32, #tpu.memory_space<vmem>>) semaphore(%arg10 : memref<!tpu.dma_semaphore, #tpu.memory_space<semaphore_mem>>)
      } else {
      }
      %add3A_144 = arith.constant 3 : i32
      %add3A_145 = arith.addi %add3A_133, %add3A_144 : i32
      %lt3A_146 = arith.cmpi slt, %add3A_145, %select_n3A : i32
      %convert_element_type3A_147 = arith.extui %lt3A_146 : i1 to i32
      %cond3A_148 = arith.constant 0 : i32
      %cond3A_149 = arith.cmpi ne, %convert_element_type3A_147, %cond3A_148 : i32
      scf.if %cond3A_149 {
        %add3A_168 = arith.constant 3 : i32
        %add3A_169 = arith.addi %add3A_133, %add3A_168 : i32
        %and3A = arith.constant 3 : i32
        %and3A_170 = arith.andi %add3A_169, %and3A : i32
        %mul3A_171 = arith.constant 160000 : i32
        %mul3A_172 = arith.muli %arg0, %mul3A_171 : i32
        %add3A_173 = arith.addi %mul3A_172, %mul3A_2 : i32
        %add3A_174 = arith.constant 3 : i32
        %add3A_175 = arith.addi %add3A_133, %add3A_174 : i32
        %mul3A_176 = arith.constant 128 : i32
        %mul3A_177 = arith.muli %add3A_175, %mul3A_176 : i32
        %add3A_178 = arith.addi %add3A_173, %mul3A_177 : i32
        %dma_start3A_179 = arith.constant 0 : i32
        %dma_start3A_180 = tpu.memref_slice %arg6[%and3A_170, %dma_start3A_179] : memref<4x128xi32, #tpu.memory_space<vmem>> -> memref<1x128xi32, #tpu.memory_space<vmem>>
        %dma_start3A_181 = tpu.memref_squeeze %dma_start3A_180 : memref<1x128xi32, #tpu.memory_space<vmem>> -> memref<128xi32, #tpu.memory_space<vmem>>
        %dma_start3A_182 = tpu.memref_slice %arg3[%add3A_178] : memref<320000xi32, #tpu.memory_space<hbm>> -> memref<128xi32, #tpu.memory_space<hbm>>
        %dma_start3A_183 = arith.constant 0 : i32
        %dma_start3A_184 = tpu.memref_slice %arg6[%and3A_170, %dma_start3A_183] : memref<4x128xi32, #tpu.memory_space<vmem>> -> memref<1x128xi32, #tpu.memory_space<vmem>>
        %dma_start3A_185 = tpu.memref_squeeze %dma_start3A_184 : memref<1x128xi32, #tpu.memory_space<vmem>> -> memref<128xi32, #tpu.memory_space<vmem>>
        %dma_start3A_186 = tpu.memref_slice %arg3[%add3A_178] : memref<320000xi32, #tpu.memory_space<hbm>> -> memref<128xi32, #tpu.memory_space<hbm>>
        tpu.enqueue_dma source(%dma_start3A_186 : memref<128xi32, #tpu.memory_space<hbm>>) target(%dma_start3A_185 : memref<128xi32, #tpu.memory_space<vmem>>) target_semaphore(%arg17 : memref<!tpu.dma_semaphore, #tpu.memory_space<semaphore_mem>>)
        %add3A_187 = arith.constant 3 : i32
        %add3A_188 = arith.addi %add3A_133, %add3A_187 : i32
        %mul3A_189 = arith.constant 128 : i32
        %mul3A_190 = arith.muli %add3A_188, %mul3A_189 : i32
        %add3A_191 = arith.addi %mul3A_2, %mul3A_190 : i32
        %dma_start3A_192 = arith.constant 0 : i32
        %dma_start3A_193 = tpu.memref_slice %arg7[%and3A_170, %dma_start3A_192] : memref<4x128xi32, #tpu.memory_space<vmem>> -> memref<1x128xi32, #tpu.memory_space<vmem>>
        %dma_start3A_194 = tpu.memref_squeeze %dma_start3A_193 : memref<1x128xi32, #tpu.memory_space<vmem>> -> memref<128xi32, #tpu.memory_space<vmem>>
        %dma_start3A_195 = tpu.memref_slice %arg4[%add3A_191] : memref<160000xi32, #tpu.memory_space<hbm>> -> memref<128xi32, #tpu.memory_space<hbm>>
        %dma_start3A_196 = arith.constant 0 : i32
        %dma_start3A_197 = tpu.memref_slice %arg7[%and3A_170, %dma_start3A_196] : memref<4x128xi32, #tpu.memory_space<vmem>> -> memref<1x128xi32, #tpu.memory_space<vmem>>
        %dma_start3A_198 = tpu.memref_squeeze %dma_start3A_197 : memref<1x128xi32, #tpu.memory_space<vmem>> -> memref<128xi32, #tpu.memory_space<vmem>>
        %dma_start3A_199 = tpu.memref_slice %arg4[%add3A_191] : memref<160000xi32, #tpu.memory_space<hbm>> -> memref<128xi32, #tpu.memory_space<hbm>>
        tpu.enqueue_dma source(%dma_start3A_199 : memref<128xi32, #tpu.memory_space<hbm>>) target(%dma_start3A_198 : memref<128xi32, #tpu.memory_space<vmem>>) target_semaphore(%arg17 : memref<!tpu.dma_semaphore, #tpu.memory_space<semaphore_mem>>)
      } else {
      }
      %add3A_150 = arith.constant 2 : i32
      %add3A_151 = arith.addi %add3A_114, %add3A_150 : i32
      %lt3A_152 = arith.cmpi slt, %add3A_151, %select_n3A : i32
      %convert_element_type3A_153 = arith.extui %lt3A_152 : i1 to i32
      %cond3A_154 = arith.constant 0 : i32
      %cond3A_155 = arith.cmpi ne, %convert_element_type3A_153, %cond3A_154 : i32
      scf.if %cond3A_155 {
        %and3A = arith.constant 3 : i32
        %and3A_168 = arith.andi %add3A_151, %and3A : i32
        %dma_wait3A_169 = arith.constant 2 : i32
        %dma_wait3A_170 = arith.constant 0 : i32
        %dma_wait3A_171 = arith.constant 0 : i32
        %dma_wait3A_172 = tpu.memref_slice %arg8[%dma_wait3A_169, %dma_wait3A_170, %dma_wait3A_171] : memref<3x128x128xf32, #tpu.memory_space<vmem>> -> memref<1x128x128xf32, #tpu.memory_space<vmem>>
        %dma_wait3A_173 = tpu.memref_squeeze %dma_wait3A_172 : memref<1x128x128xf32, #tpu.memory_space<vmem>> -> memref<128x128xf32, #tpu.memory_space<vmem>>
        %dma_wait3A_174 = arith.constant 0 : i32
        %dma_wait3A_175 = tpu.memref_slice %arg6[%and3A_168, %dma_wait3A_174] : memref<4x128xi32, #tpu.memory_space<vmem>> -> memref<1x128xi32, #tpu.memory_space<vmem>>
        %dma_wait3A_176 = tpu.memref_squeeze %dma_wait3A_175 : memref<1x128xi32, #tpu.memory_space<vmem>> -> memref<128xi32, #tpu.memory_space<vmem>>
        %dma_wait3A_177 = arith.constant 0 : i32
        %dma_wait3A_178 = arith.constant 0 : i32
        %dma_wait3A_179 = tpu.memref_slice %arg2[%dma_wait3A_177, %dma_wait3A_178] : memref<20000x128xf32, #tpu.memory_space<hbm>> -> memref<20000x128xf32, #tpu.memory_space<hbm>>
        tpu.wait_indirect_dma semaphore(%arg12 : memref<!tpu.dma_semaphore, #tpu.memory_space<semaphore_mem>>) src(%dma_wait3A_179 : memref<20000x128xf32, #tpu.memory_space<hbm>>) dst(%dma_wait3A_173 : memref<128x128xf32, #tpu.memory_space<vmem>>)
        %and3A_180 = arith.constant 3 : i32
        %and3A_181 = arith.andi %add3A_151, %and3A_180 : i32
        %dma_start3A_182 = arith.constant 2 : i32
        %dma_start3A_183 = arith.constant 0 : i32
        %dma_start3A_184 = arith.constant 0 : i32
        %dma_start3A_185 = tpu.memref_slice %arg8[%dma_start3A_182, %dma_start3A_183, %dma_start3A_184] : memref<3x128x128xf32, #tpu.memory_space<vmem>> -> memref<1x128x128xf32, #tpu.memory_space<vmem>>
        %dma_start3A_186 = tpu.memref_squeeze %dma_start3A_185 : memref<1x128x128xf32, #tpu.memory_space<vmem>> -> memref<128x128xf32, #tpu.memory_space<vmem>>
        %dma_start3A_187 = arith.constant 0 : i32
        %dma_start3A_188 = tpu.memref_slice %arg7[%and3A_181, %dma_start3A_187] : memref<4x128xi32, #tpu.memory_space<vmem>> -> memref<1x128xi32, #tpu.memory_space<vmem>>
        %dma_start3A_189 = tpu.memref_squeeze %dma_start3A_188 : memref<1x128xi32, #tpu.memory_space<vmem>> -> memref<128xi32, #tpu.memory_space<vmem>>
        %dma_start3A_190 = arith.constant 0 : i32
        %dma_start3A_191 = arith.constant 0 : i32
        %dma_start3A_192 = tpu.memref_slice %arg9[%dma_start3A_190, %dma_start3A_191] : memref<10000x128xf32, #tpu.memory_space<vmem_shared>> -> memref<10000x128xf32, #tpu.memory_space<vmem_shared>>
        tpu.enqueue_indirect_dma source(%dma_start3A_186 : memref<128x128xf32, #tpu.memory_space<vmem>>) target(%dma_start3A_192 : memref<10000x128xf32, #tpu.memory_space<vmem_shared>>) offsets(%dma_start3A_189 : memref<128xi32, #tpu.memory_space<vmem>>) semaphore(%arg15 : memref<!tpu.dma_semaphore, #tpu.memory_space<semaphore_mem>>) {add = true}
      } else {
      }
      %add3A_156 = arith.constant 2 : i32
      %add3A_157 = arith.addi %add3A_151, %add3A_156 : i32
      %lt3A_158 = arith.cmpi slt, %add3A_157, %select_n3A : i32
      %convert_element_type3A_159 = arith.extui %lt3A_158 : i1 to i32
      %cond3A_160 = arith.constant 0 : i32
      %cond3A_161 = arith.cmpi ne, %convert_element_type3A_159, %cond3A_160 : i32
      scf.if %cond3A_161 {
        %ge3A = arith.constant 1 : i32
        %ge3A_168 = arith.cmpi sge, %add3A_151, %ge3A : i32
        %convert_element_type3A_169 = arith.extui %ge3A_168 : i1 to i32
        %cond3A_170 = arith.constant 0 : i32
        %cond3A_171 = arith.cmpi ne, %convert_element_type3A_169, %cond3A_170 : i32
        scf.if %cond3A_171 {
          %sub3A = arith.constant 1 : i32
          %sub3A_186 = arith.subi %add3A_151, %sub3A : i32
          %and3A_187 = arith.constant 3 : i32
          %and3A_188 = arith.andi %sub3A_186, %and3A_187 : i32
          %dma_wait3A_189 = arith.constant 1 : i32
          %dma_wait3A_190 = arith.constant 0 : i32
          %dma_wait3A_191 = arith.constant 0 : i32
          %dma_wait3A_192 = tpu.memref_slice %arg8[%dma_wait3A_189, %dma_wait3A_190, %dma_wait3A_191] : memref<3x128x128xf32, #tpu.memory_space<vmem>> -> memref<1x128x128xf32, #tpu.memory_space<vmem>>
          %dma_wait3A_193 = tpu.memref_squeeze %dma_wait3A_192 : memref<1x128x128xf32, #tpu.memory_space<vmem>> -> memref<128x128xf32, #tpu.memory_space<vmem>>
          %dma_wait3A_194 = arith.constant 0 : i32
          %dma_wait3A_195 = tpu.memref_slice %arg7[%and3A_188, %dma_wait3A_194] : memref<4x128xi32, #tpu.memory_space<vmem>> -> memref<1x128xi32, #tpu.memory_space<vmem>>
          %dma_wait3A_196 = tpu.memref_squeeze %dma_wait3A_195 : memref<1x128xi32, #tpu.memory_space<vmem>> -> memref<128xi32, #tpu.memory_space<vmem>>
          %dma_wait3A_197 = arith.constant 0 : i32
          %dma_wait3A_198 = arith.constant 0 : i32
          %dma_wait3A_199 = tpu.memref_slice %arg9[%dma_wait3A_197, %dma_wait3A_198] : memref<10000x128xf32, #tpu.memory_space<vmem_shared>> -> memref<10000x128xf32, #tpu.memory_space<vmem_shared>>
          tpu.wait_indirect_dma semaphore(%arg14 : memref<!tpu.dma_semaphore, #tpu.memory_space<semaphore_mem>>) src(%dma_wait3A_193 : memref<128x128xf32, #tpu.memory_space<vmem>>) dst(%dma_wait3A_199 : memref<10000x128xf32, #tpu.memory_space<vmem_shared>>)
          %add3A_200 = arith.constant 2 : i32
          %add3A_201 = arith.addi %add3A_151, %add3A_200 : i32
          %and3A_202 = arith.constant 3 : i32
          %and3A_203 = arith.andi %add3A_201, %and3A_202 : i32
          %dma_wait3A_204 = arith.constant 0 : i32
          %dma_wait3A_205 = tpu.memref_slice %arg6[%and3A_203, %dma_wait3A_204] : memref<4x128xi32, #tpu.memory_space<vmem>> -> memref<1x128xi32, #tpu.memory_space<vmem>>
          %dma_wait3A_206 = tpu.memref_squeeze %dma_wait3A_205 : memref<1x128xi32, #tpu.memory_space<vmem>> -> memref<128xi32, #tpu.memory_space<vmem>>
          %dma_wait3A_207 = arith.constant 0 : i32
          %dma_wait3A_208 = tpu.memref_slice %arg3[%dma_wait3A_207] : memref<320000xi32, #tpu.memory_space<hbm>> -> memref<128xi32, #tpu.memory_space<hbm>>
          %dma_wait3A_209 = arith.constant 0 : i32
          %dma_wait3A_210 = tpu.memref_slice %arg6[%and3A_203, %dma_wait3A_209] : memref<4x128xi32, #tpu.memory_space<vmem>> -> memref<1x128xi32, #tpu.memory_space<vmem>>
          %dma_wait3A_211 = tpu.memref_squeeze %dma_wait3A_210 : memref<1x128xi32, #tpu.memory_space<vmem>> -> memref<128xi32, #tpu.memory_space<vmem>>
          %dma_wait3A_212 = arith.constant 0 : i32
          %dma_wait3A_213 = tpu.memref_slice %arg3[%dma_wait3A_212] : memref<320000xi32, #tpu.memory_space<hbm>> -> memref<128xi32, #tpu.memory_space<hbm>>
          tpu.wait_dma2 semaphore(%arg17 : memref<!tpu.dma_semaphore, #tpu.memory_space<semaphore_mem>>) src(%dma_wait3A_213 : memref<128xi32, #tpu.memory_space<hbm>>) dst(%dma_wait3A_211 : memref<128xi32, #tpu.memory_space<vmem>>)
          %add3A_214 = arith.constant 2 : i32
          %add3A_215 = arith.addi %add3A_151, %add3A_214 : i32
          %and3A_216 = arith.constant 3 : i32
          %and3A_217 = arith.andi %add3A_215, %and3A_216 : i32
          %dma_wait3A_218 = arith.constant 0 : i32
          %dma_wait3A_219 = tpu.memref_slice %arg7[%and3A_217, %dma_wait3A_218] : memref<4x128xi32, #tpu.memory_space<vmem>> -> memref<1x128xi32, #tpu.memory_space<vmem>>
          %dma_wait3A_220 = tpu.memref_squeeze %dma_wait3A_219 : memref<1x128xi32, #tpu.memory_space<vmem>> -> memref<128xi32, #tpu.memory_space<vmem>>
          %dma_wait3A_221 = arith.constant 0 : i32
          %dma_wait3A_222 = tpu.memref_slice %arg4[%dma_wait3A_221] : memref<160000xi32, #tpu.memory_space<hbm>> -> memref<128xi32, #tpu.memory_space<hbm>>
          %dma_wait3A_223 = arith.constant 0 : i32
          %dma_wait3A_224 = tpu.memref_slice %arg7[%and3A_217, %dma_wait3A_223] : memref<4x128xi32, #tpu.memory_space<vmem>> -> memref<1x128xi32, #tpu.memory_space<vmem>>
          %dma_wait3A_225 = tpu.memref_squeeze %dma_wait3A_224 : memref<1x128xi32, #tpu.memory_space<vmem>> -> memref<128xi32, #tpu.memory_space<vmem>>
          %dma_wait3A_226 = arith.constant 0 : i32
          %dma_wait3A_227 = tpu.memref_slice %arg4[%dma_wait3A_226] : memref<160000xi32, #tpu.memory_space<hbm>> -> memref<128xi32, #tpu.memory_space<hbm>>
          tpu.wait_dma2 semaphore(%arg17 : memref<!tpu.dma_semaphore, #tpu.memory_space<semaphore_mem>>) src(%dma_wait3A_227 : memref<128xi32, #tpu.memory_space<hbm>>) dst(%dma_wait3A_225 : memref<128xi32, #tpu.memory_space<vmem>>)
        } else {
        }
        %add3A_172 = arith.constant 2 : i32
        %add3A_173 = arith.addi %add3A_151, %add3A_172 : i32
        %and3A = arith.constant 3 : i32
        %and3A_174 = arith.andi %add3A_173, %and3A : i32
        %dma_start3A_175 = arith.constant 1 : i32
        %dma_start3A_176 = arith.constant 0 : i32
        %dma_start3A_177 = arith.constant 0 : i32
        %dma_start3A_178 = tpu.memref_slice %arg8[%dma_start3A_175, %dma_start3A_176, %dma_start3A_177] : memref<3x128x128xf32, #tpu.memory_space<vmem>> -> memref<1x128x128xf32, #tpu.memory_space<vmem>>
        %dma_start3A_179 = tpu.memref_squeeze %dma_start3A_178 : memref<1x128x128xf32, #tpu.memory_space<vmem>> -> memref<128x128xf32, #tpu.memory_space<vmem>>
        %dma_start3A_180 = arith.constant 0 : i32
        %dma_start3A_181 = tpu.memref_slice %arg6[%and3A_174, %dma_start3A_180] : memref<4x128xi32, #tpu.memory_space<vmem>> -> memref<1x128xi32, #tpu.memory_space<vmem>>
        %dma_start3A_182 = tpu.memref_squeeze %dma_start3A_181 : memref<1x128xi32, #tpu.memory_space<vmem>> -> memref<128xi32, #tpu.memory_space<vmem>>
        %dma_start3A_183 = arith.constant 0 : i32
        %dma_start3A_184 = arith.constant 0 : i32
        %dma_start3A_185 = tpu.memref_slice %arg2[%dma_start3A_183, %dma_start3A_184] : memref<20000x128xf32, #tpu.memory_space<hbm>> -> memref<20000x128xf32, #tpu.memory_space<hbm>>
        tpu.enqueue_indirect_dma source(%dma_start3A_185 : memref<20000x128xf32, #tpu.memory_space<hbm>>) target(%dma_start3A_179 : memref<128x128xf32, #tpu.memory_space<vmem>>) offsets(%dma_start3A_182 : memref<128xi32, #tpu.memory_space<vmem>>) semaphore(%arg11 : memref<!tpu.dma_semaphore, #tpu.memory_space<semaphore_mem>>)
      } else {
      }
      %add3A_162 = arith.constant 3 : i32
      %add3A_163 = arith.addi %add3A_151, %add3A_162 : i32
      %lt3A_164 = arith.cmpi slt, %add3A_163, %select_n3A : i32
      %convert_element_type3A_165 = arith.extui %lt3A_164 : i1 to i32
      %cond3A_166 = arith.constant 0 : i32
      %cond3A_167 = arith.cmpi ne, %convert_element_type3A_165, %cond3A_166 : i32
      scf.if %cond3A_167 {
        %add3A_168 = arith.constant 3 : i32
        %add3A_169 = arith.addi %add3A_151, %add3A_168 : i32
        %and3A = arith.constant 3 : i32
        %and3A_170 = arith.andi %add3A_169, %and3A : i32
        %mul3A_171 = arith.constant 160000 : i32
        %mul3A_172 = arith.muli %arg0, %mul3A_171 : i32
        %add3A_173 = arith.addi %mul3A_172, %mul3A_2 : i32
        %add3A_174 = arith.constant 3 : i32
        %add3A_175 = arith.addi %add3A_151, %add3A_174 : i32
        %mul3A_176 = arith.constant 128 : i32
        %mul3A_177 = arith.muli %add3A_175, %mul3A_176 : i32
        %add3A_178 = arith.addi %add3A_173, %mul3A_177 : i32
        %dma_start3A_179 = arith.constant 0 : i32
        %dma_start3A_180 = tpu.memref_slice %arg6[%and3A_170, %dma_start3A_179] : memref<4x128xi32, #tpu.memory_space<vmem>> -> memref<1x128xi32, #tpu.memory_space<vmem>>
        %dma_start3A_181 = tpu.memref_squeeze %dma_start3A_180 : memref<1x128xi32, #tpu.memory_space<vmem>> -> memref<128xi32, #tpu.memory_space<vmem>>
        %dma_start3A_182 = tpu.memref_slice %arg3[%add3A_178] : memref<320000xi32, #tpu.memory_space<hbm>> -> memref<128xi32, #tpu.memory_space<hbm>>
        %dma_start3A_183 = arith.constant 0 : i32
        %dma_start3A_184 = tpu.memref_slice %arg6[%and3A_170, %dma_start3A_183] : memref<4x128xi32, #tpu.memory_space<vmem>> -> memref<1x128xi32, #tpu.memory_space<vmem>>
        %dma_start3A_185 = tpu.memref_squeeze %dma_start3A_184 : memref<1x128xi32, #tpu.memory_space<vmem>> -> memref<128xi32, #tpu.memory_space<vmem>>
        %dma_start3A_186 = tpu.memref_slice %arg3[%add3A_178] : memref<320000xi32, #tpu.memory_space<hbm>> -> memref<128xi32, #tpu.memory_space<hbm>>
        tpu.enqueue_dma source(%dma_start3A_186 : memref<128xi32, #tpu.memory_space<hbm>>) target(%dma_start3A_185 : memref<128xi32, #tpu.memory_space<vmem>>) target_semaphore(%arg18 : memref<!tpu.dma_semaphore, #tpu.memory_space<semaphore_mem>>)
        %add3A_187 = arith.constant 3 : i32
        %add3A_188 = arith.addi %add3A_151, %add3A_187 : i32
        %mul3A_189 = arith.constant 128 : i32
        %mul3A_190 = arith.muli %add3A_188, %mul3A_189 : i32
        %add3A_191 = arith.addi %mul3A_2, %mul3A_190 : i32
        %dma_start3A_192 = arith.constant 0 : i32
        %dma_start3A_193 = tpu.memref_slice %arg7[%and3A_170, %dma_start3A_192] : memref<4x128xi32, #tpu.memory_space<vmem>> -> memref<1x128xi32, #tpu.memory_space<vmem>>
        %dma_start3A_194 = tpu.memref_squeeze %dma_start3A_193 : memref<1x128xi32, #tpu.memory_space<vmem>> -> memref<128xi32, #tpu.memory_space<vmem>>
        %dma_start3A_195 = tpu.memref_slice %arg4[%add3A_191] : memref<160000xi32, #tpu.memory_space<hbm>> -> memref<128xi32, #tpu.memory_space<hbm>>
        %dma_start3A_196 = arith.constant 0 : i32
        %dma_start3A_197 = tpu.memref_slice %arg7[%and3A_170, %dma_start3A_196] : memref<4x128xi32, #tpu.memory_space<vmem>> -> memref<1x128xi32, #tpu.memory_space<vmem>>
        %dma_start3A_198 = tpu.memref_squeeze %dma_start3A_197 : memref<1x128xi32, #tpu.memory_space<vmem>> -> memref<128xi32, #tpu.memory_space<vmem>>
        %dma_start3A_199 = tpu.memref_slice %arg4[%add3A_191] : memref<160000xi32, #tpu.memory_space<hbm>> -> memref<128xi32, #tpu.memory_space<hbm>>
        tpu.enqueue_dma source(%dma_start3A_199 : memref<128xi32, #tpu.memory_space<hbm>>) target(%dma_start3A_198 : memref<128xi32, #tpu.memory_space<vmem>>) target_semaphore(%arg18 : memref<!tpu.dma_semaphore, #tpu.memory_space<semaphore_mem>>)
      } else {
      }
    }
    %scan3A_64 = arith.constant 27 : i32
    %dma_wait3A = arith.constant 0 : i32
    %dma_wait3A_65 = arith.constant 0 : i32
    %dma_wait3A_66 = arith.constant 0 : i32
    %dma_wait3A_67 = arith.constant 0 : i32
    %dma_wait3A_68 = tpu.memref_slice %arg8[%dma_wait3A, %dma_wait3A_66, %dma_wait3A_67] : memref<3x128x128xf32, #tpu.memory_space<vmem>> -> memref<1x128x128xf32, #tpu.memory_space<vmem>>
    %dma_wait3A_69 = tpu.memref_squeeze %dma_wait3A_68 : memref<1x128x128xf32, #tpu.memory_space<vmem>> -> memref<128x128xf32, #tpu.memory_space<vmem>>
    %dma_wait3A_70 = arith.constant 0 : i32
    %dma_wait3A_71 = tpu.memref_slice %arg7[%dma_wait3A_65, %dma_wait3A_70] : memref<4x128xi32, #tpu.memory_space<vmem>> -> memref<1x128xi32, #tpu.memory_space<vmem>>
    %dma_wait3A_72 = tpu.memref_squeeze %dma_wait3A_71 : memref<1x128xi32, #tpu.memory_space<vmem>> -> memref<128xi32, #tpu.memory_space<vmem>>
    %dma_wait3A_73 = arith.constant 0 : i32
    %dma_wait3A_74 = arith.constant 0 : i32
    %dma_wait3A_75 = tpu.memref_slice %arg9[%dma_wait3A_73, %dma_wait3A_74] : memref<10000x128xf32, #tpu.memory_space<vmem_shared>> -> memref<10000x128xf32, #tpu.memory_space<vmem_shared>>
    tpu.wait_indirect_dma semaphore(%arg13 : memref<!tpu.dma_semaphore, #tpu.memory_space<semaphore_mem>>) src(%dma_wait3A_69 : memref<128x128xf32, #tpu.memory_space<vmem>>) dst(%dma_wait3A_75 : memref<10000x128xf32, #tpu.memory_space<vmem_shared>>)
    %dma_wait3A_76 = arith.constant 1 : i32
    %dma_wait3A_77 = arith.constant 1 : i32
    %dma_wait3A_78 = arith.constant 0 : i32
    %dma_wait3A_79 = arith.constant 0 : i32
    %dma_wait3A_80 = tpu.memref_slice %arg8[%dma_wait3A_76, %dma_wait3A_78, %dma_wait3A_79] : memref<3x128x128xf32, #tpu.memory_space<vmem>> -> memref<1x128x128xf32, #tpu.memory_space<vmem>>
    %dma_wait3A_81 = tpu.memref_squeeze %dma_wait3A_80 : memref<1x128x128xf32, #tpu.memory_space<vmem>> -> memref<128x128xf32, #tpu.memory_space<vmem>>
    %dma_wait3A_82 = arith.constant 0 : i32
    %dma_wait3A_83 = tpu.memref_slice %arg7[%dma_wait3A_77, %dma_wait3A_82] : memref<4x128xi32, #tpu.memory_space<vmem>> -> memref<1x128xi32, #tpu.memory_space<vmem>>
    %dma_wait3A_84 = tpu.memref_squeeze %dma_wait3A_83 : memref<1x128xi32, #tpu.memory_space<vmem>> -> memref<128xi32, #tpu.memory_space<vmem>>
    %dma_wait3A_85 = arith.constant 0 : i32
    %dma_wait3A_86 = arith.constant 0 : i32
    %dma_wait3A_87 = tpu.memref_slice %arg9[%dma_wait3A_85, %dma_wait3A_86] : memref<10000x128xf32, #tpu.memory_space<vmem_shared>> -> memref<10000x128xf32, #tpu.memory_space<vmem_shared>>
    tpu.wait_indirect_dma semaphore(%arg14 : memref<!tpu.dma_semaphore, #tpu.memory_space<semaphore_mem>>) src(%dma_wait3A_81 : memref<128x128xf32, #tpu.memory_space<vmem>>) dst(%dma_wait3A_87 : memref<10000x128xf32, #tpu.memory_space<vmem_shared>>)
    %dma_wait3A_88 = arith.constant 2 : i32
    %dma_wait3A_89 = arith.constant 2 : i32
    %dma_wait3A_90 = arith.constant 0 : i32
    %dma_wait3A_91 = arith.constant 0 : i32
    %dma_wait3A_92 = tpu.memref_slice %arg8[%dma_wait3A_88, %dma_wait3A_90, %dma_wait3A_91] : memref<3x128x128xf32, #tpu.memory_space<vmem>> -> memref<1x128x128xf32, #tpu.memory_space<vmem>>
    %dma_wait3A_93 = tpu.memref_squeeze %dma_wait3A_92 : memref<1x128x128xf32, #tpu.memory_space<vmem>> -> memref<128x128xf32, #tpu.memory_space<vmem>>
    %dma_wait3A_94 = arith.constant 0 : i32
    %dma_wait3A_95 = tpu.memref_slice %arg7[%dma_wait3A_89, %dma_wait3A_94] : memref<4x128xi32, #tpu.memory_space<vmem>> -> memref<1x128xi32, #tpu.memory_space<vmem>>
    %dma_wait3A_96 = tpu.memref_squeeze %dma_wait3A_95 : memref<1x128xi32, #tpu.memory_space<vmem>> -> memref<128xi32, #tpu.memory_space<vmem>>
    %dma_wait3A_97 = arith.constant 0 : i32
    %dma_wait3A_98 = arith.constant 0 : i32
    %dma_wait3A_99 = tpu.memref_slice %arg9[%dma_wait3A_97, %dma_wait3A_98] : memref<10000x128xf32, #tpu.memory_space<vmem_shared>> -> memref<10000x128xf32, #tpu.memory_space<vmem_shared>>
    tpu.wait_indirect_dma semaphore(%arg15 : memref<!tpu.dma_semaphore, #tpu.memory_space<semaphore_mem>>) src(%dma_wait3A_93 : memref<128x128xf32, #tpu.memory_space<vmem>>) dst(%dma_wait3A_99 : memref<10000x128xf32, #tpu.memory_space<vmem_shared>>)
    %barrier3A_100 = arith.constant 0 : index
    tpu.barrier barrier_id(%barrier3A_100)
    %mul3A_101 = arith.constant 624 : i32
    %mul3A_102 = arith.muli %arg1, %mul3A_101 : i32
    %mul3A_103 = arith.constant 624 : i32
    %mul3A_104 = arith.muli %arg1, %mul3A_103 : i32
    "tpu.region"() ({
      %run_scoped3A_110 = tpu.sem_alloc : memref<!tpu.dma_semaphore, #tpu.memory_space<semaphore_mem>>
      %dma_start3A_111 = arith.constant 0 : i32
      %dma_start3A_112 = tpu.memref_slice %arg5[%arg0, %mul3A_104, %dma_start3A_111] : memref<2x10000x128xf32, #tpu.memory_space<hbm>> -> memref<1x624x128xf32, #tpu.memory_space<hbm>>
      %dma_start3A_113 = tpu.memref_squeeze %dma_start3A_112 : memref<1x624x128xf32, #tpu.memory_space<hbm>> -> memref<624x128xf32, #tpu.memory_space<hbm>>
      %dma_start3A_114 = arith.constant 0 : i32
      %dma_start3A_115 = tpu.memref_slice %arg9[%mul3A_102, %dma_start3A_114] : memref<10000x128xf32, #tpu.memory_space<vmem_shared>> -> memref<624x128xf32, #tpu.memory_space<vmem_shared>>
      tpu.enqueue_dma source(%dma_start3A_115 : memref<624x128xf32, #tpu.memory_space<vmem_shared>>) target(%dma_start3A_113 : memref<624x128xf32, #tpu.memory_space<hbm>>) target_semaphore(%run_scoped3A_110 : memref<!tpu.dma_semaphore, #tpu.memory_space<semaphore_mem>>)
      %dma_wait3A_116 = arith.constant 0 : i32
      %dma_wait3A_117 = tpu.memref_slice %arg5[%arg0, %mul3A_104, %dma_wait3A_116] : memref<2x10000x128xf32, #tpu.memory_space<hbm>> -> memref<1x624x128xf32, #tpu.memory_space<hbm>>
      %dma_wait3A_118 = tpu.memref_squeeze %dma_wait3A_117 : memref<1x624x128xf32, #tpu.memory_space<hbm>> -> memref<624x128xf32, #tpu.memory_space<hbm>>
      %dma_wait3A_119 = arith.constant 0 : i32
      %dma_wait3A_120 = tpu.memref_slice %arg9[%mul3A_102, %dma_wait3A_119] : memref<10000x128xf32, #tpu.memory_space<vmem_shared>> -> memref<624x128xf32, #tpu.memory_space<vmem_shared>>
      tpu.wait_dma2 semaphore(%run_scoped3A_110 : memref<!tpu.dma_semaphore, #tpu.memory_space<semaphore_mem>>) src(%dma_wait3A_120 : memref<624x128xf32, #tpu.memory_space<vmem_shared>>) dst(%dma_wait3A_118 : memref<624x128xf32, #tpu.memory_space<hbm>>)
      tpu.yield
    }) : () -> ()
    %eq3A_105 = arith.constant 0 : i32
    %eq3A_106 = arith.cmpi eq, %arg1, %eq3A_105 : i32
    %convert_element_type3A_107 = arith.extui %eq3A_106 : i1 to i32
    %cond3A_108 = arith.constant 0 : i32
    %cond3A_109 = arith.cmpi ne, %convert_element_type3A_107, %cond3A_108 : i32
    scf.if %cond3A_109 {
      "tpu.region"() ({
        %run_scoped3A_110 = tpu.sem_alloc : memref<!tpu.dma_semaphore, #tpu.memory_space<semaphore_mem>>
        %dma_start3A_111 = arith.constant 9984 : i32
        %dma_start3A_112 = arith.constant 0 : i32
        %dma_start3A_113 = tpu.memref_slice %arg5[%arg0, %dma_start3A_111, %dma_start3A_112] : memref<2x10000x128xf32, #tpu.memory_space<hbm>> -> memref<1x16x128xf32, #tpu.memory_space<hbm>>
        %dma_start3A_114 = tpu.memref_squeeze %dma_start3A_113 : memref<1x16x128xf32, #tpu.memory_space<hbm>> -> memref<16x128xf32, #tpu.memory_space<hbm>>
        %dma_start3A_115 = arith.constant 9984 : i32
        %dma_start3A_116 = arith.constant 0 : i32
        %dma_start3A_117 = tpu.memref_slice %arg9[%dma_start3A_115, %dma_start3A_116] : memref<10000x128xf32, #tpu.memory_space<vmem_shared>> -> memref<16x128xf32, #tpu.memory_space<vmem_shared>>
        tpu.enqueue_dma source(%dma_start3A_117 : memref<16x128xf32, #tpu.memory_space<vmem_shared>>) target(%dma_start3A_114 : memref<16x128xf32, #tpu.memory_space<hbm>>) target_semaphore(%run_scoped3A_110 : memref<!tpu.dma_semaphore, #tpu.memory_space<semaphore_mem>>)
        %dma_wait3A_118 = arith.constant 9984 : i32
        %dma_wait3A_119 = arith.constant 0 : i32
        %dma_wait3A_120 = tpu.memref_slice %arg5[%arg0, %dma_wait3A_118, %dma_wait3A_119] : memref<2x10000x128xf32, #tpu.memory_space<hbm>> -> memref<1x16x128xf32, #tpu.memory_space<hbm>>
        %dma_wait3A_121 = tpu.memref_squeeze %dma_wait3A_120 : memref<1x16x128xf32, #tpu.memory_space<hbm>> -> memref<16x128xf32, #tpu.memory_space<hbm>>
        %dma_wait3A_122 = arith.constant 9984 : i32
        %dma_wait3A_123 = arith.constant 0 : i32
        %dma_wait3A_124 = tpu.memref_slice %arg9[%dma_wait3A_122, %dma_wait3A_123] : memref<10000x128xf32, #tpu.memory_space<vmem_shared>> -> memref<16x128xf32, #tpu.memory_space<vmem_shared>>
        tpu.wait_dma2 semaphore(%run_scoped3A_110 : memref<!tpu.dma_semaphore, #tpu.memory_space<semaphore_mem>>) src(%dma_wait3A_124 : memref<16x128xf32, #tpu.memory_space<vmem_shared>>) dst(%dma_wait3A_121 : memref<16x128xf32, #tpu.memory_space<hbm>>)
        tpu.yield
      }) : () -> ()
    } else {
    }
    return
  }
}

#map = affine_map<(d0, d1) -> (0, 0)>
#map1 = affine_map<(d0, d1) -> (0)>
#map2 = affine_map<(d0, d1) -> (0, 0, 0)>
module attributes {stable_mosaic.version = 14 : i64} {
  func.func @k(%arg0: i32, %arg1: i32, %arg2: memref<20000x128xf32, #tpu.memory_space<hbm>>, %arg3: memref<320000xi32, #tpu.memory_space<hbm>>, %arg4: memref<160000xi32, #tpu.memory_space<hbm>>, %arg5: memref<2x10000x128xf32, #tpu.memory_space<hbm>>, %arg6: memref<4x128xi32, #tpu.memory_space<vmem>>, %arg7: memref<4x128xi32, #tpu.memory_space<vmem>>, %arg8: memref<3x128x128xf32, #tpu.memory_space<vmem>>, %arg9: memref<10000x128xf32, #tpu.memory_space<vmem_shared>>, %arg10: memref<!tpu.dma_semaphore, #tpu.memory_space<semaphore_mem>>, %arg11: memref<!tpu.dma_semaphore, #tpu.memory_space<semaphore_mem>>, %arg12: memref<!tpu.dma_semaphore, #tpu.memory_space<semaphore_mem>>, %arg13: memref<!tpu.dma_semaphore, #tpu.memory_space<semaphore_mem>>, %arg14: memref<!tpu.dma_semaphore, #tpu.memory_space<semaphore_mem>>, %arg15: memref<!tpu.dma_semaphore, #tpu.memory_space<semaphore_mem>>, %arg16: memref<!tpu.dma_semaphore, #tpu.memory_space<semaphore_mem>>, %arg17: memref<!tpu.dma_semaphore, #tpu.memory_space<semaphore_mem>>, %arg18: memref<!tpu.dma_semaphore, #tpu.memory_space<semaphore_mem>>) attributes {dimension_semantics = [#tpu.dimension_semantics<core_parallel>, #tpu.dimension_semantics<subcore_parallel>], iteration_bounds = array<i64: 2, 16>, scalar_prefetch = 0 : i64, scratch_operands = 13 : i64, tpu.core_type = #tpu.core_type<sc_vector_subcore>, window_params = [{transform_indices = #map}, {transform_indices = #map1}, {transform_indices = #map1}, {transform_indices = #map2}]} {
    %eq3A = arith.constant 15 : i32
    %eq3A_0 = arith.cmpi eq, %arg1, %eq3A : i32
    %jit3A = arith.constant 80 : i32
    %jit3A_1 = arith.constant 78 : i32
    %select_n3A = arith.select %eq3A_0, %jit3A, %jit3A_1 : i32
    %mul3A = arith.constant 9984 : i32
    %mul3A_2 = arith.muli %arg1, %mul3A : i32
    %mul3A_3 = arith.constant 160000 : i32
    %mul3A_4 = arith.muli %arg0, %mul3A_3 : i32
    %add3A = arith.addi %mul3A_4, %mul3A_2 : i32
    %add3A_5 = arith.constant 0 : i32
    %add3A_6 = arith.addi %add3A, %add3A_5 : i32
    %run_scoped3A = arith.constant 0 : i32
    "tpu.region"() ({
      %run_scoped3A_110 = tpu.sem_alloc : memref<!tpu.dma_semaphore, #tpu.memory_space<semaphore_mem>>
      %dma_start3A_111 = arith.constant 0 : i32
      %dma_start3A_112 = tpu.memref_slice %arg6[%run_scoped3A, %dma_start3A_111] : memref<4x128xi32, #tpu.memory_space<vmem>> -> memref<1x128xi32, #tpu.memory_space<vmem>>
      %dma_start3A_113 = tpu.memref_squeeze %dma_start3A_112 : memref<1x128xi32, #tpu.memory_space<vmem>> -> memref<128xi32, #tpu.memory_space<vmem>>
      %dma_start3A_114 = tpu.memref_slice %arg3[%add3A_6] : memref<320000xi32, #tpu.memory_space<hbm>> -> memref<128xi32, #tpu.memory_space<hbm>>
      %dma_start3A_115 = arith.constant 0 : i32
      %dma_start3A_116 = tpu.memref_slice %arg6[%run_scoped3A, %dma_start3A_115] : memref<4x128xi32, #tpu.memory_space<vmem>> -> memref<1x128xi32, #tpu.memory_space<vmem>>
      %dma_start3A_117 = tpu.memref_squeeze %dma_start3A_116 : memref<1x128xi32, #tpu.memory_space<vmem>> -> memref<128xi32, #tpu.memory_space<vmem>>
      %dma_start3A_118 = tpu.memref_slice %arg3[%add3A_6] : memref<320000xi32, #tpu.memory_space<hbm>> -> memref<128xi32, #tpu.memory_space<hbm>>
      tpu.enqueue_dma source(%dma_start3A_118 : memref<128xi32, #tpu.memory_space<hbm>>) target(%dma_start3A_117 : memref<128xi32, #tpu.memory_space<vmem>>) target_semaphore(%run_scoped3A_110 : memref<!tpu.dma_semaphore, #tpu.memory_space<semaphore_mem>>)
      %dma_wait3A_119 = arith.constant 0 : i32
      %dma_wait3A_120 = tpu.memref_slice %arg6[%run_scoped3A, %dma_wait3A_119] : memref<4x128xi32, #tpu.memory_space<vmem>> -> memref<1x128xi32, #tpu.memory_space<vmem>>
      %dma_wait3A_121 = tpu.memref_squeeze %dma_wait3A_120 : memref<1x128xi32, #tpu.memory_space<vmem>> -> memref<128xi32, #tpu.memory_space<vmem>>
      %dma_wait3A_122 = tpu.memref_slice %arg3[%add3A_6] : memref<320000xi32, #tpu.memory_space<hbm>> -> memref<128xi32, #tpu.memory_space<hbm>>
      %dma_wait3A_123 = arith.constant 0 : i32
      %dma_wait3A_124 = tpu.memref_slice %arg6[%run_scoped3A, %dma_wait3A_123] : memref<4x128xi32, #tpu.memory_space<vmem>> -> memref<1x128xi32, #tpu.memory_space<vmem>>
      %dma_wait3A_125 = tpu.memref_squeeze %dma_wait3A_124 : memref<1x128xi32, #tpu.memory_space<vmem>> -> memref<128xi32, #tpu.memory_space<vmem>>
      %dma_wait3A_126 = tpu.memref_slice %arg3[%add3A_6] : memref<320000xi32, #tpu.memory_space<hbm>> -> memref<128xi32, #tpu.memory_space<hbm>>
      tpu.wait_dma2 semaphore(%run_scoped3A_110 : memref<!tpu.dma_semaphore, #tpu.memory_space<semaphore_mem>>) src(%dma_wait3A_126 : memref<128xi32, #tpu.memory_space<hbm>>) dst(%dma_wait3A_125 : memref<128xi32, #tpu.memory_space<vmem>>)
      tpu.yield
    }) : () -> ()
    %add3A_7 = arith.constant 0 : i32
    %add3A_8 = arith.addi %mul3A_2, %add3A_7 : i32
    %run_scoped3A_9 = arith.constant 0 : i32
    "tpu.region"() ({
      %run_scoped3A_110 = tpu.sem_alloc : memref<!tpu.dma_semaphore, #tpu.memory_space<semaphore_mem>>
      %dma_start3A_111 = arith.constant 0 : i32
      %dma_start3A_112 = tpu.memref_slice %arg7[%run_scoped3A_9, %dma_start3A_111] : memref<4x128xi32, #tpu.memory_space<vmem>> -> memref<1x128xi32, #tpu.memory_space<vmem>>
      %dma_start3A_113 = tpu.memref_squeeze %dma_start3A_112 : memref<1x128xi32, #tpu.memory_space<vmem>> -> memref<128xi32, #tpu.memory_space<vmem>>
      %dma_start3A_114 = tpu.memref_slice %arg4[%add3A_8] : memref<160000xi32, #tpu.memory_space<hbm>> -> memref<128xi32, #tpu.memory_space<hbm>>
      %dma_start3A_115 = arith.constant 0 : i32
      %dma_start3A_116 = tpu.memref_slice %arg7[%run_scoped3A_9, %dma_start3A_115] : memref<4x128xi32, #tpu.memory_space<vmem>> -> memref<1x128xi32, #tpu.memory_space<vmem>>
      %dma_start3A_117 = tpu.memref_squeeze %dma_start3A_116 : memref<1x128xi32, #tpu.memory_space<vmem>> -> memref<128xi32, #tpu.memory_space<vmem>>
      %dma_start3A_118 = tpu.memref_slice %arg4[%add3A_8] : memref<160000xi32, #tpu.memory_space<hbm>> -> memref<128xi32, #tpu.memory_space<hbm>>
      tpu.enqueue_dma source(%dma_start3A_118 : memref<128xi32, #tpu.memory_space<hbm>>) target(%dma_start3A_117 : memref<128xi32, #tpu.memory_space<vmem>>) target_semaphore(%run_scoped3A_110 : memref<!tpu.dma_semaphore, #tpu.memory_space<semaphore_mem>>)
      %dma_wait3A_119 = arith.constant 0 : i32
      %dma_wait3A_120 = tpu.memref_slice %arg7[%run_scoped3A_9, %dma_wait3A_119] : memref<4x128xi32, #tpu.memory_space<vmem>> -> memref<1x128xi32, #tpu.memory_space<vmem>>
      %dma_wait3A_121 = tpu.memref_squeeze %dma_wait3A_120 : memref<1x128xi32, #tpu.memory_space<vmem>> -> memref<128xi32, #tpu.memory_space<vmem>>
      %dma_wait3A_122 = tpu.memref_slice %arg4[%add3A_8] : memref<160000xi32, #tpu.memory_space<hbm>> -> memref<128xi32, #tpu.memory_space<hbm>>
      %dma_wait3A_123 = arith.constant 0 : i32
      %dma_wait3A_124 = tpu.memref_slice %arg7[%run_scoped3A_9, %dma_wait3A_123] : memref<4x128xi32, #tpu.memory_space<vmem>> -> memref<1x128xi32, #tpu.memory_space<vmem>>
      %dma_wait3A_125 = tpu.memref_squeeze %dma_wait3A_124 : memref<1x128xi32, #tpu.memory_space<vmem>> -> memref<128xi32, #tpu.memory_space<vmem>>
      %dma_wait3A_126 = tpu.memref_slice %arg4[%add3A_8] : memref<160000xi32, #tpu.memory_space<hbm>> -> memref<128xi32, #tpu.memory_space<hbm>>
      tpu.wait_dma2 semaphore(%run_scoped3A_110 : memref<!tpu.dma_semaphore, #tpu.memory_space<semaphore_mem>>) src(%dma_wait3A_126 : memref<128xi32, #tpu.memory_space<hbm>>) dst(%dma_wait3A_125 : memref<128xi32, #tpu.memory_space<vmem>>)
      tpu.yield
    }) : () -> ()
    %mul3A_10 = arith.constant 160000 : i32
    %mul3A_11 = arith.muli %arg0, %mul3A_10 : i32
    %add3A_12 = arith.addi %mul3A_11, %mul3A_2 : i32
    %add3A_13 = arith.constant 128 : i32
    %add3A_14 = arith.addi %add3A_12, %add3A_13 : i32
    %run_scoped3A_15 = arith.constant 1 : i32
    "tpu.region"() ({
      %run_scoped3A_110 = tpu.sem_alloc : memref<!tpu.dma_semaphore, #tpu.memory_space<semaphore_mem>>
      %dma_start3A_111 = arith.constant 0 : i32
      %dma_start3A_112 = tpu.memref_slice %arg6[%run_scoped3A_15, %dma_start3A_111] : memref<4x128xi32, #tpu.memory_space<vmem>> -> memref<1x128xi32, #tpu.memory_space<vmem>>
      %dma_start3A_113 = tpu.memref_squeeze %dma_start3A_112 : memref<1x128xi32, #tpu.memory_space<vmem>> -> memref<128xi32, #tpu.memory_space<vmem>>
      %dma_start3A_114 = tpu.memref_slice %arg3[%add3A_14] : memref<320000xi32, #tpu.memory_space<hbm>> -> memref<128xi32, #tpu.memory_space<hbm>>
      %dma_start3A_115 = arith.constant 0 : i32
      %dma_start3A_116 = tpu.memref_slice %arg6[%run_scoped3A_15, %dma_start3A_115] : memref<4x128xi32, #tpu.memory_space<vmem>> -> memref<1x128xi32, #tpu.memory_space<vmem>>
      %dma_start3A_117 = tpu.memref_squeeze %dma_start3A_116 : memref<1x128xi32, #tpu.memory_space<vmem>> -> memref<128xi32, #tpu.memory_space<vmem>>
      %dma_start3A_118 = tpu.memref_slice %arg3[%add3A_14] : memref<320000xi32, #tpu.memory_space<hbm>> -> memref<128xi32, #tpu.memory_space<hbm>>
      tpu.enqueue_dma source(%dma_start3A_118 : memref<128xi32, #tpu.memory_space<hbm>>) target(%dma_start3A_117 : memref<128xi32, #tpu.memory_space<vmem>>) target_semaphore(%run_scoped3A_110 : memref<!tpu.dma_semaphore, #tpu.memory_space<semaphore_mem>>)
      %dma_wait3A_119 = arith.constant 0 : i32
      %dma_wait3A_120 = tpu.memref_slice %arg6[%run_scoped3A_15, %dma_wait3A_119] : memref<4x128xi32, #tpu.memory_space<vmem>> -> memref<1x128xi32, #tpu.memory_space<vmem>>
      %dma_wait3A_121 = tpu.memref_squeeze %dma_wait3A_120 : memref<1x128xi32, #tpu.memory_space<vmem>> -> memref<128xi32, #tpu.memory_space<vmem>>
      %dma_wait3A_122 = tpu.memref_slice %arg3[%add3A_14] : memref<320000xi32, #tpu.memory_space<hbm>> -> memref<128xi32, #tpu.memory_space<hbm>>
      %dma_wait3A_123 = arith.constant 0 : i32
      %dma_wait3A_124 = tpu.memref_slice %arg6[%run_scoped3A_15, %dma_wait3A_123] : memref<4x128xi32, #tpu.memory_space<vmem>> -> memref<1x128xi32, #tpu.memory_space<vmem>>
      %dma_wait3A_125 = tpu.memref_squeeze %dma_wait3A_124 : memref<1x128xi32, #tpu.memory_space<vmem>> -> memref<128xi32, #tpu.memory_space<vmem>>
      %dma_wait3A_126 = tpu.memref_slice %arg3[%add3A_14] : memref<320000xi32, #tpu.memory_space<hbm>> -> memref<128xi32, #tpu.memory_space<hbm>>
      tpu.wait_dma2 semaphore(%run_scoped3A_110 : memref<!tpu.dma_semaphore, #tpu.memory_space<semaphore_mem>>) src(%dma_wait3A_126 : memref<128xi32, #tpu.memory_space<hbm>>) dst(%dma_wait3A_125 : memref<128xi32, #tpu.memory_space<vmem>>)
      tpu.yield
    }) : () -> ()
    %add3A_16 = arith.constant 128 : i32
    %add3A_17 = arith.addi %mul3A_2, %add3A_16 : i32
    %run_scoped3A_18 = arith.constant 1 : i32
    "tpu.region"() ({
      %run_scoped3A_110 = tpu.sem_alloc : memref<!tpu.dma_semaphore, #tpu.memory_space<semaphore_mem>>
      %dma_start3A_111 = arith.constant 0 : i32
      %dma_start3A_112 = tpu.memref_slice %arg7[%run_scoped3A_18, %dma_start3A_111] : memref<4x128xi32, #tpu.memory_space<vmem>> -> memref<1x128xi32, #tpu.memory_space<vmem>>
      %dma_start3A_113 = tpu.memref_squeeze %dma_start3A_112 : memref<1x128xi32, #tpu.memory_space<vmem>> -> memref<128xi32, #tpu.memory_space<vmem>>
      %dma_start3A_114 = tpu.memref_slice %arg4[%add3A_17] : memref<160000xi32, #tpu.memory_space<hbm>> -> memref<128xi32, #tpu.memory_space<hbm>>
      %dma_start3A_115 = arith.constant 0 : i32
      %dma_start3A_116 = tpu.memref_slice %arg7[%run_scoped3A_18, %dma_start3A_115] : memref<4x128xi32, #tpu.memory_space<vmem>> -> memref<1x128xi32, #tpu.memory_space<vmem>>
      %dma_start3A_117 = tpu.memref_squeeze %dma_start3A_116 : memref<1x128xi32, #tpu.memory_space<vmem>> -> memref<128xi32, #tpu.memory_space<vmem>>
      %dma_start3A_118 = tpu.memref_slice %arg4[%add3A_17] : memref<160000xi32, #tpu.memory_space<hbm>> -> memref<128xi32, #tpu.memory_space<hbm>>
      tpu.enqueue_dma source(%dma_start3A_118 : memref<128xi32, #tpu.memory_space<hbm>>) target(%dma_start3A_117 : memref<128xi32, #tpu.memory_space<vmem>>) target_semaphore(%run_scoped3A_110 : memref<!tpu.dma_semaphore, #tpu.memory_space<semaphore_mem>>)
      %dma_wait3A_119 = arith.constant 0 : i32
      %dma_wait3A_120 = tpu.memref_slice %arg7[%run_scoped3A_18, %dma_wait3A_119] : memref<4x128xi32, #tpu.memory_space<vmem>> -> memref<1x128xi32, #tpu.memory_space<vmem>>
      %dma_wait3A_121 = tpu.memref_squeeze %dma_wait3A_120 : memref<1x128xi32, #tpu.memory_space<vmem>> -> memref<128xi32, #tpu.memory_space<vmem>>
      %dma_wait3A_122 = tpu.memref_slice %arg4[%add3A_17] : memref<160000xi32, #tpu.memory_space<hbm>> -> memref<128xi32, #tpu.memory_space<hbm>>
      %dma_wait3A_123 = arith.constant 0 : i32
      %dma_wait3A_124 = tpu.memref_slice %arg7[%run_scoped3A_18, %dma_wait3A_123] : memref<4x128xi32, #tpu.memory_space<vmem>> -> memref<1x128xi32, #tpu.memory_space<vmem>>
      %dma_wait3A_125 = tpu.memref_squeeze %dma_wait3A_124 : memref<1x128xi32, #tpu.memory_space<vmem>> -> memref<128xi32, #tpu.memory_space<vmem>>
      %dma_wait3A_126 = tpu.memref_slice %arg4[%add3A_17] : memref<160000xi32, #tpu.memory_space<hbm>> -> memref<128xi32, #tpu.memory_space<hbm>>
      tpu.wait_dma2 semaphore(%run_scoped3A_110 : memref<!tpu.dma_semaphore, #tpu.memory_space<semaphore_mem>>) src(%dma_wait3A_126 : memref<128xi32, #tpu.memory_space<hbm>>) dst(%dma_wait3A_125 : memref<128xi32, #tpu.memory_space<vmem>>)
      tpu.yield
    }) : () -> ()
    %mul3A_19 = arith.constant 160000 : i32
    %mul3A_20 = arith.muli %arg0, %mul3A_19 : i32
    %add3A_21 = arith.addi %mul3A_20, %mul3A_2 : i32
    %add3A_22 = arith.constant 256 : i32
    %add3A_23 = arith.addi %add3A_21, %add3A_22 : i32
    %run_scoped3A_24 = arith.constant 2 : i32
    "tpu.region"() ({
      %run_scoped3A_110 = tpu.sem_alloc : memref<!tpu.dma_semaphore, #tpu.memory_space<semaphore_mem>>
      %dma_start3A_111 = arith.constant 0 : i32
      %dma_start3A_112 = tpu.memref_slice %arg6[%run_scoped3A_24, %dma_start3A_111] : memref<4x128xi32, #tpu.memory_space<vmem>> -> memref<1x128xi32, #tpu.memory_space<vmem>>
      %dma_start3A_113 = tpu.memref_squeeze %dma_start3A_112 : memref<1x128xi32, #tpu.memory_space<vmem>> -> memref<128xi32, #tpu.memory_space<vmem>>
      %dma_start3A_114 = tpu.memref_slice %arg3[%add3A_23] : memref<320000xi32, #tpu.memory_space<hbm>> -> memref<128xi32, #tpu.memory_space<hbm>>
      %dma_start3A_115 = arith.constant 0 : i32
      %dma_start3A_116 = tpu.memref_slice %arg6[%run_scoped3A_24, %dma_start3A_115] : memref<4x128xi32, #tpu.memory_space<vmem>> -> memref<1x128xi32, #tpu.memory_space<vmem>>
      %dma_start3A_117 = tpu.memref_squeeze %dma_start3A_116 : memref<1x128xi32, #tpu.memory_space<vmem>> -> memref<128xi32, #tpu.memory_space<vmem>>
      %dma_start3A_118 = tpu.memref_slice %arg3[%add3A_23] : memref<320000xi32, #tpu.memory_space<hbm>> -> memref<128xi32, #tpu.memory_space<hbm>>
      tpu.enqueue_dma source(%dma_start3A_118 : memref<128xi32, #tpu.memory_space<hbm>>) target(%dma_start3A_117 : memref<128xi32, #tpu.memory_space<vmem>>) target_semaphore(%run_scoped3A_110 : memref<!tpu.dma_semaphore, #tpu.memory_space<semaphore_mem>>)
      %dma_wait3A_119 = arith.constant 0 : i32
      %dma_wait3A_120 = tpu.memref_slice %arg6[%run_scoped3A_24, %dma_wait3A_119] : memref<4x128xi32, #tpu.memory_space<vmem>> -> memref<1x128xi32, #tpu.memory_space<vmem>>
      %dma_wait3A_121 = tpu.memref_squeeze %dma_wait3A_120 : memref<1x128xi32, #tpu.memory_space<vmem>> -> memref<128xi32, #tpu.memory_space<vmem>>
      %dma_wait3A_122 = tpu.memref_slice %arg3[%add3A_23] : memref<320000xi32, #tpu.memory_space<hbm>> -> memref<128xi32, #tpu.memory_space<hbm>>
      %dma_wait3A_123 = arith.constant 0 : i32
      %dma_wait3A_124 = tpu.memref_slice %arg6[%run_scoped3A_24, %dma_wait3A_123] : memref<4x128xi32, #tpu.memory_space<vmem>> -> memref<1x128xi32, #tpu.memory_space<vmem>>
      %dma_wait3A_125 = tpu.memref_squeeze %dma_wait3A_124 : memref<1x128xi32, #tpu.memory_space<vmem>> -> memref<128xi32, #tpu.memory_space<vmem>>
      %dma_wait3A_126 = tpu.memref_slice %arg3[%add3A_23] : memref<320000xi32, #tpu.memory_space<hbm>> -> memref<128xi32, #tpu.memory_space<hbm>>
      tpu.wait_dma2 semaphore(%run_scoped3A_110 : memref<!tpu.dma_semaphore, #tpu.memory_space<semaphore_mem>>) src(%dma_wait3A_126 : memref<128xi32, #tpu.memory_space<hbm>>) dst(%dma_wait3A_125 : memref<128xi32, #tpu.memory_space<vmem>>)
      tpu.yield
    }) : () -> ()
    %add3A_25 = arith.constant 256 : i32
    %add3A_26 = arith.addi %mul3A_2, %add3A_25 : i32
    %run_scoped3A_27 = arith.constant 2 : i32
    "tpu.region"() ({
      %run_scoped3A_110 = tpu.sem_alloc : memref<!tpu.dma_semaphore, #tpu.memory_space<semaphore_mem>>
      %dma_start3A_111 = arith.constant 0 : i32
      %dma_start3A_112 = tpu.memref_slice %arg7[%run_scoped3A_27, %dma_start3A_111] : memref<4x128xi32, #tpu.memory_space<vmem>> -> memref<1x128xi32, #tpu.memory_space<vmem>>
      %dma_start3A_113 = tpu.memref_squeeze %dma_start3A_112 : memref<1x128xi32, #tpu.memory_space<vmem>> -> memref<128xi32, #tpu.memory_space<vmem>>
      %dma_start3A_114 = tpu.memref_slice %arg4[%add3A_26] : memref<160000xi32, #tpu.memory_space<hbm>> -> memref<128xi32, #tpu.memory_space<hbm>>
      %dma_start3A_115 = arith.constant 0 : i32
      %dma_start3A_116 = tpu.memref_slice %arg7[%run_scoped3A_27, %dma_start3A_115] : memref<4x128xi32, #tpu.memory_space<vmem>> -> memref<1x128xi32, #tpu.memory_space<vmem>>
      %dma_start3A_117 = tpu.memref_squeeze %dma_start3A_116 : memref<1x128xi32, #tpu.memory_space<vmem>> -> memref<128xi32, #tpu.memory_space<vmem>>
      %dma_start3A_118 = tpu.memref_slice %arg4[%add3A_26] : memref<160000xi32, #tpu.memory_space<hbm>> -> memref<128xi32, #tpu.memory_space<hbm>>
      tpu.enqueue_dma source(%dma_start3A_118 : memref<128xi32, #tpu.memory_space<hbm>>) target(%dma_start3A_117 : memref<128xi32, #tpu.memory_space<vmem>>) target_semaphore(%run_scoped3A_110 : memref<!tpu.dma_semaphore, #tpu.memory_space<semaphore_mem>>)
      %dma_wait3A_119 = arith.constant 0 : i32
      %dma_wait3A_120 = tpu.memref_slice %arg7[%run_scoped3A_27, %dma_wait3A_119] : memref<4x128xi32, #tpu.memory_space<vmem>> -> memref<1x128xi32, #tpu.memory_space<vmem>>
      %dma_wait3A_121 = tpu.memref_squeeze %dma_wait3A_120 : memref<1x128xi32, #tpu.memory_space<vmem>> -> memref<128xi32, #tpu.memory_space<vmem>>
      %dma_wait3A_122 = tpu.memref_slice %arg4[%add3A_26] : memref<160000xi32, #tpu.memory_space<hbm>> -> memref<128xi32, #tpu.memory_space<hbm>>
      %dma_wait3A_123 = arith.constant 0 : i32
      %dma_wait3A_124 = tpu.memref_slice %arg7[%run_scoped3A_27, %dma_wait3A_123] : memref<4x128xi32, #tpu.memory_space<vmem>> -> memref<1x128xi32, #tpu.memory_space<vmem>>
      %dma_wait3A_125 = tpu.memref_squeeze %dma_wait3A_124 : memref<1x128xi32, #tpu.memory_space<vmem>> -> memref<128xi32, #tpu.memory_space<vmem>>
      %dma_wait3A_126 = tpu.memref_slice %arg4[%add3A_26] : memref<160000xi32, #tpu.memory_space<hbm>> -> memref<128xi32, #tpu.memory_space<hbm>>
      tpu.wait_dma2 semaphore(%run_scoped3A_110 : memref<!tpu.dma_semaphore, #tpu.memory_space<semaphore_mem>>) src(%dma_wait3A_126 : memref<128xi32, #tpu.memory_space<hbm>>) dst(%dma_wait3A_125 : memref<128xi32, #tpu.memory_space<vmem>>)
      tpu.yield
    }) : () -> ()
    %dma_start3A = arith.constant 0 : i32
    %dma_start3A_28 = arith.constant 0 : i32
    %dma_start3A_29 = arith.constant 0 : i32
    %dma_start3A_30 = arith.constant 0 : i32
    %dma_start3A_31 = tpu.memref_slice %arg8[%dma_start3A_28, %dma_start3A_29, %dma_start3A_30] : memref<3x128x128xf32, #tpu.memory_space<vmem>> -> memref<1x128x128xf32, #tpu.memory_space<vmem>>
    %dma_start3A_32 = tpu.memref_squeeze %dma_start3A_31 : memref<1x128x128xf32, #tpu.memory_space<vmem>> -> memref<128x128xf32, #tpu.memory_space<vmem>>
    %dma_start3A_33 = arith.constant 0 : i32
    %dma_start3A_34 = tpu.memref_slice %arg6[%dma_start3A, %dma_start3A_33] : memref<4x128xi32, #tpu.memory_space<vmem>> -> memref<1x128xi32, #tpu.memory_space<vmem>>
    %dma_start3A_35 = tpu.memref_squeeze %dma_start3A_34 : memref<1x128xi32, #tpu.memory_space<vmem>> -> memref<128xi32, #tpu.memory_space<vmem>>
    %dma_start3A_36 = arith.constant 0 : i32
    %dma_start3A_37 = arith.constant 0 : i32
    %dma_start3A_38 = tpu.memref_slice %arg2[%dma_start3A_36, %dma_start3A_37] : memref<20000x128xf32, #tpu.memory_space<hbm>> -> memref<20000x128xf32, #tpu.memory_space<hbm>>
    tpu.enqueue_indirect_dma source(%dma_start3A_38 : memref<20000x128xf32, #tpu.memory_space<hbm>>) target(%dma_start3A_32 : memref<128x128xf32, #tpu.memory_space<vmem>>) offsets(%dma_start3A_35 : memref<128xi32, #tpu.memory_space<vmem>>) semaphore(%arg10 : memref<!tpu.dma_semaphore, #tpu.memory_space<semaphore_mem>>)
    %dma_start3A_39 = arith.constant 1 : i32
    %dma_start3A_40 = arith.constant 1 : i32
    %dma_start3A_41 = arith.constant 0 : i32
    %dma_start3A_42 = arith.constant 0 : i32
    %dma_start3A_43 = tpu.memref_slice %arg8[%dma_start3A_40, %dma_start3A_41, %dma_start3A_42] : memref<3x128x128xf32, #tpu.memory_space<vmem>> -> memref<1x128x128xf32, #tpu.memory_space<vmem>>
    %dma_start3A_44 = tpu.memref_squeeze %dma_start3A_43 : memref<1x128x128xf32, #tpu.memory_space<vmem>> -> memref<128x128xf32, #tpu.memory_space<vmem>>
    %dma_start3A_45 = arith.constant 0 : i32
    %dma_start3A_46 = tpu.memref_slice %arg6[%dma_start3A_39, %dma_start3A_45] : memref<4x128xi32, #tpu.memory_space<vmem>> -> memref<1x128xi32, #tpu.memory_space<vmem>>
    %dma_start3A_47 = tpu.memref_squeeze %dma_start3A_46 : memref<1x128xi32, #tpu.memory_space<vmem>> -> memref<128xi32, #tpu.memory_space<vmem>>
    %dma_start3A_48 = arith.constant 0 : i32
    %dma_start3A_49 = arith.constant 0 : i32
    %dma_start3A_50 = tpu.memref_slice %arg2[%dma_start3A_48, %dma_start3A_49] : memref<20000x128xf32, #tpu.memory_space<hbm>> -> memref<20000x128xf32, #tpu.memory_space<hbm>>
    tpu.enqueue_indirect_dma source(%dma_start3A_50 : memref<20000x128xf32, #tpu.memory_space<hbm>>) target(%dma_start3A_44 : memref<128x128xf32, #tpu.memory_space<vmem>>) offsets(%dma_start3A_47 : memref<128xi32, #tpu.memory_space<vmem>>) semaphore(%arg11 : memref<!tpu.dma_semaphore, #tpu.memory_space<semaphore_mem>>)
    %mul3A_51 = arith.constant 10000 : i32
    %mul3A_52 = arith.muli %arg0, %mul3A_51 : i32
    %mul3A_53 = arith.constant 624 : i32
    %mul3A_54 = arith.muli %arg1, %mul3A_53 : i32
    %add3A_55 = arith.addi %mul3A_52, %mul3A_54 : i32
    %mul3A_56 = arith.constant 624 : i32
    %mul3A_57 = arith.muli %arg1, %mul3A_56 : i32
    "tpu.region"() ({
      %run_scoped3A_110 = tpu.sem_alloc : memref<!tpu.dma_semaphore, #tpu.memory_space<semaphore_mem>>
      %dma_start3A_111 = arith.constant 0 : i32
      %dma_start3A_112 = tpu.memref_slice %arg9[%mul3A_57, %dma_start3A_111] : memref<10000x128xf32, #tpu.memory_space<vmem_shared>> -> memref<624x128xf32, #tpu.memory_space<vmem_shared>>
      %dma_start3A_113 = arith.constant 0 : i32
      %dma_start3A_114 = tpu.memref_slice %arg2[%add3A_55, %dma_start3A_113] : memref<20000x128xf32, #tpu.memory_space<hbm>> -> memref<624x128xf32, #tpu.memory_space<hbm>>
      tpu.enqueue_dma source(%dma_start3A_114 : memref<624x128xf32, #tpu.memory_space<hbm>>) target(%dma_start3A_112 : memref<624x128xf32, #tpu.memory_space<vmem_shared>>) target_semaphore(%run_scoped3A_110 : memref<!tpu.dma_semaphore, #tpu.memory_space<semaphore_mem>>)
      %dma_wait3A_115 = arith.constant 0 : i32
      %dma_wait3A_116 = tpu.memref_slice %arg9[%mul3A_57, %dma_wait3A_115] : memref<10000x128xf32, #tpu.memory_space<vmem_shared>> -> memref<624x128xf32, #tpu.memory_space<vmem_shared>>
      %dma_wait3A_117 = arith.constant 0 : i32
      %dma_wait3A_118 = tpu.memref_slice %arg2[%add3A_55, %dma_wait3A_117] : memref<20000x128xf32, #tpu.memory_space<hbm>> -> memref<624x128xf32, #tpu.memory_space<hbm>>
      tpu.wait_dma2 semaphore(%run_scoped3A_110 : memref<!tpu.dma_semaphore, #tpu.memory_space<semaphore_mem>>) src(%dma_wait3A_118 : memref<624x128xf32, #tpu.memory_space<hbm>>) dst(%dma_wait3A_116 : memref<624x128xf32, #tpu.memory_space<vmem_shared>>)
      tpu.yield
    }) : () -> ()
    %eq3A_58 = arith.constant 0 : i32
    %eq3A_59 = arith.cmpi eq, %arg1, %eq3A_58 : i32
    %convert_element_type3A = arith.extui %eq3A_59 : i1 to i32
    %cond3A = arith.constant 0 : i32
    %cond3A_60 = arith.cmpi ne, %convert_element_type3A, %cond3A : i32
    scf.if %cond3A_60 {
      %mul3A_110 = arith.constant 10000 : i32
      %mul3A_111 = arith.muli %arg0, %mul3A_110 : i32
      %add3A_112 = arith.constant 9984 : i32
      %add3A_113 = arith.addi %mul3A_111, %add3A_112 : i32
      "tpu.region"() ({
        %run_scoped3A_114 = tpu.sem_alloc : memref<!tpu.dma_semaphore, #tpu.memory_space<semaphore_mem>>
        %dma_start3A_115 = arith.constant 9984 : i32
        %dma_start3A_116 = arith.constant 0 : i32
        %dma_start3A_117 = tpu.memref_slice %arg9[%dma_start3A_115, %dma_start3A_116] : memref<10000x128xf32, #tpu.memory_space<vmem_shared>> -> memref<16x128xf32, #tpu.memory_space<vmem_shared>>
        %dma_start3A_118 = arith.constant 0 : i32
        %dma_start3A_119 = tpu.memref_slice %arg2[%add3A_113, %dma_start3A_118] : memref<20000x128xf32, #tpu.memory_space<hbm>> -> memref<16x128xf32, #tpu.memory_space<hbm>>
        tpu.enqueue_dma source(%dma_start3A_119 : memref<16x128xf32, #tpu.memory_space<hbm>>) target(%dma_start3A_117 : memref<16x128xf32, #tpu.memory_space<vmem_shared>>) target_semaphore(%run_scoped3A_114 : memref<!tpu.dma_semaphore, #tpu.memory_space<semaphore_mem>>)
        %dma_wait3A_120 = arith.constant 9984 : i32
        %dma_wait3A_121 = arith.constant 0 : i32
        %dma_wait3A_122 = tpu.memref_slice %arg9[%dma_wait3A_120, %dma_wait3A_121] : memref<10000x128xf32, #tpu.memory_space<vmem_shared>> -> memref<16x128xf32, #tpu.memory_space<vmem_shared>>
        %dma_wait3A_123 = arith.constant 0 : i32
        %dma_wait3A_124 = tpu.memref_slice %arg2[%add3A_113, %dma_wait3A_123] : memref<20000x128xf32, #tpu.memory_space<hbm>> -> memref<16x128xf32, #tpu.memory_space<hbm>>
        tpu.wait_dma2 semaphore(%run_scoped3A_114 : memref<!tpu.dma_semaphore, #tpu.memory_space<semaphore_mem>>) src(%dma_wait3A_124 : memref<16x128xf32, #tpu.memory_space<hbm>>) dst(%dma_wait3A_122 : memref<16x128xf32, #tpu.memory_space<vmem_shared>>)
        tpu.yield
      }) : () -> ()
    } else {
    }
    %barrier3A = arith.constant 0 : index
    tpu.barrier barrier_id(%barrier3A)
    %scan3A = arith.constant 0 : i32
    %scan3A_61 = arith.constant 27 : i32
    %scan3A_62 = arith.addi %scan3A, %scan3A_61 : i32
    %scan3A_63 = arith.constant 1 : i32
    scf.for %scan3A_110 = %scan3A to %scan3A_62 step %scan3A_63  : i32 {
      %mul3A_111 = arith.constant 3 : i32
      %mul3A_112 = arith.muli %scan3A_110, %mul3A_111 : i32
      %add3A_113 = arith.constant 0 : i32
      %add3A_114 = arith.addi %add3A_113, %mul3A_112 : i32
      %add3A_115 = arith.constant 0 : i32
      %add3A_116 = arith.addi %add3A_114, %add3A_115 : i32
      %lt3A = arith.cmpi slt, %add3A_116, %select_n3A : i32
      %convert_element_type3A_117 = arith.extui %lt3A : i1 to i32
      %cond3A_118 = arith.constant 0 : i32
      %cond3A_119 = arith.cmpi ne, %convert_element_type3A_117, %cond3A_118 : i32
      scf.if %cond3A_119 {
        %and3A = arith.constant 3 : i32
        %and3A_168 = arith.andi %add3A_116, %and3A : i32
        %dma_wait3A_169 = arith.constant 0 : i32
        %dma_wait3A_170 = arith.constant 0 : i32
        %dma_wait3A_171 = arith.constant 0 : i32
        %dma_wait3A_172 = tpu.memref_slice %arg8[%dma_wait3A_169, %dma_wait3A_170, %dma_wait3A_171] : memref<3x128x128xf32, #tpu.memory_space<vmem>> -> memref<1x128x128xf32, #tpu.memory_space<vmem>>
        %dma_wait3A_173 = tpu.memref_squeeze %dma_wait3A_172 : memref<1x128x128xf32, #tpu.memory_space<vmem>> -> memref<128x128xf32, #tpu.memory_space<vmem>>
        %dma_wait3A_174 = arith.constant 0 : i32
        %dma_wait3A_175 = tpu.memref_slice %arg6[%and3A_168, %dma_wait3A_174] : memref<4x128xi32, #tpu.memory_space<vmem>> -> memref<1x128xi32, #tpu.memory_space<vmem>>
        %dma_wait3A_176 = tpu.memref_squeeze %dma_wait3A_175 : memref<1x128xi32, #tpu.memory_space<vmem>> -> memref<128xi32, #tpu.memory_space<vmem>>
        %dma_wait3A_177 = arith.constant 0 : i32
        %dma_wait3A_178 = arith.constant 0 : i32
        %dma_wait3A_179 = tpu.memref_slice %arg2[%dma_wait3A_177, %dma_wait3A_178] : memref<20000x128xf32, #tpu.memory_space<hbm>> -> memref<20000x128xf32, #tpu.memory_space<hbm>>
        tpu.wait_indirect_dma semaphore(%arg10 : memref<!tpu.dma_semaphore, #tpu.memory_space<semaphore_mem>>) src(%dma_wait3A_179 : memref<20000x128xf32, #tpu.memory_space<hbm>>) dst(%dma_wait3A_173 : memref<128x128xf32, #tpu.memory_space<vmem>>)
        %and3A_180 = arith.constant 3 : i32
        %and3A_181 = arith.andi %add3A_116, %and3A_180 : i32
        %dma_start3A_182 = arith.constant 0 : i32
        %dma_start3A_183 = arith.constant 0 : i32
        %dma_start3A_184 = arith.constant 0 : i32
        %dma_start3A_185 = tpu.memref_slice %arg8[%dma_start3A_182, %dma_start3A_183, %dma_start3A_184] : memref<3x128x128xf32, #tpu.memory_space<vmem>> -> memref<1x128x128xf32, #tpu.memory_space<vmem>>
        %dma_start3A_186 = tpu.memref_squeeze %dma_start3A_185 : memref<1x128x128xf32, #tpu.memory_space<vmem>> -> memref<128x128xf32, #tpu.memory_space<vmem>>
        %dma_start3A_187 = arith.constant 0 : i32
        %dma_start3A_188 = tpu.memref_slice %arg7[%and3A_181, %dma_start3A_187] : memref<4x128xi32, #tpu.memory_space<vmem>> -> memref<1x128xi32, #tpu.memory_space<vmem>>
        %dma_start3A_189 = tpu.memref_squeeze %dma_start3A_188 : memref<1x128xi32, #tpu.memory_space<vmem>> -> memref<128xi32, #tpu.memory_space<vmem>>
        %dma_start3A_190 = arith.constant 0 : i32
        %dma_start3A_191 = arith.constant 0 : i32
        %dma_start3A_192 = tpu.memref_slice %arg9[%dma_start3A_190, %dma_start3A_191] : memref<10000x128xf32, #tpu.memory_space<vmem_shared>> -> memref<10000x128xf32, #tpu.memory_space<vmem_shared>>
        tpu.enqueue_indirect_dma source(%dma_start3A_186 : memref<128x128xf32, #tpu.memory_space<vmem>>) target(%dma_start3A_192 : memref<10000x128xf32, #tpu.memory_space<vmem_shared>>) offsets(%dma_start3A_189 : memref<128xi32, #tpu.memory_space<vmem>>) semaphore(%arg13 : memref<!tpu.dma_semaphore, #tpu.memory_space<semaphore_mem>>) {add = true}
      } else {
      }
      %add3A_120 = arith.constant 2 : i32
      %add3A_121 = arith.addi %add3A_116, %add3A_120 : i32
      %lt3A_122 = arith.cmpi slt, %add3A_121, %select_n3A : i32
      %convert_element_type3A_123 = arith.extui %lt3A_122 : i1 to i32
      %cond3A_124 = arith.constant 0 : i32
      %cond3A_125 = arith.cmpi ne, %convert_element_type3A_123, %cond3A_124 : i32
      scf.if %cond3A_125 {
        %ge3A = arith.constant 1 : i32
        %ge3A_168 = arith.cmpi sge, %add3A_116, %ge3A : i32
        %convert_element_type3A_169 = arith.extui %ge3A_168 : i1 to i32
        %cond3A_170 = arith.constant 0 : i32
        %cond3A_171 = arith.cmpi ne, %convert_element_type3A_169, %cond3A_170 : i32
        scf.if %cond3A_171 {
          %sub3A = arith.constant 1 : i32
          %sub3A_186 = arith.subi %add3A_116, %sub3A : i32
          %and3A_187 = arith.constant 3 : i32
          %and3A_188 = arith.andi %sub3A_186, %and3A_187 : i32
          %dma_wait3A_189 = arith.constant 2 : i32
          %dma_wait3A_190 = arith.constant 0 : i32
          %dma_wait3A_191 = arith.constant 0 : i32
          %dma_wait3A_192 = tpu.memref_slice %arg8[%dma_wait3A_189, %dma_wait3A_190, %dma_wait3A_191] : memref<3x128x128xf32, #tpu.memory_space<vmem>> -> memref<1x128x128xf32, #tpu.memory_space<vmem>>
          %dma_wait3A_193 = tpu.memref_squeeze %dma_wait3A_192 : memref<1x128x128xf32, #tpu.memory_space<vmem>> -> memref<128x128xf32, #tpu.memory_space<vmem>>
          %dma_wait3A_194 = arith.constant 0 : i32
          %dma_wait3A_195 = tpu.memref_slice %arg7[%and3A_188, %dma_wait3A_194] : memref<4x128xi32, #tpu.memory_space<vmem>> -> memref<1x128xi32, #tpu.memory_space<vmem>>
          %dma_wait3A_196 = tpu.memref_squeeze %dma_wait3A_195 : memref<1x128xi32, #tpu.memory_space<vmem>> -> memref<128xi32, #tpu.memory_space<vmem>>
          %dma_wait3A_197 = arith.constant 0 : i32
          %dma_wait3A_198 = arith.constant 0 : i32
          %dma_wait3A_199 = tpu.memref_slice %arg9[%dma_wait3A_197, %dma_wait3A_198] : memref<10000x128xf32, #tpu.memory_space<vmem_shared>> -> memref<10000x128xf32, #tpu.memory_space<vmem_shared>>
          tpu.wait_indirect_dma semaphore(%arg15 : memref<!tpu.dma_semaphore, #tpu.memory_space<semaphore_mem>>) src(%dma_wait3A_193 : memref<128x128xf32, #tpu.memory_space<vmem>>) dst(%dma_wait3A_199 : memref<10000x128xf32, #tpu.memory_space<vmem_shared>>)
          %add3A_200 = arith.constant 2 : i32
          %add3A_201 = arith.addi %add3A_116, %add3A_200 : i32
          %and3A_202 = arith.constant 3 : i32
          %and3A_203 = arith.andi %add3A_201, %and3A_202 : i32
          %dma_wait3A_204 = arith.constant 0 : i32
          %dma_wait3A_205 = tpu.memref_slice %arg6[%and3A_203, %dma_wait3A_204] : memref<4x128xi32, #tpu.memory_space<vmem>> -> memref<1x128xi32, #tpu.memory_space<vmem>>
          %dma_wait3A_206 = tpu.memref_squeeze %dma_wait3A_205 : memref<1x128xi32, #tpu.memory_space<vmem>> -> memref<128xi32, #tpu.memory_space<vmem>>
          %dma_wait3A_207 = arith.constant 0 : i32
          %dma_wait3A_208 = tpu.memref_slice %arg3[%dma_wait3A_207] : memref<320000xi32, #tpu.memory_space<hbm>> -> memref<128xi32, #tpu.memory_space<hbm>>
          %dma_wait3A_209 = arith.constant 0 : i32
          %dma_wait3A_210 = tpu.memref_slice %arg6[%and3A_203, %dma_wait3A_209] : memref<4x128xi32, #tpu.memory_space<vmem>> -> memref<1x128xi32, #tpu.memory_space<vmem>>
          %dma_wait3A_211 = tpu.memref_squeeze %dma_wait3A_210 : memref<1x128xi32, #tpu.memory_space<vmem>> -> memref<128xi32, #tpu.memory_space<vmem>>
          %dma_wait3A_212 = arith.constant 0 : i32
          %dma_wait3A_213 = tpu.memref_slice %arg3[%dma_wait3A_212] : memref<320000xi32, #tpu.memory_space<hbm>> -> memref<128xi32, #tpu.memory_space<hbm>>
          tpu.wait_dma2 semaphore(%arg18 : memref<!tpu.dma_semaphore, #tpu.memory_space<semaphore_mem>>) src(%dma_wait3A_213 : memref<128xi32, #tpu.memory_space<hbm>>) dst(%dma_wait3A_211 : memref<128xi32, #tpu.memory_space<vmem>>)
          %add3A_214 = arith.constant 2 : i32
          %add3A_215 = arith.addi %add3A_116, %add3A_214 : i32
          %and3A_216 = arith.constant 3 : i32
          %and3A_217 = arith.andi %add3A_215, %and3A_216 : i32
          %dma_wait3A_218 = arith.constant 0 : i32
          %dma_wait3A_219 = tpu.memref_slice %arg7[%and3A_217, %dma_wait3A_218] : memref<4x128xi32, #tpu.memory_space<vmem>> -> memref<1x128xi32, #tpu.memory_space<vmem>>
          %dma_wait3A_220 = tpu.memref_squeeze %dma_wait3A_219 : memref<1x128xi32, #tpu.memory_space<vmem>> -> memref<128xi32, #tpu.memory_space<vmem>>
          %dma_wait3A_221 = arith.constant 0 : i32
          %dma_wait3A_222 = tpu.memref_slice %arg4[%dma_wait3A_221] : memref<160000xi32, #tpu.memory_space<hbm>> -> memref<128xi32, #tpu.memory_space<hbm>>
          %dma_wait3A_223 = arith.constant 0 : i32
          %dma_wait3A_224 = tpu.memref_slice %arg7[%and3A_217, %dma_wait3A_223] : memref<4x128xi32, #tpu.memory_space<vmem>> -> memref<1x128xi32, #tpu.memory_space<vmem>>
          %dma_wait3A_225 = tpu.memref_squeeze %dma_wait3A_224 : memref<1x128xi32, #tpu.memory_space<vmem>> -> memref<128xi32, #tpu.memory_space<vmem>>
          %dma_wait3A_226 = arith.constant 0 : i32
          %dma_wait3A_227 = tpu.memref_slice %arg4[%dma_wait3A_226] : memref<160000xi32, #tpu.memory_space<hbm>> -> memref<128xi32, #tpu.memory_space<hbm>>
          tpu.wait_dma2 semaphore(%arg18 : memref<!tpu.dma_semaphore, #tpu.memory_space<semaphore_mem>>) src(%dma_wait3A_227 : memref<128xi32, #tpu.memory_space<hbm>>) dst(%dma_wait3A_225 : memref<128xi32, #tpu.memory_space<vmem>>)
        } else {
        }
        %add3A_172 = arith.constant 2 : i32
        %add3A_173 = arith.addi %add3A_116, %add3A_172 : i32
        %and3A = arith.constant 3 : i32
        %and3A_174 = arith.andi %add3A_173, %and3A : i32
        %dma_start3A_175 = arith.constant 2 : i32
        %dma_start3A_176 = arith.constant 0 : i32
        %dma_start3A_177 = arith.constant 0 : i32
        %dma_start3A_178 = tpu.memref_slice %arg8[%dma_start3A_175, %dma_start3A_176, %dma_start3A_177] : memref<3x128x128xf32, #tpu.memory_space<vmem>> -> memref<1x128x128xf32, #tpu.memory_space<vmem>>
        %dma_start3A_179 = tpu.memref_squeeze %dma_start3A_178 : memref<1x128x128xf32, #tpu.memory_space<vmem>> -> memref<128x128xf32, #tpu.memory_space<vmem>>
        %dma_start3A_180 = arith.constant 0 : i32
        %dma_start3A_181 = tpu.memref_slice %arg6[%and3A_174, %dma_start3A_180] : memref<4x128xi32, #tpu.memory_space<vmem>> -> memref<1x128xi32, #tpu.memory_space<vmem>>
        %dma_start3A_182 = tpu.memref_squeeze %dma_start3A_181 : memref<1x128xi32, #tpu.memory_space<vmem>> -> memref<128xi32, #tpu.memory_space<vmem>>
        %dma_start3A_183 = arith.constant 0 : i32
        %dma_start3A_184 = arith.constant 0 : i32
        %dma_start3A_185 = tpu.memref_slice %arg2[%dma_start3A_183, %dma_start3A_184] : memref<20000x128xf32, #tpu.memory_space<hbm>> -> memref<20000x128xf32, #tpu.memory_space<hbm>>
        tpu.enqueue_indirect_dma source(%dma_start3A_185 : memref<20000x128xf32, #tpu.memory_space<hbm>>) target(%dma_start3A_179 : memref<128x128xf32, #tpu.memory_space<vmem>>) offsets(%dma_start3A_182 : memref<128xi32, #tpu.memory_space<vmem>>) semaphore(%arg12 : memref<!tpu.dma_semaphore, #tpu.memory_space<semaphore_mem>>)
      } else {
      }
      %add3A_126 = arith.constant 3 : i32
      %add3A_127 = arith.addi %add3A_116, %add3A_126 : i32
      %lt3A_128 = arith.cmpi slt, %add3A_127, %select_n3A : i32
      %convert_element_type3A_129 = arith.extui %lt3A_128 : i1 to i32
      %cond3A_130 = arith.constant 0 : i32
      %cond3A_131 = arith.cmpi ne, %convert_element_type3A_129, %cond3A_130 : i32
      scf.if %cond3A_131 {
        %add3A_168 = arith.constant 3 : i32
        %add3A_169 = arith.addi %add3A_116, %add3A_168 : i32
        %and3A = arith.constant 3 : i32
        %and3A_170 = arith.andi %add3A_169, %and3A : i32
        %mul3A_171 = arith.constant 160000 : i32
        %mul3A_172 = arith.muli %arg0, %mul3A_171 : i32
        %add3A_173 = arith.addi %mul3A_172, %mul3A_2 : i32
        %add3A_174 = arith.constant 3 : i32
        %add3A_175 = arith.addi %add3A_116, %add3A_174 : i32
        %mul3A_176 = arith.constant 128 : i32
        %mul3A_177 = arith.muli %add3A_175, %mul3A_176 : i32
        %add3A_178 = arith.addi %add3A_173, %mul3A_177 : i32
        %dma_start3A_179 = arith.constant 0 : i32
        %dma_start3A_180 = tpu.memref_slice %arg6[%and3A_170, %dma_start3A_179] : memref<4x128xi32, #tpu.memory_space<vmem>> -> memref<1x128xi32, #tpu.memory_space<vmem>>
        %dma_start3A_181 = tpu.memref_squeeze %dma_start3A_180 : memref<1x128xi32, #tpu.memory_space<vmem>> -> memref<128xi32, #tpu.memory_space<vmem>>
        %dma_start3A_182 = tpu.memref_slice %arg3[%add3A_178] : memref<320000xi32, #tpu.memory_space<hbm>> -> memref<128xi32, #tpu.memory_space<hbm>>
        %dma_start3A_183 = arith.constant 0 : i32
        %dma_start3A_184 = tpu.memref_slice %arg6[%and3A_170, %dma_start3A_183] : memref<4x128xi32, #tpu.memory_space<vmem>> -> memref<1x128xi32, #tpu.memory_space<vmem>>
        %dma_start3A_185 = tpu.memref_squeeze %dma_start3A_184 : memref<1x128xi32, #tpu.memory_space<vmem>> -> memref<128xi32, #tpu.memory_space<vmem>>
        %dma_start3A_186 = tpu.memref_slice %arg3[%add3A_178] : memref<320000xi32, #tpu.memory_space<hbm>> -> memref<128xi32, #tpu.memory_space<hbm>>
        tpu.enqueue_dma source(%dma_start3A_186 : memref<128xi32, #tpu.memory_space<hbm>>) target(%dma_start3A_185 : memref<128xi32, #tpu.memory_space<vmem>>) target_semaphore(%arg16 : memref<!tpu.dma_semaphore, #tpu.memory_space<semaphore_mem>>)
        %add3A_187 = arith.constant 3 : i32
        %add3A_188 = arith.addi %add3A_116, %add3A_187 : i32
        %mul3A_189 = arith.constant 128 : i32
        %mul3A_190 = arith.muli %add3A_188, %mul3A_189 : i32
        %add3A_191 = arith.addi %mul3A_2, %mul3A_190 : i32
        %dma_start3A_192 = arith.constant 0 : i32
        %dma_start3A_193 = tpu.memref_slice %arg7[%and3A_170, %dma_start3A_192] : memref<4x128xi32, #tpu.memory_space<vmem>> -> memref<1x128xi32, #tpu.memory_space<vmem>>
        %dma_start3A_194 = tpu.memref_squeeze %dma_start3A_193 : memref<1x128xi32, #tpu.memory_space<vmem>> -> memref<128xi32, #tpu.memory_space<vmem>>
        %dma_start3A_195 = tpu.memref_slice %arg4[%add3A_191] : memref<160000xi32, #tpu.memory_space<hbm>> -> memref<128xi32, #tpu.memory_space<hbm>>
        %dma_start3A_196 = arith.constant 0 : i32
        %dma_start3A_197 = tpu.memref_slice %arg7[%and3A_170, %dma_start3A_196] : memref<4x128xi32, #tpu.memory_space<vmem>> -> memref<1x128xi32, #tpu.memory_space<vmem>>
        %dma_start3A_198 = tpu.memref_squeeze %dma_start3A_197 : memref<1x128xi32, #tpu.memory_space<vmem>> -> memref<128xi32, #tpu.memory_space<vmem>>
        %dma_start3A_199 = tpu.memref_slice %arg4[%add3A_191] : memref<160000xi32, #tpu.memory_space<hbm>> -> memref<128xi32, #tpu.memory_space<hbm>>
        tpu.enqueue_dma source(%dma_start3A_199 : memref<128xi32, #tpu.memory_space<hbm>>) target(%dma_start3A_198 : memref<128xi32, #tpu.memory_space<vmem>>) target_semaphore(%arg16 : memref<!tpu.dma_semaphore, #tpu.memory_space<semaphore_mem>>)
      } else {
      }
      %add3A_132 = arith.constant 1 : i32
      %add3A_133 = arith.addi %add3A_114, %add3A_132 : i32
      %lt3A_134 = arith.cmpi slt, %add3A_133, %select_n3A : i32
      %convert_element_type3A_135 = arith.extui %lt3A_134 : i1 to i32
      %cond3A_136 = arith.constant 0 : i32
      %cond3A_137 = arith.cmpi ne, %convert_element_type3A_135, %cond3A_136 : i32
      scf.if %cond3A_137 {
        %and3A = arith.constant 3 : i32
        %and3A_168 = arith.andi %add3A_133, %and3A : i32
        %dma_wait3A_169 = arith.constant 1 : i32
        %dma_wait3A_170 = arith.constant 0 : i32
        %dma_wait3A_171 = arith.constant 0 : i32
        %dma_wait3A_172 = tpu.memref_slice %arg8[%dma_wait3A_169, %dma_wait3A_170, %dma_wait3A_171] : memref<3x128x128xf32, #tpu.memory_space<vmem>> -> memref<1x128x128xf32, #tpu.memory_space<vmem>>
        %dma_wait3A_173 = tpu.memref_squeeze %dma_wait3A_172 : memref<1x128x128xf32, #tpu.memory_space<vmem>> -> memref<128x128xf32, #tpu.memory_space<vmem>>
        %dma_wait3A_174 = arith.constant 0 : i32
        %dma_wait3A_175 = tpu.memref_slice %arg6[%and3A_168, %dma_wait3A_174] : memref<4x128xi32, #tpu.memory_space<vmem>> -> memref<1x128xi32, #tpu.memory_space<vmem>>
        %dma_wait3A_176 = tpu.memref_squeeze %dma_wait3A_175 : memref<1x128xi32, #tpu.memory_space<vmem>> -> memref<128xi32, #tpu.memory_space<vmem>>
        %dma_wait3A_177 = arith.constant 0 : i32
        %dma_wait3A_178 = arith.constant 0 : i32
        %dma_wait3A_179 = tpu.memref_slice %arg2[%dma_wait3A_177, %dma_wait3A_178] : memref<20000x128xf32, #tpu.memory_space<hbm>> -> memref<20000x128xf32, #tpu.memory_space<hbm>>
        tpu.wait_indirect_dma semaphore(%arg11 : memref<!tpu.dma_semaphore, #tpu.memory_space<semaphore_mem>>) src(%dma_wait3A_179 : memref<20000x128xf32, #tpu.memory_space<hbm>>) dst(%dma_wait3A_173 : memref<128x128xf32, #tpu.memory_space<vmem>>)
        %and3A_180 = arith.constant 3 : i32
        %and3A_181 = arith.andi %add3A_133, %and3A_180 : i32
        %dma_start3A_182 = arith.constant 1 : i32
        %dma_start3A_183 = arith.constant 0 : i32
        %dma_start3A_184 = arith.constant 0 : i32
        %dma_start3A_185 = tpu.memref_slice %arg8[%dma_start3A_182, %dma_start3A_183, %dma_start3A_184] : memref<3x128x128xf32, #tpu.memory_space<vmem>> -> memref<1x128x128xf32, #tpu.memory_space<vmem>>
        %dma_start3A_186 = tpu.memref_squeeze %dma_start3A_185 : memref<1x128x128xf32, #tpu.memory_space<vmem>> -> memref<128x128xf32, #tpu.memory_space<vmem>>
        %dma_start3A_187 = arith.constant 0 : i32
        %dma_start3A_188 = tpu.memref_slice %arg7[%and3A_181, %dma_start3A_187] : memref<4x128xi32, #tpu.memory_space<vmem>> -> memref<1x128xi32, #tpu.memory_space<vmem>>
        %dma_start3A_189 = tpu.memref_squeeze %dma_start3A_188 : memref<1x128xi32, #tpu.memory_space<vmem>> -> memref<128xi32, #tpu.memory_space<vmem>>
        %dma_start3A_190 = arith.constant 0 : i32
        %dma_start3A_191 = arith.constant 0 : i32
        %dma_start3A_192 = tpu.memref_slice %arg9[%dma_start3A_190, %dma_start3A_191] : memref<10000x128xf32, #tpu.memory_space<vmem_shared>> -> memref<10000x128xf32, #tpu.memory_space<vmem_shared>>
        tpu.enqueue_indirect_dma source(%dma_start3A_186 : memref<128x128xf32, #tpu.memory_space<vmem>>) target(%dma_start3A_192 : memref<10000x128xf32, #tpu.memory_space<vmem_shared>>) offsets(%dma_start3A_189 : memref<128xi32, #tpu.memory_space<vmem>>) semaphore(%arg14 : memref<!tpu.dma_semaphore, #tpu.memory_space<semaphore_mem>>) {add = true}
      } else {
      }
      %add3A_138 = arith.constant 2 : i32
      %add3A_139 = arith.addi %add3A_133, %add3A_138 : i32
      %lt3A_140 = arith.cmpi slt, %add3A_139, %select_n3A : i32
      %convert_element_type3A_141 = arith.extui %lt3A_140 : i1 to i32
      %cond3A_142 = arith.constant 0 : i32
      %cond3A_143 = arith.cmpi ne, %convert_element_type3A_141, %cond3A_142 : i32
      scf.if %cond3A_143 {
        %ge3A = arith.constant 1 : i32
        %ge3A_168 = arith.cmpi sge, %add3A_133, %ge3A : i32
        %convert_element_type3A_169 = arith.extui %ge3A_168 : i1 to i32
        %cond3A_170 = arith.constant 0 : i32
        %cond3A_171 = arith.cmpi ne, %convert_element_type3A_169, %cond3A_170 : i32
        scf.if %cond3A_171 {
          %sub3A = arith.constant 1 : i32
          %sub3A_186 = arith.subi %add3A_133, %sub3A : i32
          %and3A_187 = arith.constant 3 : i32
          %and3A_188 = arith.andi %sub3A_186, %and3A_187 : i32
          %dma_wait3A_189 = arith.constant 0 : i32
          %dma_wait3A_190 = arith.constant 0 : i32
          %dma_wait3A_191 = arith.constant 0 : i32
          %dma_wait3A_192 = tpu.memref_slice %arg8[%dma_wait3A_189, %dma_wait3A_190, %dma_wait3A_191] : memref<3x128x128xf32, #tpu.memory_space<vmem>> -> memref<1x128x128xf32, #tpu.memory_space<vmem>>
          %dma_wait3A_193 = tpu.memref_squeeze %dma_wait3A_192 : memref<1x128x128xf32, #tpu.memory_space<vmem>> -> memref<128x128xf32, #tpu.memory_space<vmem>>
          %dma_wait3A_194 = arith.constant 0 : i32
          %dma_wait3A_195 = tpu.memref_slice %arg7[%and3A_188, %dma_wait3A_194] : memref<4x128xi32, #tpu.memory_space<vmem>> -> memref<1x128xi32, #tpu.memory_space<vmem>>
          %dma_wait3A_196 = tpu.memref_squeeze %dma_wait3A_195 : memref<1x128xi32, #tpu.memory_space<vmem>> -> memref<128xi32, #tpu.memory_space<vmem>>
          %dma_wait3A_197 = arith.constant 0 : i32
          %dma_wait3A_198 = arith.constant 0 : i32
          %dma_wait3A_199 = tpu.memref_slice %arg9[%dma_wait3A_197, %dma_wait3A_198] : memref<10000x128xf32, #tpu.memory_space<vmem_shared>> -> memref<10000x128xf32, #tpu.memory_space<vmem_shared>>
          tpu.wait_indirect_dma semaphore(%arg13 : memref<!tpu.dma_semaphore, #tpu.memory_space<semaphore_mem>>) src(%dma_wait3A_193 : memref<128x128xf32, #tpu.memory_space<vmem>>) dst(%dma_wait3A_199 : memref<10000x128xf32, #tpu.memory_space<vmem_shared>>)
          %add3A_200 = arith.constant 2 : i32
          %add3A_201 = arith.addi %add3A_133, %add3A_200 : i32
          %and3A_202 = arith.constant 3 : i32
          %and3A_203 = arith.andi %add3A_201, %and3A_202 : i32
          %dma_wait3A_204 = arith.constant 0 : i32
          %dma_wait3A_205 = tpu.memref_slice %arg6[%and3A_203, %dma_wait3A_204] : memref<4x128xi32, #tpu.memory_space<vmem>> -> memref<1x128xi32, #tpu.memory_space<vmem>>
          %dma_wait3A_206 = tpu.memref_squeeze %dma_wait3A_205 : memref<1x128xi32, #tpu.memory_space<vmem>> -> memref<128xi32, #tpu.memory_space<vmem>>
          %dma_wait3A_207 = arith.constant 0 : i32
          %dma_wait3A_208 = tpu.memref_slice %arg3[%dma_wait3A_207] : memref<320000xi32, #tpu.memory_space<hbm>> -> memref<128xi32, #tpu.memory_space<hbm>>
          %dma_wait3A_209 = arith.constant 0 : i32
          %dma_wait3A_210 = tpu.memref_slice %arg6[%and3A_203, %dma_wait3A_209] : memref<4x128xi32, #tpu.memory_space<vmem>> -> memref<1x128xi32, #tpu.memory_space<vmem>>
          %dma_wait3A_211 = tpu.memref_squeeze %dma_wait3A_210 : memref<1x128xi32, #tpu.memory_space<vmem>> -> memref<128xi32, #tpu.memory_space<vmem>>
          %dma_wait3A_212 = arith.constant 0 : i32
          %dma_wait3A_213 = tpu.memref_slice %arg3[%dma_wait3A_212] : memref<320000xi32, #tpu.memory_space<hbm>> -> memref<128xi32, #tpu.memory_space<hbm>>
          tpu.wait_dma2 semaphore(%arg16 : memref<!tpu.dma_semaphore, #tpu.memory_space<semaphore_mem>>) src(%dma_wait3A_213 : memref<128xi32, #tpu.memory_space<hbm>>) dst(%dma_wait3A_211 : memref<128xi32, #tpu.memory_space<vmem>>)
          %add3A_214 = arith.constant 2 : i32
          %add3A_215 = arith.addi %add3A_133, %add3A_214 : i32
          %and3A_216 = arith.constant 3 : i32
          %and3A_217 = arith.andi %add3A_215, %and3A_216 : i32
          %dma_wait3A_218 = arith.constant 0 : i32
          %dma_wait3A_219 = tpu.memref_slice %arg7[%and3A_217, %dma_wait3A_218] : memref<4x128xi32, #tpu.memory_space<vmem>> -> memref<1x128xi32, #tpu.memory_space<vmem>>
          %dma_wait3A_220 = tpu.memref_squeeze %dma_wait3A_219 : memref<1x128xi32, #tpu.memory_space<vmem>> -> memref<128xi32, #tpu.memory_space<vmem>>
          %dma_wait3A_221 = arith.constant 0 : i32
          %dma_wait3A_222 = tpu.memref_slice %arg4[%dma_wait3A_221] : memref<160000xi32, #tpu.memory_space<hbm>> -> memref<128xi32, #tpu.memory_space<hbm>>
          %dma_wait3A_223 = arith.constant 0 : i32
          %dma_wait3A_224 = tpu.memref_slice %arg7[%and3A_217, %dma_wait3A_223] : memref<4x128xi32, #tpu.memory_space<vmem>> -> memref<1x128xi32, #tpu.memory_space<vmem>>
          %dma_wait3A_225 = tpu.memref_squeeze %dma_wait3A_224 : memref<1x128xi32, #tpu.memory_space<vmem>> -> memref<128xi32, #tpu.memory_space<vmem>>
          %dma_wait3A_226 = arith.constant 0 : i32
          %dma_wait3A_227 = tpu.memref_slice %arg4[%dma_wait3A_226] : memref<160000xi32, #tpu.memory_space<hbm>> -> memref<128xi32, #tpu.memory_space<hbm>>
          tpu.wait_dma2 semaphore(%arg16 : memref<!tpu.dma_semaphore, #tpu.memory_space<semaphore_mem>>) src(%dma_wait3A_227 : memref<128xi32, #tpu.memory_space<hbm>>) dst(%dma_wait3A_225 : memref<128xi32, #tpu.memory_space<vmem>>)
        } else {
        }
        %add3A_172 = arith.constant 2 : i32
        %add3A_173 = arith.addi %add3A_133, %add3A_172 : i32
        %and3A = arith.constant 3 : i32
        %and3A_174 = arith.andi %add3A_173, %and3A : i32
        %dma_start3A_175 = arith.constant 0 : i32
        %dma_start3A_176 = arith.constant 0 : i32
        %dma_start3A_177 = arith.constant 0 : i32
        %dma_start3A_178 = tpu.memref_slice %arg8[%dma_start3A_175, %dma_start3A_176, %dma_start3A_177] : memref<3x128x128xf32, #tpu.memory_space<vmem>> -> memref<1x128x128xf32, #tpu.memory_space<vmem>>
        %dma_start3A_179 = tpu.memref_squeeze %dma_start3A_178 : memref<1x128x128xf32, #tpu.memory_space<vmem>> -> memref<128x128xf32, #tpu.memory_space<vmem>>
        %dma_start3A_180 = arith.constant 0 : i32
        %dma_start3A_181 = tpu.memref_slice %arg6[%and3A_174, %dma_start3A_180] : memref<4x128xi32, #tpu.memory_space<vmem>> -> memref<1x128xi32, #tpu.memory_space<vmem>>
        %dma_start3A_182 = tpu.memref_squeeze %dma_start3A_181 : memref<1x128xi32, #tpu.memory_space<vmem>> -> memref<128xi32, #tpu.memory_space<vmem>>
        %dma_start3A_183 = arith.constant 0 : i32
        %dma_start3A_184 = arith.constant 0 : i32
        %dma_start3A_185 = tpu.memref_slice %arg2[%dma_start3A_183, %dma_start3A_184] : memref<20000x128xf32, #tpu.memory_space<hbm>> -> memref<20000x128xf32, #tpu.memory_space<hbm>>
        tpu.enqueue_indirect_dma source(%dma_start3A_185 : memref<20000x128xf32, #tpu.memory_space<hbm>>) target(%dma_start3A_179 : memref<128x128xf32, #tpu.memory_space<vmem>>) offsets(%dma_start3A_182 : memref<128xi32, #tpu.memory_space<vmem>>) semaphore(%arg10 : memref<!tpu.dma_semaphore, #tpu.memory_space<semaphore_mem>>)
      } else {
      }
      %add3A_144 = arith.constant 3 : i32
      %add3A_145 = arith.addi %add3A_133, %add3A_144 : i32
      %lt3A_146 = arith.cmpi slt, %add3A_145, %select_n3A : i32
      %convert_element_type3A_147 = arith.extui %lt3A_146 : i1 to i32
      %cond3A_148 = arith.constant 0 : i32
      %cond3A_149 = arith.cmpi ne, %convert_element_type3A_147, %cond3A_148 : i32
      scf.if %cond3A_149 {
        %add3A_168 = arith.constant 3 : i32
        %add3A_169 = arith.addi %add3A_133, %add3A_168 : i32
        %and3A = arith.constant 3 : i32
        %and3A_170 = arith.andi %add3A_169, %and3A : i32
        %mul3A_171 = arith.constant 160000 : i32
        %mul3A_172 = arith.muli %arg0, %mul3A_171 : i32
        %add3A_173 = arith.addi %mul3A_172, %mul3A_2 : i32
        %add3A_174 = arith.constant 3 : i32
        %add3A_175 = arith.addi %add3A_133, %add3A_174 : i32
        %mul3A_176 = arith.constant 128 : i32
        %mul3A_177 = arith.muli %add3A_175, %mul3A_176 : i32
        %add3A_178 = arith.addi %add3A_173, %mul3A_177 : i32
        %dma_start3A_179 = arith.constant 0 : i32
        %dma_start3A_180 = tpu.memref_slice %arg6[%and3A_170, %dma_start3A_179] : memref<4x128xi32, #tpu.memory_space<vmem>> -> memref<1x128xi32, #tpu.memory_space<vmem>>
        %dma_start3A_181 = tpu.memref_squeeze %dma_start3A_180 : memref<1x128xi32, #tpu.memory_space<vmem>> -> memref<128xi32, #tpu.memory_space<vmem>>
        %dma_start3A_182 = tpu.memref_slice %arg3[%add3A_178] : memref<320000xi32, #tpu.memory_space<hbm>> -> memref<128xi32, #tpu.memory_space<hbm>>
        %dma_start3A_183 = arith.constant 0 : i32
        %dma_start3A_184 = tpu.memref_slice %arg6[%and3A_170, %dma_start3A_183] : memref<4x128xi32, #tpu.memory_space<vmem>> -> memref<1x128xi32, #tpu.memory_space<vmem>>
        %dma_start3A_185 = tpu.memref_squeeze %dma_start3A_184 : memref<1x128xi32, #tpu.memory_space<vmem>> -> memref<128xi32, #tpu.memory_space<vmem>>
        %dma_start3A_186 = tpu.memref_slice %arg3[%add3A_178] : memref<320000xi32, #tpu.memory_space<hbm>> -> memref<128xi32, #tpu.memory_space<hbm>>
        tpu.enqueue_dma source(%dma_start3A_186 : memref<128xi32, #tpu.memory_space<hbm>>) target(%dma_start3A_185 : memref<128xi32, #tpu.memory_space<vmem>>) target_semaphore(%arg17 : memref<!tpu.dma_semaphore, #tpu.memory_space<semaphore_mem>>)
        %add3A_187 = arith.constant 3 : i32
        %add3A_188 = arith.addi %add3A_133, %add3A_187 : i32
        %mul3A_189 = arith.constant 128 : i32
        %mul3A_190 = arith.muli %add3A_188, %mul3A_189 : i32
        %add3A_191 = arith.addi %mul3A_2, %mul3A_190 : i32
        %dma_start3A_192 = arith.constant 0 : i32
        %dma_start3A_193 = tpu.memref_slice %arg7[%and3A_170, %dma_start3A_192] : memref<4x128xi32, #tpu.memory_space<vmem>> -> memref<1x128xi32, #tpu.memory_space<vmem>>
        %dma_start3A_194 = tpu.memref_squeeze %dma_start3A_193 : memref<1x128xi32, #tpu.memory_space<vmem>> -> memref<128xi32, #tpu.memory_space<vmem>>
        %dma_start3A_195 = tpu.memref_slice %arg4[%add3A_191] : memref<160000xi32, #tpu.memory_space<hbm>> -> memref<128xi32, #tpu.memory_space<hbm>>
        %dma_start3A_196 = arith.constant 0 : i32
        %dma_start3A_197 = tpu.memref_slice %arg7[%and3A_170, %dma_start3A_196] : memref<4x128xi32, #tpu.memory_space<vmem>> -> memref<1x128xi32, #tpu.memory_space<vmem>>
        %dma_start3A_198 = tpu.memref_squeeze %dma_start3A_197 : memref<1x128xi32, #tpu.memory_space<vmem>> -> memref<128xi32, #tpu.memory_space<vmem>>
        %dma_start3A_199 = tpu.memref_slice %arg4[%add3A_191] : memref<160000xi32, #tpu.memory_space<hbm>> -> memref<128xi32, #tpu.memory_space<hbm>>
        tpu.enqueue_dma source(%dma_start3A_199 : memref<128xi32, #tpu.memory_space<hbm>>) target(%dma_start3A_198 : memref<128xi32, #tpu.memory_space<vmem>>) target_semaphore(%arg17 : memref<!tpu.dma_semaphore, #tpu.memory_space<semaphore_mem>>)
      } else {
      }
      %add3A_150 = arith.constant 2 : i32
      %add3A_151 = arith.addi %add3A_114, %add3A_150 : i32
      %lt3A_152 = arith.cmpi slt, %add3A_151, %select_n3A : i32
      %convert_element_type3A_153 = arith.extui %lt3A_152 : i1 to i32
      %cond3A_154 = arith.constant 0 : i32
      %cond3A_155 = arith.cmpi ne, %convert_element_type3A_153, %cond3A_154 : i32
      scf.if %cond3A_155 {
        %and3A = arith.constant 3 : i32
        %and3A_168 = arith.andi %add3A_151, %and3A : i32
        %dma_wait3A_169 = arith.constant 2 : i32
        %dma_wait3A_170 = arith.constant 0 : i32
        %dma_wait3A_171 = arith.constant 0 : i32
        %dma_wait3A_172 = tpu.memref_slice %arg8[%dma_wait3A_169, %dma_wait3A_170, %dma_wait3A_171] : memref<3x128x128xf32, #tpu.memory_space<vmem>> -> memref<1x128x128xf32, #tpu.memory_space<vmem>>
        %dma_wait3A_173 = tpu.memref_squeeze %dma_wait3A_172 : memref<1x128x128xf32, #tpu.memory_space<vmem>> -> memref<128x128xf32, #tpu.memory_space<vmem>>
        %dma_wait3A_174 = arith.constant 0 : i32
        %dma_wait3A_175 = tpu.memref_slice %arg6[%and3A_168, %dma_wait3A_174] : memref<4x128xi32, #tpu.memory_space<vmem>> -> memref<1x128xi32, #tpu.memory_space<vmem>>
        %dma_wait3A_176 = tpu.memref_squeeze %dma_wait3A_175 : memref<1x128xi32, #tpu.memory_space<vmem>> -> memref<128xi32, #tpu.memory_space<vmem>>
        %dma_wait3A_177 = arith.constant 0 : i32
        %dma_wait3A_178 = arith.constant 0 : i32
        %dma_wait3A_179 = tpu.memref_slice %arg2[%dma_wait3A_177, %dma_wait3A_178] : memref<20000x128xf32, #tpu.memory_space<hbm>> -> memref<20000x128xf32, #tpu.memory_space<hbm>>
        tpu.wait_indirect_dma semaphore(%arg12 : memref<!tpu.dma_semaphore, #tpu.memory_space<semaphore_mem>>) src(%dma_wait3A_179 : memref<20000x128xf32, #tpu.memory_space<hbm>>) dst(%dma_wait3A_173 : memref<128x128xf32, #tpu.memory_space<vmem>>)
        %and3A_180 = arith.constant 3 : i32
        %and3A_181 = arith.andi %add3A_151, %and3A_180 : i32
        %dma_start3A_182 = arith.constant 2 : i32
        %dma_start3A_183 = arith.constant 0 : i32
        %dma_start3A_184 = arith.constant 0 : i32
        %dma_start3A_185 = tpu.memref_slice %arg8[%dma_start3A_182, %dma_start3A_183, %dma_start3A_184] : memref<3x128x128xf32, #tpu.memory_space<vmem>> -> memref<1x128x128xf32, #tpu.memory_space<vmem>>
        %dma_start3A_186 = tpu.memref_squeeze %dma_start3A_185 : memref<1x128x128xf32, #tpu.memory_space<vmem>> -> memref<128x128xf32, #tpu.memory_space<vmem>>
        %dma_start3A_187 = arith.constant 0 : i32
        %dma_start3A_188 = tpu.memref_slice %arg7[%and3A_181, %dma_start3A_187] : memref<4x128xi32, #tpu.memory_space<vmem>> -> memref<1x128xi32, #tpu.memory_space<vmem>>
        %dma_start3A_189 = tpu.memref_squeeze %dma_start3A_188 : memref<1x128xi32, #tpu.memory_space<vmem>> -> memref<128xi32, #tpu.memory_space<vmem>>
        %dma_start3A_190 = arith.constant 0 : i32
        %dma_start3A_191 = arith.constant 0 : i32
        %dma_start3A_192 = tpu.memref_slice %arg9[%dma_start3A_190, %dma_start3A_191] : memref<10000x128xf32, #tpu.memory_space<vmem_shared>> -> memref<10000x128xf32, #tpu.memory_space<vmem_shared>>
        tpu.enqueue_indirect_dma source(%dma_start3A_186 : memref<128x128xf32, #tpu.memory_space<vmem>>) target(%dma_start3A_192 : memref<10000x128xf32, #tpu.memory_space<vmem_shared>>) offsets(%dma_start3A_189 : memref<128xi32, #tpu.memory_space<vmem>>) semaphore(%arg15 : memref<!tpu.dma_semaphore, #tpu.memory_space<semaphore_mem>>) {add = true}
      } else {
      }
      %add3A_156 = arith.constant 2 : i32
      %add3A_157 = arith.addi %add3A_151, %add3A_156 : i32
      %lt3A_158 = arith.cmpi slt, %add3A_157, %select_n3A : i32
      %convert_element_type3A_159 = arith.extui %lt3A_158 : i1 to i32
      %cond3A_160 = arith.constant 0 : i32
      %cond3A_161 = arith.cmpi ne, %convert_element_type3A_159, %cond3A_160 : i32
      scf.if %cond3A_161 {
        %ge3A = arith.constant 1 : i32
        %ge3A_168 = arith.cmpi sge, %add3A_151, %ge3A : i32
        %convert_element_type3A_169 = arith.extui %ge3A_168 : i1 to i32
        %cond3A_170 = arith.constant 0 : i32
        %cond3A_171 = arith.cmpi ne, %convert_element_type3A_169, %cond3A_170 : i32
        scf.if %cond3A_171 {
          %sub3A = arith.constant 1 : i32
          %sub3A_186 = arith.subi %add3A_151, %sub3A : i32
          %and3A_187 = arith.constant 3 : i32
          %and3A_188 = arith.andi %sub3A_186, %and3A_187 : i32
          %dma_wait3A_189 = arith.constant 1 : i32
          %dma_wait3A_190 = arith.constant 0 : i32
          %dma_wait3A_191 = arith.constant 0 : i32
          %dma_wait3A_192 = tpu.memref_slice %arg8[%dma_wait3A_189, %dma_wait3A_190, %dma_wait3A_191] : memref<3x128x128xf32, #tpu.memory_space<vmem>> -> memref<1x128x128xf32, #tpu.memory_space<vmem>>
          %dma_wait3A_193 = tpu.memref_squeeze %dma_wait3A_192 : memref<1x128x128xf32, #tpu.memory_space<vmem>> -> memref<128x128xf32, #tpu.memory_space<vmem>>
          %dma_wait3A_194 = arith.constant 0 : i32
          %dma_wait3A_195 = tpu.memref_slice %arg7[%and3A_188, %dma_wait3A_194] : memref<4x128xi32, #tpu.memory_space<vmem>> -> memref<1x128xi32, #tpu.memory_space<vmem>>
          %dma_wait3A_196 = tpu.memref_squeeze %dma_wait3A_195 : memref<1x128xi32, #tpu.memory_space<vmem>> -> memref<128xi32, #tpu.memory_space<vmem>>
          %dma_wait3A_197 = arith.constant 0 : i32
          %dma_wait3A_198 = arith.constant 0 : i32
          %dma_wait3A_199 = tpu.memref_slice %arg9[%dma_wait3A_197, %dma_wait3A_198] : memref<10000x128xf32, #tpu.memory_space<vmem_shared>> -> memref<10000x128xf32, #tpu.memory_space<vmem_shared>>
          tpu.wait_indirect_dma semaphore(%arg14 : memref<!tpu.dma_semaphore, #tpu.memory_space<semaphore_mem>>) src(%dma_wait3A_193 : memref<128x128xf32, #tpu.memory_space<vmem>>) dst(%dma_wait3A_199 : memref<10000x128xf32, #tpu.memory_space<vmem_shared>>)
          %add3A_200 = arith.constant 2 : i32
          %add3A_201 = arith.addi %add3A_151, %add3A_200 : i32
          %and3A_202 = arith.constant 3 : i32
          %and3A_203 = arith.andi %add3A_201, %and3A_202 : i32
          %dma_wait3A_204 = arith.constant 0 : i32
          %dma_wait3A_205 = tpu.memref_slice %arg6[%and3A_203, %dma_wait3A_204] : memref<4x128xi32, #tpu.memory_space<vmem>> -> memref<1x128xi32, #tpu.memory_space<vmem>>
          %dma_wait3A_206 = tpu.memref_squeeze %dma_wait3A_205 : memref<1x128xi32, #tpu.memory_space<vmem>> -> memref<128xi32, #tpu.memory_space<vmem>>
          %dma_wait3A_207 = arith.constant 0 : i32
          %dma_wait3A_208 = tpu.memref_slice %arg3[%dma_wait3A_207] : memref<320000xi32, #tpu.memory_space<hbm>> -> memref<128xi32, #tpu.memory_space<hbm>>
          %dma_wait3A_209 = arith.constant 0 : i32
          %dma_wait3A_210 = tpu.memref_slice %arg6[%and3A_203, %dma_wait3A_209] : memref<4x128xi32, #tpu.memory_space<vmem>> -> memref<1x128xi32, #tpu.memory_space<vmem>>
          %dma_wait3A_211 = tpu.memref_squeeze %dma_wait3A_210 : memref<1x128xi32, #tpu.memory_space<vmem>> -> memref<128xi32, #tpu.memory_space<vmem>>
          %dma_wait3A_212 = arith.constant 0 : i32
          %dma_wait3A_213 = tpu.memref_slice %arg3[%dma_wait3A_212] : memref<320000xi32, #tpu.memory_space<hbm>> -> memref<128xi32, #tpu.memory_space<hbm>>
          tpu.wait_dma2 semaphore(%arg17 : memref<!tpu.dma_semaphore, #tpu.memory_space<semaphore_mem>>) src(%dma_wait3A_213 : memref<128xi32, #tpu.memory_space<hbm>>) dst(%dma_wait3A_211 : memref<128xi32, #tpu.memory_space<vmem>>)
          %add3A_214 = arith.constant 2 : i32
          %add3A_215 = arith.addi %add3A_151, %add3A_214 : i32
          %and3A_216 = arith.constant 3 : i32
          %and3A_217 = arith.andi %add3A_215, %and3A_216 : i32
          %dma_wait3A_218 = arith.constant 0 : i32
          %dma_wait3A_219 = tpu.memref_slice %arg7[%and3A_217, %dma_wait3A_218] : memref<4x128xi32, #tpu.memory_space<vmem>> -> memref<1x128xi32, #tpu.memory_space<vmem>>
          %dma_wait3A_220 = tpu.memref_squeeze %dma_wait3A_219 : memref<1x128xi32, #tpu.memory_space<vmem>> -> memref<128xi32, #tpu.memory_space<vmem>>
          %dma_wait3A_221 = arith.constant 0 : i32
          %dma_wait3A_222 = tpu.memref_slice %arg4[%dma_wait3A_221] : memref<160000xi32, #tpu.memory_space<hbm>> -> memref<128xi32, #tpu.memory_space<hbm>>
          %dma_wait3A_223 = arith.constant 0 : i32
          %dma_wait3A_224 = tpu.memref_slice %arg7[%and3A_217, %dma_wait3A_223] : memref<4x128xi32, #tpu.memory_space<vmem>> -> memref<1x128xi32, #tpu.memory_space<vmem>>
          %dma_wait3A_225 = tpu.memref_squeeze %dma_wait3A_224 : memref<1x128xi32, #tpu.memory_space<vmem>> -> memref<128xi32, #tpu.memory_space<vmem>>
          %dma_wait3A_226 = arith.constant 0 : i32
          %dma_wait3A_227 = tpu.memref_slice %arg4[%dma_wait3A_226] : memref<160000xi32, #tpu.memory_space<hbm>> -> memref<128xi32, #tpu.memory_space<hbm>>
          tpu.wait_dma2 semaphore(%arg17 : memref<!tpu.dma_semaphore, #tpu.memory_space<semaphore_mem>>) src(%dma_wait3A_227 : memref<128xi32, #tpu.memory_space<hbm>>) dst(%dma_wait3A_225 : memref<128xi32, #tpu.memory_space<vmem>>)
        } else {
        }
        %add3A_172 = arith.constant 2 : i32
        %add3A_173 = arith.addi %add3A_151, %add3A_172 : i32
        %and3A = arith.constant 3 : i32
        %and3A_174 = arith.andi %add3A_173, %and3A : i32
        %dma_start3A_175 = arith.constant 1 : i32
        %dma_start3A_176 = arith.constant 0 : i32
        %dma_start3A_177 = arith.constant 0 : i32
        %dma_start3A_178 = tpu.memref_slice %arg8[%dma_start3A_175, %dma_start3A_176, %dma_start3A_177] : memref<3x128x128xf32, #tpu.memory_space<vmem>> -> memref<1x128x128xf32, #tpu.memory_space<vmem>>
        %dma_start3A_179 = tpu.memref_squeeze %dma_start3A_178 : memref<1x128x128xf32, #tpu.memory_space<vmem>> -> memref<128x128xf32, #tpu.memory_space<vmem>>
        %dma_start3A_180 = arith.constant 0 : i32
        %dma_start3A_181 = tpu.memref_slice %arg6[%and3A_174, %dma_start3A_180] : memref<4x128xi32, #tpu.memory_space<vmem>> -> memref<1x128xi32, #tpu.memory_space<vmem>>
        %dma_start3A_182 = tpu.memref_squeeze %dma_start3A_181 : memref<1x128xi32, #tpu.memory_space<vmem>> -> memref<128xi32, #tpu.memory_space<vmem>>
        %dma_start3A_183 = arith.constant 0 : i32
        %dma_start3A_184 = arith.constant 0 : i32
        %dma_start3A_185 = tpu.memref_slice %arg2[%dma_start3A_183, %dma_start3A_184] : memref<20000x128xf32, #tpu.memory_space<hbm>> -> memref<20000x128xf32, #tpu.memory_space<hbm>>
        tpu.enqueue_indirect_dma source(%dma_start3A_185 : memref<20000x128xf32, #tpu.memory_space<hbm>>) target(%dma_start3A_179 : memref<128x128xf32, #tpu.memory_space<vmem>>) offsets(%dma_start3A_182 : memref<128xi32, #tpu.memory_space<vmem>>) semaphore(%arg11 : memref<!tpu.dma_semaphore, #tpu.memory_space<semaphore_mem>>)
      } else {
      }
      %add3A_162 = arith.constant 3 : i32
      %add3A_163 = arith.addi %add3A_151, %add3A_162 : i32
      %lt3A_164 = arith.cmpi slt, %add3A_163, %select_n3A : i32
      %convert_element_type3A_165 = arith.extui %lt3A_164 : i1 to i32
      %cond3A_166 = arith.constant 0 : i32
      %cond3A_167 = arith.cmpi ne, %convert_element_type3A_165, %cond3A_166 : i32
      scf.if %cond3A_167 {
        %add3A_168 = arith.constant 3 : i32
        %add3A_169 = arith.addi %add3A_151, %add3A_168 : i32
        %and3A = arith.constant 3 : i32
        %and3A_170 = arith.andi %add3A_169, %and3A : i32
        %mul3A_171 = arith.constant 160000 : i32
        %mul3A_172 = arith.muli %arg0, %mul3A_171 : i32
        %add3A_173 = arith.addi %mul3A_172, %mul3A_2 : i32
        %add3A_174 = arith.constant 3 : i32
        %add3A_175 = arith.addi %add3A_151, %add3A_174 : i32
        %mul3A_176 = arith.constant 128 : i32
        %mul3A_177 = arith.muli %add3A_175, %mul3A_176 : i32
        %add3A_178 = arith.addi %add3A_173, %mul3A_177 : i32
        %dma_start3A_179 = arith.constant 0 : i32
        %dma_start3A_180 = tpu.memref_slice %arg6[%and3A_170, %dma_start3A_179] : memref<4x128xi32, #tpu.memory_space<vmem>> -> memref<1x128xi32, #tpu.memory_space<vmem>>
        %dma_start3A_181 = tpu.memref_squeeze %dma_start3A_180 : memref<1x128xi32, #tpu.memory_space<vmem>> -> memref<128xi32, #tpu.memory_space<vmem>>
        %dma_start3A_182 = tpu.memref_slice %arg3[%add3A_178] : memref<320000xi32, #tpu.memory_space<hbm>> -> memref<128xi32, #tpu.memory_space<hbm>>
        %dma_start3A_183 = arith.constant 0 : i32
        %dma_start3A_184 = tpu.memref_slice %arg6[%and3A_170, %dma_start3A_183] : memref<4x128xi32, #tpu.memory_space<vmem>> -> memref<1x128xi32, #tpu.memory_space<vmem>>
        %dma_start3A_185 = tpu.memref_squeeze %dma_start3A_184 : memref<1x128xi32, #tpu.memory_space<vmem>> -> memref<128xi32, #tpu.memory_space<vmem>>
        %dma_start3A_186 = tpu.memref_slice %arg3[%add3A_178] : memref<320000xi32, #tpu.memory_space<hbm>> -> memref<128xi32, #tpu.memory_space<hbm>>
        tpu.enqueue_dma source(%dma_start3A_186 : memref<128xi32, #tpu.memory_space<hbm>>) target(%dma_start3A_185 : memref<128xi32, #tpu.memory_space<vmem>>) target_semaphore(%arg18 : memref<!tpu.dma_semaphore, #tpu.memory_space<semaphore_mem>>)
        %add3A_187 = arith.constant 3 : i32
        %add3A_188 = arith.addi %add3A_151, %add3A_187 : i32
        %mul3A_189 = arith.constant 128 : i32
        %mul3A_190 = arith.muli %add3A_188, %mul3A_189 : i32
        %add3A_191 = arith.addi %mul3A_2, %mul3A_190 : i32
        %dma_start3A_192 = arith.constant 0 : i32
        %dma_start3A_193 = tpu.memref_slice %arg7[%and3A_170, %dma_start3A_192] : memref<4x128xi32, #tpu.memory_space<vmem>> -> memref<1x128xi32, #tpu.memory_space<vmem>>
        %dma_start3A_194 = tpu.memref_squeeze %dma_start3A_193 : memref<1x128xi32, #tpu.memory_space<vmem>> -> memref<128xi32, #tpu.memory_space<vmem>>
        %dma_start3A_195 = tpu.memref_slice %arg4[%add3A_191] : memref<160000xi32, #tpu.memory_space<hbm>> -> memref<128xi32, #tpu.memory_space<hbm>>
        %dma_start3A_196 = arith.constant 0 : i32
        %dma_start3A_197 = tpu.memref_slice %arg7[%and3A_170, %dma_start3A_196] : memref<4x128xi32, #tpu.memory_space<vmem>> -> memref<1x128xi32, #tpu.memory_space<vmem>>
        %dma_start3A_198 = tpu.memref_squeeze %dma_start3A_197 : memref<1x128xi32, #tpu.memory_space<vmem>> -> memref<128xi32, #tpu.memory_space<vmem>>
        %dma_start3A_199 = tpu.memref_slice %arg4[%add3A_191] : memref<160000xi32, #tpu.memory_space<hbm>> -> memref<128xi32, #tpu.memory_space<hbm>>
        tpu.enqueue_dma source(%dma_start3A_199 : memref<128xi32, #tpu.memory_space<hbm>>) target(%dma_start3A_198 : memref<128xi32, #tpu.memory_space<vmem>>) target_semaphore(%arg18 : memref<!tpu.dma_semaphore, #tpu.memory_space<semaphore_mem>>)
      } else {
      }
    }
    %scan3A_64 = arith.constant 27 : i32
    %dma_wait3A = arith.constant 0 : i32
    %dma_wait3A_65 = arith.constant 0 : i32
    %dma_wait3A_66 = arith.constant 0 : i32
    %dma_wait3A_67 = arith.constant 0 : i32
    %dma_wait3A_68 = tpu.memref_slice %arg8[%dma_wait3A, %dma_wait3A_66, %dma_wait3A_67] : memref<3x128x128xf32, #tpu.memory_space<vmem>> -> memref<1x128x128xf32, #tpu.memory_space<vmem>>
    %dma_wait3A_69 = tpu.memref_squeeze %dma_wait3A_68 : memref<1x128x128xf32, #tpu.memory_space<vmem>> -> memref<128x128xf32, #tpu.memory_space<vmem>>
    %dma_wait3A_70 = arith.constant 0 : i32
    %dma_wait3A_71 = tpu.memref_slice %arg7[%dma_wait3A_65, %dma_wait3A_70] : memref<4x128xi32, #tpu.memory_space<vmem>> -> memref<1x128xi32, #tpu.memory_space<vmem>>
    %dma_wait3A_72 = tpu.memref_squeeze %dma_wait3A_71 : memref<1x128xi32, #tpu.memory_space<vmem>> -> memref<128xi32, #tpu.memory_space<vmem>>
    %dma_wait3A_73 = arith.constant 0 : i32
    %dma_wait3A_74 = arith.constant 0 : i32
    %dma_wait3A_75 = tpu.memref_slice %arg9[%dma_wait3A_73, %dma_wait3A_74] : memref<10000x128xf32, #tpu.memory_space<vmem_shared>> -> memref<10000x128xf32, #tpu.memory_space<vmem_shared>>
    tpu.wait_indirect_dma semaphore(%arg13 : memref<!tpu.dma_semaphore, #tpu.memory_space<semaphore_mem>>) src(%dma_wait3A_69 : memref<128x128xf32, #tpu.memory_space<vmem>>) dst(%dma_wait3A_75 : memref<10000x128xf32, #tpu.memory_space<vmem_shared>>)
    %dma_wait3A_76 = arith.constant 1 : i32
    %dma_wait3A_77 = arith.constant 1 : i32
    %dma_wait3A_78 = arith.constant 0 : i32
    %dma_wait3A_79 = arith.constant 0 : i32
    %dma_wait3A_80 = tpu.memref_slice %arg8[%dma_wait3A_76, %dma_wait3A_78, %dma_wait3A_79] : memref<3x128x128xf32, #tpu.memory_space<vmem>> -> memref<1x128x128xf32, #tpu.memory_space<vmem>>
    %dma_wait3A_81 = tpu.memref_squeeze %dma_wait3A_80 : memref<1x128x128xf32, #tpu.memory_space<vmem>> -> memref<128x128xf32, #tpu.memory_space<vmem>>
    %dma_wait3A_82 = arith.constant 0 : i32
    %dma_wait3A_83 = tpu.memref_slice %arg7[%dma_wait3A_77, %dma_wait3A_82] : memref<4x128xi32, #tpu.memory_space<vmem>> -> memref<1x128xi32, #tpu.memory_space<vmem>>
    %dma_wait3A_84 = tpu.memref_squeeze %dma_wait3A_83 : memref<1x128xi32, #tpu.memory_space<vmem>> -> memref<128xi32, #tpu.memory_space<vmem>>
    %dma_wait3A_85 = arith.constant 0 : i32
    %dma_wait3A_86 = arith.constant 0 : i32
    %dma_wait3A_87 = tpu.memref_slice %arg9[%dma_wait3A_85, %dma_wait3A_86] : memref<10000x128xf32, #tpu.memory_space<vmem_shared>> -> memref<10000x128xf32, #tpu.memory_space<vmem_shared>>
    tpu.wait_indirect_dma semaphore(%arg14 : memref<!tpu.dma_semaphore, #tpu.memory_space<semaphore_mem>>) src(%dma_wait3A_81 : memref<128x128xf32, #tpu.memory_space<vmem>>) dst(%dma_wait3A_87 : memref<10000x128xf32, #tpu.memory_space<vmem_shared>>)
    %dma_wait3A_88 = arith.constant 2 : i32
    %dma_wait3A_89 = arith.constant 2 : i32
    %dma_wait3A_90 = arith.constant 0 : i32
    %dma_wait3A_91 = arith.constant 0 : i32
    %dma_wait3A_92 = tpu.memref_slice %arg8[%dma_wait3A_88, %dma_wait3A_90, %dma_wait3A_91] : memref<3x128x128xf32, #tpu.memory_space<vmem>> -> memref<1x128x128xf32, #tpu.memory_space<vmem>>
    %dma_wait3A_93 = tpu.memref_squeeze %dma_wait3A_92 : memref<1x128x128xf32, #tpu.memory_space<vmem>> -> memref<128x128xf32, #tpu.memory_space<vmem>>
    %dma_wait3A_94 = arith.constant 0 : i32
    %dma_wait3A_95 = tpu.memref_slice %arg7[%dma_wait3A_89, %dma_wait3A_94] : memref<4x128xi32, #tpu.memory_space<vmem>> -> memref<1x128xi32, #tpu.memory_space<vmem>>
    %dma_wait3A_96 = tpu.memref_squeeze %dma_wait3A_95 : memref<1x128xi32, #tpu.memory_space<vmem>> -> memref<128xi32, #tpu.memory_space<vmem>>
    %dma_wait3A_97 = arith.constant 0 : i32
    %dma_wait3A_98 = arith.constant 0 : i32
    %dma_wait3A_99 = tpu.memref_slice %arg9[%dma_wait3A_97, %dma_wait3A_98] : memref<10000x128xf32, #tpu.memory_space<vmem_shared>> -> memref<10000x128xf32, #tpu.memory_space<vmem_shared>>
    tpu.wait_indirect_dma semaphore(%arg15 : memref<!tpu.dma_semaphore, #tpu.memory_space<semaphore_mem>>) src(%dma_wait3A_93 : memref<128x128xf32, #tpu.memory_space<vmem>>) dst(%dma_wait3A_99 : memref<10000x128xf32, #tpu.memory_space<vmem_shared>>)
    %barrier3A_100 = arith.constant 0 : index
    tpu.barrier barrier_id(%barrier3A_100)
    %mul3A_101 = arith.constant 624 : i32
    %mul3A_102 = arith.muli %arg1, %mul3A_101 : i32
    %mul3A_103 = arith.constant 624 : i32
    %mul3A_104 = arith.muli %arg1, %mul3A_103 : i32
    "tpu.region"() ({
      %run_scoped3A_110 = tpu.sem_alloc : memref<!tpu.dma_semaphore, #tpu.memory_space<semaphore_mem>>
      %dma_start3A_111 = arith.constant 0 : i32
      %dma_start3A_112 = tpu.memref_slice %arg5[%arg0, %mul3A_104, %dma_start3A_111] : memref<2x10000x128xf32, #tpu.memory_space<hbm>> -> memref<1x624x128xf32, #tpu.memory_space<hbm>>
      %dma_start3A_113 = tpu.memref_squeeze %dma_start3A_112 : memref<1x624x128xf32, #tpu.memory_space<hbm>> -> memref<624x128xf32, #tpu.memory_space<hbm>>
      %dma_start3A_114 = arith.constant 0 : i32
      %dma_start3A_115 = tpu.memref_slice %arg9[%mul3A_102, %dma_start3A_114] : memref<10000x128xf32, #tpu.memory_space<vmem_shared>> -> memref<624x128xf32, #tpu.memory_space<vmem_shared>>
      tpu.enqueue_dma source(%dma_start3A_115 : memref<624x128xf32, #tpu.memory_space<vmem_shared>>) target(%dma_start3A_113 : memref<624x128xf32, #tpu.memory_space<hbm>>) target_semaphore(%run_scoped3A_110 : memref<!tpu.dma_semaphore, #tpu.memory_space<semaphore_mem>>)
      %dma_wait3A_116 = arith.constant 0 : i32
      %dma_wait3A_117 = tpu.memref_slice %arg5[%arg0, %mul3A_104, %dma_wait3A_116] : memref<2x10000x128xf32, #tpu.memory_space<hbm>> -> memref<1x624x128xf32, #tpu.memory_space<hbm>>
      %dma_wait3A_118 = tpu.memref_squeeze %dma_wait3A_117 : memref<1x624x128xf32, #tpu.memory_space<hbm>> -> memref<624x128xf32, #tpu.memory_space<hbm>>
      %dma_wait3A_119 = arith.constant 0 : i32
      %dma_wait3A_120 = tpu.memref_slice %arg9[%mul3A_102, %dma_wait3A_119] : memref<10000x128xf32, #tpu.memory_space<vmem_shared>> -> memref<624x128xf32, #tpu.memory_space<vmem_shared>>
      tpu.wait_dma2 semaphore(%run_scoped3A_110 : memref<!tpu.dma_semaphore, #tpu.memory_space<semaphore_mem>>) src(%dma_wait3A_120 : memref<624x128xf32, #tpu.memory_space<vmem_shared>>) dst(%dma_wait3A_118 : memref<624x128xf32, #tpu.memory_space<hbm>>)
      tpu.yield
    }) : () -> ()
    %eq3A_105 = arith.constant 0 : i32
    %eq3A_106 = arith.cmpi eq, %arg1, %eq3A_105 : i32
    %convert_element_type3A_107 = arith.extui %eq3A_106 : i1 to i32
    %cond3A_108 = arith.constant 0 : i32
    %cond3A_109 = arith.cmpi ne, %convert_element_type3A_107, %cond3A_108 : i32
    scf.if %cond3A_109 {
      "tpu.region"() ({
        %run_scoped3A_110 = tpu.sem_alloc : memref<!tpu.dma_semaphore, #tpu.memory_space<semaphore_mem>>
        %dma_start3A_111 = arith.constant 9984 : i32
        %dma_start3A_112 = arith.constant 0 : i32
        %dma_start3A_113 = tpu.memref_slice %arg5[%arg0, %dma_start3A_111, %dma_start3A_112] : memref<2x10000x128xf32, #tpu.memory_space<hbm>> -> memref<1x16x128xf32, #tpu.memory_space<hbm>>
        %dma_start3A_114 = tpu.memref_squeeze %dma_start3A_113 : memref<1x16x128xf32, #tpu.memory_space<hbm>> -> memref<16x128xf32, #tpu.memory_space<hbm>>
        %dma_start3A_115 = arith.constant 9984 : i32
        %dma_start3A_116 = arith.constant 0 : i32
        %dma_start3A_117 = tpu.memref_slice %arg9[%dma_start3A_115, %dma_start3A_116] : memref<10000x128xf32, #tpu.memory_space<vmem_shared>> -> memref<16x128xf32, #tpu.memory_space<vmem_shared>>
        tpu.enqueue_dma source(%dma_start3A_117 : memref<16x128xf32, #tpu.memory_space<vmem_shared>>) target(%dma_start3A_114 : memref<16x128xf32, #tpu.memory_space<hbm>>) target_semaphore(%run_scoped3A_110 : memref<!tpu.dma_semaphore, #tpu.memory_space<semaphore_mem>>)
        %dma_wait3A_118 = arith.constant 9984 : i32
        %dma_wait3A_119 = arith.constant 0 : i32
        %dma_wait3A_120 = tpu.memref_slice %arg5[%arg0, %dma_wait3A_118, %dma_wait3A_119] : memref<2x10000x128xf32, #tpu.memory_space<hbm>> -> memref<1x16x128xf32, #tpu.memory_space<hbm>>
        %dma_wait3A_121 = tpu.memref_squeeze %dma_wait3A_120 : memref<1x16x128xf32, #tpu.memory_space<hbm>> -> memref<16x128xf32, #tpu.memory_space<hbm>>
        %dma_wait3A_122 = arith.constant 9984 : i32
        %dma_wait3A_123 = arith.constant 0 : i32
        %dma_wait3A_124 = tpu.memref_slice %arg9[%dma_wait3A_122, %dma_wait3A_123] : memref<10000x128xf32, #tpu.memory_space<vmem_shared>> -> memref<16x128xf32, #tpu.memory_space<vmem_shared>>
        tpu.wait_dma2 semaphore(%run_scoped3A_110 : memref<!tpu.dma_semaphore, #tpu.memory_space<semaphore_mem>>) src(%dma_wait3A_124 : memref<16x128xf32, #tpu.memory_space<vmem_shared>>) dst(%dma_wait3A_121 : memref<16x128xf32, #tpu.memory_space<hbm>>)
        tpu.yield
      }) : () -> ()
    } else {
    }
    return
  }
}

#map = affine_map<(d0, d1) -> (0, 0)>
#map1 = affine_map<(d0, d1) -> (0)>
#map2 = affine_map<(d0, d1) -> (0, 0, 0)>
module attributes {stable_mosaic.version = 14 : i64} {
  func.func @k(%arg0: i32, %arg1: i32, %arg2: memref<20000x128xf32, #tpu.memory_space<hbm>>, %arg3: memref<320000xi32, #tpu.memory_space<hbm>>, %arg4: memref<160000xi32, #tpu.memory_space<hbm>>, %arg5: memref<2x10000x128xf32, #tpu.memory_space<hbm>>, %arg6: memref<4x128xi32, #tpu.memory_space<vmem>>, %arg7: memref<4x128xi32, #tpu.memory_space<vmem>>, %arg8: memref<3x128x128xf32, #tpu.memory_space<vmem>>, %arg9: memref<10000x128xf32, #tpu.memory_space<vmem_shared>>, %arg10: memref<!tpu.dma_semaphore, #tpu.memory_space<semaphore_mem>>, %arg11: memref<!tpu.dma_semaphore, #tpu.memory_space<semaphore_mem>>, %arg12: memref<!tpu.dma_semaphore, #tpu.memory_space<semaphore_mem>>, %arg13: memref<!tpu.dma_semaphore, #tpu.memory_space<semaphore_mem>>, %arg14: memref<!tpu.dma_semaphore, #tpu.memory_space<semaphore_mem>>, %arg15: memref<!tpu.dma_semaphore, #tpu.memory_space<semaphore_mem>>, %arg16: memref<!tpu.dma_semaphore, #tpu.memory_space<semaphore_mem>>, %arg17: memref<!tpu.dma_semaphore, #tpu.memory_space<semaphore_mem>>, %arg18: memref<!tpu.dma_semaphore, #tpu.memory_space<semaphore_mem>>) attributes {dimension_semantics = [#tpu.dimension_semantics<core_parallel>, #tpu.dimension_semantics<subcore_parallel>], iteration_bounds = array<i64: 2, 16>, scalar_prefetch = 0 : i64, scratch_operands = 13 : i64, tpu.core_type = #tpu.core_type<sc_vector_subcore>, window_params = [{transform_indices = #map}, {transform_indices = #map1}, {transform_indices = #map1}, {transform_indices = #map2}]} {
    %eq3A = arith.constant 15 : i32
    %eq3A_0 = arith.cmpi eq, %arg1, %eq3A : i32
    %jit3A = arith.constant 80 : i32
    %jit3A_1 = arith.constant 78 : i32
    %select_n3A = arith.select %eq3A_0, %jit3A, %jit3A_1 : i32
    %mul3A = arith.constant 9984 : i32
    %mul3A_2 = arith.muli %arg1, %mul3A : i32
    %mul3A_3 = arith.constant 160000 : i32
    %mul3A_4 = arith.muli %arg0, %mul3A_3 : i32
    %add3A = arith.addi %mul3A_4, %mul3A_2 : i32
    %add3A_5 = arith.constant 0 : i32
    %add3A_6 = arith.addi %add3A, %add3A_5 : i32
    %run_scoped3A = arith.constant 0 : i32
    "tpu.region"() ({
      %run_scoped3A_110 = tpu.sem_alloc : memref<!tpu.dma_semaphore, #tpu.memory_space<semaphore_mem>>
      %dma_start3A_111 = arith.constant 0 : i32
      %dma_start3A_112 = tpu.memref_slice %arg6[%run_scoped3A, %dma_start3A_111] : memref<4x128xi32, #tpu.memory_space<vmem>> -> memref<1x128xi32, #tpu.memory_space<vmem>>
      %dma_start3A_113 = tpu.memref_squeeze %dma_start3A_112 : memref<1x128xi32, #tpu.memory_space<vmem>> -> memref<128xi32, #tpu.memory_space<vmem>>
      %dma_start3A_114 = tpu.memref_slice %arg3[%add3A_6] : memref<320000xi32, #tpu.memory_space<hbm>> -> memref<128xi32, #tpu.memory_space<hbm>>
      %dma_start3A_115 = arith.constant 0 : i32
      %dma_start3A_116 = tpu.memref_slice %arg6[%run_scoped3A, %dma_start3A_115] : memref<4x128xi32, #tpu.memory_space<vmem>> -> memref<1x128xi32, #tpu.memory_space<vmem>>
      %dma_start3A_117 = tpu.memref_squeeze %dma_start3A_116 : memref<1x128xi32, #tpu.memory_space<vmem>> -> memref<128xi32, #tpu.memory_space<vmem>>
      %dma_start3A_118 = tpu.memref_slice %arg3[%add3A_6] : memref<320000xi32, #tpu.memory_space<hbm>> -> memref<128xi32, #tpu.memory_space<hbm>>
      tpu.enqueue_dma source(%dma_start3A_118 : memref<128xi32, #tpu.memory_space<hbm>>) target(%dma_start3A_117 : memref<128xi32, #tpu.memory_space<vmem>>) target_semaphore(%run_scoped3A_110 : memref<!tpu.dma_semaphore, #tpu.memory_space<semaphore_mem>>)
      %dma_wait3A_119 = arith.constant 0 : i32
      %dma_wait3A_120 = tpu.memref_slice %arg6[%run_scoped3A, %dma_wait3A_119] : memref<4x128xi32, #tpu.memory_space<vmem>> -> memref<1x128xi32, #tpu.memory_space<vmem>>
      %dma_wait3A_121 = tpu.memref_squeeze %dma_wait3A_120 : memref<1x128xi32, #tpu.memory_space<vmem>> -> memref<128xi32, #tpu.memory_space<vmem>>
      %dma_wait3A_122 = tpu.memref_slice %arg3[%add3A_6] : memref<320000xi32, #tpu.memory_space<hbm>> -> memref<128xi32, #tpu.memory_space<hbm>>
      %dma_wait3A_123 = arith.constant 0 : i32
      %dma_wait3A_124 = tpu.memref_slice %arg6[%run_scoped3A, %dma_wait3A_123] : memref<4x128xi32, #tpu.memory_space<vmem>> -> memref<1x128xi32, #tpu.memory_space<vmem>>
      %dma_wait3A_125 = tpu.memref_squeeze %dma_wait3A_124 : memref<1x128xi32, #tpu.memory_space<vmem>> -> memref<128xi32, #tpu.memory_space<vmem>>
      %dma_wait3A_126 = tpu.memref_slice %arg3[%add3A_6] : memref<320000xi32, #tpu.memory_space<hbm>> -> memref<128xi32, #tpu.memory_space<hbm>>
      tpu.wait_dma2 semaphore(%run_scoped3A_110 : memref<!tpu.dma_semaphore, #tpu.memory_space<semaphore_mem>>) src(%dma_wait3A_126 : memref<128xi32, #tpu.memory_space<hbm>>) dst(%dma_wait3A_125 : memref<128xi32, #tpu.memory_space<vmem>>)
      tpu.yield
    }) : () -> ()
    %add3A_7 = arith.constant 0 : i32
    %add3A_8 = arith.addi %mul3A_2, %add3A_7 : i32
    %run_scoped3A_9 = arith.constant 0 : i32
    "tpu.region"() ({
      %run_scoped3A_110 = tpu.sem_alloc : memref<!tpu.dma_semaphore, #tpu.memory_space<semaphore_mem>>
      %dma_start3A_111 = arith.constant 0 : i32
      %dma_start3A_112 = tpu.memref_slice %arg7[%run_scoped3A_9, %dma_start3A_111] : memref<4x128xi32, #tpu.memory_space<vmem>> -> memref<1x128xi32, #tpu.memory_space<vmem>>
      %dma_start3A_113 = tpu.memref_squeeze %dma_start3A_112 : memref<1x128xi32, #tpu.memory_space<vmem>> -> memref<128xi32, #tpu.memory_space<vmem>>
      %dma_start3A_114 = tpu.memref_slice %arg4[%add3A_8] : memref<160000xi32, #tpu.memory_space<hbm>> -> memref<128xi32, #tpu.memory_space<hbm>>
      %dma_start3A_115 = arith.constant 0 : i32
      %dma_start3A_116 = tpu.memref_slice %arg7[%run_scoped3A_9, %dma_start3A_115] : memref<4x128xi32, #tpu.memory_space<vmem>> -> memref<1x128xi32, #tpu.memory_space<vmem>>
      %dma_start3A_117 = tpu.memref_squeeze %dma_start3A_116 : memref<1x128xi32, #tpu.memory_space<vmem>> -> memref<128xi32, #tpu.memory_space<vmem>>
      %dma_start3A_118 = tpu.memref_slice %arg4[%add3A_8] : memref<160000xi32, #tpu.memory_space<hbm>> -> memref<128xi32, #tpu.memory_space<hbm>>
      tpu.enqueue_dma source(%dma_start3A_118 : memref<128xi32, #tpu.memory_space<hbm>>) target(%dma_start3A_117 : memref<128xi32, #tpu.memory_space<vmem>>) target_semaphore(%run_scoped3A_110 : memref<!tpu.dma_semaphore, #tpu.memory_space<semaphore_mem>>)
      %dma_wait3A_119 = arith.constant 0 : i32
      %dma_wait3A_120 = tpu.memref_slice %arg7[%run_scoped3A_9, %dma_wait3A_119] : memref<4x128xi32, #tpu.memory_space<vmem>> -> memref<1x128xi32, #tpu.memory_space<vmem>>
      %dma_wait3A_121 = tpu.memref_squeeze %dma_wait3A_120 : memref<1x128xi32, #tpu.memory_space<vmem>> -> memref<128xi32, #tpu.memory_space<vmem>>
      %dma_wait3A_122 = tpu.memref_slice %arg4[%add3A_8] : memref<160000xi32, #tpu.memory_space<hbm>> -> memref<128xi32, #tpu.memory_space<hbm>>
      %dma_wait3A_123 = arith.constant 0 : i32
      %dma_wait3A_124 = tpu.memref_slice %arg7[%run_scoped3A_9, %dma_wait3A_123] : memref<4x128xi32, #tpu.memory_space<vmem>> -> memref<1x128xi32, #tpu.memory_space<vmem>>
      %dma_wait3A_125 = tpu.memref_squeeze %dma_wait3A_124 : memref<1x128xi32, #tpu.memory_space<vmem>> -> memref<128xi32, #tpu.memory_space<vmem>>
      %dma_wait3A_126 = tpu.memref_slice %arg4[%add3A_8] : memref<160000xi32, #tpu.memory_space<hbm>> -> memref<128xi32, #tpu.memory_space<hbm>>
      tpu.wait_dma2 semaphore(%run_scoped3A_110 : memref<!tpu.dma_semaphore, #tpu.memory_space<semaphore_mem>>) src(%dma_wait3A_126 : memref<128xi32, #tpu.memory_space<hbm>>) dst(%dma_wait3A_125 : memref<128xi32, #tpu.memory_space<vmem>>)
      tpu.yield
    }) : () -> ()
    %mul3A_10 = arith.constant 160000 : i32
    %mul3A_11 = arith.muli %arg0, %mul3A_10 : i32
    %add3A_12 = arith.addi %mul3A_11, %mul3A_2 : i32
    %add3A_13 = arith.constant 128 : i32
    %add3A_14 = arith.addi %add3A_12, %add3A_13 : i32
    %run_scoped3A_15 = arith.constant 1 : i32
    "tpu.region"() ({
      %run_scoped3A_110 = tpu.sem_alloc : memref<!tpu.dma_semaphore, #tpu.memory_space<semaphore_mem>>
      %dma_start3A_111 = arith.constant 0 : i32
      %dma_start3A_112 = tpu.memref_slice %arg6[%run_scoped3A_15, %dma_start3A_111] : memref<4x128xi32, #tpu.memory_space<vmem>> -> memref<1x128xi32, #tpu.memory_space<vmem>>
      %dma_start3A_113 = tpu.memref_squeeze %dma_start3A_112 : memref<1x128xi32, #tpu.memory_space<vmem>> -> memref<128xi32, #tpu.memory_space<vmem>>
      %dma_start3A_114 = tpu.memref_slice %arg3[%add3A_14] : memref<320000xi32, #tpu.memory_space<hbm>> -> memref<128xi32, #tpu.memory_space<hbm>>
      %dma_start3A_115 = arith.constant 0 : i32
      %dma_start3A_116 = tpu.memref_slice %arg6[%run_scoped3A_15, %dma_start3A_115] : memref<4x128xi32, #tpu.memory_space<vmem>> -> memref<1x128xi32, #tpu.memory_space<vmem>>
      %dma_start3A_117 = tpu.memref_squeeze %dma_start3A_116 : memref<1x128xi32, #tpu.memory_space<vmem>> -> memref<128xi32, #tpu.memory_space<vmem>>
      %dma_start3A_118 = tpu.memref_slice %arg3[%add3A_14] : memref<320000xi32, #tpu.memory_space<hbm>> -> memref<128xi32, #tpu.memory_space<hbm>>
      tpu.enqueue_dma source(%dma_start3A_118 : memref<128xi32, #tpu.memory_space<hbm>>) target(%dma_start3A_117 : memref<128xi32, #tpu.memory_space<vmem>>) target_semaphore(%run_scoped3A_110 : memref<!tpu.dma_semaphore, #tpu.memory_space<semaphore_mem>>)
      %dma_wait3A_119 = arith.constant 0 : i32
      %dma_wait3A_120 = tpu.memref_slice %arg6[%run_scoped3A_15, %dma_wait3A_119] : memref<4x128xi32, #tpu.memory_space<vmem>> -> memref<1x128xi32, #tpu.memory_space<vmem>>
      %dma_wait3A_121 = tpu.memref_squeeze %dma_wait3A_120 : memref<1x128xi32, #tpu.memory_space<vmem>> -> memref<128xi32, #tpu.memory_space<vmem>>
      %dma_wait3A_122 = tpu.memref_slice %arg3[%add3A_14] : memref<320000xi32, #tpu.memory_space<hbm>> -> memref<128xi32, #tpu.memory_space<hbm>>
      %dma_wait3A_123 = arith.constant 0 : i32
      %dma_wait3A_124 = tpu.memref_slice %arg6[%run_scoped3A_15, %dma_wait3A_123] : memref<4x128xi32, #tpu.memory_space<vmem>> -> memref<1x128xi32, #tpu.memory_space<vmem>>
      %dma_wait3A_125 = tpu.memref_squeeze %dma_wait3A_124 : memref<1x128xi32, #tpu.memory_space<vmem>> -> memref<128xi32, #tpu.memory_space<vmem>>
      %dma_wait3A_126 = tpu.memref_slice %arg3[%add3A_14] : memref<320000xi32, #tpu.memory_space<hbm>> -> memref<128xi32, #tpu.memory_space<hbm>>
      tpu.wait_dma2 semaphore(%run_scoped3A_110 : memref<!tpu.dma_semaphore, #tpu.memory_space<semaphore_mem>>) src(%dma_wait3A_126 : memref<128xi32, #tpu.memory_space<hbm>>) dst(%dma_wait3A_125 : memref<128xi32, #tpu.memory_space<vmem>>)
      tpu.yield
    }) : () -> ()
    %add3A_16 = arith.constant 128 : i32
    %add3A_17 = arith.addi %mul3A_2, %add3A_16 : i32
    %run_scoped3A_18 = arith.constant 1 : i32
    "tpu.region"() ({
      %run_scoped3A_110 = tpu.sem_alloc : memref<!tpu.dma_semaphore, #tpu.memory_space<semaphore_mem>>
      %dma_start3A_111 = arith.constant 0 : i32
      %dma_start3A_112 = tpu.memref_slice %arg7[%run_scoped3A_18, %dma_start3A_111] : memref<4x128xi32, #tpu.memory_space<vmem>> -> memref<1x128xi32, #tpu.memory_space<vmem>>
      %dma_start3A_113 = tpu.memref_squeeze %dma_start3A_112 : memref<1x128xi32, #tpu.memory_space<vmem>> -> memref<128xi32, #tpu.memory_space<vmem>>
      %dma_start3A_114 = tpu.memref_slice %arg4[%add3A_17] : memref<160000xi32, #tpu.memory_space<hbm>> -> memref<128xi32, #tpu.memory_space<hbm>>
      %dma_start3A_115 = arith.constant 0 : i32
      %dma_start3A_116 = tpu.memref_slice %arg7[%run_scoped3A_18, %dma_start3A_115] : memref<4x128xi32, #tpu.memory_space<vmem>> -> memref<1x128xi32, #tpu.memory_space<vmem>>
      %dma_start3A_117 = tpu.memref_squeeze %dma_start3A_116 : memref<1x128xi32, #tpu.memory_space<vmem>> -> memref<128xi32, #tpu.memory_space<vmem>>
      %dma_start3A_118 = tpu.memref_slice %arg4[%add3A_17] : memref<160000xi32, #tpu.memory_space<hbm>> -> memref<128xi32, #tpu.memory_space<hbm>>
      tpu.enqueue_dma source(%dma_start3A_118 : memref<128xi32, #tpu.memory_space<hbm>>) target(%dma_start3A_117 : memref<128xi32, #tpu.memory_space<vmem>>) target_semaphore(%run_scoped3A_110 : memref<!tpu.dma_semaphore, #tpu.memory_space<semaphore_mem>>)
      %dma_wait3A_119 = arith.constant 0 : i32
      %dma_wait3A_120 = tpu.memref_slice %arg7[%run_scoped3A_18, %dma_wait3A_119] : memref<4x128xi32, #tpu.memory_space<vmem>> -> memref<1x128xi32, #tpu.memory_space<vmem>>
      %dma_wait3A_121 = tpu.memref_squeeze %dma_wait3A_120 : memref<1x128xi32, #tpu.memory_space<vmem>> -> memref<128xi32, #tpu.memory_space<vmem>>
      %dma_wait3A_122 = tpu.memref_slice %arg4[%add3A_17] : memref<160000xi32, #tpu.memory_space<hbm>> -> memref<128xi32, #tpu.memory_space<hbm>>
      %dma_wait3A_123 = arith.constant 0 : i32
      %dma_wait3A_124 = tpu.memref_slice %arg7[%run_scoped3A_18, %dma_wait3A_123] : memref<4x128xi32, #tpu.memory_space<vmem>> -> memref<1x128xi32, #tpu.memory_space<vmem>>
      %dma_wait3A_125 = tpu.memref_squeeze %dma_wait3A_124 : memref<1x128xi32, #tpu.memory_space<vmem>> -> memref<128xi32, #tpu.memory_space<vmem>>
      %dma_wait3A_126 = tpu.memref_slice %arg4[%add3A_17] : memref<160000xi32, #tpu.memory_space<hbm>> -> memref<128xi32, #tpu.memory_space<hbm>>
      tpu.wait_dma2 semaphore(%run_scoped3A_110 : memref<!tpu.dma_semaphore, #tpu.memory_space<semaphore_mem>>) src(%dma_wait3A_126 : memref<128xi32, #tpu.memory_space<hbm>>) dst(%dma_wait3A_125 : memref<128xi32, #tpu.memory_space<vmem>>)
      tpu.yield
    }) : () -> ()
    %mul3A_19 = arith.constant 160000 : i32
    %mul3A_20 = arith.muli %arg0, %mul3A_19 : i32
    %add3A_21 = arith.addi %mul3A_20, %mul3A_2 : i32
    %add3A_22 = arith.constant 256 : i32
    %add3A_23 = arith.addi %add3A_21, %add3A_22 : i32
    %run_scoped3A_24 = arith.constant 2 : i32
    "tpu.region"() ({
      %run_scoped3A_110 = tpu.sem_alloc : memref<!tpu.dma_semaphore, #tpu.memory_space<semaphore_mem>>
      %dma_start3A_111 = arith.constant 0 : i32
      %dma_start3A_112 = tpu.memref_slice %arg6[%run_scoped3A_24, %dma_start3A_111] : memref<4x128xi32, #tpu.memory_space<vmem>> -> memref<1x128xi32, #tpu.memory_space<vmem>>
      %dma_start3A_113 = tpu.memref_squeeze %dma_start3A_112 : memref<1x128xi32, #tpu.memory_space<vmem>> -> memref<128xi32, #tpu.memory_space<vmem>>
      %dma_start3A_114 = tpu.memref_slice %arg3[%add3A_23] : memref<320000xi32, #tpu.memory_space<hbm>> -> memref<128xi32, #tpu.memory_space<hbm>>
      %dma_start3A_115 = arith.constant 0 : i32
      %dma_start3A_116 = tpu.memref_slice %arg6[%run_scoped3A_24, %dma_start3A_115] : memref<4x128xi32, #tpu.memory_space<vmem>> -> memref<1x128xi32, #tpu.memory_space<vmem>>
      %dma_start3A_117 = tpu.memref_squeeze %dma_start3A_116 : memref<1x128xi32, #tpu.memory_space<vmem>> -> memref<128xi32, #tpu.memory_space<vmem>>
      %dma_start3A_118 = tpu.memref_slice %arg3[%add3A_23] : memref<320000xi32, #tpu.memory_space<hbm>> -> memref<128xi32, #tpu.memory_space<hbm>>
      tpu.enqueue_dma source(%dma_start3A_118 : memref<128xi32, #tpu.memory_space<hbm>>) target(%dma_start3A_117 : memref<128xi32, #tpu.memory_space<vmem>>) target_semaphore(%run_scoped3A_110 : memref<!tpu.dma_semaphore, #tpu.memory_space<semaphore_mem>>)
      %dma_wait3A_119 = arith.constant 0 : i32
      %dma_wait3A_120 = tpu.memref_slice %arg6[%run_scoped3A_24, %dma_wait3A_119] : memref<4x128xi32, #tpu.memory_space<vmem>> -> memref<1x128xi32, #tpu.memory_space<vmem>>
      %dma_wait3A_121 = tpu.memref_squeeze %dma_wait3A_120 : memref<1x128xi32, #tpu.memory_space<vmem>> -> memref<128xi32, #tpu.memory_space<vmem>>
      %dma_wait3A_122 = tpu.memref_slice %arg3[%add3A_23] : memref<320000xi32, #tpu.memory_space<hbm>> -> memref<128xi32, #tpu.memory_space<hbm>>
      %dma_wait3A_123 = arith.constant 0 : i32
      %dma_wait3A_124 = tpu.memref_slice %arg6[%run_scoped3A_24, %dma_wait3A_123] : memref<4x128xi32, #tpu.memory_space<vmem>> -> memref<1x128xi32, #tpu.memory_space<vmem>>
      %dma_wait3A_125 = tpu.memref_squeeze %dma_wait3A_124 : memref<1x128xi32, #tpu.memory_space<vmem>> -> memref<128xi32, #tpu.memory_space<vmem>>
      %dma_wait3A_126 = tpu.memref_slice %arg3[%add3A_23] : memref<320000xi32, #tpu.memory_space<hbm>> -> memref<128xi32, #tpu.memory_space<hbm>>
      tpu.wait_dma2 semaphore(%run_scoped3A_110 : memref<!tpu.dma_semaphore, #tpu.memory_space<semaphore_mem>>) src(%dma_wait3A_126 : memref<128xi32, #tpu.memory_space<hbm>>) dst(%dma_wait3A_125 : memref<128xi32, #tpu.memory_space<vmem>>)
      tpu.yield
    }) : () -> ()
    %add3A_25 = arith.constant 256 : i32
    %add3A_26 = arith.addi %mul3A_2, %add3A_25 : i32
    %run_scoped3A_27 = arith.constant 2 : i32
    "tpu.region"() ({
      %run_scoped3A_110 = tpu.sem_alloc : memref<!tpu.dma_semaphore, #tpu.memory_space<semaphore_mem>>
      %dma_start3A_111 = arith.constant 0 : i32
      %dma_start3A_112 = tpu.memref_slice %arg7[%run_scoped3A_27, %dma_start3A_111] : memref<4x128xi32, #tpu.memory_space<vmem>> -> memref<1x128xi32, #tpu.memory_space<vmem>>
      %dma_start3A_113 = tpu.memref_squeeze %dma_start3A_112 : memref<1x128xi32, #tpu.memory_space<vmem>> -> memref<128xi32, #tpu.memory_space<vmem>>
      %dma_start3A_114 = tpu.memref_slice %arg4[%add3A_26] : memref<160000xi32, #tpu.memory_space<hbm>> -> memref<128xi32, #tpu.memory_space<hbm>>
      %dma_start3A_115 = arith.constant 0 : i32
      %dma_start3A_116 = tpu.memref_slice %arg7[%run_scoped3A_27, %dma_start3A_115] : memref<4x128xi32, #tpu.memory_space<vmem>> -> memref<1x128xi32, #tpu.memory_space<vmem>>
      %dma_start3A_117 = tpu.memref_squeeze %dma_start3A_116 : memref<1x128xi32, #tpu.memory_space<vmem>> -> memref<128xi32, #tpu.memory_space<vmem>>
      %dma_start3A_118 = tpu.memref_slice %arg4[%add3A_26] : memref<160000xi32, #tpu.memory_space<hbm>> -> memref<128xi32, #tpu.memory_space<hbm>>
      tpu.enqueue_dma source(%dma_start3A_118 : memref<128xi32, #tpu.memory_space<hbm>>) target(%dma_start3A_117 : memref<128xi32, #tpu.memory_space<vmem>>) target_semaphore(%run_scoped3A_110 : memref<!tpu.dma_semaphore, #tpu.memory_space<semaphore_mem>>)
      %dma_wait3A_119 = arith.constant 0 : i32
      %dma_wait3A_120 = tpu.memref_slice %arg7[%run_scoped3A_27, %dma_wait3A_119] : memref<4x128xi32, #tpu.memory_space<vmem>> -> memref<1x128xi32, #tpu.memory_space<vmem>>
      %dma_wait3A_121 = tpu.memref_squeeze %dma_wait3A_120 : memref<1x128xi32, #tpu.memory_space<vmem>> -> memref<128xi32, #tpu.memory_space<vmem>>
      %dma_wait3A_122 = tpu.memref_slice %arg4[%add3A_26] : memref<160000xi32, #tpu.memory_space<hbm>> -> memref<128xi32, #tpu.memory_space<hbm>>
      %dma_wait3A_123 = arith.constant 0 : i32
      %dma_wait3A_124 = tpu.memref_slice %arg7[%run_scoped3A_27, %dma_wait3A_123] : memref<4x128xi32, #tpu.memory_space<vmem>> -> memref<1x128xi32, #tpu.memory_space<vmem>>
      %dma_wait3A_125 = tpu.memref_squeeze %dma_wait3A_124 : memref<1x128xi32, #tpu.memory_space<vmem>> -> memref<128xi32, #tpu.memory_space<vmem>>
      %dma_wait3A_126 = tpu.memref_slice %arg4[%add3A_26] : memref<160000xi32, #tpu.memory_space<hbm>> -> memref<128xi32, #tpu.memory_space<hbm>>
      tpu.wait_dma2 semaphore(%run_scoped3A_110 : memref<!tpu.dma_semaphore, #tpu.memory_space<semaphore_mem>>) src(%dma_wait3A_126 : memref<128xi32, #tpu.memory_space<hbm>>) dst(%dma_wait3A_125 : memref<128xi32, #tpu.memory_space<vmem>>)
      tpu.yield
    }) : () -> ()
    %dma_start3A = arith.constant 0 : i32
    %dma_start3A_28 = arith.constant 0 : i32
    %dma_start3A_29 = arith.constant 0 : i32
    %dma_start3A_30 = arith.constant 0 : i32
    %dma_start3A_31 = tpu.memref_slice %arg8[%dma_start3A_28, %dma_start3A_29, %dma_start3A_30] : memref<3x128x128xf32, #tpu.memory_space<vmem>> -> memref<1x128x128xf32, #tpu.memory_space<vmem>>
    %dma_start3A_32 = tpu.memref_squeeze %dma_start3A_31 : memref<1x128x128xf32, #tpu.memory_space<vmem>> -> memref<128x128xf32, #tpu.memory_space<vmem>>
    %dma_start3A_33 = arith.constant 0 : i32
    %dma_start3A_34 = tpu.memref_slice %arg6[%dma_start3A, %dma_start3A_33] : memref<4x128xi32, #tpu.memory_space<vmem>> -> memref<1x128xi32, #tpu.memory_space<vmem>>
    %dma_start3A_35 = tpu.memref_squeeze %dma_start3A_34 : memref<1x128xi32, #tpu.memory_space<vmem>> -> memref<128xi32, #tpu.memory_space<vmem>>
    %dma_start3A_36 = arith.constant 0 : i32
    %dma_start3A_37 = arith.constant 0 : i32
    %dma_start3A_38 = tpu.memref_slice %arg2[%dma_start3A_36, %dma_start3A_37] : memref<20000x128xf32, #tpu.memory_space<hbm>> -> memref<20000x128xf32, #tpu.memory_space<hbm>>
    tpu.enqueue_indirect_dma source(%dma_start3A_38 : memref<20000x128xf32, #tpu.memory_space<hbm>>) target(%dma_start3A_32 : memref<128x128xf32, #tpu.memory_space<vmem>>) offsets(%dma_start3A_35 : memref<128xi32, #tpu.memory_space<vmem>>) semaphore(%arg10 : memref<!tpu.dma_semaphore, #tpu.memory_space<semaphore_mem>>)
    %dma_start3A_39 = arith.constant 1 : i32
    %dma_start3A_40 = arith.constant 1 : i32
    %dma_start3A_41 = arith.constant 0 : i32
    %dma_start3A_42 = arith.constant 0 : i32
    %dma_start3A_43 = tpu.memref_slice %arg8[%dma_start3A_40, %dma_start3A_41, %dma_start3A_42] : memref<3x128x128xf32, #tpu.memory_space<vmem>> -> memref<1x128x128xf32, #tpu.memory_space<vmem>>
    %dma_start3A_44 = tpu.memref_squeeze %dma_start3A_43 : memref<1x128x128xf32, #tpu.memory_space<vmem>> -> memref<128x128xf32, #tpu.memory_space<vmem>>
    %dma_start3A_45 = arith.constant 0 : i32
    %dma_start3A_46 = tpu.memref_slice %arg6[%dma_start3A_39, %dma_start3A_45] : memref<4x128xi32, #tpu.memory_space<vmem>> -> memref<1x128xi32, #tpu.memory_space<vmem>>
    %dma_start3A_47 = tpu.memref_squeeze %dma_start3A_46 : memref<1x128xi32, #tpu.memory_space<vmem>> -> memref<128xi32, #tpu.memory_space<vmem>>
    %dma_start3A_48 = arith.constant 0 : i32
    %dma_start3A_49 = arith.constant 0 : i32
    %dma_start3A_50 = tpu.memref_slice %arg2[%dma_start3A_48, %dma_start3A_49] : memref<20000x128xf32, #tpu.memory_space<hbm>> -> memref<20000x128xf32, #tpu.memory_space<hbm>>
    tpu.enqueue_indirect_dma source(%dma_start3A_50 : memref<20000x128xf32, #tpu.memory_space<hbm>>) target(%dma_start3A_44 : memref<128x128xf32, #tpu.memory_space<vmem>>) offsets(%dma_start3A_47 : memref<128xi32, #tpu.memory_space<vmem>>) semaphore(%arg11 : memref<!tpu.dma_semaphore, #tpu.memory_space<semaphore_mem>>)
    %mul3A_51 = arith.constant 10000 : i32
    %mul3A_52 = arith.muli %arg0, %mul3A_51 : i32
    %mul3A_53 = arith.constant 624 : i32
    %mul3A_54 = arith.muli %arg1, %mul3A_53 : i32
    %add3A_55 = arith.addi %mul3A_52, %mul3A_54 : i32
    %mul3A_56 = arith.constant 624 : i32
    %mul3A_57 = arith.muli %arg1, %mul3A_56 : i32
    "tpu.region"() ({
      %run_scoped3A_110 = tpu.sem_alloc : memref<!tpu.dma_semaphore, #tpu.memory_space<semaphore_mem>>
      %dma_start3A_111 = arith.constant 0 : i32
      %dma_start3A_112 = tpu.memref_slice %arg9[%mul3A_57, %dma_start3A_111] : memref<10000x128xf32, #tpu.memory_space<vmem_shared>> -> memref<624x128xf32, #tpu.memory_space<vmem_shared>>
      %dma_start3A_113 = arith.constant 0 : i32
      %dma_start3A_114 = tpu.memref_slice %arg2[%add3A_55, %dma_start3A_113] : memref<20000x128xf32, #tpu.memory_space<hbm>> -> memref<624x128xf32, #tpu.memory_space<hbm>>
      tpu.enqueue_dma source(%dma_start3A_114 : memref<624x128xf32, #tpu.memory_space<hbm>>) target(%dma_start3A_112 : memref<624x128xf32, #tpu.memory_space<vmem_shared>>) target_semaphore(%run_scoped3A_110 : memref<!tpu.dma_semaphore, #tpu.memory_space<semaphore_mem>>)
      %dma_wait3A_115 = arith.constant 0 : i32
      %dma_wait3A_116 = tpu.memref_slice %arg9[%mul3A_57, %dma_wait3A_115] : memref<10000x128xf32, #tpu.memory_space<vmem_shared>> -> memref<624x128xf32, #tpu.memory_space<vmem_shared>>
      %dma_wait3A_117 = arith.constant 0 : i32
      %dma_wait3A_118 = tpu.memref_slice %arg2[%add3A_55, %dma_wait3A_117] : memref<20000x128xf32, #tpu.memory_space<hbm>> -> memref<624x128xf32, #tpu.memory_space<hbm>>
      tpu.wait_dma2 semaphore(%run_scoped3A_110 : memref<!tpu.dma_semaphore, #tpu.memory_space<semaphore_mem>>) src(%dma_wait3A_118 : memref<624x128xf32, #tpu.memory_space<hbm>>) dst(%dma_wait3A_116 : memref<624x128xf32, #tpu.memory_space<vmem_shared>>)
      tpu.yield
    }) : () -> ()
    %eq3A_58 = arith.constant 0 : i32
    %eq3A_59 = arith.cmpi eq, %arg1, %eq3A_58 : i32
    %convert_element_type3A = arith.extui %eq3A_59 : i1 to i32
    %cond3A = arith.constant 0 : i32
    %cond3A_60 = arith.cmpi ne, %convert_element_type3A, %cond3A : i32
    scf.if %cond3A_60 {
      %mul3A_110 = arith.constant 10000 : i32
      %mul3A_111 = arith.muli %arg0, %mul3A_110 : i32
      %add3A_112 = arith.constant 9984 : i32
      %add3A_113 = arith.addi %mul3A_111, %add3A_112 : i32
      "tpu.region"() ({
        %run_scoped3A_114 = tpu.sem_alloc : memref<!tpu.dma_semaphore, #tpu.memory_space<semaphore_mem>>
        %dma_start3A_115 = arith.constant 9984 : i32
        %dma_start3A_116 = arith.constant 0 : i32
        %dma_start3A_117 = tpu.memref_slice %arg9[%dma_start3A_115, %dma_start3A_116] : memref<10000x128xf32, #tpu.memory_space<vmem_shared>> -> memref<16x128xf32, #tpu.memory_space<vmem_shared>>
        %dma_start3A_118 = arith.constant 0 : i32
        %dma_start3A_119 = tpu.memref_slice %arg2[%add3A_113, %dma_start3A_118] : memref<20000x128xf32, #tpu.memory_space<hbm>> -> memref<16x128xf32, #tpu.memory_space<hbm>>
        tpu.enqueue_dma source(%dma_start3A_119 : memref<16x128xf32, #tpu.memory_space<hbm>>) target(%dma_start3A_117 : memref<16x128xf32, #tpu.memory_space<vmem_shared>>) target_semaphore(%run_scoped3A_114 : memref<!tpu.dma_semaphore, #tpu.memory_space<semaphore_mem>>)
        %dma_wait3A_120 = arith.constant 9984 : i32
        %dma_wait3A_121 = arith.constant 0 : i32
        %dma_wait3A_122 = tpu.memref_slice %arg9[%dma_wait3A_120, %dma_wait3A_121] : memref<10000x128xf32, #tpu.memory_space<vmem_shared>> -> memref<16x128xf32, #tpu.memory_space<vmem_shared>>
        %dma_wait3A_123 = arith.constant 0 : i32
        %dma_wait3A_124 = tpu.memref_slice %arg2[%add3A_113, %dma_wait3A_123] : memref<20000x128xf32, #tpu.memory_space<hbm>> -> memref<16x128xf32, #tpu.memory_space<hbm>>
        tpu.wait_dma2 semaphore(%run_scoped3A_114 : memref<!tpu.dma_semaphore, #tpu.memory_space<semaphore_mem>>) src(%dma_wait3A_124 : memref<16x128xf32, #tpu.memory_space<hbm>>) dst(%dma_wait3A_122 : memref<16x128xf32, #tpu.memory_space<vmem_shared>>)
        tpu.yield
      }) : () -> ()
    } else {
    }
    %barrier3A = arith.constant 0 : index
    tpu.barrier barrier_id(%barrier3A)
    %scan3A = arith.constant 0 : i32
    %scan3A_61 = arith.constant 27 : i32
    %scan3A_62 = arith.addi %scan3A, %scan3A_61 : i32
    %scan3A_63 = arith.constant 1 : i32
    scf.for %scan3A_110 = %scan3A to %scan3A_62 step %scan3A_63  : i32 {
      %mul3A_111 = arith.constant 3 : i32
      %mul3A_112 = arith.muli %scan3A_110, %mul3A_111 : i32
      %add3A_113 = arith.constant 0 : i32
      %add3A_114 = arith.addi %add3A_113, %mul3A_112 : i32
      %add3A_115 = arith.constant 0 : i32
      %add3A_116 = arith.addi %add3A_114, %add3A_115 : i32
      %lt3A = arith.cmpi slt, %add3A_116, %select_n3A : i32
      %convert_element_type3A_117 = arith.extui %lt3A : i1 to i32
      %cond3A_118 = arith.constant 0 : i32
      %cond3A_119 = arith.cmpi ne, %convert_element_type3A_117, %cond3A_118 : i32
      scf.if %cond3A_119 {
        %and3A = arith.constant 3 : i32
        %and3A_168 = arith.andi %add3A_116, %and3A : i32
        %dma_wait3A_169 = arith.constant 0 : i32
        %dma_wait3A_170 = arith.constant 0 : i32
        %dma_wait3A_171 = arith.constant 0 : i32
        %dma_wait3A_172 = tpu.memref_slice %arg8[%dma_wait3A_169, %dma_wait3A_170, %dma_wait3A_171] : memref<3x128x128xf32, #tpu.memory_space<vmem>> -> memref<1x128x128xf32, #tpu.memory_space<vmem>>
        %dma_wait3A_173 = tpu.memref_squeeze %dma_wait3A_172 : memref<1x128x128xf32, #tpu.memory_space<vmem>> -> memref<128x128xf32, #tpu.memory_space<vmem>>
        %dma_wait3A_174 = arith.constant 0 : i32
        %dma_wait3A_175 = tpu.memref_slice %arg6[%and3A_168, %dma_wait3A_174] : memref<4x128xi32, #tpu.memory_space<vmem>> -> memref<1x128xi32, #tpu.memory_space<vmem>>
        %dma_wait3A_176 = tpu.memref_squeeze %dma_wait3A_175 : memref<1x128xi32, #tpu.memory_space<vmem>> -> memref<128xi32, #tpu.memory_space<vmem>>
        %dma_wait3A_177 = arith.constant 0 : i32
        %dma_wait3A_178 = arith.constant 0 : i32
        %dma_wait3A_179 = tpu.memref_slice %arg2[%dma_wait3A_177, %dma_wait3A_178] : memref<20000x128xf32, #tpu.memory_space<hbm>> -> memref<20000x128xf32, #tpu.memory_space<hbm>>
        tpu.wait_indirect_dma semaphore(%arg10 : memref<!tpu.dma_semaphore, #tpu.memory_space<semaphore_mem>>) src(%dma_wait3A_179 : memref<20000x128xf32, #tpu.memory_space<hbm>>) dst(%dma_wait3A_173 : memref<128x128xf32, #tpu.memory_space<vmem>>)
        %and3A_180 = arith.constant 3 : i32
        %and3A_181 = arith.andi %add3A_116, %and3A_180 : i32
        %dma_start3A_182 = arith.constant 0 : i32
        %dma_start3A_183 = arith.constant 0 : i32
        %dma_start3A_184 = arith.constant 0 : i32
        %dma_start3A_185 = tpu.memref_slice %arg8[%dma_start3A_182, %dma_start3A_183, %dma_start3A_184] : memref<3x128x128xf32, #tpu.memory_space<vmem>> -> memref<1x128x128xf32, #tpu.memory_space<vmem>>
        %dma_start3A_186 = tpu.memref_squeeze %dma_start3A_185 : memref<1x128x128xf32, #tpu.memory_space<vmem>> -> memref<128x128xf32, #tpu.memory_space<vmem>>
        %dma_start3A_187 = arith.constant 0 : i32
        %dma_start3A_188 = tpu.memref_slice %arg7[%and3A_181, %dma_start3A_187] : memref<4x128xi32, #tpu.memory_space<vmem>> -> memref<1x128xi32, #tpu.memory_space<vmem>>
        %dma_start3A_189 = tpu.memref_squeeze %dma_start3A_188 : memref<1x128xi32, #tpu.memory_space<vmem>> -> memref<128xi32, #tpu.memory_space<vmem>>
        %dma_start3A_190 = arith.constant 0 : i32
        %dma_start3A_191 = arith.constant 0 : i32
        %dma_start3A_192 = tpu.memref_slice %arg9[%dma_start3A_190, %dma_start3A_191] : memref<10000x128xf32, #tpu.memory_space<vmem_shared>> -> memref<10000x128xf32, #tpu.memory_space<vmem_shared>>
        tpu.enqueue_indirect_dma source(%dma_start3A_186 : memref<128x128xf32, #tpu.memory_space<vmem>>) target(%dma_start3A_192 : memref<10000x128xf32, #tpu.memory_space<vmem_shared>>) offsets(%dma_start3A_189 : memref<128xi32, #tpu.memory_space<vmem>>) semaphore(%arg13 : memref<!tpu.dma_semaphore, #tpu.memory_space<semaphore_mem>>) {add = true}
      } else {
      }
      %add3A_120 = arith.constant 2 : i32
      %add3A_121 = arith.addi %add3A_116, %add3A_120 : i32
      %lt3A_122 = arith.cmpi slt, %add3A_121, %select_n3A : i32
      %convert_element_type3A_123 = arith.extui %lt3A_122 : i1 to i32
      %cond3A_124 = arith.constant 0 : i32
      %cond3A_125 = arith.cmpi ne, %convert_element_type3A_123, %cond3A_124 : i32
      scf.if %cond3A_125 {
        %ge3A = arith.constant 1 : i32
        %ge3A_168 = arith.cmpi sge, %add3A_116, %ge3A : i32
        %convert_element_type3A_169 = arith.extui %ge3A_168 : i1 to i32
        %cond3A_170 = arith.constant 0 : i32
        %cond3A_171 = arith.cmpi ne, %convert_element_type3A_169, %cond3A_170 : i32
        scf.if %cond3A_171 {
          %sub3A = arith.constant 1 : i32
          %sub3A_186 = arith.subi %add3A_116, %sub3A : i32
          %and3A_187 = arith.constant 3 : i32
          %and3A_188 = arith.andi %sub3A_186, %and3A_187 : i32
          %dma_wait3A_189 = arith.constant 2 : i32
          %dma_wait3A_190 = arith.constant 0 : i32
          %dma_wait3A_191 = arith.constant 0 : i32
          %dma_wait3A_192 = tpu.memref_slice %arg8[%dma_wait3A_189, %dma_wait3A_190, %dma_wait3A_191] : memref<3x128x128xf32, #tpu.memory_space<vmem>> -> memref<1x128x128xf32, #tpu.memory_space<vmem>>
          %dma_wait3A_193 = tpu.memref_squeeze %dma_wait3A_192 : memref<1x128x128xf32, #tpu.memory_space<vmem>> -> memref<128x128xf32, #tpu.memory_space<vmem>>
          %dma_wait3A_194 = arith.constant 0 : i32
          %dma_wait3A_195 = tpu.memref_slice %arg7[%and3A_188, %dma_wait3A_194] : memref<4x128xi32, #tpu.memory_space<vmem>> -> memref<1x128xi32, #tpu.memory_space<vmem>>
          %dma_wait3A_196 = tpu.memref_squeeze %dma_wait3A_195 : memref<1x128xi32, #tpu.memory_space<vmem>> -> memref<128xi32, #tpu.memory_space<vmem>>
          %dma_wait3A_197 = arith.constant 0 : i32
          %dma_wait3A_198 = arith.constant 0 : i32
          %dma_wait3A_199 = tpu.memref_slice %arg9[%dma_wait3A_197, %dma_wait3A_198] : memref<10000x128xf32, #tpu.memory_space<vmem_shared>> -> memref<10000x128xf32, #tpu.memory_space<vmem_shared>>
          tpu.wait_indirect_dma semaphore(%arg15 : memref<!tpu.dma_semaphore, #tpu.memory_space<semaphore_mem>>) src(%dma_wait3A_193 : memref<128x128xf32, #tpu.memory_space<vmem>>) dst(%dma_wait3A_199 : memref<10000x128xf32, #tpu.memory_space<vmem_shared>>)
          %add3A_200 = arith.constant 2 : i32
          %add3A_201 = arith.addi %add3A_116, %add3A_200 : i32
          %and3A_202 = arith.constant 3 : i32
          %and3A_203 = arith.andi %add3A_201, %and3A_202 : i32
          %dma_wait3A_204 = arith.constant 0 : i32
          %dma_wait3A_205 = tpu.memref_slice %arg6[%and3A_203, %dma_wait3A_204] : memref<4x128xi32, #tpu.memory_space<vmem>> -> memref<1x128xi32, #tpu.memory_space<vmem>>
          %dma_wait3A_206 = tpu.memref_squeeze %dma_wait3A_205 : memref<1x128xi32, #tpu.memory_space<vmem>> -> memref<128xi32, #tpu.memory_space<vmem>>
          %dma_wait3A_207 = arith.constant 0 : i32
          %dma_wait3A_208 = tpu.memref_slice %arg3[%dma_wait3A_207] : memref<320000xi32, #tpu.memory_space<hbm>> -> memref<128xi32, #tpu.memory_space<hbm>>
          %dma_wait3A_209 = arith.constant 0 : i32
          %dma_wait3A_210 = tpu.memref_slice %arg6[%and3A_203, %dma_wait3A_209] : memref<4x128xi32, #tpu.memory_space<vmem>> -> memref<1x128xi32, #tpu.memory_space<vmem>>
          %dma_wait3A_211 = tpu.memref_squeeze %dma_wait3A_210 : memref<1x128xi32, #tpu.memory_space<vmem>> -> memref<128xi32, #tpu.memory_space<vmem>>
          %dma_wait3A_212 = arith.constant 0 : i32
          %dma_wait3A_213 = tpu.memref_slice %arg3[%dma_wait3A_212] : memref<320000xi32, #tpu.memory_space<hbm>> -> memref<128xi32, #tpu.memory_space<hbm>>
          tpu.wait_dma2 semaphore(%arg18 : memref<!tpu.dma_semaphore, #tpu.memory_space<semaphore_mem>>) src(%dma_wait3A_213 : memref<128xi32, #tpu.memory_space<hbm>>) dst(%dma_wait3A_211 : memref<128xi32, #tpu.memory_space<vmem>>)
          %add3A_214 = arith.constant 2 : i32
          %add3A_215 = arith.addi %add3A_116, %add3A_214 : i32
          %and3A_216 = arith.constant 3 : i32
          %and3A_217 = arith.andi %add3A_215, %and3A_216 : i32
          %dma_wait3A_218 = arith.constant 0 : i32
          %dma_wait3A_219 = tpu.memref_slice %arg7[%and3A_217, %dma_wait3A_218] : memref<4x128xi32, #tpu.memory_space<vmem>> -> memref<1x128xi32, #tpu.memory_space<vmem>>
          %dma_wait3A_220 = tpu.memref_squeeze %dma_wait3A_219 : memref<1x128xi32, #tpu.memory_space<vmem>> -> memref<128xi32, #tpu.memory_space<vmem>>
          %dma_wait3A_221 = arith.constant 0 : i32
          %dma_wait3A_222 = tpu.memref_slice %arg4[%dma_wait3A_221] : memref<160000xi32, #tpu.memory_space<hbm>> -> memref<128xi32, #tpu.memory_space<hbm>>
          %dma_wait3A_223 = arith.constant 0 : i32
          %dma_wait3A_224 = tpu.memref_slice %arg7[%and3A_217, %dma_wait3A_223] : memref<4x128xi32, #tpu.memory_space<vmem>> -> memref<1x128xi32, #tpu.memory_space<vmem>>
          %dma_wait3A_225 = tpu.memref_squeeze %dma_wait3A_224 : memref<1x128xi32, #tpu.memory_space<vmem>> -> memref<128xi32, #tpu.memory_space<vmem>>
          %dma_wait3A_226 = arith.constant 0 : i32
          %dma_wait3A_227 = tpu.memref_slice %arg4[%dma_wait3A_226] : memref<160000xi32, #tpu.memory_space<hbm>> -> memref<128xi32, #tpu.memory_space<hbm>>
          tpu.wait_dma2 semaphore(%arg18 : memref<!tpu.dma_semaphore, #tpu.memory_space<semaphore_mem>>) src(%dma_wait3A_227 : memref<128xi32, #tpu.memory_space<hbm>>) dst(%dma_wait3A_225 : memref<128xi32, #tpu.memory_space<vmem>>)
        } else {
        }
        %add3A_172 = arith.constant 2 : i32
        %add3A_173 = arith.addi %add3A_116, %add3A_172 : i32
        %and3A = arith.constant 3 : i32
        %and3A_174 = arith.andi %add3A_173, %and3A : i32
        %dma_start3A_175 = arith.constant 2 : i32
        %dma_start3A_176 = arith.constant 0 : i32
        %dma_start3A_177 = arith.constant 0 : i32
        %dma_start3A_178 = tpu.memref_slice %arg8[%dma_start3A_175, %dma_start3A_176, %dma_start3A_177] : memref<3x128x128xf32, #tpu.memory_space<vmem>> -> memref<1x128x128xf32, #tpu.memory_space<vmem>>
        %dma_start3A_179 = tpu.memref_squeeze %dma_start3A_178 : memref<1x128x128xf32, #tpu.memory_space<vmem>> -> memref<128x128xf32, #tpu.memory_space<vmem>>
        %dma_start3A_180 = arith.constant 0 : i32
        %dma_start3A_181 = tpu.memref_slice %arg6[%and3A_174, %dma_start3A_180] : memref<4x128xi32, #tpu.memory_space<vmem>> -> memref<1x128xi32, #tpu.memory_space<vmem>>
        %dma_start3A_182 = tpu.memref_squeeze %dma_start3A_181 : memref<1x128xi32, #tpu.memory_space<vmem>> -> memref<128xi32, #tpu.memory_space<vmem>>
        %dma_start3A_183 = arith.constant 0 : i32
        %dma_start3A_184 = arith.constant 0 : i32
        %dma_start3A_185 = tpu.memref_slice %arg2[%dma_start3A_183, %dma_start3A_184] : memref<20000x128xf32, #tpu.memory_space<hbm>> -> memref<20000x128xf32, #tpu.memory_space<hbm>>
        tpu.enqueue_indirect_dma source(%dma_start3A_185 : memref<20000x128xf32, #tpu.memory_space<hbm>>) target(%dma_start3A_179 : memref<128x128xf32, #tpu.memory_space<vmem>>) offsets(%dma_start3A_182 : memref<128xi32, #tpu.memory_space<vmem>>) semaphore(%arg12 : memref<!tpu.dma_semaphore, #tpu.memory_space<semaphore_mem>>)
      } else {
      }
      %add3A_126 = arith.constant 3 : i32
      %add3A_127 = arith.addi %add3A_116, %add3A_126 : i32
      %lt3A_128 = arith.cmpi slt, %add3A_127, %select_n3A : i32
      %convert_element_type3A_129 = arith.extui %lt3A_128 : i1 to i32
      %cond3A_130 = arith.constant 0 : i32
      %cond3A_131 = arith.cmpi ne, %convert_element_type3A_129, %cond3A_130 : i32
      scf.if %cond3A_131 {
        %add3A_168 = arith.constant 3 : i32
        %add3A_169 = arith.addi %add3A_116, %add3A_168 : i32
        %and3A = arith.constant 3 : i32
        %and3A_170 = arith.andi %add3A_169, %and3A : i32
        %mul3A_171 = arith.constant 160000 : i32
        %mul3A_172 = arith.muli %arg0, %mul3A_171 : i32
        %add3A_173 = arith.addi %mul3A_172, %mul3A_2 : i32
        %add3A_174 = arith.constant 3 : i32
        %add3A_175 = arith.addi %add3A_116, %add3A_174 : i32
        %mul3A_176 = arith.constant 128 : i32
        %mul3A_177 = arith.muli %add3A_175, %mul3A_176 : i32
        %add3A_178 = arith.addi %add3A_173, %mul3A_177 : i32
        %dma_start3A_179 = arith.constant 0 : i32
        %dma_start3A_180 = tpu.memref_slice %arg6[%and3A_170, %dma_start3A_179] : memref<4x128xi32, #tpu.memory_space<vmem>> -> memref<1x128xi32, #tpu.memory_space<vmem>>
        %dma_start3A_181 = tpu.memref_squeeze %dma_start3A_180 : memref<1x128xi32, #tpu.memory_space<vmem>> -> memref<128xi32, #tpu.memory_space<vmem>>
        %dma_start3A_182 = tpu.memref_slice %arg3[%add3A_178] : memref<320000xi32, #tpu.memory_space<hbm>> -> memref<128xi32, #tpu.memory_space<hbm>>
        %dma_start3A_183 = arith.constant 0 : i32
        %dma_start3A_184 = tpu.memref_slice %arg6[%and3A_170, %dma_start3A_183] : memref<4x128xi32, #tpu.memory_space<vmem>> -> memref<1x128xi32, #tpu.memory_space<vmem>>
        %dma_start3A_185 = tpu.memref_squeeze %dma_start3A_184 : memref<1x128xi32, #tpu.memory_space<vmem>> -> memref<128xi32, #tpu.memory_space<vmem>>
        %dma_start3A_186 = tpu.memref_slice %arg3[%add3A_178] : memref<320000xi32, #tpu.memory_space<hbm>> -> memref<128xi32, #tpu.memory_space<hbm>>
        tpu.enqueue_dma source(%dma_start3A_186 : memref<128xi32, #tpu.memory_space<hbm>>) target(%dma_start3A_185 : memref<128xi32, #tpu.memory_space<vmem>>) target_semaphore(%arg16 : memref<!tpu.dma_semaphore, #tpu.memory_space<semaphore_mem>>)
        %add3A_187 = arith.constant 3 : i32
        %add3A_188 = arith.addi %add3A_116, %add3A_187 : i32
        %mul3A_189 = arith.constant 128 : i32
        %mul3A_190 = arith.muli %add3A_188, %mul3A_189 : i32
        %add3A_191 = arith.addi %mul3A_2, %mul3A_190 : i32
        %dma_start3A_192 = arith.constant 0 : i32
        %dma_start3A_193 = tpu.memref_slice %arg7[%and3A_170, %dma_start3A_192] : memref<4x128xi32, #tpu.memory_space<vmem>> -> memref<1x128xi32, #tpu.memory_space<vmem>>
        %dma_start3A_194 = tpu.memref_squeeze %dma_start3A_193 : memref<1x128xi32, #tpu.memory_space<vmem>> -> memref<128xi32, #tpu.memory_space<vmem>>
        %dma_start3A_195 = tpu.memref_slice %arg4[%add3A_191] : memref<160000xi32, #tpu.memory_space<hbm>> -> memref<128xi32, #tpu.memory_space<hbm>>
        %dma_start3A_196 = arith.constant 0 : i32
        %dma_start3A_197 = tpu.memref_slice %arg7[%and3A_170, %dma_start3A_196] : memref<4x128xi32, #tpu.memory_space<vmem>> -> memref<1x128xi32, #tpu.memory_space<vmem>>
        %dma_start3A_198 = tpu.memref_squeeze %dma_start3A_197 : memref<1x128xi32, #tpu.memory_space<vmem>> -> memref<128xi32, #tpu.memory_space<vmem>>
        %dma_start3A_199 = tpu.memref_slice %arg4[%add3A_191] : memref<160000xi32, #tpu.memory_space<hbm>> -> memref<128xi32, #tpu.memory_space<hbm>>
        tpu.enqueue_dma source(%dma_start3A_199 : memref<128xi32, #tpu.memory_space<hbm>>) target(%dma_start3A_198 : memref<128xi32, #tpu.memory_space<vmem>>) target_semaphore(%arg16 : memref<!tpu.dma_semaphore, #tpu.memory_space<semaphore_mem>>)
      } else {
      }
      %add3A_132 = arith.constant 1 : i32
      %add3A_133 = arith.addi %add3A_114, %add3A_132 : i32
      %lt3A_134 = arith.cmpi slt, %add3A_133, %select_n3A : i32
      %convert_element_type3A_135 = arith.extui %lt3A_134 : i1 to i32
      %cond3A_136 = arith.constant 0 : i32
      %cond3A_137 = arith.cmpi ne, %convert_element_type3A_135, %cond3A_136 : i32
      scf.if %cond3A_137 {
        %and3A = arith.constant 3 : i32
        %and3A_168 = arith.andi %add3A_133, %and3A : i32
        %dma_wait3A_169 = arith.constant 1 : i32
        %dma_wait3A_170 = arith.constant 0 : i32
        %dma_wait3A_171 = arith.constant 0 : i32
        %dma_wait3A_172 = tpu.memref_slice %arg8[%dma_wait3A_169, %dma_wait3A_170, %dma_wait3A_171] : memref<3x128x128xf32, #tpu.memory_space<vmem>> -> memref<1x128x128xf32, #tpu.memory_space<vmem>>
        %dma_wait3A_173 = tpu.memref_squeeze %dma_wait3A_172 : memref<1x128x128xf32, #tpu.memory_space<vmem>> -> memref<128x128xf32, #tpu.memory_space<vmem>>
        %dma_wait3A_174 = arith.constant 0 : i32
        %dma_wait3A_175 = tpu.memref_slice %arg6[%and3A_168, %dma_wait3A_174] : memref<4x128xi32, #tpu.memory_space<vmem>> -> memref<1x128xi32, #tpu.memory_space<vmem>>
        %dma_wait3A_176 = tpu.memref_squeeze %dma_wait3A_175 : memref<1x128xi32, #tpu.memory_space<vmem>> -> memref<128xi32, #tpu.memory_space<vmem>>
        %dma_wait3A_177 = arith.constant 0 : i32
        %dma_wait3A_178 = arith.constant 0 : i32
        %dma_wait3A_179 = tpu.memref_slice %arg2[%dma_wait3A_177, %dma_wait3A_178] : memref<20000x128xf32, #tpu.memory_space<hbm>> -> memref<20000x128xf32, #tpu.memory_space<hbm>>
        tpu.wait_indirect_dma semaphore(%arg11 : memref<!tpu.dma_semaphore, #tpu.memory_space<semaphore_mem>>) src(%dma_wait3A_179 : memref<20000x128xf32, #tpu.memory_space<hbm>>) dst(%dma_wait3A_173 : memref<128x128xf32, #tpu.memory_space<vmem>>)
        %and3A_180 = arith.constant 3 : i32
        %and3A_181 = arith.andi %add3A_133, %and3A_180 : i32
        %dma_start3A_182 = arith.constant 1 : i32
        %dma_start3A_183 = arith.constant 0 : i32
        %dma_start3A_184 = arith.constant 0 : i32
        %dma_start3A_185 = tpu.memref_slice %arg8[%dma_start3A_182, %dma_start3A_183, %dma_start3A_184] : memref<3x128x128xf32, #tpu.memory_space<vmem>> -> memref<1x128x128xf32, #tpu.memory_space<vmem>>
        %dma_start3A_186 = tpu.memref_squeeze %dma_start3A_185 : memref<1x128x128xf32, #tpu.memory_space<vmem>> -> memref<128x128xf32, #tpu.memory_space<vmem>>
        %dma_start3A_187 = arith.constant 0 : i32
        %dma_start3A_188 = tpu.memref_slice %arg7[%and3A_181, %dma_start3A_187] : memref<4x128xi32, #tpu.memory_space<vmem>> -> memref<1x128xi32, #tpu.memory_space<vmem>>
        %dma_start3A_189 = tpu.memref_squeeze %dma_start3A_188 : memref<1x128xi32, #tpu.memory_space<vmem>> -> memref<128xi32, #tpu.memory_space<vmem>>
        %dma_start3A_190 = arith.constant 0 : i32
        %dma_start3A_191 = arith.constant 0 : i32
        %dma_start3A_192 = tpu.memref_slice %arg9[%dma_start3A_190, %dma_start3A_191] : memref<10000x128xf32, #tpu.memory_space<vmem_shared>> -> memref<10000x128xf32, #tpu.memory_space<vmem_shared>>
        tpu.enqueue_indirect_dma source(%dma_start3A_186 : memref<128x128xf32, #tpu.memory_space<vmem>>) target(%dma_start3A_192 : memref<10000x128xf32, #tpu.memory_space<vmem_shared>>) offsets(%dma_start3A_189 : memref<128xi32, #tpu.memory_space<vmem>>) semaphore(%arg14 : memref<!tpu.dma_semaphore, #tpu.memory_space<semaphore_mem>>) {add = true}
      } else {
      }
      %add3A_138 = arith.constant 2 : i32
      %add3A_139 = arith.addi %add3A_133, %add3A_138 : i32
      %lt3A_140 = arith.cmpi slt, %add3A_139, %select_n3A : i32
      %convert_element_type3A_141 = arith.extui %lt3A_140 : i1 to i32
      %cond3A_142 = arith.constant 0 : i32
      %cond3A_143 = arith.cmpi ne, %convert_element_type3A_141, %cond3A_142 : i32
      scf.if %cond3A_143 {
        %ge3A = arith.constant 1 : i32
        %ge3A_168 = arith.cmpi sge, %add3A_133, %ge3A : i32
        %convert_element_type3A_169 = arith.extui %ge3A_168 : i1 to i32
        %cond3A_170 = arith.constant 0 : i32
        %cond3A_171 = arith.cmpi ne, %convert_element_type3A_169, %cond3A_170 : i32
        scf.if %cond3A_171 {
          %sub3A = arith.constant 1 : i32
          %sub3A_186 = arith.subi %add3A_133, %sub3A : i32
          %and3A_187 = arith.constant 3 : i32
          %and3A_188 = arith.andi %sub3A_186, %and3A_187 : i32
          %dma_wait3A_189 = arith.constant 0 : i32
          %dma_wait3A_190 = arith.constant 0 : i32
          %dma_wait3A_191 = arith.constant 0 : i32
          %dma_wait3A_192 = tpu.memref_slice %arg8[%dma_wait3A_189, %dma_wait3A_190, %dma_wait3A_191] : memref<3x128x128xf32, #tpu.memory_space<vmem>> -> memref<1x128x128xf32, #tpu.memory_space<vmem>>
          %dma_wait3A_193 = tpu.memref_squeeze %dma_wait3A_192 : memref<1x128x128xf32, #tpu.memory_space<vmem>> -> memref<128x128xf32, #tpu.memory_space<vmem>>
          %dma_wait3A_194 = arith.constant 0 : i32
          %dma_wait3A_195 = tpu.memref_slice %arg7[%and3A_188, %dma_wait3A_194] : memref<4x128xi32, #tpu.memory_space<vmem>> -> memref<1x128xi32, #tpu.memory_space<vmem>>
          %dma_wait3A_196 = tpu.memref_squeeze %dma_wait3A_195 : memref<1x128xi32, #tpu.memory_space<vmem>> -> memref<128xi32, #tpu.memory_space<vmem>>
          %dma_wait3A_197 = arith.constant 0 : i32
          %dma_wait3A_198 = arith.constant 0 : i32
          %dma_wait3A_199 = tpu.memref_slice %arg9[%dma_wait3A_197, %dma_wait3A_198] : memref<10000x128xf32, #tpu.memory_space<vmem_shared>> -> memref<10000x128xf32, #tpu.memory_space<vmem_shared>>
          tpu.wait_indirect_dma semaphore(%arg13 : memref<!tpu.dma_semaphore, #tpu.memory_space<semaphore_mem>>) src(%dma_wait3A_193 : memref<128x128xf32, #tpu.memory_space<vmem>>) dst(%dma_wait3A_199 : memref<10000x128xf32, #tpu.memory_space<vmem_shared>>)
          %add3A_200 = arith.constant 2 : i32
          %add3A_201 = arith.addi %add3A_133, %add3A_200 : i32
          %and3A_202 = arith.constant 3 : i32
          %and3A_203 = arith.andi %add3A_201, %and3A_202 : i32
          %dma_wait3A_204 = arith.constant 0 : i32
          %dma_wait3A_205 = tpu.memref_slice %arg6[%and3A_203, %dma_wait3A_204] : memref<4x128xi32, #tpu.memory_space<vmem>> -> memref<1x128xi32, #tpu.memory_space<vmem>>
          %dma_wait3A_206 = tpu.memref_squeeze %dma_wait3A_205 : memref<1x128xi32, #tpu.memory_space<vmem>> -> memref<128xi32, #tpu.memory_space<vmem>>
          %dma_wait3A_207 = arith.constant 0 : i32
          %dma_wait3A_208 = tpu.memref_slice %arg3[%dma_wait3A_207] : memref<320000xi32, #tpu.memory_space<hbm>> -> memref<128xi32, #tpu.memory_space<hbm>>
          %dma_wait3A_209 = arith.constant 0 : i32
          %dma_wait3A_210 = tpu.memref_slice %arg6[%and3A_203, %dma_wait3A_209] : memref<4x128xi32, #tpu.memory_space<vmem>> -> memref<1x128xi32, #tpu.memory_space<vmem>>
          %dma_wait3A_211 = tpu.memref_squeeze %dma_wait3A_210 : memref<1x128xi32, #tpu.memory_space<vmem>> -> memref<128xi32, #tpu.memory_space<vmem>>
          %dma_wait3A_212 = arith.constant 0 : i32
          %dma_wait3A_213 = tpu.memref_slice %arg3[%dma_wait3A_212] : memref<320000xi32, #tpu.memory_space<hbm>> -> memref<128xi32, #tpu.memory_space<hbm>>
          tpu.wait_dma2 semaphore(%arg16 : memref<!tpu.dma_semaphore, #tpu.memory_space<semaphore_mem>>) src(%dma_wait3A_213 : memref<128xi32, #tpu.memory_space<hbm>>) dst(%dma_wait3A_211 : memref<128xi32, #tpu.memory_space<vmem>>)
          %add3A_214 = arith.constant 2 : i32
          %add3A_215 = arith.addi %add3A_133, %add3A_214 : i32
          %and3A_216 = arith.constant 3 : i32
          %and3A_217 = arith.andi %add3A_215, %and3A_216 : i32
          %dma_wait3A_218 = arith.constant 0 : i32
          %dma_wait3A_219 = tpu.memref_slice %arg7[%and3A_217, %dma_wait3A_218] : memref<4x128xi32, #tpu.memory_space<vmem>> -> memref<1x128xi32, #tpu.memory_space<vmem>>
          %dma_wait3A_220 = tpu.memref_squeeze %dma_wait3A_219 : memref<1x128xi32, #tpu.memory_space<vmem>> -> memref<128xi32, #tpu.memory_space<vmem>>
          %dma_wait3A_221 = arith.constant 0 : i32
          %dma_wait3A_222 = tpu.memref_slice %arg4[%dma_wait3A_221] : memref<160000xi32, #tpu.memory_space<hbm>> -> memref<128xi32, #tpu.memory_space<hbm>>
          %dma_wait3A_223 = arith.constant 0 : i32
          %dma_wait3A_224 = tpu.memref_slice %arg7[%and3A_217, %dma_wait3A_223] : memref<4x128xi32, #tpu.memory_space<vmem>> -> memref<1x128xi32, #tpu.memory_space<vmem>>
          %dma_wait3A_225 = tpu.memref_squeeze %dma_wait3A_224 : memref<1x128xi32, #tpu.memory_space<vmem>> -> memref<128xi32, #tpu.memory_space<vmem>>
          %dma_wait3A_226 = arith.constant 0 : i32
          %dma_wait3A_227 = tpu.memref_slice %arg4[%dma_wait3A_226] : memref<160000xi32, #tpu.memory_space<hbm>> -> memref<128xi32, #tpu.memory_space<hbm>>
          tpu.wait_dma2 semaphore(%arg16 : memref<!tpu.dma_semaphore, #tpu.memory_space<semaphore_mem>>) src(%dma_wait3A_227 : memref<128xi32, #tpu.memory_space<hbm>>) dst(%dma_wait3A_225 : memref<128xi32, #tpu.memory_space<vmem>>)
        } else {
        }
        %add3A_172 = arith.constant 2 : i32
        %add3A_173 = arith.addi %add3A_133, %add3A_172 : i32
        %and3A = arith.constant 3 : i32
        %and3A_174 = arith.andi %add3A_173, %and3A : i32
        %dma_start3A_175 = arith.constant 0 : i32
        %dma_start3A_176 = arith.constant 0 : i32
        %dma_start3A_177 = arith.constant 0 : i32
        %dma_start3A_178 = tpu.memref_slice %arg8[%dma_start3A_175, %dma_start3A_176, %dma_start3A_177] : memref<3x128x128xf32, #tpu.memory_space<vmem>> -> memref<1x128x128xf32, #tpu.memory_space<vmem>>
        %dma_start3A_179 = tpu.memref_squeeze %dma_start3A_178 : memref<1x128x128xf32, #tpu.memory_space<vmem>> -> memref<128x128xf32, #tpu.memory_space<vmem>>
        %dma_start3A_180 = arith.constant 0 : i32
        %dma_start3A_181 = tpu.memref_slice %arg6[%and3A_174, %dma_start3A_180] : memref<4x128xi32, #tpu.memory_space<vmem>> -> memref<1x128xi32, #tpu.memory_space<vmem>>
        %dma_start3A_182 = tpu.memref_squeeze %dma_start3A_181 : memref<1x128xi32, #tpu.memory_space<vmem>> -> memref<128xi32, #tpu.memory_space<vmem>>
        %dma_start3A_183 = arith.constant 0 : i32
        %dma_start3A_184 = arith.constant 0 : i32
        %dma_start3A_185 = tpu.memref_slice %arg2[%dma_start3A_183, %dma_start3A_184] : memref<20000x128xf32, #tpu.memory_space<hbm>> -> memref<20000x128xf32, #tpu.memory_space<hbm>>
        tpu.enqueue_indirect_dma source(%dma_start3A_185 : memref<20000x128xf32, #tpu.memory_space<hbm>>) target(%dma_start3A_179 : memref<128x128xf32, #tpu.memory_space<vmem>>) offsets(%dma_start3A_182 : memref<128xi32, #tpu.memory_space<vmem>>) semaphore(%arg10 : memref<!tpu.dma_semaphore, #tpu.memory_space<semaphore_mem>>)
      } else {
      }
      %add3A_144 = arith.constant 3 : i32
      %add3A_145 = arith.addi %add3A_133, %add3A_144 : i32
      %lt3A_146 = arith.cmpi slt, %add3A_145, %select_n3A : i32
      %convert_element_type3A_147 = arith.extui %lt3A_146 : i1 to i32
      %cond3A_148 = arith.constant 0 : i32
      %cond3A_149 = arith.cmpi ne, %convert_element_type3A_147, %cond3A_148 : i32
      scf.if %cond3A_149 {
        %add3A_168 = arith.constant 3 : i32
        %add3A_169 = arith.addi %add3A_133, %add3A_168 : i32
        %and3A = arith.constant 3 : i32
        %and3A_170 = arith.andi %add3A_169, %and3A : i32
        %mul3A_171 = arith.constant 160000 : i32
        %mul3A_172 = arith.muli %arg0, %mul3A_171 : i32
        %add3A_173 = arith.addi %mul3A_172, %mul3A_2 : i32
        %add3A_174 = arith.constant 3 : i32
        %add3A_175 = arith.addi %add3A_133, %add3A_174 : i32
        %mul3A_176 = arith.constant 128 : i32
        %mul3A_177 = arith.muli %add3A_175, %mul3A_176 : i32
        %add3A_178 = arith.addi %add3A_173, %mul3A_177 : i32
        %dma_start3A_179 = arith.constant 0 : i32
        %dma_start3A_180 = tpu.memref_slice %arg6[%and3A_170, %dma_start3A_179] : memref<4x128xi32, #tpu.memory_space<vmem>> -> memref<1x128xi32, #tpu.memory_space<vmem>>
        %dma_start3A_181 = tpu.memref_squeeze %dma_start3A_180 : memref<1x128xi32, #tpu.memory_space<vmem>> -> memref<128xi32, #tpu.memory_space<vmem>>
        %dma_start3A_182 = tpu.memref_slice %arg3[%add3A_178] : memref<320000xi32, #tpu.memory_space<hbm>> -> memref<128xi32, #tpu.memory_space<hbm>>
        %dma_start3A_183 = arith.constant 0 : i32
        %dma_start3A_184 = tpu.memref_slice %arg6[%and3A_170, %dma_start3A_183] : memref<4x128xi32, #tpu.memory_space<vmem>> -> memref<1x128xi32, #tpu.memory_space<vmem>>
        %dma_start3A_185 = tpu.memref_squeeze %dma_start3A_184 : memref<1x128xi32, #tpu.memory_space<vmem>> -> memref<128xi32, #tpu.memory_space<vmem>>
        %dma_start3A_186 = tpu.memref_slice %arg3[%add3A_178] : memref<320000xi32, #tpu.memory_space<hbm>> -> memref<128xi32, #tpu.memory_space<hbm>>
        tpu.enqueue_dma source(%dma_start3A_186 : memref<128xi32, #tpu.memory_space<hbm>>) target(%dma_start3A_185 : memref<128xi32, #tpu.memory_space<vmem>>) target_semaphore(%arg17 : memref<!tpu.dma_semaphore, #tpu.memory_space<semaphore_mem>>)
        %add3A_187 = arith.constant 3 : i32
        %add3A_188 = arith.addi %add3A_133, %add3A_187 : i32
        %mul3A_189 = arith.constant 128 : i32
        %mul3A_190 = arith.muli %add3A_188, %mul3A_189 : i32
        %add3A_191 = arith.addi %mul3A_2, %mul3A_190 : i32
        %dma_start3A_192 = arith.constant 0 : i32
        %dma_start3A_193 = tpu.memref_slice %arg7[%and3A_170, %dma_start3A_192] : memref<4x128xi32, #tpu.memory_space<vmem>> -> memref<1x128xi32, #tpu.memory_space<vmem>>
        %dma_start3A_194 = tpu.memref_squeeze %dma_start3A_193 : memref<1x128xi32, #tpu.memory_space<vmem>> -> memref<128xi32, #tpu.memory_space<vmem>>
        %dma_start3A_195 = tpu.memref_slice %arg4[%add3A_191] : memref<160000xi32, #tpu.memory_space<hbm>> -> memref<128xi32, #tpu.memory_space<hbm>>
        %dma_start3A_196 = arith.constant 0 : i32
        %dma_start3A_197 = tpu.memref_slice %arg7[%and3A_170, %dma_start3A_196] : memref<4x128xi32, #tpu.memory_space<vmem>> -> memref<1x128xi32, #tpu.memory_space<vmem>>
        %dma_start3A_198 = tpu.memref_squeeze %dma_start3A_197 : memref<1x128xi32, #tpu.memory_space<vmem>> -> memref<128xi32, #tpu.memory_space<vmem>>
        %dma_start3A_199 = tpu.memref_slice %arg4[%add3A_191] : memref<160000xi32, #tpu.memory_space<hbm>> -> memref<128xi32, #tpu.memory_space<hbm>>
        tpu.enqueue_dma source(%dma_start3A_199 : memref<128xi32, #tpu.memory_space<hbm>>) target(%dma_start3A_198 : memref<128xi32, #tpu.memory_space<vmem>>) target_semaphore(%arg17 : memref<!tpu.dma_semaphore, #tpu.memory_space<semaphore_mem>>)
      } else {
      }
      %add3A_150 = arith.constant 2 : i32
      %add3A_151 = arith.addi %add3A_114, %add3A_150 : i32
      %lt3A_152 = arith.cmpi slt, %add3A_151, %select_n3A : i32
      %convert_element_type3A_153 = arith.extui %lt3A_152 : i1 to i32
      %cond3A_154 = arith.constant 0 : i32
      %cond3A_155 = arith.cmpi ne, %convert_element_type3A_153, %cond3A_154 : i32
      scf.if %cond3A_155 {
        %and3A = arith.constant 3 : i32
        %and3A_168 = arith.andi %add3A_151, %and3A : i32
        %dma_wait3A_169 = arith.constant 2 : i32
        %dma_wait3A_170 = arith.constant 0 : i32
        %dma_wait3A_171 = arith.constant 0 : i32
        %dma_wait3A_172 = tpu.memref_slice %arg8[%dma_wait3A_169, %dma_wait3A_170, %dma_wait3A_171] : memref<3x128x128xf32, #tpu.memory_space<vmem>> -> memref<1x128x128xf32, #tpu.memory_space<vmem>>
        %dma_wait3A_173 = tpu.memref_squeeze %dma_wait3A_172 : memref<1x128x128xf32, #tpu.memory_space<vmem>> -> memref<128x128xf32, #tpu.memory_space<vmem>>
        %dma_wait3A_174 = arith.constant 0 : i32
        %dma_wait3A_175 = tpu.memref_slice %arg6[%and3A_168, %dma_wait3A_174] : memref<4x128xi32, #tpu.memory_space<vmem>> -> memref<1x128xi32, #tpu.memory_space<vmem>>
        %dma_wait3A_176 = tpu.memref_squeeze %dma_wait3A_175 : memref<1x128xi32, #tpu.memory_space<vmem>> -> memref<128xi32, #tpu.memory_space<vmem>>
        %dma_wait3A_177 = arith.constant 0 : i32
        %dma_wait3A_178 = arith.constant 0 : i32
        %dma_wait3A_179 = tpu.memref_slice %arg2[%dma_wait3A_177, %dma_wait3A_178] : memref<20000x128xf32, #tpu.memory_space<hbm>> -> memref<20000x128xf32, #tpu.memory_space<hbm>>
        tpu.wait_indirect_dma semaphore(%arg12 : memref<!tpu.dma_semaphore, #tpu.memory_space<semaphore_mem>>) src(%dma_wait3A_179 : memref<20000x128xf32, #tpu.memory_space<hbm>>) dst(%dma_wait3A_173 : memref<128x128xf32, #tpu.memory_space<vmem>>)
        %and3A_180 = arith.constant 3 : i32
        %and3A_181 = arith.andi %add3A_151, %and3A_180 : i32
        %dma_start3A_182 = arith.constant 2 : i32
        %dma_start3A_183 = arith.constant 0 : i32
        %dma_start3A_184 = arith.constant 0 : i32
        %dma_start3A_185 = tpu.memref_slice %arg8[%dma_start3A_182, %dma_start3A_183, %dma_start3A_184] : memref<3x128x128xf32, #tpu.memory_space<vmem>> -> memref<1x128x128xf32, #tpu.memory_space<vmem>>
        %dma_start3A_186 = tpu.memref_squeeze %dma_start3A_185 : memref<1x128x128xf32, #tpu.memory_space<vmem>> -> memref<128x128xf32, #tpu.memory_space<vmem>>
        %dma_start3A_187 = arith.constant 0 : i32
        %dma_start3A_188 = tpu.memref_slice %arg7[%and3A_181, %dma_start3A_187] : memref<4x128xi32, #tpu.memory_space<vmem>> -> memref<1x128xi32, #tpu.memory_space<vmem>>
        %dma_start3A_189 = tpu.memref_squeeze %dma_start3A_188 : memref<1x128xi32, #tpu.memory_space<vmem>> -> memref<128xi32, #tpu.memory_space<vmem>>
        %dma_start3A_190 = arith.constant 0 : i32
        %dma_start3A_191 = arith.constant 0 : i32
        %dma_start3A_192 = tpu.memref_slice %arg9[%dma_start3A_190, %dma_start3A_191] : memref<10000x128xf32, #tpu.memory_space<vmem_shared>> -> memref<10000x128xf32, #tpu.memory_space<vmem_shared>>
        tpu.enqueue_indirect_dma source(%dma_start3A_186 : memref<128x128xf32, #tpu.memory_space<vmem>>) target(%dma_start3A_192 : memref<10000x128xf32, #tpu.memory_space<vmem_shared>>) offsets(%dma_start3A_189 : memref<128xi32, #tpu.memory_space<vmem>>) semaphore(%arg15 : memref<!tpu.dma_semaphore, #tpu.memory_space<semaphore_mem>>) {add = true}
      } else {
      }
      %add3A_156 = arith.constant 2 : i32
      %add3A_157 = arith.addi %add3A_151, %add3A_156 : i32
      %lt3A_158 = arith.cmpi slt, %add3A_157, %select_n3A : i32
      %convert_element_type3A_159 = arith.extui %lt3A_158 : i1 to i32
      %cond3A_160 = arith.constant 0 : i32
      %cond3A_161 = arith.cmpi ne, %convert_element_type3A_159, %cond3A_160 : i32
      scf.if %cond3A_161 {
        %ge3A = arith.constant 1 : i32
        %ge3A_168 = arith.cmpi sge, %add3A_151, %ge3A : i32
        %convert_element_type3A_169 = arith.extui %ge3A_168 : i1 to i32
        %cond3A_170 = arith.constant 0 : i32
        %cond3A_171 = arith.cmpi ne, %convert_element_type3A_169, %cond3A_170 : i32
        scf.if %cond3A_171 {
          %sub3A = arith.constant 1 : i32
          %sub3A_186 = arith.subi %add3A_151, %sub3A : i32
          %and3A_187 = arith.constant 3 : i32
          %and3A_188 = arith.andi %sub3A_186, %and3A_187 : i32
          %dma_wait3A_189 = arith.constant 1 : i32
          %dma_wait3A_190 = arith.constant 0 : i32
          %dma_wait3A_191 = arith.constant 0 : i32
          %dma_wait3A_192 = tpu.memref_slice %arg8[%dma_wait3A_189, %dma_wait3A_190, %dma_wait3A_191] : memref<3x128x128xf32, #tpu.memory_space<vmem>> -> memref<1x128x128xf32, #tpu.memory_space<vmem>>
          %dma_wait3A_193 = tpu.memref_squeeze %dma_wait3A_192 : memref<1x128x128xf32, #tpu.memory_space<vmem>> -> memref<128x128xf32, #tpu.memory_space<vmem>>
          %dma_wait3A_194 = arith.constant 0 : i32
          %dma_wait3A_195 = tpu.memref_slice %arg7[%and3A_188, %dma_wait3A_194] : memref<4x128xi32, #tpu.memory_space<vmem>> -> memref<1x128xi32, #tpu.memory_space<vmem>>
          %dma_wait3A_196 = tpu.memref_squeeze %dma_wait3A_195 : memref<1x128xi32, #tpu.memory_space<vmem>> -> memref<128xi32, #tpu.memory_space<vmem>>
          %dma_wait3A_197 = arith.constant 0 : i32
          %dma_wait3A_198 = arith.constant 0 : i32
          %dma_wait3A_199 = tpu.memref_slice %arg9[%dma_wait3A_197, %dma_wait3A_198] : memref<10000x128xf32, #tpu.memory_space<vmem_shared>> -> memref<10000x128xf32, #tpu.memory_space<vmem_shared>>
          tpu.wait_indirect_dma semaphore(%arg14 : memref<!tpu.dma_semaphore, #tpu.memory_space<semaphore_mem>>) src(%dma_wait3A_193 : memref<128x128xf32, #tpu.memory_space<vmem>>) dst(%dma_wait3A_199 : memref<10000x128xf32, #tpu.memory_space<vmem_shared>>)
          %add3A_200 = arith.constant 2 : i32
          %add3A_201 = arith.addi %add3A_151, %add3A_200 : i32
          %and3A_202 = arith.constant 3 : i32
          %and3A_203 = arith.andi %add3A_201, %and3A_202 : i32
          %dma_wait3A_204 = arith.constant 0 : i32
          %dma_wait3A_205 = tpu.memref_slice %arg6[%and3A_203, %dma_wait3A_204] : memref<4x128xi32, #tpu.memory_space<vmem>> -> memref<1x128xi32, #tpu.memory_space<vmem>>
          %dma_wait3A_206 = tpu.memref_squeeze %dma_wait3A_205 : memref<1x128xi32, #tpu.memory_space<vmem>> -> memref<128xi32, #tpu.memory_space<vmem>>
          %dma_wait3A_207 = arith.constant 0 : i32
          %dma_wait3A_208 = tpu.memref_slice %arg3[%dma_wait3A_207] : memref<320000xi32, #tpu.memory_space<hbm>> -> memref<128xi32, #tpu.memory_space<hbm>>
          %dma_wait3A_209 = arith.constant 0 : i32
          %dma_wait3A_210 = tpu.memref_slice %arg6[%and3A_203, %dma_wait3A_209] : memref<4x128xi32, #tpu.memory_space<vmem>> -> memref<1x128xi32, #tpu.memory_space<vmem>>
          %dma_wait3A_211 = tpu.memref_squeeze %dma_wait3A_210 : memref<1x128xi32, #tpu.memory_space<vmem>> -> memref<128xi32, #tpu.memory_space<vmem>>
          %dma_wait3A_212 = arith.constant 0 : i32
          %dma_wait3A_213 = tpu.memref_slice %arg3[%dma_wait3A_212] : memref<320000xi32, #tpu.memory_space<hbm>> -> memref<128xi32, #tpu.memory_space<hbm>>
          tpu.wait_dma2 semaphore(%arg17 : memref<!tpu.dma_semaphore, #tpu.memory_space<semaphore_mem>>) src(%dma_wait3A_213 : memref<128xi32, #tpu.memory_space<hbm>>) dst(%dma_wait3A_211 : memref<128xi32, #tpu.memory_space<vmem>>)
          %add3A_214 = arith.constant 2 : i32
          %add3A_215 = arith.addi %add3A_151, %add3A_214 : i32
          %and3A_216 = arith.constant 3 : i32
          %and3A_217 = arith.andi %add3A_215, %and3A_216 : i32
          %dma_wait3A_218 = arith.constant 0 : i32
          %dma_wait3A_219 = tpu.memref_slice %arg7[%and3A_217, %dma_wait3A_218] : memref<4x128xi32, #tpu.memory_space<vmem>> -> memref<1x128xi32, #tpu.memory_space<vmem>>
          %dma_wait3A_220 = tpu.memref_squeeze %dma_wait3A_219 : memref<1x128xi32, #tpu.memory_space<vmem>> -> memref<128xi32, #tpu.memory_space<vmem>>
          %dma_wait3A_221 = arith.constant 0 : i32
          %dma_wait3A_222 = tpu.memref_slice %arg4[%dma_wait3A_221] : memref<160000xi32, #tpu.memory_space<hbm>> -> memref<128xi32, #tpu.memory_space<hbm>>
          %dma_wait3A_223 = arith.constant 0 : i32
          %dma_wait3A_224 = tpu.memref_slice %arg7[%and3A_217, %dma_wait3A_223] : memref<4x128xi32, #tpu.memory_space<vmem>> -> memref<1x128xi32, #tpu.memory_space<vmem>>
          %dma_wait3A_225 = tpu.memref_squeeze %dma_wait3A_224 : memref<1x128xi32, #tpu.memory_space<vmem>> -> memref<128xi32, #tpu.memory_space<vmem>>
          %dma_wait3A_226 = arith.constant 0 : i32
          %dma_wait3A_227 = tpu.memref_slice %arg4[%dma_wait3A_226] : memref<160000xi32, #tpu.memory_space<hbm>> -> memref<128xi32, #tpu.memory_space<hbm>>
          tpu.wait_dma2 semaphore(%arg17 : memref<!tpu.dma_semaphore, #tpu.memory_space<semaphore_mem>>) src(%dma_wait3A_227 : memref<128xi32, #tpu.memory_space<hbm>>) dst(%dma_wait3A_225 : memref<128xi32, #tpu.memory_space<vmem>>)
        } else {
        }
        %add3A_172 = arith.constant 2 : i32
        %add3A_173 = arith.addi %add3A_151, %add3A_172 : i32
        %and3A = arith.constant 3 : i32
        %and3A_174 = arith.andi %add3A_173, %and3A : i32
        %dma_start3A_175 = arith.constant 1 : i32
        %dma_start3A_176 = arith.constant 0 : i32
        %dma_start3A_177 = arith.constant 0 : i32
        %dma_start3A_178 = tpu.memref_slice %arg8[%dma_start3A_175, %dma_start3A_176, %dma_start3A_177] : memref<3x128x128xf32, #tpu.memory_space<vmem>> -> memref<1x128x128xf32, #tpu.memory_space<vmem>>
        %dma_start3A_179 = tpu.memref_squeeze %dma_start3A_178 : memref<1x128x128xf32, #tpu.memory_space<vmem>> -> memref<128x128xf32, #tpu.memory_space<vmem>>
        %dma_start3A_180 = arith.constant 0 : i32
        %dma_start3A_181 = tpu.memref_slice %arg6[%and3A_174, %dma_start3A_180] : memref<4x128xi32, #tpu.memory_space<vmem>> -> memref<1x128xi32, #tpu.memory_space<vmem>>
        %dma_start3A_182 = tpu.memref_squeeze %dma_start3A_181 : memref<1x128xi32, #tpu.memory_space<vmem>> -> memref<128xi32, #tpu.memory_space<vmem>>
        %dma_start3A_183 = arith.constant 0 : i32
        %dma_start3A_184 = arith.constant 0 : i32
        %dma_start3A_185 = tpu.memref_slice %arg2[%dma_start3A_183, %dma_start3A_184] : memref<20000x128xf32, #tpu.memory_space<hbm>> -> memref<20000x128xf32, #tpu.memory_space<hbm>>
        tpu.enqueue_indirect_dma source(%dma_start3A_185 : memref<20000x128xf32, #tpu.memory_space<hbm>>) target(%dma_start3A_179 : memref<128x128xf32, #tpu.memory_space<vmem>>) offsets(%dma_start3A_182 : memref<128xi32, #tpu.memory_space<vmem>>) semaphore(%arg11 : memref<!tpu.dma_semaphore, #tpu.memory_space<semaphore_mem>>)
      } else {
      }
      %add3A_162 = arith.constant 3 : i32
      %add3A_163 = arith.addi %add3A_151, %add3A_162 : i32
      %lt3A_164 = arith.cmpi slt, %add3A_163, %select_n3A : i32
      %convert_element_type3A_165 = arith.extui %lt3A_164 : i1 to i32
      %cond3A_166 = arith.constant 0 : i32
      %cond3A_167 = arith.cmpi ne, %convert_element_type3A_165, %cond3A_166 : i32
      scf.if %cond3A_167 {
        %add3A_168 = arith.constant 3 : i32
        %add3A_169 = arith.addi %add3A_151, %add3A_168 : i32
        %and3A = arith.constant 3 : i32
        %and3A_170 = arith.andi %add3A_169, %and3A : i32
        %mul3A_171 = arith.constant 160000 : i32
        %mul3A_172 = arith.muli %arg0, %mul3A_171 : i32
        %add3A_173 = arith.addi %mul3A_172, %mul3A_2 : i32
        %add3A_174 = arith.constant 3 : i32
        %add3A_175 = arith.addi %add3A_151, %add3A_174 : i32
        %mul3A_176 = arith.constant 128 : i32
        %mul3A_177 = arith.muli %add3A_175, %mul3A_176 : i32
        %add3A_178 = arith.addi %add3A_173, %mul3A_177 : i32
        %dma_start3A_179 = arith.constant 0 : i32
        %dma_start3A_180 = tpu.memref_slice %arg6[%and3A_170, %dma_start3A_179] : memref<4x128xi32, #tpu.memory_space<vmem>> -> memref<1x128xi32, #tpu.memory_space<vmem>>
        %dma_start3A_181 = tpu.memref_squeeze %dma_start3A_180 : memref<1x128xi32, #tpu.memory_space<vmem>> -> memref<128xi32, #tpu.memory_space<vmem>>
        %dma_start3A_182 = tpu.memref_slice %arg3[%add3A_178] : memref<320000xi32, #tpu.memory_space<hbm>> -> memref<128xi32, #tpu.memory_space<hbm>>
        %dma_start3A_183 = arith.constant 0 : i32
        %dma_start3A_184 = tpu.memref_slice %arg6[%and3A_170, %dma_start3A_183] : memref<4x128xi32, #tpu.memory_space<vmem>> -> memref<1x128xi32, #tpu.memory_space<vmem>>
        %dma_start3A_185 = tpu.memref_squeeze %dma_start3A_184 : memref<1x128xi32, #tpu.memory_space<vmem>> -> memref<128xi32, #tpu.memory_space<vmem>>
        %dma_start3A_186 = tpu.memref_slice %arg3[%add3A_178] : memref<320000xi32, #tpu.memory_space<hbm>> -> memref<128xi32, #tpu.memory_space<hbm>>
        tpu.enqueue_dma source(%dma_start3A_186 : memref<128xi32, #tpu.memory_space<hbm>>) target(%dma_start3A_185 : memref<128xi32, #tpu.memory_space<vmem>>) target_semaphore(%arg18 : memref<!tpu.dma_semaphore, #tpu.memory_space<semaphore_mem>>)
        %add3A_187 = arith.constant 3 : i32
        %add3A_188 = arith.addi %add3A_151, %add3A_187 : i32
        %mul3A_189 = arith.constant 128 : i32
        %mul3A_190 = arith.muli %add3A_188, %mul3A_189 : i32
        %add3A_191 = arith.addi %mul3A_2, %mul3A_190 : i32
        %dma_start3A_192 = arith.constant 0 : i32
        %dma_start3A_193 = tpu.memref_slice %arg7[%and3A_170, %dma_start3A_192] : memref<4x128xi32, #tpu.memory_space<vmem>> -> memref<1x128xi32, #tpu.memory_space<vmem>>
        %dma_start3A_194 = tpu.memref_squeeze %dma_start3A_193 : memref<1x128xi32, #tpu.memory_space<vmem>> -> memref<128xi32, #tpu.memory_space<vmem>>
        %dma_start3A_195 = tpu.memref_slice %arg4[%add3A_191] : memref<160000xi32, #tpu.memory_space<hbm>> -> memref<128xi32, #tpu.memory_space<hbm>>
        %dma_start3A_196 = arith.constant 0 : i32
        %dma_start3A_197 = tpu.memref_slice %arg7[%and3A_170, %dma_start3A_196] : memref<4x128xi32, #tpu.memory_space<vmem>> -> memref<1x128xi32, #tpu.memory_space<vmem>>
        %dma_start3A_198 = tpu.memref_squeeze %dma_start3A_197 : memref<1x128xi32, #tpu.memory_space<vmem>> -> memref<128xi32, #tpu.memory_space<vmem>>
        %dma_start3A_199 = tpu.memref_slice %arg4[%add3A_191] : memref<160000xi32, #tpu.memory_space<hbm>> -> memref<128xi32, #tpu.memory_space<hbm>>
        tpu.enqueue_dma source(%dma_start3A_199 : memref<128xi32, #tpu.memory_space<hbm>>) target(%dma_start3A_198 : memref<128xi32, #tpu.memory_space<vmem>>) target_semaphore(%arg18 : memref<!tpu.dma_semaphore, #tpu.memory_space<semaphore_mem>>)
      } else {
      }
    }
    %scan3A_64 = arith.constant 27 : i32
    %dma_wait3A = arith.constant 0 : i32
    %dma_wait3A_65 = arith.constant 0 : i32
    %dma_wait3A_66 = arith.constant 0 : i32
    %dma_wait3A_67 = arith.constant 0 : i32
    %dma_wait3A_68 = tpu.memref_slice %arg8[%dma_wait3A, %dma_wait3A_66, %dma_wait3A_67] : memref<3x128x128xf32, #tpu.memory_space<vmem>> -> memref<1x128x128xf32, #tpu.memory_space<vmem>>
    %dma_wait3A_69 = tpu.memref_squeeze %dma_wait3A_68 : memref<1x128x128xf32, #tpu.memory_space<vmem>> -> memref<128x128xf32, #tpu.memory_space<vmem>>
    %dma_wait3A_70 = arith.constant 0 : i32
    %dma_wait3A_71 = tpu.memref_slice %arg7[%dma_wait3A_65, %dma_wait3A_70] : memref<4x128xi32, #tpu.memory_space<vmem>> -> memref<1x128xi32, #tpu.memory_space<vmem>>
    %dma_wait3A_72 = tpu.memref_squeeze %dma_wait3A_71 : memref<1x128xi32, #tpu.memory_space<vmem>> -> memref<128xi32, #tpu.memory_space<vmem>>
    %dma_wait3A_73 = arith.constant 0 : i32
    %dma_wait3A_74 = arith.constant 0 : i32
    %dma_wait3A_75 = tpu.memref_slice %arg9[%dma_wait3A_73, %dma_wait3A_74] : memref<10000x128xf32, #tpu.memory_space<vmem_shared>> -> memref<10000x128xf32, #tpu.memory_space<vmem_shared>>
    tpu.wait_indirect_dma semaphore(%arg13 : memref<!tpu.dma_semaphore, #tpu.memory_space<semaphore_mem>>) src(%dma_wait3A_69 : memref<128x128xf32, #tpu.memory_space<vmem>>) dst(%dma_wait3A_75 : memref<10000x128xf32, #tpu.memory_space<vmem_shared>>)
    %dma_wait3A_76 = arith.constant 1 : i32
    %dma_wait3A_77 = arith.constant 1 : i32
    %dma_wait3A_78 = arith.constant 0 : i32
    %dma_wait3A_79 = arith.constant 0 : i32
    %dma_wait3A_80 = tpu.memref_slice %arg8[%dma_wait3A_76, %dma_wait3A_78, %dma_wait3A_79] : memref<3x128x128xf32, #tpu.memory_space<vmem>> -> memref<1x128x128xf32, #tpu.memory_space<vmem>>
    %dma_wait3A_81 = tpu.memref_squeeze %dma_wait3A_80 : memref<1x128x128xf32, #tpu.memory_space<vmem>> -> memref<128x128xf32, #tpu.memory_space<vmem>>
    %dma_wait3A_82 = arith.constant 0 : i32
    %dma_wait3A_83 = tpu.memref_slice %arg7[%dma_wait3A_77, %dma_wait3A_82] : memref<4x128xi32, #tpu.memory_space<vmem>> -> memref<1x128xi32, #tpu.memory_space<vmem>>
    %dma_wait3A_84 = tpu.memref_squeeze %dma_wait3A_83 : memref<1x128xi32, #tpu.memory_space<vmem>> -> memref<128xi32, #tpu.memory_space<vmem>>
    %dma_wait3A_85 = arith.constant 0 : i32
    %dma_wait3A_86 = arith.constant 0 : i32
    %dma_wait3A_87 = tpu.memref_slice %arg9[%dma_wait3A_85, %dma_wait3A_86] : memref<10000x128xf32, #tpu.memory_space<vmem_shared>> -> memref<10000x128xf32, #tpu.memory_space<vmem_shared>>
    tpu.wait_indirect_dma semaphore(%arg14 : memref<!tpu.dma_semaphore, #tpu.memory_space<semaphore_mem>>) src(%dma_wait3A_81 : memref<128x128xf32, #tpu.memory_space<vmem>>) dst(%dma_wait3A_87 : memref<10000x128xf32, #tpu.memory_space<vmem_shared>>)
    %dma_wait3A_88 = arith.constant 2 : i32
    %dma_wait3A_89 = arith.constant 2 : i32
    %dma_wait3A_90 = arith.constant 0 : i32
    %dma_wait3A_91 = arith.constant 0 : i32
    %dma_wait3A_92 = tpu.memref_slice %arg8[%dma_wait3A_88, %dma_wait3A_90, %dma_wait3A_91] : memref<3x128x128xf32, #tpu.memory_space<vmem>> -> memref<1x128x128xf32, #tpu.memory_space<vmem>>
    %dma_wait3A_93 = tpu.memref_squeeze %dma_wait3A_92 : memref<1x128x128xf32, #tpu.memory_space<vmem>> -> memref<128x128xf32, #tpu.memory_space<vmem>>
    %dma_wait3A_94 = arith.constant 0 : i32
    %dma_wait3A_95 = tpu.memref_slice %arg7[%dma_wait3A_89, %dma_wait3A_94] : memref<4x128xi32, #tpu.memory_space<vmem>> -> memref<1x128xi32, #tpu.memory_space<vmem>>
    %dma_wait3A_96 = tpu.memref_squeeze %dma_wait3A_95 : memref<1x128xi32, #tpu.memory_space<vmem>> -> memref<128xi32, #tpu.memory_space<vmem>>
    %dma_wait3A_97 = arith.constant 0 : i32
    %dma_wait3A_98 = arith.constant 0 : i32
    %dma_wait3A_99 = tpu.memref_slice %arg9[%dma_wait3A_97, %dma_wait3A_98] : memref<10000x128xf32, #tpu.memory_space<vmem_shared>> -> memref<10000x128xf32, #tpu.memory_space<vmem_shared>>
    tpu.wait_indirect_dma semaphore(%arg15 : memref<!tpu.dma_semaphore, #tpu.memory_space<semaphore_mem>>) src(%dma_wait3A_93 : memref<128x128xf32, #tpu.memory_space<vmem>>) dst(%dma_wait3A_99 : memref<10000x128xf32, #tpu.memory_space<vmem_shared>>)
    %barrier3A_100 = arith.constant 0 : index
    tpu.barrier barrier_id(%barrier3A_100)
    %mul3A_101 = arith.constant 624 : i32
    %mul3A_102 = arith.muli %arg1, %mul3A_101 : i32
    %mul3A_103 = arith.constant 624 : i32
    %mul3A_104 = arith.muli %arg1, %mul3A_103 : i32
    "tpu.region"() ({
      %run_scoped3A_110 = tpu.sem_alloc : memref<!tpu.dma_semaphore, #tpu.memory_space<semaphore_mem>>
      %dma_start3A_111 = arith.constant 0 : i32
      %dma_start3A_112 = tpu.memref_slice %arg5[%arg0, %mul3A_104, %dma_start3A_111] : memref<2x10000x128xf32, #tpu.memory_space<hbm>> -> memref<1x624x128xf32, #tpu.memory_space<hbm>>
      %dma_start3A_113 = tpu.memref_squeeze %dma_start3A_112 : memref<1x624x128xf32, #tpu.memory_space<hbm>> -> memref<624x128xf32, #tpu.memory_space<hbm>>
      %dma_start3A_114 = arith.constant 0 : i32
      %dma_start3A_115 = tpu.memref_slice %arg9[%mul3A_102, %dma_start3A_114] : memref<10000x128xf32, #tpu.memory_space<vmem_shared>> -> memref<624x128xf32, #tpu.memory_space<vmem_shared>>
      tpu.enqueue_dma source(%dma_start3A_115 : memref<624x128xf32, #tpu.memory_space<vmem_shared>>) target(%dma_start3A_113 : memref<624x128xf32, #tpu.memory_space<hbm>>) target_semaphore(%run_scoped3A_110 : memref<!tpu.dma_semaphore, #tpu.memory_space<semaphore_mem>>)
      %dma_wait3A_116 = arith.constant 0 : i32
      %dma_wait3A_117 = tpu.memref_slice %arg5[%arg0, %mul3A_104, %dma_wait3A_116] : memref<2x10000x128xf32, #tpu.memory_space<hbm>> -> memref<1x624x128xf32, #tpu.memory_space<hbm>>
      %dma_wait3A_118 = tpu.memref_squeeze %dma_wait3A_117 : memref<1x624x128xf32, #tpu.memory_space<hbm>> -> memref<624x128xf32, #tpu.memory_space<hbm>>
      %dma_wait3A_119 = arith.constant 0 : i32
      %dma_wait3A_120 = tpu.memref_slice %arg9[%mul3A_102, %dma_wait3A_119] : memref<10000x128xf32, #tpu.memory_space<vmem_shared>> -> memref<624x128xf32, #tpu.memory_space<vmem_shared>>
      tpu.wait_dma2 semaphore(%run_scoped3A_110 : memref<!tpu.dma_semaphore, #tpu.memory_space<semaphore_mem>>) src(%dma_wait3A_120 : memref<624x128xf32, #tpu.memory_space<vmem_shared>>) dst(%dma_wait3A_118 : memref<624x128xf32, #tpu.memory_space<hbm>>)
      tpu.yield
    }) : () -> ()
    %eq3A_105 = arith.constant 0 : i32
    %eq3A_106 = arith.cmpi eq, %arg1, %eq3A_105 : i32
    %convert_element_type3A_107 = arith.extui %eq3A_106 : i1 to i32
    %cond3A_108 = arith.constant 0 : i32
    %cond3A_109 = arith.cmpi ne, %convert_element_type3A_107, %cond3A_108 : i32
    scf.if %cond3A_109 {
      "tpu.region"() ({
        %run_scoped3A_110 = tpu.sem_alloc : memref<!tpu.dma_semaphore, #tpu.memory_space<semaphore_mem>>
        %dma_start3A_111 = arith.constant 9984 : i32
        %dma_start3A_112 = arith.constant 0 : i32
        %dma_start3A_113 = tpu.memref_slice %arg5[%arg0, %dma_start3A_111, %dma_start3A_112] : memref<2x10000x128xf32, #tpu.memory_space<hbm>> -> memref<1x16x128xf32, #tpu.memory_space<hbm>>
        %dma_start3A_114 = tpu.memref_squeeze %dma_start3A_113 : memref<1x16x128xf32, #tpu.memory_space<hbm>> -> memref<16x128xf32, #tpu.memory_space<hbm>>
        %dma_start3A_115 = arith.constant 9984 : i32
        %dma_start3A_116 = arith.constant 0 : i32
        %dma_start3A_117 = tpu.memref_slice %arg9[%dma_start3A_115, %dma_start3A_116] : memref<10000x128xf32, #tpu.memory_space<vmem_shared>> -> memref<16x128xf32, #tpu.memory_space<vmem_shared>>
        tpu.enqueue_dma source(%dma_start3A_117 : memref<16x128xf32, #tpu.memory_space<vmem_shared>>) target(%dma_start3A_114 : memref<16x128xf32, #tpu.memory_space<hbm>>) target_semaphore(%run_scoped3A_110 : memref<!tpu.dma_semaphore, #tpu.memory_space<semaphore_mem>>)
        %dma_wait3A_118 = arith.constant 9984 : i32
        %dma_wait3A_119 = arith.constant 0 : i32
        %dma_wait3A_120 = tpu.memref_slice %arg5[%arg0, %dma_wait3A_118, %dma_wait3A_119] : memref<2x10000x128xf32, #tpu.memory_space<hbm>> -> memref<1x16x128xf32, #tpu.memory_space<hbm>>
        %dma_wait3A_121 = tpu.memref_squeeze %dma_wait3A_120 : memref<1x16x128xf32, #tpu.memory_space<hbm>> -> memref<16x128xf32, #tpu.memory_space<hbm>>
        %dma_wait3A_122 = arith.constant 9984 : i32
        %dma_wait3A_123 = arith.constant 0 : i32
        %dma_wait3A_124 = tpu.memref_slice %arg9[%dma_wait3A_122, %dma_wait3A_123] : memref<10000x128xf32, #tpu.memory_space<vmem_shared>> -> memref<16x128xf32, #tpu.memory_space<vmem_shared>>
        tpu.wait_dma2 semaphore(%run_scoped3A_110 : memref<!tpu.dma_semaphore, #tpu.memory_space<semaphore_mem>>) src(%dma_wait3A_124 : memref<16x128xf32, #tpu.memory_space<vmem_shared>>) dst(%dma_wait3A_121 : memref<16x128xf32, #tpu.memory_space<hbm>>)
        tpu.yield
      }) : () -> ()
    } else {
    }
    return
  }
}

module attributes {stable_mosaic.version = 14 : i64} {
  func.func @_t0_body(%arg0: i32, %arg1: memref<1000x2xf32, #tpu.memory_space<vmem>>, %arg2: memref<1000x256xf32, #tpu.memory_space<vmem>>, %arg3: memref<256x256xf32, #tpu.memory_space<vmem>>, %arg4: memref<2x1000x128xf32, #tpu.memory_space<vmem>>) attributes {dimension_semantics = [#tpu.dimension_semantics<arbitrary>], iteration_bounds = array<i64: 10>, scalar_prefetch = 0 : i64, scratch_operands = 0 : i64, tpu.core_type = #tpu.core_type<tc>, window_params = [{transform_indices = @transform_0, window_bounds = array<i64: 1000, 2>}, {transform_indices = @transform_1, window_bounds = array<i64: 1000, 256>}, {pipeline_mode = #tpu.pipeline_mode<synchronous>, transform_indices = @transform_2, window_bounds = array<i64: 256, 256>}, {transform_indices = @transform_3, window_bounds = array<i64: 2, 1000, 128>}]} {
    %get3A = arith.constant 0 : index
    %get3A_0 = arith.constant 0 : index
    %get3A_1 = vector.load %arg1[%get3A, %get3A_0] : memref<1000x2xf32, #tpu.memory_space<vmem>>, vector<1000x1xf32>
    %get3A_2 = arith.constant 0 : index
    %get3A_3 = arith.constant 1 : index
    %get3A_4 = vector.load %arg1[%get3A_2, %get3A_3] : memref<1000x2xf32, #tpu.memory_space<vmem>>, vector<1000x1xf32>
    %add3A = arith.addf %get3A_1, %get3A_4 : vector<1000x1xf32>
    %add3A_5 = arith.constant 1.000000e+00 : f32
    %add3A_6 = vector.broadcast %add3A_5 : f32 to vector<1000x1xf32>
    %add3A_7 = arith.addf %add3A, %add3A_6 : vector<1000x1xf32>
    %rsqrt3A = math.rsqrt %add3A_7 : vector<1000x1xf32>
    %get3A_8 = arith.constant 0 : index
    %get3A_9 = arith.constant 0 : index
    %get3A_10 = vector.load %arg2[%get3A_8, %get3A_9] : memref<1000x256xf32, #tpu.memory_space<vmem>>, vector<1000x256xf32>
    %get3A_11 = arith.constant 0 : index
    %get3A_12 = arith.constant 0 : index
    %get3A_13 = vector.load %arg3[%get3A_11, %get3A_12] : memref<256x256xf32, #tpu.memory_space<vmem>>, vector<256x256xf32>
    %dot_general3A = arith.constant dense<0.000000e+00> : vector<1000x256xf32>
    %dot_general3A_14 = tpu.matmul %get3A_10, %get3A_13, %dot_general3A {dimension_numbers = #tpu.dot_dimension_numbers<[1], [0], [0], [1], [0, 0, 1, 1], [], []>, transpose_lhs_hint = false} : vector<1000x256xf32>, vector<256x256xf32>, vector<1000x256xf32> -> vector<1000x256xf32>
    %mul3A = vector.broadcast %rsqrt3A : vector<1000x1xf32> to vector<1000x256xf32>
    %mul3A_15 = arith.mulf %dot_general3A_14, %mul3A : vector<1000x256xf32>
    %slice3A = vector.extract_strided_slice %mul3A_15 {offsets = [0, 0], sizes = [1000, 128], strides = [1, 1]} : vector<1000x256xf32> to vector<1000x128xf32>
    %swap3A = arith.constant 0 : index
    %swap3A_16 = arith.constant 0 : index
    %swap3A_17 = arith.constant 0 : index
    %swap3A_18 = vector.load %arg4[%swap3A, %swap3A_16, %swap3A_17] : memref<2x1000x128xf32, #tpu.memory_space<vmem>>, vector<1x1000x128xf32>
    %swap3A_19 = vector.shape_cast %swap3A_18 : vector<1x1000x128xf32> to vector<1000x128xf32>
    %swap3A_20 = vector.shape_cast %slice3A : vector<1000x128xf32> to vector<1x1000x128xf32>
    tpu.vector_store %arg4[%swap3A, %swap3A_16, %swap3A_17], %swap3A_20 {strides = array<i32>} : memref<2x1000x128xf32, #tpu.memory_space<vmem>>, vector<1x1000x128xf32>,
    %slice3A_21 = vector.extract_strided_slice %mul3A_15 {offsets = [0, 128], sizes = [1000, 128], strides = [1, 1]} : vector<1000x256xf32> to vector<1000x128xf32>
    %swap3A_22 = arith.constant 1 : index
    %swap3A_23 = arith.constant 0 : index
    %swap3A_24 = arith.constant 0 : index
    %swap3A_25 = vector.load %arg4[%swap3A_22, %swap3A_23, %swap3A_24] : memref<2x1000x128xf32, #tpu.memory_space<vmem>>, vector<1x1000x128xf32>
    %swap3A_26 = vector.shape_cast %swap3A_25 : vector<1x1000x128xf32> to vector<1000x128xf32>
    %swap3A_27 = vector.shape_cast %slice3A_21 : vector<1000x128xf32> to vector<1x1000x128xf32>
    tpu.vector_store %arg4[%swap3A_22, %swap3A_23, %swap3A_24], %swap3A_27 {strides = array<i32>} : memref<2x1000x128xf32, #tpu.memory_space<vmem>>, vector<1x1000x128xf32>,
    return
  }
  func.func @transform_0(%arg0: i32) -> (i32, i32) {
    %c0_i32 = arith.constant 0 : i32
    %c0_i32_0 = arith.constant 0 : i32
    return %arg0, %c0_i32 : i32, i32
  }
  func.func @transform_1(%arg0: i32) -> (i32, i32) {
    %c0_i32 = arith.constant 0 : i32
    %c0_i32_0 = arith.constant 0 : i32
    return %arg0, %c0_i32 : i32, i32
  }
  func.func @transform_2(%arg0: i32) -> (i32, i32) {
    %c0_i32 = arith.constant 0 : i32
    %c0_i32_0 = arith.constant 0 : i32
    %c0_i32_1 = arith.constant 0 : i32
    return %c0_i32, %c0_i32_0 : i32, i32
  }
  func.func @transform_3(%arg0: i32) -> (i32, i32, i32) {
    %c0_i32 = arith.constant 0 : i32
    %c0_i32_0 = arith.constant 0 : i32
    %c0_i32_1 = arith.constant 0 : i32
    return %c0_i32, %arg0, %c0_i32_0 : i32, i32, i32
  }
}

module attributes {stable_mosaic.version = 14 : i64} {
  func.func @_tmid_body(%arg0: i32, %arg1: memref<1000x2xf32, #tpu.memory_space<vmem>>, %arg2: memref<2x1000x128xf32, #tpu.memory_space<vmem>>, %arg3: memref<1x256xf32, #tpu.memory_space<vmem>>, %arg4: memref<1x256xf32, #tpu.memory_space<vmem>>, %arg5: memref<1x256xf32, #tpu.memory_space<vmem>>, %arg6: memref<256x256xf32, #tpu.memory_space<vmem>>, %arg7: memref<2x1000x128xf32, #tpu.memory_space<vmem>>) attributes {dimension_semantics = [#tpu.dimension_semantics<arbitrary>], iteration_bounds = array<i64: 10>, scalar_prefetch = 0 : i64, scratch_operands = 0 : i64, tpu.core_type = #tpu.core_type<tc>, window_params = [{transform_indices = @transform_0, window_bounds = array<i64: 1000, 2>}, {transform_indices = @transform_1, window_bounds = array<i64: 2, 1000, 128>}, {pipeline_mode = #tpu.pipeline_mode<synchronous>, transform_indices = @transform_2, window_bounds = array<i64: 1, 256>}, {pipeline_mode = #tpu.pipeline_mode<synchronous>, transform_indices = @transform_3, window_bounds = array<i64: 1, 256>}, {pipeline_mode = #tpu.pipeline_mode<synchronous>, transform_indices = @transform_4, window_bounds = array<i64: 1, 256>}, {pipeline_mode = #tpu.pipeline_mode<synchronous>, transform_indices = @transform_5, window_bounds = array<i64: 256, 256>}, {transform_indices = @transform_6, window_bounds = array<i64: 2, 1000, 128>}]} {
    %get3A = arith.constant 0 : index
    %get3A_0 = arith.constant 0 : index
    %get3A_1 = vector.load %arg1[%get3A, %get3A_0] : memref<1000x2xf32, #tpu.memory_space<vmem>>, vector<1000x1xf32>
    %get3A_2 = arith.constant 0 : index
    %get3A_3 = arith.constant 1 : index
    %get3A_4 = vector.load %arg1[%get3A_2, %get3A_3] : memref<1000x2xf32, #tpu.memory_space<vmem>>, vector<1000x1xf32>
    %add3A = arith.addf %get3A_1, %get3A_4 : vector<1000x1xf32>
    %add3A_5 = arith.constant 1.000000e+00 : f32
    %add3A_6 = vector.broadcast %add3A_5 : f32 to vector<1000x1xf32>
    %add3A_7 = arith.addf %add3A, %add3A_6 : vector<1000x1xf32>
    %rsqrt3A = math.rsqrt %add3A_7 : vector<1000x1xf32>
    %get3A_8 = arith.constant 0 : index
    %get3A_9 = arith.constant 0 : index
    %get3A_10 = vector.load %arg4[%get3A_8, %get3A_9] : memref<1x256xf32, #tpu.memory_space<vmem>>, vector<1x256xf32>
    %mul3A = arith.constant 0.999994993 : f32
    %mul3A_11 = vector.broadcast %mul3A : f32 to vector<1x256xf32>
    %mul3A_12 = arith.mulf %get3A_10, %mul3A_11 : vector<1x256xf32>
    %get3A_13 = arith.constant 0 : index
    %get3A_14 = arith.constant 0 : index
    %get3A_15 = vector.load %arg3[%get3A_13, %get3A_14] : memref<1x256xf32, #tpu.memory_space<vmem>>, vector<1x256xf32>
    %mul3A_16 = arith.mulf %get3A_15, %mul3A_12 : vector<1x256xf32>
    %get3A_17 = arith.constant 0 : index
    %get3A_18 = arith.constant 0 : index
    %get3A_19 = vector.load %arg5[%get3A_17, %get3A_18] : memref<1x256xf32, #tpu.memory_space<vmem>>, vector<1x256xf32>
    %add3A_20 = arith.addf %mul3A_16, %get3A_19 : vector<1x256xf32>
    %get3A_21 = arith.constant 0 : index
    %get3A_22 = arith.constant 0 : index
    %get3A_23 = arith.constant 0 : index
    %get3A_24 = vector.load %arg2[%get3A_21, %get3A_22, %get3A_23] : memref<2x1000x128xf32, #tpu.memory_space<vmem>>, vector<1x1000x128xf32>
    %get3A_25 = vector.shape_cast %get3A_24 : vector<1x1000x128xf32> to vector<1000x128xf32>
    %mul3A_26 = vector.broadcast %rsqrt3A : vector<1000x1xf32> to vector<1000x128xf32>
    %mul3A_27 = arith.mulf %get3A_25, %mul3A_26 : vector<1000x128xf32>
    %slice3A = vector.extract_strided_slice %mul3A_12 {offsets = [0, 0], sizes = [1, 128], strides = [1, 1]} : vector<1x256xf32> to vector<1x128xf32>
    %mul3A_28 = vector.broadcast %slice3A : vector<1x128xf32> to vector<1000x128xf32>
    %mul3A_29 = arith.mulf %mul3A_27, %mul3A_28 : vector<1000x128xf32>
    %slice3A_30 = vector.extract_strided_slice %add3A_20 {offsets = [0, 0], sizes = [1, 128], strides = [1, 1]} : vector<1x256xf32> to vector<1x128xf32>
    %add3A_31 = vector.broadcast %slice3A_30 : vector<1x128xf32> to vector<1000x128xf32>
    %add3A_32 = arith.addf %mul3A_29, %add3A_31 : vector<1000x128xf32>
    %max3A = arith.constant 0.000000e+00 : f32
    %max3A_33 = vector.broadcast %max3A : f32 to vector<1000x128xf32>
    %max3A_34 = arith.maximumf %add3A_32, %max3A_33 : vector<1000x128xf32>
    %get3A_35 = arith.constant 1 : index
    %get3A_36 = arith.constant 0 : index
    %get3A_37 = arith.constant 0 : index
    %get3A_38 = vector.load %arg2[%get3A_35, %get3A_36, %get3A_37] : memref<2x1000x128xf32, #tpu.memory_space<vmem>>, vector<1x1000x128xf32>
    %get3A_39 = vector.shape_cast %get3A_38 : vector<1x1000x128xf32> to vector<1000x128xf32>
    %mul3A_40 = vector.broadcast %rsqrt3A : vector<1000x1xf32> to vector<1000x128xf32>
    %mul3A_41 = arith.mulf %get3A_39, %mul3A_40 : vector<1000x128xf32>
    %slice3A_42 = vector.extract_strided_slice %mul3A_12 {offsets = [0, 128], sizes = [1, 128], strides = [1, 1]} : vector<1x256xf32> to vector<1x128xf32>
    %mul3A_43 = vector.broadcast %slice3A_42 : vector<1x128xf32> to vector<1000x128xf32>
    %mul3A_44 = arith.mulf %mul3A_41, %mul3A_43 : vector<1000x128xf32>
    %slice3A_45 = vector.extract_strided_slice %add3A_20 {offsets = [0, 128], sizes = [1, 128], strides = [1, 1]} : vector<1x256xf32> to vector<1x128xf32>
    %add3A_46 = vector.broadcast %slice3A_45 : vector<1x128xf32> to vector<1000x128xf32>
    %add3A_47 = arith.addf %mul3A_44, %add3A_46 : vector<1000x128xf32>
    %max3A_48 = arith.constant 0.000000e+00 : f32
    %max3A_49 = vector.broadcast %max3A_48 : f32 to vector<1000x128xf32>
    %max3A_50 = arith.maximumf %add3A_47, %max3A_49 : vector<1000x128xf32>
    %get3A_51 = arith.constant 0 : index
    %get3A_52 = arith.constant 0 : index
    %get3A_53 = vector.load %arg6[%get3A_51, %get3A_52] : memref<256x256xf32, #tpu.memory_space<vmem>>, vector<128x256xf32>
    %dot_general3A = arith.constant dense<0.000000e+00> : vector<1000x256xf32>
    %dot_general3A_54 = tpu.matmul %max3A_34, %get3A_53, %dot_general3A {dimension_numbers = #tpu.dot_dimension_numbers<[1], [0], [0], [1], [0, 0, 1, 1], [], []>, transpose_lhs_hint = false} : vector<1000x128xf32>, vector<128x256xf32>, vector<1000x256xf32> -> vector<1000x256xf32>
    %get3A_55 = arith.constant 128 : index
    %get3A_56 = arith.constant 0 : index
    %get3A_57 = vector.load %arg6[%get3A_55, %get3A_56] : memref<256x256xf32, #tpu.memory_space<vmem>>, vector<128x256xf32>
    %dot_general3A_58 = arith.constant dense<0.000000e+00> : vector<1000x256xf32>
    %dot_general3A_59 = tpu.matmul %max3A_50, %get3A_57, %dot_general3A_58 {dimension_numbers = #tpu.dot_dimension_numbers<[1], [0], [0], [1], [0, 0, 1, 1], [], []>, transpose_lhs_hint = false} : vector<1000x128xf32>, vector<128x256xf32>, vector<1000x256xf32> -> vector<1000x256xf32>
    %add3A_60 = arith.addf %dot_general3A_54, %dot_general3A_59 : vector<1000x256xf32>
    %mul3A_61 = vector.broadcast %rsqrt3A : vector<1000x1xf32> to vector<1000x256xf32>
    %mul3A_62 = arith.mulf %add3A_60, %mul3A_61 : vector<1000x256xf32>
    %slice3A_63 = vector.extract_strided_slice %mul3A_62 {offsets = [0, 0], sizes = [1000, 128], strides = [1, 1]} : vector<1000x256xf32> to vector<1000x128xf32>
    %swap3A = arith.constant 0 : index
    %swap3A_64 = arith.constant 0 : index
    %swap3A_65 = arith.constant 0 : index
    %swap3A_66 = vector.load %arg7[%swap3A, %swap3A_64, %swap3A_65] : memref<2x1000x128xf32, #tpu.memory_space<vmem>>, vector<1x1000x128xf32>
    %swap3A_67 = vector.shape_cast %swap3A_66 : vector<1x1000x128xf32> to vector<1000x128xf32>
    %swap3A_68 = vector.shape_cast %slice3A_63 : vector<1000x128xf32> to vector<1x1000x128xf32>
    tpu.vector_store %arg7[%swap3A, %swap3A_64, %swap3A_65], %swap3A_68 {strides = array<i32>} : memref<2x1000x128xf32, #tpu.memory_space<vmem>>, vector<1x1000x128xf32>,
    %slice3A_69 = vector.extract_strided_slice %mul3A_62 {offsets = [0, 128], sizes = [1000, 128], strides = [1, 1]} : vector<1000x256xf32> to vector<1000x128xf32>
    %swap3A_70 = arith.constant 1 : index
    %swap3A_71 = arith.constant 0 : index
    %swap3A_72 = arith.constant 0 : index
    %swap3A_73 = vector.load %arg7[%swap3A_70, %swap3A_71, %swap3A_72] : memref<2x1000x128xf32, #tpu.memory_space<vmem>>, vector<1x1000x128xf32>
    %swap3A_74 = vector.shape_cast %swap3A_73 : vector<1x1000x128xf32> to vector<1000x128xf32>
    %swap3A_75 = vector.shape_cast %slice3A_69 : vector<1000x128xf32> to vector<1x1000x128xf32>
    tpu.vector_store %arg7[%swap3A_70, %swap3A_71, %swap3A_72], %swap3A_75 {strides = array<i32>} : memref<2x1000x128xf32, #tpu.memory_space<vmem>>, vector<1x1000x128xf32>,
    return
  }
  func.func @transform_0(%arg0: i32) -> (i32, i32) {
    %c0_i32 = arith.constant 0 : i32
    %c0_i32_0 = arith.constant 0 : i32
    return %arg0, %c0_i32 : i32, i32
  }
  func.func @transform_1(%arg0: i32) -> (i32, i32, i32) {
    %c0_i32 = arith.constant 0 : i32
    %c0_i32_0 = arith.constant 0 : i32
    %c0_i32_1 = arith.constant 0 : i32
    return %c0_i32, %arg0, %c0_i32_0 : i32, i32, i32
  }
  func.func @transform_2(%arg0: i32) -> (i32, i32) {
    %c0_i32 = arith.constant 0 : i32
    %c0_i32_0 = arith.constant 0 : i32
    %c0_i32_1 = arith.constant 0 : i32
    return %c0_i32, %c0_i32_0 : i32, i32
  }
  func.func @transform_3(%arg0: i32) -> (i32, i32) {
    %c0_i32 = arith.constant 0 : i32
    %c0_i32_0 = arith.constant 0 : i32
    %c0_i32_1 = arith.constant 0 : i32
    return %c0_i32, %c0_i32_0 : i32, i32
  }
  func.func @transform_4(%arg0: i32) -> (i32, i32) {
    %c0_i32 = arith.constant 0 : i32
    %c0_i32_0 = arith.constant 0 : i32
    %c0_i32_1 = arith.constant 0 : i32
    return %c0_i32, %c0_i32_0 : i32, i32
  }
  func.func @transform_5(%arg0: i32) -> (i32, i32) {
    %c0_i32 = arith.constant 0 : i32
    %c0_i32_0 = arith.constant 0 : i32
    %c0_i32_1 = arith.constant 0 : i32
    return %c0_i32, %c0_i32_0 : i32, i32
  }
  func.func @transform_6(%arg0: i32) -> (i32, i32, i32) {
    %c0_i32 = arith.constant 0 : i32
    %c0_i32_0 = arith.constant 0 : i32
    %c0_i32_1 = arith.constant 0 : i32
    return %c0_i32, %arg0, %c0_i32_0 : i32, i32, i32
  }
}

module attributes {stable_mosaic.version = 14 : i64} {
  func.func @_tlast_body(%arg0: i32, %arg1: memref<1000x2xf32, #tpu.memory_space<vmem>>, %arg2: memref<2x1000x128xf32, #tpu.memory_space<vmem>>, %arg3: memref<1x256xf32, #tpu.memory_space<vmem>>, %arg4: memref<1x256xf32, #tpu.memory_space<vmem>>, %arg5: memref<1x256xf32, #tpu.memory_space<vmem>>, %arg6: memref<256x64xf32, #tpu.memory_space<vmem>>, %arg7: memref<1x64xf32, #tpu.memory_space<vmem>>, %arg8: memref<1000x64xf32, #tpu.memory_space<vmem>>) attributes {dimension_semantics = [#tpu.dimension_semantics<arbitrary>], iteration_bounds = array<i64: 10>, scalar_prefetch = 0 : i64, scratch_operands = 0 : i64, tpu.core_type = #tpu.core_type<tc>, window_params = [{transform_indices = @transform_0, window_bounds = array<i64: 1000, 2>}, {transform_indices = @transform_1, window_bounds = array<i64: 2, 1000, 128>}, {pipeline_mode = #tpu.pipeline_mode<synchronous>, transform_indices = @transform_2, window_bounds = array<i64: 1, 256>}, {pipeline_mode = #tpu.pipeline_mode<synchronous>, transform_indices = @transform_3, window_bounds = array<i64: 1, 256>}, {pipeline_mode = #tpu.pipeline_mode<synchronous>, transform_indices = @transform_4, window_bounds = array<i64: 1, 256>}, {pipeline_mode = #tpu.pipeline_mode<synchronous>, transform_indices = @transform_5, window_bounds = array<i64: 256, 64>}, {pipeline_mode = #tpu.pipeline_mode<synchronous>, transform_indices = @transform_6, window_bounds = array<i64: 1, 64>}, {transform_indices = @transform_7, window_bounds = array<i64: 1000, 64>}]} {
    %get3A = arith.constant 0 : index
    %get3A_0 = arith.constant 0 : index
    %get3A_1 = vector.load %arg1[%get3A, %get3A_0] : memref<1000x2xf32, #tpu.memory_space<vmem>>, vector<1000x1xf32>
    %get3A_2 = arith.constant 0 : index
    %get3A_3 = arith.constant 1 : index
    %get3A_4 = vector.load %arg1[%get3A_2, %get3A_3] : memref<1000x2xf32, #tpu.memory_space<vmem>>, vector<1000x1xf32>
    %add3A = arith.addf %get3A_1, %get3A_4 : vector<1000x1xf32>
    %add3A_5 = arith.constant 1.000000e+00 : f32
    %add3A_6 = vector.broadcast %add3A_5 : f32 to vector<1000x1xf32>
    %add3A_7 = arith.addf %add3A, %add3A_6 : vector<1000x1xf32>
    %rsqrt3A = math.rsqrt %add3A_7 : vector<1000x1xf32>
    %get3A_8 = arith.constant 0 : index
    %get3A_9 = arith.constant 0 : index
    %get3A_10 = vector.load %arg4[%get3A_8, %get3A_9] : memref<1x256xf32, #tpu.memory_space<vmem>>, vector<1x256xf32>
    %mul3A = arith.constant 0.999994993 : f32
    %mul3A_11 = vector.broadcast %mul3A : f32 to vector<1x256xf32>
    %mul3A_12 = arith.mulf %get3A_10, %mul3A_11 : vector<1x256xf32>
    %get3A_13 = arith.constant 0 : index
    %get3A_14 = arith.constant 0 : index
    %get3A_15 = vector.load %arg3[%get3A_13, %get3A_14] : memref<1x256xf32, #tpu.memory_space<vmem>>, vector<1x256xf32>
    %mul3A_16 = arith.mulf %get3A_15, %mul3A_12 : vector<1x256xf32>
    %get3A_17 = arith.constant 0 : index
    %get3A_18 = arith.constant 0 : index
    %get3A_19 = vector.load %arg5[%get3A_17, %get3A_18] : memref<1x256xf32, #tpu.memory_space<vmem>>, vector<1x256xf32>
    %add3A_20 = arith.addf %mul3A_16, %get3A_19 : vector<1x256xf32>
    %get3A_21 = arith.constant 0 : index
    %get3A_22 = arith.constant 0 : index
    %get3A_23 = arith.constant 0 : index
    %get3A_24 = vector.load %arg2[%get3A_21, %get3A_22, %get3A_23] : memref<2x1000x128xf32, #tpu.memory_space<vmem>>, vector<1x1000x128xf32>
    %get3A_25 = vector.shape_cast %get3A_24 : vector<1x1000x128xf32> to vector<1000x128xf32>
    %mul3A_26 = vector.broadcast %rsqrt3A : vector<1000x1xf32> to vector<1000x128xf32>
    %mul3A_27 = arith.mulf %get3A_25, %mul3A_26 : vector<1000x128xf32>
    %slice3A = vector.extract_strided_slice %mul3A_12 {offsets = [0, 0], sizes = [1, 128], strides = [1, 1]} : vector<1x256xf32> to vector<1x128xf32>
    %mul3A_28 = vector.broadcast %slice3A : vector<1x128xf32> to vector<1000x128xf32>
    %mul3A_29 = arith.mulf %mul3A_27, %mul3A_28 : vector<1000x128xf32>
    %slice3A_30 = vector.extract_strided_slice %add3A_20 {offsets = [0, 0], sizes = [1, 128], strides = [1, 1]} : vector<1x256xf32> to vector<1x128xf32>
    %add3A_31 = vector.broadcast %slice3A_30 : vector<1x128xf32> to vector<1000x128xf32>
    %add3A_32 = arith.addf %mul3A_29, %add3A_31 : vector<1000x128xf32>
    %max3A = arith.constant 0.000000e+00 : f32
    %max3A_33 = vector.broadcast %max3A : f32 to vector<1000x128xf32>
    %max3A_34 = arith.maximumf %add3A_32, %max3A_33 : vector<1000x128xf32>
    %get3A_35 = arith.constant 1 : index
    %get3A_36 = arith.constant 0 : index
    %get3A_37 = arith.constant 0 : index
    %get3A_38 = vector.load %arg2[%get3A_35, %get3A_36, %get3A_37] : memref<2x1000x128xf32, #tpu.memory_space<vmem>>, vector<1x1000x128xf32>
    %get3A_39 = vector.shape_cast %get3A_38 : vector<1x1000x128xf32> to vector<1000x128xf32>
    %mul3A_40 = vector.broadcast %rsqrt3A : vector<1000x1xf32> to vector<1000x128xf32>
    %mul3A_41 = arith.mulf %get3A_39, %mul3A_40 : vector<1000x128xf32>
    %slice3A_42 = vector.extract_strided_slice %mul3A_12 {offsets = [0, 128], sizes = [1, 128], strides = [1, 1]} : vector<1x256xf32> to vector<1x128xf32>
    %mul3A_43 = vector.broadcast %slice3A_42 : vector<1x128xf32> to vector<1000x128xf32>
    %mul3A_44 = arith.mulf %mul3A_41, %mul3A_43 : vector<1000x128xf32>
    %slice3A_45 = vector.extract_strided_slice %add3A_20 {offsets = [0, 128], sizes = [1, 128], strides = [1, 1]} : vector<1x256xf32> to vector<1x128xf32>
    %add3A_46 = vector.broadcast %slice3A_45 : vector<1x128xf32> to vector<1000x128xf32>
    %add3A_47 = arith.addf %mul3A_44, %add3A_46 : vector<1000x128xf32>
    %max3A_48 = arith.constant 0.000000e+00 : f32
    %max3A_49 = vector.broadcast %max3A_48 : f32 to vector<1000x128xf32>
    %max3A_50 = arith.maximumf %add3A_47, %max3A_49 : vector<1000x128xf32>
    %get3A_51 = arith.constant 0 : index
    %get3A_52 = arith.constant 0 : index
    %get3A_53 = vector.load %arg6[%get3A_51, %get3A_52] : memref<256x64xf32, #tpu.memory_space<vmem>>, vector<128x64xf32>
    %dot_general3A = arith.constant dense<0.000000e+00> : vector<1000x64xf32>
    %dot_general3A_54 = tpu.matmul %max3A_34, %get3A_53, %dot_general3A {dimension_numbers = #tpu.dot_dimension_numbers<[1], [0], [0], [1], [0, 0, 1, 1], [], []>, transpose_lhs_hint = false} : vector<1000x128xf32>, vector<128x64xf32>, vector<1000x64xf32> -> vector<1000x64xf32>
    %get3A_55 = arith.constant 128 : index
    %get3A_56 = arith.constant 0 : index
    %get3A_57 = vector.load %arg6[%get3A_55, %get3A_56] : memref<256x64xf32, #tpu.memory_space<vmem>>, vector<128x64xf32>
    %dot_general3A_58 = arith.constant dense<0.000000e+00> : vector<1000x64xf32>
    %dot_general3A_59 = tpu.matmul %max3A_50, %get3A_57, %dot_general3A_58 {dimension_numbers = #tpu.dot_dimension_numbers<[1], [0], [0], [1], [0, 0, 1, 1], [], []>, transpose_lhs_hint = false} : vector<1000x128xf32>, vector<128x64xf32>, vector<1000x64xf32> -> vector<1000x64xf32>
    %add3A_60 = arith.addf %dot_general3A_54, %dot_general3A_59 : vector<1000x64xf32>
    %get3A_61 = arith.constant 0 : index
    %get3A_62 = arith.constant 0 : index
    %get3A_63 = vector.load %arg7[%get3A_61, %get3A_62] : memref<1x64xf32, #tpu.memory_space<vmem>>, vector<1x64xf32>
    %add3A_64 = vector.broadcast %get3A_63 : vector<1x64xf32> to vector<1000x64xf32>
    %add3A_65 = arith.addf %add3A_60, %add3A_64 : vector<1000x64xf32>
    %swap3A = arith.constant 0 : index
    %swap3A_66 = arith.constant 0 : index
    %swap3A_67 = vector.load %arg8[%swap3A, %swap3A_66] : memref<1000x64xf32, #tpu.memory_space<vmem>>, vector<1000x64xf32>
    tpu.vector_store %arg8[%swap3A, %swap3A_66], %add3A_65 {strides = array<i32>} : memref<1000x64xf32, #tpu.memory_space<vmem>>, vector<1000x64xf32>,
    return
  }
  func.func @transform_0(%arg0: i32) -> (i32, i32) {
    %c0_i32 = arith.constant 0 : i32
    %c0_i32_0 = arith.constant 0 : i32
    return %arg0, %c0_i32 : i32, i32
  }
  func.func @transform_1(%arg0: i32) -> (i32, i32, i32) {
    %c0_i32 = arith.constant 0 : i32
    %c0_i32_0 = arith.constant 0 : i32
    %c0_i32_1 = arith.constant 0 : i32
    return %c0_i32, %arg0, %c0_i32_0 : i32, i32, i32
  }
  func.func @transform_2(%arg0: i32) -> (i32, i32) {
    %c0_i32 = arith.constant 0 : i32
    %c0_i32_0 = arith.constant 0 : i32
    %c0_i32_1 = arith.constant 0 : i32
    return %c0_i32, %c0_i32_0 : i32, i32
  }
  func.func @transform_3(%arg0: i32) -> (i32, i32) {
    %c0_i32 = arith.constant 0 : i32
    %c0_i32_0 = arith.constant 0 : i32
    %c0_i32_1 = arith.constant 0 : i32
    return %c0_i32, %c0_i32_0 : i32, i32
  }
  func.func @transform_4(%arg0: i32) -> (i32, i32) {
    %c0_i32 = arith.constant 0 : i32
    %c0_i32_0 = arith.constant 0 : i32
    %c0_i32_1 = arith.constant 0 : i32
    return %c0_i32, %c0_i32_0 : i32, i32
  }
  func.func @transform_5(%arg0: i32) -> (i32, i32) {
    %c0_i32 = arith.constant 0 : i32
    %c0_i32_0 = arith.constant 0 : i32
    %c0_i32_1 = arith.constant 0 : i32
    return %c0_i32, %c0_i32_0 : i32, i32
  }
  func.func @transform_6(%arg0: i32) -> (i32, i32) {
    %c0_i32 = arith.constant 0 : i32
    %c0_i32_0 = arith.constant 0 : i32
    %c0_i32_1 = arith.constant 0 : i32
    return %c0_i32, %c0_i32_0 : i32, i32
  }
  func.func @transform_7(%arg0: i32) -> (i32, i32) {
    %c0_i32 = arith.constant 0 : i32
    %c0_i32_0 = arith.constant 0 : i32
    return %arg0, %c0_i32 : i32, i32
  }
}

</mosaic_0001>

<sc_bundles>
// kernel: kernel.10.cloned.1.call-start
scs
__scs_entry_jumppad:
0x0: {  	(pc) =	sbr.rel $0x88, $3  }
0x1: {  	(tag) =	ssettag $0x0;
	lr =	simm.s32 $0x1  }
0x2: {  	[smem:$0x3F91] =	sst lr;
	_ =	strace $0xD0000000  }
0x3: {  	_ = 	snop  }
0x4: {  	_ = 	snop  }
0x5: {  	_ = 	snop  }
0x6: {  	_ = 	snop  }
0x7: {  	_ = 	snop  }
__scs_overlays_trampoline_lowered:
0x8: {  	[smem:$0x3FA0] =	sst s0  }
0x9: {  	[smem:$0x3FA1] =	sst s1  }
0xa: {  	[smem:$0x3FA2] =	sst s2  }
0xb: {  	[smem:$0x3FA3] =	sst s3  }
0xc: {  	[smem:$0x3FA4] =	sst s4  }
0xd: {  	[smem:$0x3FA5] =	sst s5  }
0xe: {  	[smem:$0x3FA6] =	sst s6  }
0xf: {  	[smem:$0x3FA7] =	sst s7  }
0x10: {  	[smem:$0x3FA8] =	sst s8  }
0x11: {  	[smem:$0x3FA9] =	sst s9;
	s0 =	simm.s32 @!p0 $0x0  }
0x12: {  	s1 =	sld [smem:$0x3F8F];
	s0 =	simm.s32 @p0 $0x1  }
0x13: {  	[smem:$0x3FAA] =	sst s0;
	s0 =	simm.s32 @!p1 $0x0  }
0x14: {  	s2 =	sld [smem:$0x3F8E];
	s0 =	simm.s32 @p1 $0x1  }
0x15: {  	[smem:$0x3FAB] =	sst s0;
	s0 =	simm.s32 @!p2 $0x0  }
0x16: {  	s3 =	sld [smem:$0x3FDB];
	s0 =	simm.s32 @p2 $0x1  }
0x17: {  	s4 =	simm.s32 $0x1BF5;
	[smem:$0x3FAD] =	sst s0  }
0x18: {  	s0 =	sld [smem:$0x3F90];
	_ =	swait.ge [sflag:s4], $0x0  }
0x19: {  	s7 =	sld [smem:$0x3F91]  }
0x1a: {  	s8 =	sadd.s32 $0xFFFFE003, lr  }
0x1b: {  	s9 =	sadd.s32 $0xFFFFFEF7, lr;
	s5 =	simm.s32 $0xFFFFFFFF;
	p2 =	slt.u32 s8, $0xFFFFF086  }
0x1c: {  	p1 =	slt.u32 s9, $0xF7A;
	s5 =	simm.s32 @!p2 $0x0  }
0x1d: {  	s5 =	simm.s32 @p1 $0x1;
	p0 =	seq.s32 s7, s2  }
0x1e: {  	s7 =	smul.u32 @!p0 $0xF7A, s2;
	p2 =	seq.s32 @!p0 s5, $0x0  }
0x1f: {  	s9 =	smul.u32 $0xF7A, s1;
	s8 =	simm.s32 @!p0 $0x1BF5;
	p2 =	por !p2, p0  }
0x20: {  	[sflag:s8] =	ssyncset.s32 @!p0 $0xFFFFF086;
	s6 =	sadd.s32 @!p0 s3, s7;
	s7 =	simm.s32 @!p0 $0x108  }
0x21: {  	s3 =	sadd.s32 s3, s9;
	s6 =	sadd.s32 @!p0 $0x88, s6;
	s7 =	simm.s32 @p2 $0x1082  }
0x22: {  	[simem:s7], [sflag:s8] =	dma.local @!p0 [hbm:s6], $0xF7A  }
0x23: {  	s9 =	sor.u32 $0xD0000000, s2;
	s6 =	simm.s32 $0x108;
	_ =	swait.ge @!p0 [sflag:s8], $0x0  }
0x24: {  	s3 =	sadd.s32 $0x88, s3;
	s6 =	simm.s32 @!p1 $0x1082;
	[sflag:s4] =	ssyncset.s32 $0xFFFFF086  }
0x25: {  	[simem:s6], [sflag:s4] =	dma.local [hbm:s3], $0xF7A  }
0x26: {  	[smem:$0x3F91] =	sst s1;
	(tag) =	ssettag s2;
	_ =	strace s9  }
0x27: {  	s1 =	sld [smem:$0x3FA1]  }
0x28: {  	s2 =	sld [smem:$0x3FA2]  }
0x29: {  	s4 =	sld [smem:$0x3FA4]  }
0x2a: {  	p0 =	seq.s32 s5, $0x0;
	s5 =	sld [smem:$0x3FA5]  }
0x2b: {  	s6 =	sld [smem:$0x3FA6]  }
0x2c: {  	s7 =	sld [smem:$0x3FA7]  }
0x2d: {  	s3 =	simm.s32 $0x108;
	s8 =	sld [smem:$0x3FA8]  }
0x2e: {  	s3 =	simm.s32 @!p0 $0x1082;
	s9 =	sld [smem:$0x3FA9]  }
0x2f: {  	lr =	sadd.s32 s0, s3;
	s0 =	sld [smem:$0x3FA0]  }
0x30: {  	s3 =	sld [smem:$0x3FA3]  }
0x31: {  	[smem:$0x3FAC] =	sst s10  }
0x32: {  	s10 =	sld [smem:$0x3FAA];
	_ =	sdelay $0x3  }
0x33: {  	p0 =	seq.s32 s10, $0x1;
	s10 =	sld [smem:$0x3FAC];
	_ =	sdelay $0x3  }
0x34: {  	[smem:$0x3FAC] =	sst s10  }
0x35: {  	s10 =	sld [smem:$0x3FAB];
	_ =	sdelay $0x3  }
0x36: {  	p1 =	seq.s32 s10, $0x1;
	s10 =	sld [smem:$0x3FAC];
	_ =	sdelay $0x3  }
0x37: {  	[smem:$0x3FAC] =	sst s10  }
0x38: {  	s10 =	sld [smem:$0x3FAD]  }
0x39: {  	_ = 	snop;
	(pc) =	sbr.ind lr, $3  }
0x3a: {  	_ = 	snop  }
0x3b: {  	_ = 	snop  }
0x3c: {  	p2 =	seq.s32 s10, $0x1;
	s10 =	sld [smem:$0x3FAC]  }
0x3d: {  	_ =	shalt  }
0x3e: {  	_ =	shalt  }
0x3f: {  	_ =	shalt  }
0x40: {  	_ =	shalt  }
0x41: {  	_ =	shalt  }
0x42: {  	_ =	shalt  }
0x43: {  	_ =	shalt  }
0x44: {  	_ =	shalt  }
0x45: {  	_ =	shalt  }
0x46: {  	_ =	shalt  }
0x47: {  	_ =	shalt  }
0x48: {  	_ =	shalt  }
0x49: {  	_ =	shalt  }
0x4a: {  	_ =	shalt  }
0x4b: {  	_ =	shalt  }
0x4c: {  	_ =	shalt  }
0x4d: {  	_ =	shalt  }
0x4e: {  	_ =	shalt  }
0x4f: {  	_ =	shalt  }
0x50: {  	_ =	shalt  }
0x51: {  	_ =	shalt  }
0x52: {  	_ =	shalt  }
0x53: {  	_ =	shalt  }
0x54: {  	_ =	shalt  }
0x55: {  	_ =	shalt  }
0x56: {  	_ =	shalt  }
0x57: {  	_ =	shalt  }
0x58: {  	_ =	shalt  }
0x59: {  	_ =	shalt  }
0x5a: {  	_ =	shalt  }
0x5b: {  	_ =	shalt  }
0x5c: {  	_ =	shalt  }
0x5d: {  	_ =	shalt  }
0x5e: {  	_ =	shalt  }
0x5f: {  	_ =	shalt  }
0x60: {  	_ =	shalt  }
0x61: {  	_ =	shalt  }
0x62: {  	_ =	shalt  }
0x63: {  	_ =	shalt  }
0x64: {  	_ =	shalt  }
0x65: {  	_ =	shalt  }
0x66: {  	_ =	shalt  }
0x67: {  	_ =	shalt  }
0x68: {  	_ =	shalt  }
0x69: {  	_ =	shalt  }
0x6a: {  	_ =	shalt  }
0x6b: {  	_ =	shalt  }
0x6c: {  	_ =	shalt  }
0x6d: {  	_ =	shalt  }
0x6e: {  	_ =	shalt  }
0x6f: {  	_ =	shalt  }
0x70: {  	_ =	shalt  }
0x71: {  	_ =	shalt  }
0x72: {  	_ =	shalt  }
0x73: {  	_ =	shalt  }
0x74: {  	_ =	shalt  }
0x75: {  	_ =	shalt  }
0x76: {  	_ =	shalt  }
0x77: {  	_ =	shalt  }
0x78: {  	_ =	shalt  }
0x79: {  	_ =	shalt  }
0x7a: {  	_ =	shalt  }
0x7b: {  	_ =	shalt  }
0x7c: {  	_ =	shalt  }
0x7d: {  	_ =	shalt  }
0x7e: {  	_ =	shalt  }
0x7f: {  	_ =	shalt  }
0x80: {  	_ =	shalt  }
0x81: {  	_ =	shalt  }
0x82: {  	_ =	shalt  }
0x83: {  	_ =	shalt  }
0x84: {  	_ =	shalt  }
0x85: {  	_ =	shalt  }
0x86: {  	_ =	shalt  }
0x87: {  	_ =	shalt  }
.Lfunc_end0:
.L_simem_size_0:
called_computation_lowered:
.L_overlay_start_0:
0x88: {  	s2 =	sld [smem:$0x3FD9]  }
0x89: {  	s3 =	sld [smem:$0x3FFE];
	_ =	sdelay $0x1  }
0x8a: {  	s1 =	srdreg.scid  }
0x8b: {  	s0 =	sand.u32 $0x1, s1  }
0x8c: {  	s16 =	sshll.u32 s0, $0xA;
	s2 =	sadd.s32 s3, s2  }
0x8d: {  	s2 =	sadd.s32 s2, s16  }
0x8e: {  	[smem:$0x3FB8] =	sst s2  }
0x8f: {  	_ = 	snop  }
0x90: {  	(tm) =	ssettm $0x1  }
0x91: {  	s17 =	sld [smem:$0x3FFB];
	_ =	sdelay $0x3  }
0x92: {  	_ =	strace s17  }
0x93: {  	s2 =	sld [smem:$0x3FFC];
	_ =	sdelay $0x3  }
0x94: {  	_ =	strace s2  }
0x95: {  	s2 =	sld [smem:$0x3FFD];
	_ =	sdelay $0x3  }
0x96: {  	_ =	strace s2  }
0x97: {  	_ =	strace $0x8FFFFFFF  }
0x98: {  	s18 =	sld [smem:$0x3FDB];
	_ =	sdelay $0x1  }
0x99: {  	s19 =	simm.s32 $_scs_section_size  }
0x9a: {  	s4 =	simm.s32 $_size__tile_overlayer_lowered;
	s5 =	simm.s32 $_tile_overlayer_lowered  }
0x9b: {  	s22 =	simm.s32 $0x1BFF;
	s21 =	sshll.u32 s5, $0x1;
	s2 =	sadd.s32 s19, s18  }
0x9c: {  	s6 =	simm.s32 $0x0;
	s20 =	sshll.u32 s4, $0x1;
	s4 =	sadd.s32 s21, s2  }
0x9d: {  	[timem:s6], [sflag:s22] =	dma.local [hbm:s4], s20  }
0x9e: {  	_ =	swait.ge [sflag:s22], s20  }
0x9f: {  	s3 =	ssub.s32 $0x0, s20;
	[sflag:s22] =	ssyncset.done $0x0  }
0xa0: {  	[sflag:s22] =	ssyncadd.s32 s3;
	_ =	sdelay $0x1  }
0xa1: {  	s23 =	simm.s32 $0x1B8B  }
0xa2: {  	_ =	swait.ge [sflag:s23], $0x1  }
0xa3: {  	[sflag:s23] =	ssyncset.done $0x0  }
0xa4: {  	s25 =	simm.s32 $0x1B8E;
	s24 =	sld [smem:$0x3FFE];
	[sflag:s23] =	ssyncadd.s32 $0xFFFFFFFF  }
0xa5: {  	s26 =	simm.s32 $execute0_lowered;
	[smem:$0x3FD2] =	sst s25  }
0xa6: {  	s4 =	sshll.u32 s26, $0x1;
	_ =	strace $0x80000046;
	[dreg:$0x1] =	wrdreg $0xFFFFFFFF  }
0xa7: {  	s28 =	simm.s32 $_size_execute0_lowered;
	s2 =	sadd.s32 s2, s4;
	[dreg:$0x0] =	wrdreg $0x0  }
0xa8: {  	s4 =	sshll.u32 s28, $0x1;
	[dreg:$0x2] =	wrdreg s2  }
0xa9: {  	[dreg:$0x3] =	wrdreg s4  }
0xaa: {  	[dreg:$0x4] =	wrdreg $0xC0  }
0xab: {  	_ =	task [dreg:s6], $0x5FFFF  }
0xac: {  	[dreg:$0x1] =	wrdreg $0xFFFFFFFF  }
0xad: {  	[dreg:$0x0] =	wrdreg $0x60  }
0xae: {  	[dreg:$0x2] =	wrdreg s24  }
0xaf: {  	[dreg:$0x3] =	wrdreg $0x40800  }
0xb0: {  	[dreg:$0x4] =	wrdreg $0x9  }
0xb1: {  	_ =	task.clear_ibuf [dreg:s6], $0x5FFFF;
	_ =	strace $0x90000046  }
0xb2: {  	s29 =	simm.s32 $0x9;
	_ =	strace $0x80000048  }
0xb3: {  	_ =	swait.ge [sflag:s29], $0x1  }
0xb4: {  	[sflag:s29] =	ssyncadd.s32 $0xFFFFFFFF  }
0xb5: {  	_ =	strace $0x90000048  }
0xb6: {  	_ =	sfence  }
0xb7: {  	s30 =	sld [smem:$0x0];
	_ =	sdelay $0x2  }
0xb8: {  	s31 =	sshll.u32 s1, $0xD;
	s1 =	sshrl.u32 s1, $0x2  }
0xb9: {  	s3 =	sand.u32 $0x4000, s31;
	s1 =	sadd.s32 s1, s30  }
0xba: {  	s0 =	sor.u32 s3, s0;
	s1 =	sshll.u32 s1, $0x11  }
0xbb: {  	s0 =	sor.u32 s1, s0  }
0xbc: {  	s0 =	sadd.s32 $0x8F2B, s0  }
0xbd: {  	[sflag:s0] =	ssyncadd.remote.s32 $0x1  }
0xbe: {  	_ =	sfence.sel $0xFFFF  }
0xbf: {  	[dreg:$0x0] =	wrdreg $0xFFFFFFFF;
	(pc) =	sbr.abs _section_cstart, $3  }
0xc0: {  	[dreg:$0x1] =	wrdreg $0xFFFFFFFF  }
0xc1: {  	_ =	task.clear_ibuf [dreg:s6], $0x2FFFF;
	_ =	strace $0x9FFFFFFF  }
0xc2: {  	(tm) =	ssettm $0x7FFFFFFF  }
0xc3: {  	_ =	shalt  }
tec
execute0_lowered:
.L_overlay_start_1:
0x0: {  	(tag) =	ssettag $0x1  }
0x1: {  	s5 =	rddreg [dreg:$0x0];
	s0 =	srdreg.scid  }
0x2: {  	s2 =	rddreg [dreg:$0x1];
	s1 =	stileid.u32;
	s3 =	simm.s32 $0x0  }
0x3: {  	s13 =	simm.s32 $0x50;
	s14 =	simm.s32 $0x1400;
	s17 =	simm.s32 $0x0  }
0x4: {  	s4 =	sand.u32 $0x1, s0;
	s0 =	rddreg [dreg:$0x2];
	s7 =	smul.u32 $0x1380, s1  }
0x5: {  	[smem:$0x7FF] =	sst s3;
	s9 =	sshll.u32 s1, $0xA;
	s6 =	smul.u32 $0x13880, s4  }
0x6: {  	p0 =	seq.s32 s1, $0xF;
	p1 =	sgt.u32 s1, $0x9;
	s8 =	smul.u32 $0x2800, s4  }
0x7: {  	_ =	strace $0x80000047;
	s29 =	ssub.s32 $0x2, s4;
	s15 =	sshll.u32 @!p1 s1, $0x6  }
0x8: {  	s4 =	sadd.s32 $0x7C00, s5;
	s31 =	sshrl.u32 s29, $0x1;
	s15 =	sor.u32 @!p1 $0x1C01, s15  }
0x9: {  	s6 =	sadd.s32 s7, s6;
	s28 =	sadd.s32 s9, s8;
	s12 =	ssub.s32 s29, s31  }
0xa: {  	s8 =	sadd.s32 s9, s2;
	s6 =	sshrl.u32 s6, $0x3;
	s30 =	sshrl.u32 s28, $0x3  }
0xb: {  	s16 =	sshrl.u32 @!p1 s8, $0x3;
	s10 =	sadd.s32 s6, s5;
	s11 =	sadd.s32 s30, s5  }
0xc: {  	s6 =	simm.s32 $0x140;
	s5 =	sadd.s32 $0x2C00, s10;
	s7 =	sadd.s32 $0x2E70, s10  }
0xd: {  	s6 =	simm.s32 @!p0 $0x138;
	s9 =	sadd.s32 $0x7E00, s11;
	s10 =	smax.u32 s12, $0x1  }
0xe: {  	v0 =	vimm.f32 $0.0e+00;
	p0 =	sne.s32 s1, $0xF;
	s11 =	simm.s32 $0x1;
	s12 =	simm.s32 $0x3C00  }
.LBB2_1:
0xf: {  	[tilespmem:s3], [sflag:$0x1] =	stream.linear.gather [hbm4b:s5+s3], $0x1380, $0x38;
	[tilespmem:$0x4300] =	vst v63  }
0x10: {  	_ =	swait.ge [sflag:s11], $0x1380  }
0x11: {  	[sflag:s11] =	ssyncset.done $0x0  }
0x12: {  	s18 =	simm.s32 @!p0 $0x0;
	s19 =	simm.s32 @!p0 $0x1380;
	[sflag:s11] =	ssyncadd.s32 $0xFFFFEC80  }
0x13: {  	[tilespmem:s19], [sflag:$0x1] =	stream.linear.gather @!p0 [hbm4b:s7+s18], $0x80, $0x38;
	[tilespmem:$0x4300] =	vst v63  }
0x14: {  	s18 =	simm.s32 @!p0 $0x1  }
0x15: {  	_ =	swait.ge @!p0 [sflag:s18], $0x80  }
0x16: {  	[sflag:s18] =	ssyncset.done @!p0 $0x0  }
0x17: {  	[sflag:s18] =	ssyncadd.s32 @!p0 $0xFFFFFF80  }
0x18: {  	[tilespmem:s12], [sflag:$0x1] =	stream.linear.gather [hbm4b:s4+s3], $0x80, $0x38;
	[tilespmem:$0x4300] =	vst v63  }
0x19: {  	_ =	swait.ge [sflag:s11], $0x80  }
0x1a: {  	[sflag:s11] =	ssyncset.done $0x0  }
0x1b: {  	s19 =	simm.s32 $0x3C0;
	s18 =	simm.s32 $0x70;
	[sflag:s11] =	ssyncadd.s32 $0xFFFFFF80  }
.LBB2_2:
0x1c: {  	p2 =	sne.s32 s19, $0x9FC0;
	[tilespmem:s18+$0x1400] =	vst v0  }
0x1d: {  	[tilespmem:s18+$0x1390] =	vst v0  }
0x1e: {  	[tilespmem:s18+$0x13A0] =	vst v0  }
.Ltmp0:
0x1f: {  	[tilespmem:s18+$0x13B0] =	vst v0;
	(pc) =	sbr.rel @p2 .LBB2_2-.Ltmp0, $4  }
0x20: {  	[tilespmem:s18+$0x13C0] =	vst v0  }
0x21: {  	[tilespmem:s18+$0x13D0] =	vst v0  }
0x22: {  	[tilespmem:s18+$0x13E0] =	vst v0  }
0x23: {  	[tilespmem:s18+$0x13F0] =	vst v0;
	s18 =	sshra.s32 s19, $0x2;
	s19 =	sadd.s32 $0x200, s19  }
0x24: {  	[tilespmem:s18+$0x1400] =	vst v0  }
0x25: {  	[tilespmem:s18+$0x1390] =	vst v0  }
0x26: {  	[tilespmem:s18+$0x13A0] =	vst v0  }
0x27: {  	[tilespmem:s18+$0x13B0] =	vst v0  }
0x28: {  	[tilespmem:s18+$0x13C0] =	vst v0  }
0x29: {  	[tilespmem:s18+$0x13D0] =	vst v0  }
0x2a: {  	[tilespmem:s18+$0x13E0] =	vst v0  }
0x2b: {  	[tilespmem:s18+$0x13F0] =	vst v0  }
0x2c: {  	[tilespmem:$0x3C80] =	vst v0  }
0x2d: {  	[tilespmem:$0x3C90] =	vst v0  }
0x2e: {  	[tilespmem:$0x3CA0] =	vst v0  }
0x2f: {  	[tilespmem:$0x3CB0] =	vst v0  }
0x30: {  	[tilespmem:$0x3CC0] =	vst v0  }
0x31: {  	[tilespmem:$0x3CD0] =	vst v0  }
0x32: {  	[tilespmem:$0x3CE0] =	vst v0  }
0x33: {  	[tilespmem:$0x3CF0] =	vst v0  }
0x34: {  	[tilespmem:$0x3D00] =	vst v0  }
0x35: {  	[tilespmem:$0x3D10] =	vst v0  }
0x36: {  	[tilespmem:$0x3D20] =	vst v0  }
0x37: {  	[tilespmem:$0x3D30] =	vst v0  }
0x38: {  	[tilespmem:$0x3D40] =	vst v0  }
0x39: {  	[tilespmem:$0x3D50] =	vst v0  }
0x3a: {  	[tilespmem:$0x3D60] =	vst v0  }
0x3b: {  	[tilespmem:$0x3D70] =	vst v0  }
0x3c: {  	[tilespmem:$0x3D80] =	vst v0  }
0x3d: {  	[tilespmem:$0x3D90] =	vst v0  }
0x3e: {  	[tilespmem:$0x3DA0] =	vst v0  }
0x3f: {  	[tilespmem:$0x3DB0] =	vst v0  }
0x40: {  	[tilespmem:$0x3DC0] =	vst v0  }
0x41: {  	[tilespmem:$0x3DD0] =	vst v0  }
0x42: {  	[tilespmem:$0x3DE0] =	vst v0  }
0x43: {  	[tilespmem:$0x3DF0] =	vst v0  }
0x44: {  	[tilespmem:$0x3E00] =	vst v0  }
0x45: {  	[tilespmem:$0x3E10] =	vst v0  }
0x46: {  	[tilespmem:$0x3E20] =	vst v0  }
0x47: {  	[tilespmem:$0x3E30] =	vst v0  }
0x48: {  	[tilespmem:$0x3E40] =	vst v0  }
0x49: {  	[tilespmem:$0x3E50] =	vst v0  }
0x4a: {  	[tilespmem:$0x3E60] =	vst v0  }
0x4b: {  	[tilespmem:$0x3E70] =	vst v0  }
0x4c: {  	[tilespmem:$0x3E80] =	vst v0  }
0x4d: {  	[tilespmem:$0x3E90] =	vst v0  }
0x4e: {  	[tilespmem:$0x3EA0] =	vst v0  }
0x4f: {  	[tilespmem:$0x3EB0] =	vst v0  }
0x50: {  	[tilespmem:$0x3EC0] =	vst v0  }
0x51: {  	[tilespmem:$0x3ED0] =	vst v0  }
0x52: {  	[tilespmem:$0x3EE0] =	vst v0  }
0x53: {  	[tilespmem:$0x3EF0] =	vst v0  }
0x54: {  	[tilespmem:$0x3F00] =	vst v0  }
0x55: {  	[tilespmem:$0x3F10] =	vst v0  }
0x56: {  	[tilespmem:$0x3F20] =	vst v0  }
0x57: {  	[tilespmem:$0x3F30] =	vst v0  }
0x58: {  	[tilespmem:$0x3F40] =	vst v0  }
0x59: {  	[tilespmem:$0x3F50] =	vst v0  }
0x5a: {  	[tilespmem:$0x3F60] =	vst v0  }
0x5b: {  	[tilespmem:$0x3F70] =	vst v0  }
0x5c: {  	[tilespmem:$0x3F80] =	vst v0  }
0x5d: {  	[tilespmem:$0x3F90] =	vst v0  }
0x5e: {  	[tilespmem:$0x3FA0] =	vst v0  }
0x5f: {  	[tilespmem:$0x3FB0] =	vst v0  }
0x60: {  	[tilespmem:$0x3FC0] =	vst v0  }
0x61: {  	[tilespmem:$0x3FD0] =	vst v0  }
0x62: {  	[tilespmem:$0x3FE0] =	vst v0  }
0x63: {  	[tilespmem:$0x3FF0] =	vst v0  }
0x64: {  	[tilespmem:$0x4000] =	vst v0  }
0x65: {  	[tilespmem:$0x4010] =	vst v0  }
0x66: {  	[tilespmem:$0x4020] =	vst v0  }
0x67: {  	[tilespmem:$0x4030] =	vst v0  }
0x68: {  	[tilespmem:$0x4040] =	vst v0  }
0x69: {  	[tilespmem:$0x4050] =	vst v0  }
0x6a: {  	[tilespmem:$0x4060] =	vst v0  }
0x6b: {  	s18 =	simm.s32 @!p1 $0x3C80;
	[tilespmem:$0x4070] =	vst v0  }
0x6c: {  	[spmem:s8] =	stream.linear.scatter @!p1 [tilespmem:s18], [sflag:$0x1], $0x400, $0x38;
	[tilespmem:$0x4300] =	vst v63  }
0x6d: {  	s18 =	simm.s32 @!p1 $0x1  }
0x6e: {  	_ =	swait.ge @!p1 [sflag:s18], $0x400  }
0x6f: {  	[sflag:s18] =	ssyncset.done @!p1 $0x0  }
0x70: {  	p2 =	sle.u32 s6, $0x0;
	[sflag:s18] =	ssyncadd.s32 @!p1 $0xFFFFFC00;
	s18 =	simm.s32 $0x0  }
0x71: {  	v1 =	vld @!p2 [tilespmem:s18+$0x0];
	_ =	sdelay $0x6  }
0x72: {  	s19 =	simm.s32 $0x1;
	v2 =	vimm.f32 @!p2 $1.000000000e+00;
	s20 =	simm.s32 @!p2 $0x1400  }
.LBB2_4:
0x73: {  	[tilespmem:v1+s20+$0x0] =	vst.idx.add.f32.msk @!p2 $0xffff, v2;
	p2 =	sge.u32 s19, s6;
	s19 =	sadd.s32 $0x1, s19;
	s18 =	sadd.s32 $0x10, s18  }
0x74: {  	v1 =	vld @!p2 [tilespmem:s18+$0x0];
	p3 =	sne.s32 s19, $0x140;
	_ =	sdelay $0x2  }
.Ltmp1:
0x75: {  	(pc) =	sbr.rel @p3 .LBB2_4-.Ltmp1, $2  }
0x76: {  	_ =	sdelay $0x2  }
0x77: {  	v2 =	vimm.f32 @!p2 $1.000000000e+00;
	s20 =	simm.s32 @!p2 $0x1400  }
0x78: {  	_ =	sdelay $0x3  }
0x79: {  	[tilespmem:v1+s20+$0x0] =	vst.idx.add.f32.msk @!p2 $0xffff, v2  }
0x7a: {  	[bflag:$0x0] =	sbarrier.arrive $0xFFFF  }
0x7b: {  	[spmem:s2] =	stream.indirect.scatter.add.f32 [tilespmem:s14], [sflag:$0x1], $0x80, s12, s13, $0xb8;
	[tilespmem:$0x4300] =	vst v63  }
0x7c: {  	_ =	swait.ge [sflag:s11], $0x2800  }
0x7d: {  	s17 =	sadd.s32 $0x1, s17;
	[sflag:s11] =	ssyncset.done $0x0  }
0x7e: {  	p2 =	sne.s32 s17, s10;
	[sflag:s11] =	ssyncadd.s32 $0xFFFFD800  }
.Ltmp2:
0x7f: {  	s18 =	simm.s32 @!p1 $0x1;
	[bflag:$0x0] =	sbarrier.arrive $0xFFFF;
	(pc) =	sbr.rel @p2 .LBB2_1-.Ltmp2, $4  }
0x80: {  	[hbm:s9], [sflag:s15] =	dma.local @!p1 [spmem:s16], $0x80  }
0x81: {  	_ =	swait.ge @!p1 [sflag:s18], $0x80  }
0x82: {  	[sflag:s18] =	ssyncset.done @!p1 $0x0  }
0x83: {  	[sflag:s18] =	ssyncadd.s32 @!p1 $0xFFFFFF80  }
0x84: {  	_ =	sfence.sel $0x180000  }
0x85: {  	[bflag:$0x0] =	sbarrier.arrive $0xFFFF  }
0x86: {  	p0 =	sne.s32 s1, $0x0;
	_ =	strace $0x90000047  }
0x87: {  	s0 =	sadd.s32 @!p0 $0x100000, s0;
	[bflag:$0x2] =	sbarrier.arrive $0xFFFF  }
0x88: {  	[sflag:s0] =	ssyncadd.tile.s32 @!p0 $0x1;
	_ =	shalt  }
.Lfunc_end2:
_tile_overlayer_lowered:
.L_overlay_start_2:
0x89: {  	(tag) =	ssettag $0x2  }
0x8a: {  	s0 =	rddreg [dreg:$0x0];
	s2 =	stileid.u32  }
0x8b: {  	s1 =	rddreg [dreg:$0x1];
	p0 =	sne.s32 s2, $0x0  }
0x8c: {  	s3 =	rddreg [dreg:$0x2];
	[bflag:$0x3] =	sbarrier.arrive $0xFFFF;
	s2 =	simm.s32 @!p0 $0x1C01  }
0x8d: {  	[timem:s3], [sflag:s2] =	dma.local @!p0 [hbm:s0], s1  }
0x8e: {  	s0 =	simm.s32 @!p0 $0x1  }
0x8f: {  	_ =	swait.ge @!p0 [sflag:s0], s1  }
0x90: {  	s1 =	ssub.s32 @!p0 $0x0, s1;
	[sflag:s0] =	ssyncset.done @!p0 $0x0  }
0x91: {  	[sflag:s0] =	ssyncadd.s32 @!p0 s1  }
0x92: {  	[bflag:$0x3] =	sbarrier.arrive $0xFFFF  }
0x93: {  	_ =	shalt  }

// kernel: kernel.13.cloned.1.call-start
scs
__scs_entry_jumppad:
0x0: {  	(pc) =	sbr.rel $0x88, $3  }
0x1: {  	(tag) =	ssettag $0x0;
	lr =	simm.s32 $0x1  }
0x2: {  	[smem:$0x3F91] =	sst lr;
	_ =	strace $0xD0000000  }
0x3: {  	_ = 	snop  }
0x4: {  	_ = 	snop  }
0x5: {  	_ = 	snop  }
0x6: {  	_ = 	snop  }
0x7: {  	_ = 	snop  }
__scs_overlays_trampoline_lowered:
0x8: {  	[smem:$0x3FA0] =	sst s0  }
0x9: {  	[smem:$0x3FA1] =	sst s1  }
0xa: {  	[smem:$0x3FA2] =	sst s2  }
0xb: {  	[smem:$0x3FA3] =	sst s3  }
0xc: {  	[smem:$0x3FA4] =	sst s4  }
0xd: {  	[smem:$0x3FA5] =	sst s5  }
0xe: {  	[smem:$0x3FA6] =	sst s6  }
0xf: {  	[smem:$0x3FA7] =	sst s7  }
0x10: {  	[smem:$0x3FA8] =	sst s8  }
0x11: {  	[smem:$0x3FA9] =	sst s9;
	s0 =	simm.s32 @!p0 $0x0  }
0x12: {  	s1 =	sld [smem:$0x3F8F];
	s0 =	simm.s32 @p0 $0x1  }
0x13: {  	[smem:$0x3FAA] =	sst s0;
	s0 =	simm.s32 @!p1 $0x0  }
0x14: {  	s2 =	sld [smem:$0x3F8E];
	s0 =	simm.s32 @p1 $0x1  }
0x15: {  	[smem:$0x3FAB] =	sst s0;
	s0 =	simm.s32 @!p2 $0x0  }
0x16: {  	s3 =	sld [smem:$0x3FDB];
	s0 =	simm.s32 @p2 $0x1  }
0x17: {  	s4 =	simm.s32 $0x1BF5;
	[smem:$0x3FAD] =	sst s0  }
0x18: {  	s0 =	sld [smem:$0x3F90];
	_ =	swait.ge [sflag:s4], $0x0  }
0x19: {  	s7 =	sld [smem:$0x3F91]  }
0x1a: {  	s8 =	sadd.s32 $0xFFFFE003, lr  }
0x1b: {  	s9 =	sadd.s32 $0xFFFFFEF7, lr;
	s5 =	simm.s32 $0xFFFFFFFF;
	p2 =	slt.u32 s8, $0xFFFFF086  }
0x1c: {  	p1 =	slt.u32 s9, $0xF7A;
	s5 =	simm.s32 @!p2 $0x0  }
0x1d: {  	s5 =	simm.s32 @p1 $0x1;
	p0 =	seq.s32 s7, s2  }
0x1e: {  	s7 =	smul.u32 @!p0 $0xF7A, s2;
	p2 =	seq.s32 @!p0 s5, $0x0  }
0x1f: {  	s9 =	smul.u32 $0xF7A, s1;
	s8 =	simm.s32 @!p0 $0x1BF5;
	p2 =	por !p2, p0  }
0x20: {  	[sflag:s8] =	ssyncset.s32 @!p0 $0xFFFFF086;
	s6 =	sadd.s32 @!p0 s3, s7;
	s7 =	simm.s32 @!p0 $0x108  }
0x21: {  	s3 =	sadd.s32 s3, s9;
	s6 =	sadd.s32 @!p0 $0x88, s6;
	s7 =	simm.s32 @p2 $0x1082  }
0x22: {  	[simem:s7], [sflag:s8] =	dma.local @!p0 [hbm:s6], $0xF7A  }
0x23: {  	s9 =	sor.u32 $0xD0000000, s2;
	s6 =	simm.s32 $0x108;
	_ =	swait.ge @!p0 [sflag:s8], $0x0  }
0x24: {  	s3 =	sadd.s32 $0x88, s3;
	s6 =	simm.s32 @!p1 $0x1082;
	[sflag:s4] =	ssyncset.s32 $0xFFFFF086  }
0x25: {  	[simem:s6], [sflag:s4] =	dma.local [hbm:s3], $0xF7A  }
0x26: {  	[smem:$0x3F91] =	sst s1;
	(tag) =	ssettag s2;
	_ =	strace s9  }
0x27: {  	s1 =	sld [smem:$0x3FA1]  }
0x28: {  	s2 =	sld [smem:$0x3FA2]  }
0x29: {  	s4 =	sld [smem:$0x3FA4]  }
0x2a: {  	p0 =	seq.s32 s5, $0x0;
	s5 =	sld [smem:$0x3FA5]  }
0x2b: {  	s6 =	sld [smem:$0x3FA6]  }
0x2c: {  	s7 =	sld [smem:$0x3FA7]  }
0x2d: {  	s3 =	simm.s32 $0x108;
	s8 =	sld [smem:$0x3FA8]  }
0x2e: {  	s3 =	simm.s32 @!p0 $0x1082;
	s9 =	sld [smem:$0x3FA9]  }
0x2f: {  	lr =	sadd.s32 s0, s3;
	s0 =	sld [smem:$0x3FA0]  }
0x30: {  	s3 =	sld [smem:$0x3FA3]  }
0x31: {  	[smem:$0x3FAC] =	sst s10  }
0x32: {  	s10 =	sld [smem:$0x3FAA];
	_ =	sdelay $0x3  }
0x33: {  	p0 =	seq.s32 s10, $0x1;
	s10 =	sld [smem:$0x3FAC];
	_ =	sdelay $0x3  }
0x34: {  	[smem:$0x3FAC] =	sst s10  }
0x35: {  	s10 =	sld [smem:$0x3FAB];
	_ =	sdelay $0x3  }
0x36: {  	p1 =	seq.s32 s10, $0x1;
	s10 =	sld [smem:$0x3FAC];
	_ =	sdelay $0x3  }
0x37: {  	[smem:$0x3FAC] =	sst s10  }
0x38: {  	s10 =	sld [smem:$0x3FAD]  }
0x39: {  	_ = 	snop;
	(pc) =	sbr.ind lr, $3  }
0x3a: {  	_ = 	snop  }
0x3b: {  	_ = 	snop  }
0x3c: {  	p2 =	seq.s32 s10, $0x1;
	s10 =	sld [smem:$0x3FAC]  }
0x3d: {  	_ =	shalt  }
0x3e: {  	_ =	shalt  }
0x3f: {  	_ =	shalt  }
0x40: {  	_ =	shalt  }
0x41: {  	_ =	shalt  }
0x42: {  	_ =	shalt  }
0x43: {  	_ =	shalt  }
0x44: {  	_ =	shalt  }
0x45: {  	_ =	shalt  }
0x46: {  	_ =	shalt  }
0x47: {  	_ =	shalt  }
0x48: {  	_ =	shalt  }
0x49: {  	_ =	shalt  }
0x4a: {  	_ =	shalt  }
0x4b: {  	_ =	shalt  }
0x4c: {  	_ =	shalt  }
0x4d: {  	_ =	shalt  }
0x4e: {  	_ =	shalt  }
0x4f: {  	_ =	shalt  }
0x50: {  	_ =	shalt  }
0x51: {  	_ =	shalt  }
0x52: {  	_ =	shalt  }
0x53: {  	_ =	shalt  }
0x54: {  	_ =	shalt  }
0x55: {  	_ =	shalt  }
0x56: {  	_ =	shalt  }
0x57: {  	_ =	shalt  }
0x58: {  	_ =	shalt  }
0x59: {  	_ =	shalt  }
0x5a: {  	_ =	shalt  }
0x5b: {  	_ =	shalt  }
0x5c: {  	_ =	shalt  }
0x5d: {  	_ =	shalt  }
0x5e: {  	_ =	shalt  }
0x5f: {  	_ =	shalt  }
0x60: {  	_ =	shalt  }
0x61: {  	_ =	shalt  }
0x62: {  	_ =	shalt  }
0x63: {  	_ =	shalt  }
0x64: {  	_ =	shalt  }
0x65: {  	_ =	shalt  }
0x66: {  	_ =	shalt  }
0x67: {  	_ =	shalt  }
0x68: {  	_ =	shalt  }
0x69: {  	_ =	shalt  }
0x6a: {  	_ =	shalt  }
0x6b: {  	_ =	shalt  }
0x6c: {  	_ =	shalt  }
0x6d: {  	_ =	shalt  }
0x6e: {  	_ =	shalt  }
0x6f: {  	_ =	shalt  }
0x70: {  	_ =	shalt  }
0x71: {  	_ =	shalt  }
0x72: {  	_ =	shalt  }
0x73: {  	_ =	shalt  }
0x74: {  	_ =	shalt  }
0x75: {  	_ =	shalt  }
0x76: {  	_ =	shalt  }
0x77: {  	_ =	shalt  }
0x78: {  	_ =	shalt  }
0x79: {  	_ =	shalt  }
0x7a: {  	_ =	shalt  }
0x7b: {  	_ =	shalt  }
0x7c: {  	_ =	shalt  }
0x7d: {  	_ =	shalt  }
0x7e: {  	_ =	shalt  }
0x7f: {  	_ =	shalt  }
0x80: {  	_ =	shalt  }
0x81: {  	_ =	shalt  }
0x82: {  	_ =	shalt  }
0x83: {  	_ =	shalt  }
0x84: {  	_ =	shalt  }
0x85: {  	_ =	shalt  }
0x86: {  	_ =	shalt  }
0x87: {  	_ =	shalt  }
.Lfunc_end0:
.L_simem_size_0:
called_computation.1_lowered:
.L_overlay_start_0:
0x88: {  	s2 =	sld [smem:$0x3FD9]  }
0x89: {  	s3 =	sld [smem:$0x3FFE];
	_ =	sdelay $0x1  }
0x8a: {  	s1 =	srdreg.scid  }
0x8b: {  	s0 =	sand.u32 $0x1, s1  }
0x8c: {  	s17 =	sshll.u32 s0, $0xA;
	s2 =	sadd.s32 s3, s2  }
0x8d: {  	s2 =	sadd.s32 s2, s17  }
0x8e: {  	[smem:$0x3FB8] =	sst s2  }
0x8f: {  	_ = 	snop  }
0x90: {  	s2 =	sld [smem:$0x3FD0];
	(tm) =	ssettm $0x1  }
0x91: {  	s18 =	sld [smem:$0x3FFB];
	_ =	sdelay $0x3  }
0x92: {  	_ =	strace s18  }
0x93: {  	s3 =	sld [smem:$0x3FFC];
	_ =	sdelay $0x3  }
0x94: {  	_ =	strace s3  }
0x95: {  	s3 =	sld [smem:$0x3FFD];
	_ =	sdelay $0x3  }
0x96: {  	_ =	strace s3  }
0x97: {  	_ =	strace $0x8FFFFFFF  }
0x98: {  	s19 =	sld [smem:$0x3FDB];
	_ =	sdelay $0x1  }
0x99: {  	s4 =	simm.s32 $_scs_section_size  }
0x9a: {  	s5 =	simm.s32 $_size__tile_overlayer_lowered;
	s6 =	simm.s32 $_tile_overlayer_lowered  }
0x9b: {  	s22 =	simm.s32 $0x1BFF;
	s21 =	sshll.u32 s6, $0x1;
	s3 =	sadd.s32 s4, s19  }
0x9c: {  	s7 =	simm.s32 $0x0;
	s20 =	sshll.u32 s5, $0x1;
	s5 =	sadd.s32 s21, s3  }
0x9d: {  	[timem:s7], [sflag:s22] =	dma.local [hbm:s5], s20  }
0x9e: {  	_ =	swait.ge [sflag:s22], s20  }
0x9f: {  	s4 =	ssub.s32 $0x0, s20;
	[sflag:s22] =	ssyncset.done $0x0  }
0xa0: {  	[sflag:s22] =	ssyncadd.s32 s4;
	_ =	sdelay $0x1  }
0xa1: {  	s23 =	simm.s32 $0x1B8B  }
0xa2: {  	_ =	swait.ge [sflag:s23], $0x1  }
0xa3: {  	[sflag:s23] =	ssyncset.done $0x0  }
0xa4: {  	s25 =	simm.s32 $0x1B8E;
	s24 =	sld [smem:$0x3FFE];
	[sflag:s23] =	ssyncadd.s32 $0xFFFFFFFF  }
0xa5: {  	s26 =	simm.s32 $execute0_lowered;
	[smem:$0x3FD2] =	sst s25  }
0xa6: {  	s5 =	sshll.u32 s26, $0x1;
	_ =	strace $0x80000049;
	[dreg:$0x1] =	wrdreg $0xFFFFFFFF  }
0xa7: {  	s28 =	simm.s32 $_size_execute0_lowered;
	s3 =	sadd.s32 s3, s5;
	[dreg:$0x0] =	wrdreg $0x0  }
0xa8: {  	s5 =	sshll.u32 s28, $0x1;
	[dreg:$0x2] =	wrdreg s3  }
0xa9: {  	[dreg:$0x3] =	wrdreg s5  }
0xaa: {  	[dreg:$0x4] =	wrdreg $0xC0  }
0xab: {  	_ =	task [dreg:s7], $0x5FFFF  }
0xac: {  	[dreg:$0x1] =	wrdreg $0xFFFFFFFF  }
0xad: {  	[dreg:$0x0] =	wrdreg $0x60  }
0xae: {  	[dreg:$0x2] =	wrdreg s24  }
0xaf: {  	[dreg:$0x3] =	wrdreg s2  }
0xb0: {  	[dreg:$0x4] =	wrdreg $0xC4000  }
0xb1: {  	[dreg:$0x5] =	wrdreg $0x9  }
0xb2: {  	_ =	task.clear_ibuf [dreg:s7], $0x6FFFF;
	_ =	strace $0x90000049  }
0xb3: {  	s29 =	simm.s32 $0x9;
	_ =	strace $0x8000004B  }
0xb4: {  	_ =	swait.ge [sflag:s29], $0x1  }
0xb5: {  	[sflag:s29] =	ssyncadd.s32 $0xFFFFFFFF  }
0xb6: {  	_ =	strace $0x9000004B  }
0xb7: {  	_ =	sfence  }
0xb8: {  	s30 =	sld [smem:$0x0];
	_ =	sdelay $0x2  }
0xb9: {  	s31 =	sshll.u32 s1, $0xD;
	s1 =	sshrl.u32 s1, $0x2  }
0xba: {  	s3 =	sand.u32 $0x4000, s31;
	s1 =	sadd.s32 s1, s30  }
0xbb: {  	s0 =	sor.u32 s3, s0;
	s1 =	sshll.u32 s1, $0x11  }
0xbc: {  	s0 =	sor.u32 s1, s0  }
0xbd: {  	s0 =	sadd.s32 $0x8F2B, s0  }
0xbe: {  	[sflag:s0] =	ssyncadd.remote.s32 $0x1  }
0xbf: {  	_ =	sfence.sel $0xFFFF  }
0xc0: {  	[dreg:$0x0] =	wrdreg $0xFFFFFFFF;
	(pc) =	sbr.abs _section_cstart, $3  }
0xc1: {  	[dreg:$0x1] =	wrdreg $0xFFFFFFFF  }
0xc2: {  	_ =	task.clear_ibuf [dreg:s7], $0x2FFFF;
	_ =	strace $0x9FFFFFFF  }
0xc3: {  	(tm) =	ssettm $0x7FFFFFFF  }
tec
execute0_lowered:
.L_overlay_start_1:
0x0: {  	(tag) =	ssettag $0x1  }
0x1: {  	s0 =	rddreg [dreg:$0x0]  }
0x2: {  	s1 =	rddreg [dreg:$0x1]  }
0x3: {  	s2 =	rddreg [dreg:$0x2]  }
0x4: {  	s4 =	simm.s32 $0x0;
	s3 =	srdreg.scid;
	s11 =	stileid.u32  }
0x5: {  	[smem:$0x7FF] =	sst s4;
	s7 =	smul.u32 $0x2700, s11  }
0x6: {  	s3 =	sand.u32 $0x1, s3;
	s5 =	sadd.s32 $0x7C00, s0;
	s16 =	smul.u32 $0x4E000, s11  }
0x7: {  	s9 =	sadd.s32 $0x2C00, s0;
	s0 =	sadd.s32 $0x55E00, s0;
	s18 =	smul.u32 $0x13800, s11  }
0x8: {  	p0 =	seq.s32 s11, $0xF;
	s20 =	sadd.s32 $0x138000, s2;
	s8 =	smul.u32 $0x27100, s3  }
0x9: {  	s22 =	smul.u32 $0x4E0, s11;
	_ =	strace $0x8000004A;
	s15 =	ssub.s32 $0x2, s3  }
0xa: {  	s3 =	smul.u32 $0x138800, s3;
	s8 =	sadd.s32 s7, s8;
	s7 =	sshrl.u32 s7, $0x3  }
0xb: {  	[dreg:$0xd] =	wrdreg s20;
	s6 =	sshrl.u32 s15, $0x1;
	s12 =	sadd.s32 s9, s7  }
0xc: {  	s4 =	ssub.s32 s15, s6;
	s19 =	sadd.s32 s5, s8;
	[dreg:$0x6] =	wrdreg s12  }
0xd: {  	p1 =	sne.s32 s11, $0x0;
	s24 =	smax.u32 s4, $0x1;
	[dreg:$0xc] =	wrdreg s19  }
0xe: {  	s21 =	sshrl.u32 s3, $0x3;
	s31 =	sadd.s32 $0x180, s8;
	[dreg:$0x11] =	wrdreg s24  }
0xf: {  	s10 =	sshrl.u32 s8, $0x3;
	s17 =	sadd.s32 $0x10, s12;
	[dreg:$0x4] =	wrdreg s31  }
0x10: {  	s3 =	sadd.s32 s18, s3;
	s10 =	sadd.s32 s1, s10;
	[dreg:$0x8] =	wrdreg s17  }
0x11: {  	s7 =	sshrl.u32 s16, $0x2;
	s12 =	sadd.s32 $0x20, s12;
	[dreg:$0x5] =	wrdreg s10  }
0x12: {  	s3 =	sshrl.u32 s3, $0x3;
	s7 =	sadd.s32 s7, s2;
	[dreg:$0xa] =	wrdreg s12  }
0x13: {  	s25 =	sadd.s32 s22, s9;
	s3 =	sadd.s32 s0, s3;
	[dreg:$0xb] =	wrdreg s7  }
0x14: {  	s26 =	sadd.s32 $0x280, s8;
	s13 =	sadd.s32 $0x10, s10;
	[dreg:$0xf] =	wrdreg s3  }
0x15: {  	s10 =	sadd.s32 $0x20, s10;
	s7 =	sadd.s32 $0x27000, s21;
	[dreg:$0x7] =	wrdreg s13  }
0x16: {  	s29 =	sadd.s32 $0x200, s8;
	[dreg:$0x9] =	wrdreg s10;
	s0 =	sadd.s32 s0, s7  }
0x17: {  	s28 =	sshrl.u32 s26, $0x3;
	[dreg:$0x10] =	wrdreg s0;
	s0 =	sadd.s32 $0x50, s25  }
0x18: {  	s30 =	sshrl.u32 s29, $0x3;
	[dreg:$0x12] =	wrdreg s0;
	s0 =	sadd.s32 s28, s1  }
0x19: {  	s6 =	simm.s32 $0x50;
	[dreg:$0x13] =	wrdreg s0;
	s0 =	sadd.s32 s30, s1  }
0x1a: {  	s23 =	sadd.s32 s5, s7;
	[dreg:$0x14] =	wrdreg s0;
	s0 =	simm.s32 @!p1 $0x0  }
0x1b: {  	s6 =	simm.s32 @!p0 $0x4E;
	[dreg:$0xe] =	wrdreg s23;
	s0 =	simm.s32 @p1 $0x1  }
0x1c: {  	s4 =	simm.s32 $0xA;
	s7 =	simm.s32 $0x0;
	[smem:$0x7FD] =	sst s0  }
.LBB2_1:
0x1d: {  	[dreg:$0x15] =	wrdreg s7  }
0x1e: {  	s12 =	simm.s32 $0x0;
	s0 =	rddreg [dreg:$0x5]  }
0x1f: {  	[tilespmem:s12], [sflag:$0xA] =	stream.linear.gather [hbm4b:s0+s12], $0x80, $0x38;
	[tilespmem:$0x1FC80] =	vst v63  }
0x20: {  	_ =	swait.ge [sflag:s4], $0x80  }
0x21: {  	[sflag:s4] =	ssyncset.done $0x0  }
0x22: {  	s3 =	simm.s32 $0x200;
	s14 =	rddreg [dreg:$0x6];
	[sflag:s4] =	ssyncadd.s32 $0xFFFFFF80  }
0x23: {  	[tilespmem:s3], [sflag:$0xA] =	stream.linear.gather [hbm4b:s14+s12], $0x80, $0x38;
	[tilespmem:$0x1FC80] =	vst v63  }
0x24: {  	_ =	swait.ge [sflag:s4], $0x80  }
0x25: {  	[sflag:s4] =	ssyncset.done $0x0  }
0x26: {  	s16 =	simm.s32 $0x80;
	s15 =	rddreg [dreg:$0x7];
	[sflag:s4] =	ssyncadd.s32 $0xFFFFFF80  }
0x27: {  	[tilespmem:s16], [sflag:$0xA] =	stream.linear.gather [hbm4b:s15+s12], $0x80, $0x38;
	[tilespmem:$0x1FC80] =	vst v63  }
0x28: {  	_ =	swait.ge [sflag:s4], $0x80  }
0x29: {  	[sflag:s4] =	ssyncset.done $0x0  }
0x2a: {  	s18 =	simm.s32 $0x280;
	s17 =	rddreg [dreg:$0x8];
	[sflag:s4] =	ssyncadd.s32 $0xFFFFFF80  }
0x2b: {  	[tilespmem:s18], [sflag:$0xA] =	stream.linear.gather [hbm4b:s17+s12], $0x80, $0x38;
	[tilespmem:$0x1FC80] =	vst v63  }
0x2c: {  	_ =	swait.ge [sflag:s4], $0x80  }
0x2d: {  	[sflag:s4] =	ssyncset.done $0x0  }
0x2e: {  	s20 =	simm.s32 $0x100;
	s19 =	rddreg [dreg:$0x9];
	[sflag:s4] =	ssyncadd.s32 $0xFFFFFF80  }
0x2f: {  	[tilespmem:s20], [sflag:$0xA] =	stream.linear.gather [hbm4b:s19+s12], $0x80, $0x38;
	[tilespmem:$0x1FC80] =	vst v63  }
0x30: {  	_ =	swait.ge [sflag:s4], $0x80  }
0x31: {  	[sflag:s4] =	ssyncset.done $0x0  }
0x32: {  	s22 =	simm.s32 $0x300;
	s21 =	rddreg [dreg:$0xa];
	[sflag:s4] =	ssyncadd.s32 $0xFFFFFF80  }
0x33: {  	[tilespmem:s22], [sflag:$0xA] =	stream.linear.gather [hbm4b:s21+s12], $0x80, $0x38;
	[tilespmem:$0x1FC80] =	vst v63  }
0x34: {  	s23 =	simm.s32 $0x400;
	s25 =	stileid.u32;
	_ =	swait.ge [sflag:s4], $0x80  }
0x35: {  	s0 =	sshll.u32 s25, $0x6;
	[sflag:s4] =	ssyncset.done $0x0;
	s26 =	rddreg [dreg:$0xb]  }
0x36: {  	s31 =	rddreg [dreg:$0xc];
	[sflag:s4] =	ssyncadd.s32 $0xFFFFFF80;
	s28 =	sshrl.u32 s26, $0x3  }
0x37: {  	[tilespmem:s23], [sflag:$0x1] =	stream.indirect.gather [hbm4b:s5+s16], $0x80, s12, s16, $0xb8;
	[tilespmem:$0x1FC80] =	vst v63  }
0x38: {  	s24 =	simm.s32 $0x4400;
	s3 =	sor.u32 $0x1C0A, s0;
	[dreg:$0x17] =	wrdreg s28  }
0x39: {  	[tilespmem:s24], [sflag:$0x2] =	stream.indirect.gather [hbm4b:s5+s16], $0x80, s16, s16, $0xb8;
	[tilespmem:$0x1FC80] =	vst v63  }
0x3a: {  	[spmem:s28], [sflag:s3] =	dma.local [hbm:s31], $0x2700  }
0x3b: {  	_ =	swait.ge [sflag:s4], $0x2700;
	[dreg:$0x16] =	wrdreg s3  }
0x3c: {  	[sflag:s4] =	ssyncset.done $0x0;
	s0 =	rddreg [dreg:$0xd]  }
0x3d: {  	[sflag:s4] =	ssyncadd.s32 $0xFFFFD900;
	s4 =	sshrl.u32 @!p1 s0, $0x3;
	s0 =	rddreg [dreg:$0xe]  }
0x3e: {  	[dreg:$0x18] =	wrdreg s4  }
0x3f: {  	[spmem:s4], [sflag:s3] =	dma.local @!p1 [hbm:s0], $0x100  }
0x40: {  	s0 =	simm.s32 @!p1 $0xA  }
0x41: {  	_ =	swait.ge @!p1 [sflag:s0], $0x100  }
0x42: {  	p2 =	sle.u32 s6, $0x0;
	[sflag:s0] =	ssyncset.done @!p1 $0x0  }
0x43: {  	s3 =	simm.s32 @!p2 $0x1;
	[sflag:s0] =	ssyncadd.s32 @!p1 $0xFFFFFF00  }
0x44: {  	s4 =	simm.s32 @!p2 $0x400;
	p1 =	sle.u32 s6, $0x2;
	[bflag:$0x0] =	sbarrier.arrive $0xFFFF  }
0x45: {  	s0 =	sand.u32 @!p2 $0x180, s12;
	p0 =	por @!p1 $0x1, $0x1;
	_ =	swait.ge @!p2 [sflag:s3], $0x4000  }
0x46: {  	s0 =	sor.u32 @!p2 $0x200, s0;
	p0 =	por p0, p1;
	[sflag:s3] =	ssyncset.done @!p2 $0x0  }
0x47: {  	s7 =	simm.s32 @!p0 $0x6;
	[sflag:s3] =	ssyncadd.s32 @!p2 $0xFFFFC000;
	s3 =	simm.s32 @!p2 $0x80  }
0x48: {  	[spmem:s2] =	stream.indirect.scatter.add.f32 @!p2 [tilespmem:s4], [sflag:$0x4], $0x80, s0, s3, $0xb8;
	[tilespmem:$0x1FC80] =	vst v63  }
0x49: {  	_ =	swait.ge @!p0 [sflag:s7], $0x4000  }
0x4a: {  	[sflag:s7] =	ssyncset.done @!p0 $0x0  }
0x4b: {  	s3 =	simm.s32 @!p0 $0x9;
	[sflag:s7] =	ssyncadd.s32 @!p0 $0xFFFFC000  }
0x4c: {  	_ =	swait.ge @!p0 [sflag:s3], $0x80  }
0x4d: {  	p5 =	sle.u32 s6, $0x1;
	[sflag:s3] =	ssyncset.done @!p0 $0x0  }
0x4e: {  	s8 =	simm.s32 @!p1 $0x8400;
	s0 =	simm.s32 @!p1 $0x100;
	[sflag:s3] =	ssyncadd.s32 @!p0 $0xFFFFFF80  }
0x4f: {  	p2 =	sle.u32 s6, $0x3;
	s7 =	sand.u32 @!p1 $0x180, s0;
	_ =	swait.ge @!p0 [sflag:s3], $0x80  }
0x50: {  	s0 =	simm.s32 @!p1 $0x80;
	[sflag:s3] =	ssyncset.done @!p0 $0x0;
	s4 =	rddreg [dreg:$0x4]  }
0x51: {  	s20 =	rddreg [dreg:$0x12];
	[sflag:s3] =	ssyncadd.s32 @!p0 $0xFFFFFF80;
	s3 =	sadd.s32 @!p2 $0x0, s4  }
0x52: {  	[tilespmem:s8], [sflag:$0x3] =	stream.indirect.gather @!p1 [hbm4b:s5+s0], $0x80, s7, s0, $0xb8;
	[tilespmem:$0x1FC80] =	vst v63  }
0x53: {  	p0 =	por p5, p5;
	s4 =	simm.s32 @!p2 $0x180;
	s3 =	sshrl.u32 @!p2 s3, $0x3  }
0x54: {  	s9 =	sand.u32 @!p2 $0x180, s4;
	s4 =	simm.s32 @!p2 $0x0;
	s3 =	sadd.s32 @!p2 s1, s3  }
0x55: {  	[tilespmem:s9], [sflag:$0x7] =	stream.linear.gather @!p2 [hbm4b:s3+s4], $0x80, $0x38;
	[tilespmem:$0x1FC80] =	vst v63  }
0x56: {  	s10 =	sadd.s32 @!p2 $0xFFFFFFE0, s20;
	s11 =	simm.s32 @!p0 $0x2;
	s3 =	sor.u32 @!p2 $0x200, s9  }
0x57: {  	[tilespmem:s3], [sflag:$0x7] =	stream.linear.gather @!p2 [hbm4b:s10+s4], $0x80, $0x38;
	[tilespmem:$0x1FC80] =	vst v63  }
0x58: {  	s3 =	simm.s32 @!p0 $0x80;
	s4 =	simm.s32 @!p0 $0x4400;
	_ =	swait.ge @!p0 [sflag:s11], $0x4000  }
0x59: {  	s10 =	simm.s32 @!p2 $0x4;
	s3 =	sand.u32 @!p0 $0x180, s3;
	[sflag:s11] =	ssyncset.done @!p0 $0x0  }
0x5a: {  	s3 =	sor.u32 @!p0 $0x200, s3;
	[sflag:s11] =	ssyncadd.s32 @!p0 $0xFFFFC000;
	s11 =	simm.s32 @!p0 $0x80  }
0x5b: {  	[spmem:s2] =	stream.indirect.scatter.add.f32 @!p0 [tilespmem:s4], [sflag:$0x5], $0x80, s3, s11, $0xb8;
	[tilespmem:$0x1FC80] =	vst v63  }
0x5c: {  	s13 =	simm.s32 $0x180;
	p6 =	sle.u32 s6, $0x4;
	_ =	swait.ge @!p2 [sflag:s10], $0x4000  }
0x5d: {  	s30 =	simm.s32 $0x5;
	s25 =	simm.s32 $0x480;
	[sflag:s10] =	ssyncset.done @!p2 $0x0  }
0x5e: {  	s15 =	simm.s32 $0x8;
	s3 =	simm.s32 @!p2 $0x7;
	[sflag:s10] =	ssyncadd.s32 @!p2 $0xFFFFC000  }
0x5f: {  	s18 =	simm.s32 $0x7;
	s19 =	simm.s32 $0x6;
	_ =	swait.ge @!p2 [sflag:s3], $0x80  }
0x60: {  	s22 =	simm.s32 $0x0;
	s24 =	simm.s32 $0x5;
	[sflag:s3] =	ssyncset.done @!p2 $0x0  }
0x61: {  	p5 =	sle.u32 s6, $0x4;
	s21 =	rddreg [dreg:$0x13];
	[sflag:s3] =	ssyncadd.s32 @!p2 $0xFFFFFF80  }
0x62: {  	s7 =	sor.u32 @!p1 $0x200, s7;
	s17 =	rddreg [dreg:$0x14];
	_ =	swait.ge @!p2 [sflag:s3], $0x80  }
0x63: {  	s29 =	simm.s32 @!p5 $0x8;
	s4 =	simm.s32 $0x300;
	[sflag:s3] =	ssyncset.done @!p2 $0x0  }
0x64: {  	s11 =	simm.s32 @!p2 $0x400;
	s10 =	simm.s32 @!p2 $0x80;
	[sflag:s3] =	ssyncadd.s32 @!p2 $0xFFFFFF80  }
0x65: {  	[tilespmem:s11], [sflag:$0x1] =	stream.indirect.gather @!p2 [hbm4b:s5+s10], $0x80, s9, s10, $0xb8;
	[tilespmem:$0x1FC80] =	vst v63  }
0x66: {  	s16 =	sadd.s32 $0x30, s17;
	s3 =	sand.u32 @!p5 $0x180, s12;
	s9 =	simm.s32 @!p5 $0x0  }
0x67: {  	[tilespmem:s3], [sflag:$0x8] =	stream.linear.gather @!p5 [hbm4b:s17+s9], $0x80, $0x38;
	[tilespmem:$0x1FC80] =	vst v63  }
0x68: {  	s10 =	sor.u32 @!p5 $0x200, s3;
	s11 =	sadd.s32 @!p5 $0xFFFFFFF0, s20;
	s17 =	simm.s32 @!p1 $0x3  }
0x69: {  	[tilespmem:s10], [sflag:$0x8] =	stream.linear.gather @!p5 [hbm4b:s11+s9], $0x80, $0x38;
	[tilespmem:$0x1FC80] =	vst v63  }
0x6a: {  	s14 =	sadd.s32 $0x30, s21;
	s12 =	sadd.s32 $0x30, s20;
	_ =	swait.ge @!p1 [sflag:s17], $0x4000  }
0x6b: {  	p2 =	por p6, p6;
	s9 =	sadd.s32 $0x30, s14;
	[sflag:s17] =	ssyncset.done @!p1 $0x0  }
0x6c: {  	s11 =	sadd.s32 $0x30, s16;
	[sflag:s17] =	ssyncadd.s32 @!p1 $0xFFFFC000;
	s17 =	simm.s32 @!p5 $0x5  }
0x6d: {  	[spmem:s2] =	stream.indirect.scatter.add.f32 @!p1 [tilespmem:s8], [sflag:$0x6], $0x80, s7, s0, $0xb8;
	[tilespmem:$0x1FC80] =	vst v63  }
0x6e: {  	s10 =	simm.s32 $0xB;
	s0 =	simm.s32 $0x3;
	_ =	swait.ge @!p5 [sflag:s17], $0x4000  }
0x6f: {  	s8 =	simm.s32 $0x8;
	s7 =	simm.s32 $0x9;
	[sflag:s17] =	ssyncset.done @!p5 $0x0  }
0x70: {  	p1 =	sle.u32 s6, $0x7;
	[sflag:s17] =	ssyncadd.s32 @!p5 $0xFFFFC000;
	s17 =	smov.u32 s12  }
.LBB2_2:
0x71: {  	_ =	swait.ge @!p5 [sflag:s29], $0x80  }
0x72: {  	[sflag:s29] =	ssyncset.done @!p5 $0x0  }
0x73: {  	[sflag:s29] =	ssyncadd.s32 @!p5 $0xFFFFFF80  }
0x74: {  	p0 =	sge.u32 s30, s6;
	_ =	swait.ge @!p5 [sflag:s29], $0x80  }
0x75: {  	p6 =	sge.u32 s0, s6;
	s0 =	simm.s32 @!p5 $0x4400;
	[sflag:s29] =	ssyncset.done @!p5 $0x0  }
0x76: {  	s31 =	simm.s32 @!p5 $0x80;
	s22 =	sadd.s32 @!p0 $0x280, s22;
	[sflag:s29] =	ssyncadd.s32 @!p5 $0xFFFFFF80  }
0x77: {  	[tilespmem:s0], [sflag:$0x2] =	stream.indirect.gather @!p5 [hbm4b:s5+s31], $0x80, s3, s31, $0xb8;
	[tilespmem:$0x1FC80] =	vst v63  }
0x78: {  	p4 =	sge.u32 s24, s6;
	s23 =	simm.s32 @!p0 $0x0;
	s22 =	sand.u32 @!p0 $0x180, s22  }
0x79: {  	[tilespmem:s22], [sflag:$0x9] =	stream.linear.gather @!p0 [hbm4b:s21+s23], $0x80, $0x38;
	[tilespmem:$0x1FC80] =	vst v63  }
0x7a: {  	s30 =	sand.u32 @!p6 $0x180, s13;
	s0 =	sor.u32 @!p0 $0x200, s22;
	s3 =	simm.s32 @!p6 $0x1  }
0x7b: {  	[tilespmem:s0], [sflag:$0x9] =	stream.linear.gather @!p0 [hbm4b:s20+s23], $0x80, $0x38;
	[tilespmem:$0x1FC80] =	vst v63  }
0x7c: {  	s30 =	sor.u32 @!p6 $0x200, s30;
	p5 =	seq.s32 @!p4 s13, $0x0;
	_ =	swait.ge @!p6 [sflag:s3], $0x4000  }
0x7d: {  	p5 =	por p5, p4;
	s0 =	simm.s32 @!p6 $0x400;
	[sflag:s3] =	ssyncset.done @!p6 $0x0  }
0x7e: {  	s23 =	simm.s32 @!p5 $0x6;
	[sflag:s3] =	ssyncadd.s32 @!p6 $0xFFFFC000;
	s3 =	simm.s32 @!p6 $0x80  }
0x7f: {  	[spmem:s2] =	stream.indirect.scatter.add.f32 @!p6 [tilespmem:s0], [sflag:$0x4], $0x80, s30, s3, $0xb8;
	[tilespmem:$0x1FC80] =	vst v63  }
0x80: {  	_ =	swait.ge @!p5 [sflag:s23], $0x4000  }
0x81: {  	s28 =	smov.u32 s25;
	[sflag:s23] =	ssyncset.done @!p5 $0x0  }
0x82: {  	s24 =	sadd.s32 @!p4 $0x100, s13;
	[sflag:s23] =	ssyncadd.s32 @!p5 $0xFFFFC000;
	s23 =	simm.s32 @!p5 $0x9  }
0x83: {  	s29 =	sand.u32 @!p4 $0x180, s24;
	s24 =	smov.u32 s8;
	_ =	swait.ge @!p5 [sflag:s23], $0x80  }
0x84: {  	s31 =	sor.u32 @!p4 $0x200, s29;
	s22 =	smov.u32 s13;
	[sflag:s23] =	ssyncset.done @!p5 $0x0  }
0x85: {  	s13 =	smov.u32 s4;
	s4 =	smov.u32 s28;
	[sflag:s23] =	ssyncadd.s32 @!p5 $0xFFFFFF80  }
0x86: {  	s0 =	simm.s32 @!p4 $0x80;
	p6 =	sge.u32 s19, s6;
	_ =	swait.ge @!p5 [sflag:s23], $0x80  }
0x87: {  	s19 =	smov.u32 s7;
	[sflag:s23] =	ssyncset.done @!p5 $0x0;
	s8 =	rddreg [dreg:$0x4]  }
0x88: {  	s7 =	simm.s32 @!p4 $0x8400;
	[sflag:s23] =	ssyncadd.s32 @!p5 $0xFFFFFF80;
	s8 =	sadd.s32 @!p6 s22, s8  }
0x89: {  	[tilespmem:s7], [sflag:$0x3] =	stream.indirect.gather @!p4 [hbm4b:s5+s0], $0x80, s29, s0, $0xb8;
	[tilespmem:$0x1FC80] =	vst v63  }
0x8a: {  	s20 =	smov.u32 s17;
	s3 =	sadd.s32 @!p6 $0x180, s22;
	s8 =	sshrl.u32 @!p6 s8, $0x3  }
0x8b: {  	s28 =	simm.s32 @!p6 $0x0;
	s3 =	sand.u32 @!p6 $0x180, s3;
	s8 =	sadd.s32 @!p6 s1, s8  }
0x8c: {  	[tilespmem:s3], [sflag:$0x7] =	stream.linear.gather @!p6 [hbm4b:s8+s28], $0x80, $0x38;
	[tilespmem:$0x1FC80] =	vst v63  }
0x8d: {  	s23 =	sadd.s32 @!p6 $0xFFFFFFE0, s20;
	s29 =	simm.s32 @!p2 $0x2;
	s8 =	sor.u32 @!p6 $0x200, s3  }
0x8e: {  	[tilespmem:s8], [sflag:$0x7] =	stream.linear.gather @!p6 [hbm4b:s23+s28], $0x80, $0x38;
	[tilespmem:$0x1FC80] =	vst v63  }
0x8f: {  	s8 =	sadd.s32 @!p2 $0x80, s22;
	s23 =	simm.s32 @!p2 $0x4400;
	_ =	swait.ge @!p2 [sflag:s29], $0x4000  }
0x90: {  	s28 =	simm.s32 @!p6 $0x4;
	s8 =	sand.u32 @!p2 $0x180, s8;
	[sflag:s29] =	ssyncset.done @!p2 $0x0  }
0x91: {  	s8 =	sor.u32 @!p2 $0x200, s8;
	[sflag:s29] =	ssyncadd.s32 @!p2 $0xFFFFC000;
	s29 =	simm.s32 @!p2 $0x80  }
0x92: {  	[spmem:s2] =	stream.indirect.scatter.add.f32 @!p2 [tilespmem:s23], [sflag:$0x5], $0x80, s8, s29, $0xb8;
	[tilespmem:$0x1FC80] =	vst v63  }
0x93: {  	_ =	swait.ge @!p6 [sflag:s28], $0x4000  }
0x94: {  	[sflag:s28] =	ssyncset.done @!p6 $0x0  }
0x95: {  	s26 =	sadd.s32 $0xFFFFFFFF, s10;
	[sflag:s28] =	ssyncadd.s32 @!p6 $0xFFFFC000;
	s28 =	simm.s32 @!p6 $0x7  }
0x96: {  	s12 =	sadd.s32 $0x30, s12;
	s25 =	sadd.s32 $0x180, s25;
	_ =	swait.ge @!p6 [sflag:s28], $0x80  }
0x97: {  	p3 =	sne.s32 s25, $0x2880;
	s21 =	smov.u32 s14;
	[sflag:s28] =	ssyncset.done @!p6 $0x0  }
0x98: {  	s14 =	smov.u32 s9;
	s9 =	sadd.s32 $0x30, s9;
	[sflag:s28] =	ssyncadd.s32 @!p6 $0xFFFFFF80  }
0x99: {  	s17 =	smov.u32 s12;
	s30 =	smov.u32 s15;
	_ =	swait.ge @!p6 [sflag:s28], $0x80  }
0x9a: {  	s15 =	smov.u32 s10;
	p5 =	sge.u32 s18, s6;
	[sflag:s28] =	ssyncset.done @!p6 $0x0  }
0x9b: {  	s8 =	simm.s32 @!p6 $0x80;
	s23 =	simm.s32 @!p6 $0x400;
	[sflag:s28] =	ssyncadd.s32 @!p6 $0xFFFFFF80  }
0x9c: {  	[tilespmem:s23], [sflag:$0x1] =	stream.indirect.gather @!p6 [hbm4b:s5+s8], $0x80, s3, s8, $0xb8;
	[tilespmem:$0x1FC80] =	vst v63  }
0x9d: {  	s18 =	smov.u32 s26;
	s3 =	sand.u32 @!p5 $0x180, s22;
	s8 =	simm.s32 @!p5 $0x0  }
0x9e: {  	[tilespmem:s3], [sflag:$0x8] =	stream.linear.gather @!p5 [hbm4b:s16+s8], $0x80, $0x38;
	[tilespmem:$0x1FC80] =	vst v63  }
0x9f: {  	s26 =	simm.s32 @!p4 $0x3;
	s23 =	sadd.s32 @!p5 $0xFFFFFFF0, s20;
	s16 =	sor.u32 @!p5 $0x200, s3  }
0xa0: {  	[tilespmem:s16], [sflag:$0x8] =	stream.linear.gather @!p5 [hbm4b:s23+s8], $0x80, $0x38;
	[tilespmem:$0x1FC80] =	vst v63  }
0xa1: {  	s10 =	sadd.s32 $0x3, s10;
	p2 =	por p1, p1;
	_ =	swait.ge @!p4 [sflag:s26], $0x4000  }
0xa2: {  	s29 =	simm.s32 @!p5 $0x8;
	s16 =	smov.u32 s11;
	[sflag:s26] =	ssyncset.done @!p4 $0x0  }
.Ltmp0:
0xa3: {  	s23 =	simm.s32 @!p5 $0x5;
	[sflag:s26] =	ssyncadd.s32 @!p4 $0xFFFFC000;
	(pc) =	sbr.rel @p3 .LBB2_2-.Ltmp0, $4  }
0xa4: {  	[spmem:s2] =	stream.indirect.scatter.add.f32 @!p4 [tilespmem:s7], [sflag:$0x6], $0x80, s31, s0, $0xb8;
	[tilespmem:$0x1FC80] =	vst v63  }
0xa5: {  	s11 =	sadd.s32 $0x30, s11;
	s8 =	sadd.s32 $0xFFFFFFFD, s10;
	_ =	swait.ge @!p5 [sflag:s23], $0x4000  }
0xa6: {  	s0 =	sadd.s32 $0xFFFFFFFB, s15;
	s31 =	sadd.s32 $0xFFFFFFFC, s10;
	[sflag:s23] =	ssyncset.done @!p5 $0x0  }
0xa7: {  	s7 =	sadd.s32 $0xFFFFFFFE, s10;
	p1 =	sge.u32 s31, s6;
	[sflag:s23] =	ssyncadd.s32 @!p5 $0xFFFFC000  }
0xa8: {  	_ =	swait.ge @!p5 [sflag:s29], $0x80  }
0xa9: {  	[sflag:s29] =	ssyncset.done @!p5 $0x0  }
0xaa: {  	[sflag:s29] =	ssyncadd.s32 @!p5 $0xFFFFFF80  }
0xab: {  	s23 =	simm.s32 @!p5 $0x4400;
	_ =	swait.ge @!p5 [sflag:s29], $0x80  }
0xac: {  	s25 =	simm.s32 @!p5 $0x80;
	p0 =	sge.u32 s30, s6;
	[sflag:s29] =	ssyncset.done @!p5 $0x0  }
0xad: {  	p4 =	sge.u32 s0, s6;
	s0 =	sadd.s32 @!p0 $0x280, s22;
	[sflag:s29] =	ssyncadd.s32 @!p5 $0xFFFFFF80  }
0xae: {  	[tilespmem:s23], [sflag:$0x2] =	stream.indirect.gather @!p5 [hbm4b:s5+s25], $0x80, s3, s25, $0xb8;
	[tilespmem:$0x1FC80] =	vst v63  }
0xaf: {  	p3 =	sge.u32 s24, s6;
	s22 =	simm.s32 @!p0 $0x0;
	s0 =	sand.u32 @!p0 $0x180, s0  }
0xb0: {  	[tilespmem:s0], [sflag:$0x9] =	stream.linear.gather @!p0 [hbm4b:s21+s22], $0x80, $0x38;
	[tilespmem:$0x1FC80] =	vst v63  }
0xb1: {  	s3 =	sand.u32 @!p4 $0x180, s13;
	s0 =	sor.u32 @!p0 $0x200, s0;
	s21 =	simm.s32 @!p4 $0x1  }
0xb2: {  	[tilespmem:s0], [sflag:$0x9] =	stream.linear.gather @!p0 [hbm4b:s20+s22], $0x80, $0x38;
	[tilespmem:$0x1FC80] =	vst v63  }
0xb3: {  	s0 =	sor.u32 @!p4 $0x200, s3;
	p0 =	seq.s32 @!p3 s13, $0x0;
	_ =	swait.ge @!p4 [sflag:s21], $0x4000  }
0xb4: {  	s3 =	simm.s32 @!p4 $0x400;
	p0 =	por p0, p3;
	[sflag:s21] =	ssyncset.done @!p4 $0x0  }
0xb5: {  	s20 =	simm.s32 @!p4 $0x80;
	[sflag:s21] =	ssyncadd.s32 @!p4 $0xFFFFC000;
	s21 =	simm.s32 @!p0 $0x6  }
0xb6: {  	[spmem:s2] =	stream.indirect.scatter.add.f32 @!p4 [tilespmem:s3], [sflag:$0x4], $0x80, s0, s20, $0xb8;
	[tilespmem:$0x1FC80] =	vst v63  }
0xb7: {  	_ =	swait.ge @!p0 [sflag:s21], $0x4000  }
0xb8: {  	[sflag:s21] =	ssyncset.done @!p0 $0x0  }
0xb9: {  	s0 =	simm.s32 @!p0 $0x9;
	[sflag:s21] =	ssyncadd.s32 @!p0 $0xFFFFC000  }
0xba: {  	_ =	swait.ge @!p0 [sflag:s0], $0x80  }
0xbb: {  	[sflag:s0] =	ssyncset.done @!p0 $0x0  }
0xbc: {  	s3 =	sadd.s32 @!p3 $0x100, s13;
	[sflag:s0] =	ssyncadd.s32 @!p0 $0xFFFFFF80  }
0xbd: {  	s20 =	simm.s32 @!p3 $0x80;
	p4 =	sge.u32 s19, s6;
	_ =	swait.ge @!p0 [sflag:s0], $0x80  }
0xbe: {  	s3 =	sand.u32 @!p3 $0x180, s3;
	[sflag:s0] =	ssyncset.done @!p0 $0x0;
	s21 =	rddreg [dreg:$0x4]  }
0xbf: {  	[sflag:s0] =	ssyncadd.s32 @!p0 $0xFFFFFF80;
	s0 =	simm.s32 @!p3 $0x8400;
	s19 =	sadd.s32 @!p4 s13, s21  }
0xc0: {  	[tilespmem:s0], [sflag:$0x3] =	stream.indirect.gather @!p3 [hbm4b:s5+s20], $0x80, s3, s20, $0xb8;
	[tilespmem:$0x1FC80] =	vst v63  }
0xc1: {  	s21 =	sadd.s32 @!p4 $0x180, s13;
	s19 =	sshrl.u32 @!p4 s19, $0x3  }
0xc2: {  	s22 =	simm.s32 @!p4 $0x0;
	s21 =	sand.u32 @!p4 $0x180, s21;
	s19 =	sadd.s32 @!p4 s1, s19  }
0xc3: {  	[tilespmem:s21], [sflag:$0x7] =	stream.linear.gather @!p4 [hbm4b:s19+s22], $0x80, $0x38;
	[tilespmem:$0x1FC80] =	vst v63  }
0xc4: {  	s23 =	sadd.s32 @!p4 $0xFFFFFFE0, s17;
	s19 =	sor.u32 @!p4 $0x200, s21  }
0xc5: {  	[tilespmem:s19], [sflag:$0x7] =	stream.linear.gather @!p4 [hbm4b:s23+s22], $0x80, $0x38;
	[tilespmem:$0x1FC80] =	vst v63  }
0xc6: {  	s19 =	simm.s32 @!p2 $0x2  }
0xc7: {  	s22 =	sadd.s32 @!p2 $0x80, s13;
	_ =	swait.ge @!p2 [sflag:s19], $0x4000  }
0xc8: {  	s23 =	simm.s32 @!p2 $0x4400;
	s22 =	sand.u32 @!p2 $0x180, s22;
	[sflag:s19] =	ssyncset.done @!p2 $0x0  }
0xc9: {  	[sflag:s19] =	ssyncadd.s32 @!p2 $0xFFFFC000;
	s19 =	sor.u32 @!p2 $0x200, s22;
	s22 =	simm.s32 @!p2 $0x80  }
0xca: {  	[spmem:s2] =	stream.indirect.scatter.add.f32 @!p2 [tilespmem:s23], [sflag:$0x5], $0x80, s19, s22, $0xb8;
	[tilespmem:$0x1FC80] =	vst v63  }
0xcb: {  	s19 =	simm.s32 @!p4 $0x4  }
0xcc: {  	_ =	swait.ge @!p4 [sflag:s19], $0x4000  }
0xcd: {  	[sflag:s19] =	ssyncset.done @!p4 $0x0  }
0xce: {  	[sflag:s19] =	ssyncadd.s32 @!p4 $0xFFFFC000;
	s19 =	simm.s32 @!p4 $0x7  }
0xcf: {  	_ =	swait.ge @!p4 [sflag:s19], $0x80  }
0xd0: {  	[sflag:s19] =	ssyncset.done @!p4 $0x0  }
0xd1: {  	[sflag:s19] =	ssyncadd.s32 @!p4 $0xFFFFFF80  }
0xd2: {  	_ =	swait.ge @!p4 [sflag:s19], $0x80  }
0xd3: {  	p0 =	sge.u32 s18, s6;
	[sflag:s19] =	ssyncset.done @!p4 $0x0  }
0xd4: {  	s18 =	simm.s32 @!p4 $0x400;
	[sflag:s19] =	ssyncadd.s32 @!p4 $0xFFFFFF80;
	s19 =	simm.s32 @!p4 $0x80  }
0xd5: {  	[tilespmem:s18], [sflag:$0x1] =	stream.indirect.gather @!p4 [hbm4b:s5+s19], $0x80, s21, s19, $0xb8;
	[tilespmem:$0x1FC80] =	vst v63  }
0xd6: {  	s18 =	sand.u32 @!p0 $0x180, s13;
	s19 =	simm.s32 @!p0 $0x0  }
0xd7: {  	[tilespmem:s18], [sflag:$0x8] =	stream.linear.gather @!p0 [hbm4b:s16+s19], $0x80, $0x38;
	[tilespmem:$0x1FC80] =	vst v63  }
0xd8: {  	s21 =	sadd.s32 @!p0 $0xFFFFFFF0, s17;
	s16 =	sor.u32 @!p0 $0x200, s18  }
0xd9: {  	[tilespmem:s16], [sflag:$0x8] =	stream.linear.gather @!p0 [hbm4b:s21+s19], $0x80, $0x38;
	[tilespmem:$0x1FC80] =	vst v63  }
0xda: {  	s16 =	simm.s32 @!p3 $0x3  }
0xdb: {  	_ =	swait.ge @!p3 [sflag:s16], $0x4000  }
0xdc: {  	[sflag:s16] =	ssyncset.done @!p3 $0x0  }
0xdd: {  	s3 =	sor.u32 @!p3 $0x200, s3;
	[sflag:s16] =	ssyncadd.s32 @!p3 $0xFFFFC000  }
0xde: {  	[spmem:s2] =	stream.indirect.scatter.add.f32 @!p3 [tilespmem:s0], [sflag:$0x6], $0x80, s3, s20, $0xb8;
	[tilespmem:$0x1FC80] =	vst v63  }
0xdf: {  	s0 =	simm.s32 @!p0 $0x5  }
0xe0: {  	_ =	swait.ge @!p0 [sflag:s0], $0x4000  }
0xe1: {  	[sflag:s0] =	ssyncset.done @!p0 $0x0  }
0xe2: {  	s3 =	simm.s32 @!p0 $0x8;
	[sflag:s0] =	ssyncadd.s32 @!p0 $0xFFFFC000  }
0xe3: {  	_ =	swait.ge @!p0 [sflag:s3], $0x80  }
0xe4: {  	[sflag:s3] =	ssyncset.done @!p0 $0x0  }
0xe5: {  	[sflag:s3] =	ssyncadd.s32 @!p0 $0xFFFFFF80  }
0xe6: {  	_ =	swait.ge @!p0 [sflag:s3], $0x80  }
0xe7: {  	[sflag:s3] =	ssyncset.done @!p0 $0x0  }
0xe8: {  	s0 =	simm.s32 @!p0 $0x4400;
	[sflag:s3] =	ssyncadd.s32 @!p0 $0xFFFFFF80;
	s3 =	simm.s32 @!p0 $0x80  }
0xe9: {  	[tilespmem:s0], [sflag:$0x2] =	stream.indirect.gather @!p0 [hbm4b:s5+s3], $0x80, s18, s3, $0xb8;
	[tilespmem:$0x1FC80] =	vst v63  }
0xea: {  	p0 =	sge.u32 s15, s6  }
0xeb: {  	p2 =	sge.u32 s8, s6;
	s21 =	sadd.s32 $0xFFFFFFFB, s10;
	s0 =	sadd.s32 @!p0 $0x280, s13  }
0xec: {  	p3 =	sge.u32 s21, s6;
	s13 =	simm.s32 @!p0 $0x0;
	s0 =	sand.u32 @!p0 $0x180, s0  }
0xed: {  	[tilespmem:s0], [sflag:$0x9] =	stream.linear.gather @!p0 [hbm4b:s14+s13], $0x80, $0x38;
	[tilespmem:$0x1FC80] =	vst v63  }
0xee: {  	s8 =	simm.s32 @!p3 $0x1;
	s3 =	sand.u32 @!p3 $0x180, s4;
	s0 =	sor.u32 @!p0 $0x200, s0  }
0xef: {  	[tilespmem:s0], [sflag:$0x9] =	stream.linear.gather @!p0 [hbm4b:s17+s13], $0x80, $0x38;
	[tilespmem:$0x1FC80] =	vst v63  }
0xf0: {  	s0 =	sor.u32 @!p3 $0x200, s3;
	p0 =	seq.s32 @!p2 s4, $0x0;
	_ =	swait.ge @!p3 [sflag:s8], $0x4000  }
0xf1: {  	s3 =	simm.s32 @!p3 $0x400;
	p0 =	por p0, p2;
	[sflag:s8] =	ssyncset.done @!p3 $0x0  }
0xf2: {  	s13 =	simm.s32 @!p0 $0x6;
	[sflag:s8] =	ssyncadd.s32 @!p3 $0xFFFFC000;
	s8 =	simm.s32 @!p3 $0x80  }
0xf3: {  	[spmem:s2] =	stream.indirect.scatter.add.f32 @!p3 [tilespmem:s3], [sflag:$0x4], $0x80, s0, s8, $0xb8;
	[tilespmem:$0x1FC80] =	vst v63  }
0xf4: {  	_ =	swait.ge @!p0 [sflag:s13], $0x4000  }
0xf5: {  	[sflag:s13] =	ssyncset.done @!p0 $0x0  }
0xf6: {  	s0 =	simm.s32 @!p0 $0x9;
	[sflag:s13] =	ssyncadd.s32 @!p0 $0xFFFFC000  }
0xf7: {  	_ =	swait.ge @!p0 [sflag:s0], $0x80  }
0xf8: {  	[sflag:s0] =	ssyncset.done @!p0 $0x0  }
0xf9: {  	s3 =	sadd.s32 @!p2 $0x100, s4;
	[sflag:s0] =	ssyncadd.s32 @!p0 $0xFFFFFF80  }
0xfa: {  	s8 =	simm.s32 @!p2 $0x80;
	p3 =	sge.u32 s7, s6;
	_ =	swait.ge @!p0 [sflag:s0], $0x80  }
0xfb: {  	s7 =	simm.s32 @!p2 $0x8400;
	[sflag:s0] =	ssyncset.done @!p0 $0x0;
	s13 =	rddreg [dreg:$0x4]  }
0xfc: {  	s3 =	sand.u32 @!p2 $0x180, s3;
	[sflag:s0] =	ssyncadd.s32 @!p0 $0xFFFFFF80;
	s13 =	sadd.s32 @!p3 s4, s13  }
0xfd: {  	[tilespmem:s7], [sflag:$0x3] =	stream.indirect.gather @!p2 [hbm4b:s5+s8], $0x80, s3, s8, $0xb8;
	[tilespmem:$0x1FC80] =	vst v63  }
0xfe: {  	s0 =	sadd.s32 $0x30, s12;
	s12 =	sadd.s32 @!p3 $0x180, s4;
	s13 =	sshrl.u32 @!p3 s13, $0x3  }
0xff: {  	s14 =	simm.s32 @!p3 $0x0;
	s12 =	sand.u32 @!p3 $0x180, s12;
	s13 =	sadd.s32 @!p3 s1, s13  }
0x100: {  	[tilespmem:s12], [sflag:$0x7] =	stream.linear.gather @!p3 [hbm4b:s13+s14], $0x80, $0x38;
	[tilespmem:$0x1FC80] =	vst v63  }
0x101: {  	p0 =	por p1, p1;
	s15 =	sadd.s32 @!p3 $0xFFFFFFE0, s0;
	s13 =	sor.u32 @!p3 $0x200, s12  }
0x102: {  	[tilespmem:s13], [sflag:$0x7] =	stream.linear.gather @!p3 [hbm4b:s15+s14], $0x80, $0x38;
	[tilespmem:$0x1FC80] =	vst v63  }
0x103: {  	s13 =	simm.s32 @!p0 $0x2  }
0x104: {  	s14 =	sadd.s32 @!p0 $0x80, s4;
	_ =	swait.ge @!p0 [sflag:s13], $0x4000  }
0x105: {  	s15 =	simm.s32 @!p0 $0x4400;
	s14 =	sand.u32 @!p0 $0x180, s14;
	[sflag:s13] =	ssyncset.done @!p0 $0x0  }
0x106: {  	[sflag:s13] =	ssyncadd.s32 @!p0 $0xFFFFC000;
	s13 =	sor.u32 @!p0 $0x200, s14;
	s14 =	simm.s32 @!p0 $0x80  }
0x107: {  	[spmem:s2] =	stream.indirect.scatter.add.f32 @!p0 [tilespmem:s15], [sflag:$0x5], $0x80, s13, s14, $0xb8;
	[tilespmem:$0x1FC80] =	vst v63  }
0x108: {  	s13 =	simm.s32 @!p3 $0x4  }
0x109: {  	_ =	swait.ge @!p3 [sflag:s13], $0x4000  }
0x10a: {  	[sflag:s13] =	ssyncset.done @!p3 $0x0  }
0x10b: {  	[sflag:s13] =	ssyncadd.s32 @!p3 $0xFFFFC000;
	s13 =	simm.s32 @!p3 $0x7  }
0x10c: {  	_ =	swait.ge @!p3 [sflag:s13], $0x80  }
0x10d: {  	[sflag:s13] =	ssyncset.done @!p3 $0x0  }
0x10e: {  	[sflag:s13] =	ssyncadd.s32 @!p3 $0xFFFFFF80  }
0x10f: {  	s22 =	sadd.s32 $0xFFFFFFFF, s10;
	_ =	swait.ge @!p3 [sflag:s13], $0x80  }
0x110: {  	p0 =	sge.u32 s22, s6;
	[sflag:s13] =	ssyncset.done @!p3 $0x0  }
0x111: {  	s14 =	simm.s32 @!p3 $0x400;
	[sflag:s13] =	ssyncadd.s32 @!p3 $0xFFFFFF80;
	s13 =	simm.s32 @!p3 $0x80  }
0x112: {  	[tilespmem:s14], [sflag:$0x1] =	stream.indirect.gather @!p3 [hbm4b:s5+s13], $0x80, s12, s13, $0xb8;
	[tilespmem:$0x1FC80] =	vst v63  }
0x113: {  	s12 =	sand.u32 @!p0 $0x180, s4;
	s13 =	simm.s32 @!p0 $0x0  }
0x114: {  	[tilespmem:s12], [sflag:$0x8] =	stream.linear.gather @!p0 [hbm4b:s11+s13], $0x80, $0x38;
	[tilespmem:$0x1FC80] =	vst v63  }
0x115: {  	s14 =	sadd.s32 @!p0 $0xFFFFFFF0, s0;
	s11 =	sor.u32 @!p0 $0x200, s12  }
0x116: {  	[tilespmem:s11], [sflag:$0x8] =	stream.linear.gather @!p0 [hbm4b:s14+s13], $0x80, $0x38;
	[tilespmem:$0x1FC80] =	vst v63  }
0x117: {  	s11 =	simm.s32 @!p2 $0x3  }
0x118: {  	_ =	swait.ge @!p2 [sflag:s11], $0x4000  }
0x119: {  	[sflag:s11] =	ssyncset.done @!p2 $0x0  }
0x11a: {  	s3 =	sor.u32 @!p2 $0x200, s3;
	[sflag:s11] =	ssyncadd.s32 @!p2 $0xFFFFC000  }
0x11b: {  	[spmem:s2] =	stream.indirect.scatter.add.f32 @!p2 [tilespmem:s7], [sflag:$0x6], $0x80, s3, s8, $0xb8;
	[tilespmem:$0x1FC80] =	vst v63  }
0x11c: {  	s3 =	simm.s32 @!p0 $0x5  }
0x11d: {  	_ =	swait.ge @!p0 [sflag:s3], $0x4000  }
0x11e: {  	[sflag:s3] =	ssyncset.done @!p0 $0x0  }
0x11f: {  	s7 =	simm.s32 @!p0 $0x8;
	[sflag:s3] =	ssyncadd.s32 @!p0 $0xFFFFC000  }
0x120: {  	_ =	swait.ge @!p0 [sflag:s7], $0x80  }
0x121: {  	[sflag:s7] =	ssyncset.done @!p0 $0x0  }
0x122: {  	[sflag:s7] =	ssyncadd.s32 @!p0 $0xFFFFFF80  }
0x123: {  	_ =	swait.ge @!p0 [sflag:s7], $0x80  }
0x124: {  	[sflag:s7] =	ssyncset.done @!p0 $0x0  }
0x125: {  	s3 =	simm.s32 @!p0 $0x4400;
	[sflag:s7] =	ssyncadd.s32 @!p0 $0xFFFFFF80;
	s7 =	simm.s32 @!p0 $0x80  }
0x126: {  	[tilespmem:s3], [sflag:$0x2] =	stream.indirect.gather @!p0 [hbm4b:s5+s7], $0x80, s12, s7, $0xb8;
	[tilespmem:$0x1FC80] =	vst v63  }
0x127: {  	p0 =	sge.u32 s10, s6  }
0x128: {  	s3 =	sadd.s32 @!p0 $0x280, s4  }
0x129: {  	s4 =	simm.s32 @!p0 $0x0;
	s3 =	sand.u32 @!p0 $0x180, s3  }
0x12a: {  	[tilespmem:s3], [sflag:$0x9] =	stream.linear.gather @!p0 [hbm4b:s9+s4], $0x80, $0x38;
	[tilespmem:$0x1FC80] =	vst v63  }
0x12b: {  	s23 =	simm.s32 $0x4;
	s3 =	sor.u32 @!p0 $0x200, s3  }
0x12c: {  	[tilespmem:s3], [sflag:$0x9] =	stream.linear.gather @!p0 [hbm4b:s0+s4], $0x80, $0x38;
	[tilespmem:$0x1FC80] =	vst v63  }
0x12d: {  	_ =	swait.ge [sflag:s23], $0x4000  }
0x12e: {  	[sflag:s23] =	ssyncset.done $0x0  }
0x12f: {  	s24 =	simm.s32 $0x5;
	[sflag:s23] =	ssyncadd.s32 $0xFFFFC000  }
0x130: {  	_ =	swait.ge [sflag:s24], $0x4000  }
0x131: {  	[sflag:s24] =	ssyncset.done $0x0  }
0x132: {  	s25 =	simm.s32 $0x6;
	[sflag:s24] =	ssyncadd.s32 $0xFFFFC000  }
0x133: {  	_ =	swait.ge [sflag:s25], $0x4000  }
0x134: {  	[sflag:s25] =	ssyncset.done $0x0  }
0x135: {  	[sflag:s25] =	ssyncadd.s32 $0xFFFFC000  }
0x136: {  	[bflag:$0x0] =	sbarrier.arrive $0xFFFF  }
0x137: {  	s26 =	rddreg [dreg:$0xf]  }
0x138: {  	s3 =	rddreg [dreg:$0x16]  }
0x139: {  	s4 =	simm.s32 $0xA;
	s28 =	rddreg [dreg:$0x17]  }
0x13a: {  	[hbm:s26], [sflag:s3] =	dma.local [spmem:s28], $0x2700  }
0x13b: {  	_ =	swait.ge [sflag:s4], $0x2700  }
0x13c: {  	s29 =	sld [smem:$0x7FD];
	_ =	sdelay $0x1  }
0x13d: {  	[sflag:s4] =	ssyncset.done $0x0;
	s0 =	rddreg [dreg:$0x10]  }
0x13e: {  	s7 =	rddreg [dreg:$0x18];
	[sflag:s4] =	ssyncadd.s32 $0xFFFFD900;
	p1 =	seq.s32 s29, $0x1  }
0x13f: {  	[hbm:s0], [sflag:s3] =	dma.local @!p1 [spmem:s7], $0x100  }
0x140: {  	s0 =	simm.s32 @!p1 $0xA  }
0x141: {  	_ =	swait.ge @!p1 [sflag:s0], $0x100  }
0x142: {  	s30 =	rddreg [dreg:$0x15]  }
0x143: {  	s31 =	rddreg [dreg:$0x11];
	s7 =	sadd.s32 $0x1, s30  }
0x144: {  	p0 =	sne.s32 s7, s31  }
.Ltmp1:
0x145: {  	_ = 	snop;
	(pc) =	sbr.rel @p0 .LBB2_1-.Ltmp1, $3  }
0x146: {  	_ =	sdelay $0x1  }
0x147: {  	[sflag:s0] =	ssyncset.done @!p1 $0x0  }
0x148: {  	[sflag:s0] =	ssyncadd.s32 @!p1 $0xFFFFFF00  }
0x149: {  	_ =	sfence.sel $0x180000  }
0x14a: {  	[bflag:$0x0] =	sbarrier.arrive $0xFFFF  }
0x14b: {  	_ =	strace $0x9000004A  }
0x14c: {  	[bflag:$0x2] =	sbarrier.arrive $0xFFFF  }
0x14d: {  	s0 =	rddreg [dreg:$0x3]  }
0x14e: {  	s0 =	sadd.s32 @!p1 $0x100000, s0  }
0x14f: {  	[sflag:s0] =	ssyncadd.tile.s32 @!p1 $0x1;
	_ =	shalt  }
.Lfunc_end2:
_tile_overlayer_lowered:
.L_overlay_start_2:
0x150: {  	(tag) =	ssettag $0x2  }
0x151: {  	s0 =	rddreg [dreg:$0x0];
	s2 =	stileid.u32  }
0x152: {  	s1 =	rddreg [dreg:$0x1];
	p0 =	sne.s32 s2, $0x0  }
0x153: {  	s3 =	rddreg [dreg:$0x2];
	[bflag:$0x3] =	sbarrier.arrive $0xFFFF;
	s2 =	simm.s32 @!p0 $0x1C0A  }
0x154: {  	[timem:s3], [sflag:s2] =	dma.local @!p0 [hbm:s0], s1  }
0x155: {  	s0 =	simm.s32 @!p0 $0xA  }
0x156: {  	_ =	swait.ge @!p0 [sflag:s0], s1  }
0x157: {  	s1 =	ssub.s32 @!p0 $0x0, s1;
	[sflag:s0] =	ssyncset.done @!p0 $0x0  }
0x158: {  	[sflag:s0] =	ssyncadd.s32 @!p0 s1  }
0x159: {  	[bflag:$0x3] =	sbarrier.arrive $0xFFFF  }
0x15a: {  	_ =	shalt  }

// kernel: kernel.16.cloned.1.call-start
scs
__scs_entry_jumppad:
0x0: {  	(pc) =	sbr.rel $0x88, $3  }
0x1: {  	(tag) =	ssettag $0x0;
	lr =	simm.s32 $0x1  }
0x2: {  	[smem:$0x3F91] =	sst lr;
	_ =	strace $0xD0000000  }
0x3: {  	_ = 	snop  }
0x4: {  	_ = 	snop  }
0x5: {  	_ = 	snop  }
0x6: {  	_ = 	snop  }
0x7: {  	_ = 	snop  }
__scs_overlays_trampoline_lowered:
0x8: {  	[smem:$0x3FA0] =	sst s0  }
0x9: {  	[smem:$0x3FA1] =	sst s1  }
0xa: {  	[smem:$0x3FA2] =	sst s2  }
0xb: {  	[smem:$0x3FA3] =	sst s3  }
0xc: {  	[smem:$0x3FA4] =	sst s4  }
0xd: {  	[smem:$0x3FA5] =	sst s5  }
0xe: {  	[smem:$0x3FA6] =	sst s6  }
0xf: {  	[smem:$0x3FA7] =	sst s7  }
0x10: {  	[smem:$0x3FA8] =	sst s8  }
0x11: {  	[smem:$0x3FA9] =	sst s9;
	s0 =	simm.s32 @!p0 $0x0  }
0x12: {  	s1 =	sld [smem:$0x3F8F];
	s0 =	simm.s32 @p0 $0x1  }
0x13: {  	[smem:$0x3FAA] =	sst s0;
	s0 =	simm.s32 @!p1 $0x0  }
0x14: {  	s2 =	sld [smem:$0x3F8E];
	s0 =	simm.s32 @p1 $0x1  }
0x15: {  	[smem:$0x3FAB] =	sst s0;
	s0 =	simm.s32 @!p2 $0x0  }
0x16: {  	s3 =	sld [smem:$0x3FDB];
	s0 =	simm.s32 @p2 $0x1  }
0x17: {  	s4 =	simm.s32 $0x1BF5;
	[smem:$0x3FAD] =	sst s0  }
0x18: {  	s0 =	sld [smem:$0x3F90];
	_ =	swait.ge [sflag:s4], $0x0  }
0x19: {  	s7 =	sld [smem:$0x3F91]  }
0x1a: {  	s8 =	sadd.s32 $0xFFFFE003, lr  }
0x1b: {  	s9 =	sadd.s32 $0xFFFFFEF7, lr;
	s5 =	simm.s32 $0xFFFFFFFF;
	p2 =	slt.u32 s8, $0xFFFFF086  }
0x1c: {  	p1 =	slt.u32 s9, $0xF7A;
	s5 =	simm.s32 @!p2 $0x0  }
0x1d: {  	s5 =	simm.s32 @p1 $0x1;
	p0 =	seq.s32 s7, s2  }
0x1e: {  	s7 =	smul.u32 @!p0 $0xF7A, s2;
	p2 =	seq.s32 @!p0 s5, $0x0  }
0x1f: {  	s9 =	smul.u32 $0xF7A, s1;
	s8 =	simm.s32 @!p0 $0x1BF5;
	p2 =	por !p2, p0  }
0x20: {  	[sflag:s8] =	ssyncset.s32 @!p0 $0xFFFFF086;
	s6 =	sadd.s32 @!p0 s3, s7;
	s7 =	simm.s32 @!p0 $0x108  }
0x21: {  	s3 =	sadd.s32 s3, s9;
	s6 =	sadd.s32 @!p0 $0x88, s6;
	s7 =	simm.s32 @p2 $0x1082  }
0x22: {  	[simem:s7], [sflag:s8] =	dma.local @!p0 [hbm:s6], $0xF7A  }
0x23: {  	s9 =	sor.u32 $0xD0000000, s2;
	s6 =	simm.s32 $0x108;
	_ =	swait.ge @!p0 [sflag:s8], $0x0  }
0x24: {  	s3 =	sadd.s32 $0x88, s3;
	s6 =	simm.s32 @!p1 $0x1082;
	[sflag:s4] =	ssyncset.s32 $0xFFFFF086  }
0x25: {  	[simem:s6], [sflag:s4] =	dma.local [hbm:s3], $0xF7A  }
0x26: {  	[smem:$0x3F91] =	sst s1;
	(tag) =	ssettag s2;
	_ =	strace s9  }
0x27: {  	s1 =	sld [smem:$0x3FA1]  }
0x28: {  	s2 =	sld [smem:$0x3FA2]  }
0x29: {  	s4 =	sld [smem:$0x3FA4]  }
0x2a: {  	p0 =	seq.s32 s5, $0x0;
	s5 =	sld [smem:$0x3FA5]  }
0x2b: {  	s6 =	sld [smem:$0x3FA6]  }
0x2c: {  	s7 =	sld [smem:$0x3FA7]  }
0x2d: {  	s3 =	simm.s32 $0x108;
	s8 =	sld [smem:$0x3FA8]  }
0x2e: {  	s3 =	simm.s32 @!p0 $0x1082;
	s9 =	sld [smem:$0x3FA9]  }
0x2f: {  	lr =	sadd.s32 s0, s3;
	s0 =	sld [smem:$0x3FA0]  }
0x30: {  	s3 =	sld [smem:$0x3FA3]  }
0x31: {  	[smem:$0x3FAC] =	sst s10  }
0x32: {  	s10 =	sld [smem:$0x3FAA];
	_ =	sdelay $0x3  }
0x33: {  	p0 =	seq.s32 s10, $0x1;
	s10 =	sld [smem:$0x3FAC];
	_ =	sdelay $0x3  }
0x34: {  	[smem:$0x3FAC] =	sst s10  }
0x35: {  	s10 =	sld [smem:$0x3FAB];
	_ =	sdelay $0x3  }
0x36: {  	p1 =	seq.s32 s10, $0x1;
	s10 =	sld [smem:$0x3FAC];
	_ =	sdelay $0x3  }
0x37: {  	[smem:$0x3FAC] =	sst s10  }
0x38: {  	s10 =	sld [smem:$0x3FAD]  }
0x39: {  	_ = 	snop;
	(pc) =	sbr.ind lr, $3  }
0x3a: {  	_ = 	snop  }
0x3b: {  	_ = 	snop  }
0x3c: {  	p2 =	seq.s32 s10, $0x1;
	s10 =	sld [smem:$0x3FAC]  }
0x3d: {  	_ =	shalt  }
0x3e: {  	_ =	shalt  }
0x3f: {  	_ =	shalt  }
0x40: {  	_ =	shalt  }
0x41: {  	_ =	shalt  }
0x42: {  	_ =	shalt  }
0x43: {  	_ =	shalt  }
0x44: {  	_ =	shalt  }
0x45: {  	_ =	shalt  }
0x46: {  	_ =	shalt  }
0x47: {  	_ =	shalt  }
0x48: {  	_ =	shalt  }
0x49: {  	_ =	shalt  }
0x4a: {  	_ =	shalt  }
0x4b: {  	_ =	shalt  }
0x4c: {  	_ =	shalt  }
0x4d: {  	_ =	shalt  }
0x4e: {  	_ =	shalt  }
0x4f: {  	_ =	shalt  }
0x50: {  	_ =	shalt  }
0x51: {  	_ =	shalt  }
0x52: {  	_ =	shalt  }
0x53: {  	_ =	shalt  }
0x54: {  	_ =	shalt  }
0x55: {  	_ =	shalt  }
0x56: {  	_ =	shalt  }
0x57: {  	_ =	shalt  }
0x58: {  	_ =	shalt  }
0x59: {  	_ =	shalt  }
0x5a: {  	_ =	shalt  }
0x5b: {  	_ =	shalt  }
0x5c: {  	_ =	shalt  }
0x5d: {  	_ =	shalt  }
0x5e: {  	_ =	shalt  }
0x5f: {  	_ =	shalt  }
0x60: {  	_ =	shalt  }
0x61: {  	_ =	shalt  }
0x62: {  	_ =	shalt  }
0x63: {  	_ =	shalt  }
0x64: {  	_ =	shalt  }
0x65: {  	_ =	shalt  }
0x66: {  	_ =	shalt  }
0x67: {  	_ =	shalt  }
0x68: {  	_ =	shalt  }
0x69: {  	_ =	shalt  }
0x6a: {  	_ =	shalt  }
0x6b: {  	_ =	shalt  }
0x6c: {  	_ =	shalt  }
0x6d: {  	_ =	shalt  }
0x6e: {  	_ =	shalt  }
0x6f: {  	_ =	shalt  }
0x70: {  	_ =	shalt  }
0x71: {  	_ =	shalt  }
0x72: {  	_ =	shalt  }
0x73: {  	_ =	shalt  }
0x74: {  	_ =	shalt  }
0x75: {  	_ =	shalt  }
0x76: {  	_ =	shalt  }
0x77: {  	_ =	shalt  }
0x78: {  	_ =	shalt  }
0x79: {  	_ =	shalt  }
0x7a: {  	_ =	shalt  }
0x7b: {  	_ =	shalt  }
0x7c: {  	_ =	shalt  }
0x7d: {  	_ =	shalt  }
0x7e: {  	_ =	shalt  }
0x7f: {  	_ =	shalt  }
0x80: {  	_ =	shalt  }
0x81: {  	_ =	shalt  }
0x82: {  	_ =	shalt  }
0x83: {  	_ =	shalt  }
0x84: {  	_ =	shalt  }
0x85: {  	_ =	shalt  }
0x86: {  	_ =	shalt  }
0x87: {  	_ =	shalt  }
.Lfunc_end0:
.L_simem_size_0:
called_computation.2_lowered:
.L_overlay_start_0:
0x88: {  	s2 =	sld [smem:$0x3FD9]  }
0x89: {  	s3 =	sld [smem:$0x3FFE];
	_ =	sdelay $0x1  }
0x8a: {  	s1 =	srdreg.scid  }
0x8b: {  	s0 =	sand.u32 $0x1, s1  }
0x8c: {  	s17 =	sshll.u32 s0, $0xA;
	s2 =	sadd.s32 s3, s2  }
0x8d: {  	s2 =	sadd.s32 s2, s17  }
0x8e: {  	[smem:$0x3FB8] =	sst s2  }
0x8f: {  	_ = 	snop  }
0x90: {  	s2 =	sld [smem:$0x3FD0];
	(tm) =	ssettm $0x1  }
0x91: {  	s18 =	sld [smem:$0x3FFB];
	_ =	sdelay $0x3  }
0x92: {  	_ =	strace s18  }
0x93: {  	s3 =	sld [smem:$0x3FFC];
	_ =	sdelay $0x3  }
0x94: {  	_ =	strace s3  }
0x95: {  	s3 =	sld [smem:$0x3FFD];
	_ =	sdelay $0x3  }
0x96: {  	_ =	strace s3  }
0x97: {  	_ =	strace $0x8FFFFFFF  }
0x98: {  	s19 =	sld [smem:$0x3FDB];
	_ =	sdelay $0x1  }
0x99: {  	s4 =	simm.s32 $_scs_section_size  }
0x9a: {  	s5 =	simm.s32 $_size__tile_overlayer_lowered;
	s6 =	simm.s32 $_tile_overlayer_lowered  }
0x9b: {  	s22 =	simm.s32 $0x1BFF;
	s21 =	sshll.u32 s6, $0x1;
	s3 =	sadd.s32 s4, s19  }
0x9c: {  	s7 =	simm.s32 $0x0;
	s20 =	sshll.u32 s5, $0x1;
	s5 =	sadd.s32 s21, s3  }
0x9d: {  	[timem:s7], [sflag:s22] =	dma.local [hbm:s5], s20  }
0x9e: {  	_ =	swait.ge [sflag:s22], s20  }
0x9f: {  	s4 =	ssub.s32 $0x0, s20;
	[sflag:s22] =	ssyncset.done $0x0  }
0xa0: {  	[sflag:s22] =	ssyncadd.s32 s4;
	_ =	sdelay $0x1  }
0xa1: {  	s23 =	simm.s32 $0x1B8B  }
0xa2: {  	_ =	swait.ge [sflag:s23], $0x1  }
0xa3: {  	[sflag:s23] =	ssyncset.done $0x0  }
0xa4: {  	s25 =	simm.s32 $0x1B8E;
	s24 =	sld [smem:$0x3FFE];
	[sflag:s23] =	ssyncadd.s32 $0xFFFFFFFF  }
0xa5: {  	s26 =	simm.s32 $execute0_lowered;
	[smem:$0x3FD2] =	sst s25  }
0xa6: {  	s5 =	sshll.u32 s26, $0x1;
	_ =	strace $0x8000004C;
	[dreg:$0x1] =	wrdreg $0xFFFFFFFF  }
0xa7: {  	s28 =	simm.s32 $_size_execute0_lowered;
	s3 =	sadd.s32 s3, s5;
	[dreg:$0x0] =	wrdreg $0x0  }
0xa8: {  	s5 =	sshll.u32 s28, $0x1;
	[dreg:$0x2] =	wrdreg s3  }
0xa9: {  	[dreg:$0x3] =	wrdreg s5  }
0xaa: {  	[dreg:$0x4] =	wrdreg $0xC0  }
0xab: {  	_ =	task [dreg:s7], $0x5FFFF  }
0xac: {  	[dreg:$0x1] =	wrdreg $0xFFFFFFFF  }
0xad: {  	[dreg:$0x0] =	wrdreg $0x60  }
0xae: {  	[dreg:$0x2] =	wrdreg s24  }
0xaf: {  	[dreg:$0x3] =	wrdreg s2  }
0xb0: {  	[dreg:$0x4] =	wrdreg $0xC4000  }
0xb1: {  	[dreg:$0x5] =	wrdreg $0x9  }
0xb2: {  	_ =	task.clear_ibuf [dreg:s7], $0x6FFFF;
	_ =	strace $0x9000004C  }
0xb3: {  	s29 =	simm.s32 $0x9;
	_ =	strace $0x8000004E  }
0xb4: {  	_ =	swait.ge [sflag:s29], $0x1  }
0xb5: {  	[sflag:s29] =	ssyncadd.s32 $0xFFFFFFFF  }
0xb6: {  	_ =	strace $0x9000004E  }
0xb7: {  	_ =	sfence  }
0xb8: {  	s30 =	sld [smem:$0x0];
	_ =	sdelay $0x2  }
0xb9: {  	s31 =	sshll.u32 s1, $0xD;
	s1 =	sshrl.u32 s1, $0x2  }
0xba: {  	s3 =	sand.u32 $0x4000, s31;
	s1 =	sadd.s32 s1, s30  }
0xbb: {  	s0 =	sor.u32 s3, s0;
	s1 =	sshll.u32 s1, $0x11  }
0xbc: {  	s0 =	sor.u32 s1, s0  }
0xbd: {  	s0 =	sadd.s32 $0x8F2B, s0  }
0xbe: {  	[sflag:s0] =	ssyncadd.remote.s32 $0x1  }
0xbf: {  	_ =	sfence.sel $0xFFFF  }
0xc0: {  	[dreg:$0x0] =	wrdreg $0xFFFFFFFF;
	(pc) =	sbr.abs _section_cstart, $3  }
0xc1: {  	[dreg:$0x1] =	wrdreg $0xFFFFFFFF  }
0xc2: {  	_ =	task.clear_ibuf [dreg:s7], $0x2FFFF;
	_ =	strace $0x9FFFFFFF  }
0xc3: {  	(tm) =	ssettm $0x7FFFFFFF  }
tec
execute0_lowered:
.L_overlay_start_1:
0x0: {  	(tag) =	ssettag $0x1  }
0x1: {  	s0 =	rddreg [dreg:$0x0]  }
0x2: {  	s1 =	rddreg [dreg:$0x1]  }
0x3: {  	s2 =	rddreg [dreg:$0x2]  }
0x4: {  	s4 =	simm.s32 $0x0;
	s3 =	srdreg.scid;
	s11 =	stileid.u32  }
0x5: {  	[smem:$0x7FF] =	sst s4;
	s7 =	smul.u32 $0x2700, s11  }
0x6: {  	s3 =	sand.u32 $0x1, s3;
	s5 =	sadd.s32 $0x7C00, s0;
	s16 =	smul.u32 $0x4E000, s11  }
0x7: {  	s9 =	sadd.s32 $0x2C00, s0;
	s0 =	sadd.s32 $0x55E00, s0;
	s18 =	smul.u32 $0x13800, s11  }
0x8: {  	p0 =	seq.s32 s11, $0xF;
	s20 =	sadd.s32 $0x138000, s2;
	s8 =	smul.u32 $0x27100, s3  }
0x9: {  	s22 =	smul.u32 $0x4E0, s11;
	_ =	strace $0x8000004D;
	s15 =	ssub.s32 $0x2, s3  }
0xa: {  	s3 =	smul.u32 $0x138800, s3;
	s8 =	sadd.s32 s7, s8;
	s7 =	sshrl.u32 s7, $0x3  }
0xb: {  	[dreg:$0xd] =	wrdreg s20;
	s6 =	sshrl.u32 s15, $0x1;
	s12 =	sadd.s32 s9, s7  }
0xc: {  	s4 =	ssub.s32 s15, s6;
	s19 =	sadd.s32 s5, s8;
	[dreg:$0x6] =	wrdreg s12  }
0xd: {  	p1 =	sne.s32 s11, $0x0;
	s24 =	smax.u32 s4, $0x1;
	[dreg:$0xc] =	wrdreg s19  }
0xe: {  	s21 =	sshrl.u32 s3, $0x3;
	s31 =	sadd.s32 $0x180, s8;
	[dreg:$0x11] =	wrdreg s24  }
0xf: {  	s10 =	sshrl.u32 s8, $0x3;
	s17 =	sadd.s32 $0x10, s12;
	[dreg:$0x4] =	wrdreg s31  }
0x10: {  	s3 =	sadd.s32 s18, s3;
	s10 =	sadd.s32 s1, s10;
	[dreg:$0x8] =	wrdreg s17  }
0x11: {  	s7 =	sshrl.u32 s16, $0x2;
	s12 =	sadd.s32 $0x20, s12;
	[dreg:$0x5] =	wrdreg s10  }
0x12: {  	s3 =	sshrl.u32 s3, $0x3;
	s7 =	sadd.s32 s7, s2;
	[dreg:$0xa] =	wrdreg s12  }
0x13: {  	s25 =	sadd.s32 s22, s9;
	s3 =	sadd.s32 s0, s3;
	[dreg:$0xb] =	wrdreg s7  }
0x14: {  	s26 =	sadd.s32 $0x280, s8;
	s13 =	sadd.s32 $0x10, s10;
	[dreg:$0xf] =	wrdreg s3  }
0x15: {  	s10 =	sadd.s32 $0x20, s10;
	s7 =	sadd.s32 $0x27000, s21;
	[dreg:$0x7] =	wrdreg s13  }
0x16: {  	s29 =	sadd.s32 $0x200, s8;
	[dreg:$0x9] =	wrdreg s10;
	s0 =	sadd.s32 s0, s7  }
0x17: {  	s28 =	sshrl.u32 s26, $0x3;
	[dreg:$0x10] =	wrdreg s0;
	s0 =	sadd.s32 $0x50, s25  }
0x18: {  	s30 =	sshrl.u32 s29, $0x3;
	[dreg:$0x12] =	wrdreg s0;
	s0 =	sadd.s32 s28, s1  }
0x19: {  	s6 =	simm.s32 $0x50;
	[dreg:$0x13] =	wrdreg s0;
	s0 =	sadd.s32 s30, s1  }
0x1a: {  	s23 =	sadd.s32 s5, s7;
	[dreg:$0x14] =	wrdreg s0;
	s0 =	simm.s32 @!p1 $0x0  }
0x1b: {  	s6 =	simm.s32 @!p0 $0x4E;
	[dreg:$0xe] =	wrdreg s23;
	s0 =	simm.s32 @p1 $0x1  }
0x1c: {  	s4 =	simm.s32 $0xA;
	s7 =	simm.s32 $0x0;
	[smem:$0x7FD] =	sst s0  }
.LBB2_1:
0x1d: {  	[dreg:$0x15] =	wrdreg s7  }
0x1e: {  	s12 =	simm.s32 $0x0;
	s0 =	rddreg [dreg:$0x5]  }
0x1f: {  	[tilespmem:s12], [sflag:$0xA] =	stream.linear.gather [hbm4b:s0+s12], $0x80, $0x38;
	[tilespmem:$0x1FC80] =	vst v63  }
0x20: {  	_ =	swait.ge [sflag:s4], $0x80  }
0x21: {  	[sflag:s4] =	ssyncset.done $0x0  }
0x22: {  	s3 =	simm.s32 $0x200;
	s14 =	rddreg [dreg:$0x6];
	[sflag:s4] =	ssyncadd.s32 $0xFFFFFF80  }
0x23: {  	[tilespmem:s3], [sflag:$0xA] =	stream.linear.gather [hbm4b:s14+s12], $0x80, $0x38;
	[tilespmem:$0x1FC80] =	vst v63  }
0x24: {  	_ =	swait.ge [sflag:s4], $0x80  }
0x25: {  	[sflag:s4] =	ssyncset.done $0x0  }
0x26: {  	s16 =	simm.s32 $0x80;
	s15 =	rddreg [dreg:$0x7];
	[sflag:s4] =	ssyncadd.s32 $0xFFFFFF80  }
0x27: {  	[tilespmem:s16], [sflag:$0xA] =	stream.linear.gather [hbm4b:s15+s12], $0x80, $0x38;
	[tilespmem:$0x1FC80] =	vst v63  }
0x28: {  	_ =	swait.ge [sflag:s4], $0x80  }
0x29: {  	[sflag:s4] =	ssyncset.done $0x0  }
0x2a: {  	s18 =	simm.s32 $0x280;
	s17 =	rddreg [dreg:$0x8];
	[sflag:s4] =	ssyncadd.s32 $0xFFFFFF80  }
0x2b: {  	[tilespmem:s18], [sflag:$0xA] =	stream.linear.gather [hbm4b:s17+s12], $0x80, $0x38;
	[tilespmem:$0x1FC80] =	vst v63  }
0x2c: {  	_ =	swait.ge [sflag:s4], $0x80  }
0x2d: {  	[sflag:s4] =	ssyncset.done $0x0  }
0x2e: {  	s20 =	simm.s32 $0x100;
	s19 =	rddreg [dreg:$0x9];
	[sflag:s4] =	ssyncadd.s32 $0xFFFFFF80  }
0x2f: {  	[tilespmem:s20], [sflag:$0xA] =	stream.linear.gather [hbm4b:s19+s12], $0x80, $0x38;
	[tilespmem:$0x1FC80] =	vst v63  }
0x30: {  	_ =	swait.ge [sflag:s4], $0x80  }
0x31: {  	[sflag:s4] =	ssyncset.done $0x0  }
0x32: {  	s22 =	simm.s32 $0x300;
	s21 =	rddreg [dreg:$0xa];
	[sflag:s4] =	ssyncadd.s32 $0xFFFFFF80  }
0x33: {  	[tilespmem:s22], [sflag:$0xA] =	stream.linear.gather [hbm4b:s21+s12], $0x80, $0x38;
	[tilespmem:$0x1FC80] =	vst v63  }
0x34: {  	s23 =	simm.s32 $0x400;
	s25 =	stileid.u32;
	_ =	swait.ge [sflag:s4], $0x80  }
0x35: {  	s0 =	sshll.u32 s25, $0x6;
	[sflag:s4] =	ssyncset.done $0x0;
	s26 =	rddreg [dreg:$0xb]  }
0x36: {  	s31 =	rddreg [dreg:$0xc];
	[sflag:s4] =	ssyncadd.s32 $0xFFFFFF80;
	s28 =	sshrl.u32 s26, $0x3  }
0x37: {  	[tilespmem:s23], [sflag:$0x1] =	stream.indirect.gather [hbm4b:s5+s16], $0x80, s12, s16, $0xb8;
	[tilespmem:$0x1FC80] =	vst v63  }
0x38: {  	s24 =	simm.s32 $0x4400;
	s3 =	sor.u32 $0x1C0A, s0;
	[dreg:$0x17] =	wrdreg s28  }
0x39: {  	[tilespmem:s24], [sflag:$0x2] =	stream.indirect.gather [hbm4b:s5+s16], $0x80, s16, s16, $0xb8;
	[tilespmem:$0x1FC80] =	vst v63  }
0x3a: {  	[spmem:s28], [sflag:s3] =	dma.local [hbm:s31], $0x2700  }
0x3b: {  	_ =	swait.ge [sflag:s4], $0x2700;
	[dreg:$0x16] =	wrdreg s3  }
0x3c: {  	[sflag:s4] =	ssyncset.done $0x0;
	s0 =	rddreg [dreg:$0xd]  }
0x3d: {  	[sflag:s4] =	ssyncadd.s32 $0xFFFFD900;
	s4 =	sshrl.u32 @!p1 s0, $0x3;
	s0 =	rddreg [dreg:$0xe]  }
0x3e: {  	[dreg:$0x18] =	wrdreg s4  }
0x3f: {  	[spmem:s4], [sflag:s3] =	dma.local @!p1 [hbm:s0], $0x100  }
0x40: {  	s0 =	simm.s32 @!p1 $0xA  }
0x41: {  	_ =	swait.ge @!p1 [sflag:s0], $0x100  }
0x42: {  	p2 =	sle.u32 s6, $0x0;
	[sflag:s0] =	ssyncset.done @!p1 $0x0  }
0x43: {  	s3 =	simm.s32 @!p2 $0x1;
	[sflag:s0] =	ssyncadd.s32 @!p1 $0xFFFFFF00  }
0x44: {  	s4 =	simm.s32 @!p2 $0x400;
	p1 =	sle.u32 s6, $0x2;
	[bflag:$0x0] =	sbarrier.arrive $0xFFFF  }
0x45: {  	s0 =	sand.u32 @!p2 $0x180, s12;
	p0 =	por @!p1 $0x1, $0x1;
	_ =	swait.ge @!p2 [sflag:s3], $0x4000  }
0x46: {  	s0 =	sor.u32 @!p2 $0x200, s0;
	p0 =	por p0, p1;
	[sflag:s3] =	ssyncset.done @!p2 $0x0  }
0x47: {  	s7 =	simm.s32 @!p0 $0x6;
	[sflag:s3] =	ssyncadd.s32 @!p2 $0xFFFFC000;
	s3 =	simm.s32 @!p2 $0x80  }
0x48: {  	[spmem:s2] =	stream.indirect.scatter.add.f32 @!p2 [tilespmem:s4], [sflag:$0x4], $0x80, s0, s3, $0xb8;
	[tilespmem:$0x1FC80] =	vst v63  }
0x49: {  	_ =	swait.ge @!p0 [sflag:s7], $0x4000  }
0x4a: {  	[sflag:s7] =	ssyncset.done @!p0 $0x0  }
0x4b: {  	s3 =	simm.s32 @!p0 $0x9;
	[sflag:s7] =	ssyncadd.s32 @!p0 $0xFFFFC000  }
0x4c: {  	_ =	swait.ge @!p0 [sflag:s3], $0x80  }
0x4d: {  	p5 =	sle.u32 s6, $0x1;
	[sflag:s3] =	ssyncset.done @!p0 $0x0  }
0x4e: {  	s8 =	simm.s32 @!p1 $0x8400;
	s0 =	simm.s32 @!p1 $0x100;
	[sflag:s3] =	ssyncadd.s32 @!p0 $0xFFFFFF80  }
0x4f: {  	p2 =	sle.u32 s6, $0x3;
	s7 =	sand.u32 @!p1 $0x180, s0;
	_ =	swait.ge @!p0 [sflag:s3], $0x80  }
0x50: {  	s0 =	simm.s32 @!p1 $0x80;
	[sflag:s3] =	ssyncset.done @!p0 $0x0;
	s4 =	rddreg [dreg:$0x4]  }
0x51: {  	s20 =	rddreg [dreg:$0x12];
	[sflag:s3] =	ssyncadd.s32 @!p0 $0xFFFFFF80;
	s3 =	sadd.s32 @!p2 $0x0, s4  }
0x52: {  	[tilespmem:s8], [sflag:$0x3] =	stream.indirect.gather @!p1 [hbm4b:s5+s0], $0x80, s7, s0, $0xb8;
	[tilespmem:$0x1FC80] =	vst v63  }
0x53: {  	p0 =	por p5, p5;
	s4 =	simm.s32 @!p2 $0x180;
	s3 =	sshrl.u32 @!p2 s3, $0x3  }
0x54: {  	s9 =	sand.u32 @!p2 $0x180, s4;
	s4 =	simm.s32 @!p2 $0x0;
	s3 =	sadd.s32 @!p2 s1, s3  }
0x55: {  	[tilespmem:s9], [sflag:$0x7] =	stream.linear.gather @!p2 [hbm4b:s3+s4], $0x80, $0x38;
	[tilespmem:$0x1FC80] =	vst v63  }
0x56: {  	s10 =	sadd.s32 @!p2 $0xFFFFFFE0, s20;
	s11 =	simm.s32 @!p0 $0x2;
	s3 =	sor.u32 @!p2 $0x200, s9  }
0x57: {  	[tilespmem:s3], [sflag:$0x7] =	stream.linear.gather @!p2 [hbm4b:s10+s4], $0x80, $0x38;
	[tilespmem:$0x1FC80] =	vst v63  }
0x58: {  	s3 =	simm.s32 @!p0 $0x80;
	s4 =	simm.s32 @!p0 $0x4400;
	_ =	swait.ge @!p0 [sflag:s11], $0x4000  }
0x59: {  	s10 =	simm.s32 @!p2 $0x4;
	s3 =	sand.u32 @!p0 $0x180, s3;
	[sflag:s11] =	ssyncset.done @!p0 $0x0  }
0x5a: {  	s3 =	sor.u32 @!p0 $0x200, s3;
	[sflag:s11] =	ssyncadd.s32 @!p0 $0xFFFFC000;
	s11 =	simm.s32 @!p0 $0x80  }
0x5b: {  	[spmem:s2] =	stream.indirect.scatter.add.f32 @!p0 [tilespmem:s4], [sflag:$0x5], $0x80, s3, s11, $0xb8;
	[tilespmem:$0x1FC80] =	vst v63  }
0x5c: {  	s13 =	simm.s32 $0x180;
	p6 =	sle.u32 s6, $0x4;
	_ =	swait.ge @!p2 [sflag:s10], $0x4000  }
0x5d: {  	s30 =	simm.s32 $0x5;
	s25 =	simm.s32 $0x480;
	[sflag:s10] =	ssyncset.done @!p2 $0x0  }
0x5e: {  	s15 =	simm.s32 $0x8;
	s3 =	simm.s32 @!p2 $0x7;
	[sflag:s10] =	ssyncadd.s32 @!p2 $0xFFFFC000  }
0x5f: {  	s18 =	simm.s32 $0x7;
	s19 =	simm.s32 $0x6;
	_ =	swait.ge @!p2 [sflag:s3], $0x80  }
0x60: {  	s22 =	simm.s32 $0x0;
	s24 =	simm.s32 $0x5;
	[sflag:s3] =	ssyncset.done @!p2 $0x0  }
0x61: {  	p5 =	sle.u32 s6, $0x4;
	s21 =	rddreg [dreg:$0x13];
	[sflag:s3] =	ssyncadd.s32 @!p2 $0xFFFFFF80  }
0x62: {  	s7 =	sor.u32 @!p1 $0x200, s7;
	s17 =	rddreg [dreg:$0x14];
	_ =	swait.ge @!p2 [sflag:s3], $0x80  }
0x63: {  	s29 =	simm.s32 @!p5 $0x8;
	s4 =	simm.s32 $0x300;
	[sflag:s3] =	ssyncset.done @!p2 $0x0  }
0x64: {  	s11 =	simm.s32 @!p2 $0x400;
	s10 =	simm.s32 @!p2 $0x80;
	[sflag:s3] =	ssyncadd.s32 @!p2 $0xFFFFFF80  }
0x65: {  	[tilespmem:s11], [sflag:$0x1] =	stream.indirect.gather @!p2 [hbm4b:s5+s10], $0x80, s9, s10, $0xb8;
	[tilespmem:$0x1FC80] =	vst v63  }
0x66: {  	s16 =	sadd.s32 $0x30, s17;
	s3 =	sand.u32 @!p5 $0x180, s12;
	s9 =	simm.s32 @!p5 $0x0  }
0x67: {  	[tilespmem:s3], [sflag:$0x8] =	stream.linear.gather @!p5 [hbm4b:s17+s9], $0x80, $0x38;
	[tilespmem:$0x1FC80] =	vst v63  }
0x68: {  	s10 =	sor.u32 @!p5 $0x200, s3;
	s11 =	sadd.s32 @!p5 $0xFFFFFFF0, s20;
	s17 =	simm.s32 @!p1 $0x3  }
0x69: {  	[tilespmem:s10], [sflag:$0x8] =	stream.linear.gather @!p5 [hbm4b:s11+s9], $0x80, $0x38;
	[tilespmem:$0x1FC80] =	vst v63  }
0x6a: {  	s14 =	sadd.s32 $0x30, s21;
	s12 =	sadd.s32 $0x30, s20;
	_ =	swait.ge @!p1 [sflag:s17], $0x4000  }
0x6b: {  	p2 =	por p6, p6;
	s9 =	sadd.s32 $0x30, s14;
	[sflag:s17] =	ssyncset.done @!p1 $0x0  }
0x6c: {  	s11 =	sadd.s32 $0x30, s16;
	[sflag:s17] =	ssyncadd.s32 @!p1 $0xFFFFC000;
	s17 =	simm.s32 @!p5 $0x5  }
0x6d: {  	[spmem:s2] =	stream.indirect.scatter.add.f32 @!p1 [tilespmem:s8], [sflag:$0x6], $0x80, s7, s0, $0xb8;
	[tilespmem:$0x1FC80] =	vst v63  }
0x6e: {  	s10 =	simm.s32 $0xB;
	s0 =	simm.s32 $0x3;
	_ =	swait.ge @!p5 [sflag:s17], $0x4000  }
0x6f: {  	s8 =	simm.s32 $0x8;
	s7 =	simm.s32 $0x9;
	[sflag:s17] =	ssyncset.done @!p5 $0x0  }
0x70: {  	p1 =	sle.u32 s6, $0x7;
	[sflag:s17] =	ssyncadd.s32 @!p5 $0xFFFFC000;
	s17 =	smov.u32 s12  }
.LBB2_2:
0x71: {  	_ =	swait.ge @!p5 [sflag:s29], $0x80  }
0x72: {  	[sflag:s29] =	ssyncset.done @!p5 $0x0  }
0x73: {  	[sflag:s29] =	ssyncadd.s32 @!p5 $0xFFFFFF80  }
0x74: {  	p0 =	sge.u32 s30, s6;
	_ =	swait.ge @!p5 [sflag:s29], $0x80  }
0x75: {  	p6 =	sge.u32 s0, s6;
	s0 =	simm.s32 @!p5 $0x4400;
	[sflag:s29] =	ssyncset.done @!p5 $0x0  }
0x76: {  	s31 =	simm.s32 @!p5 $0x80;
	s22 =	sadd.s32 @!p0 $0x280, s22;
	[sflag:s29] =	ssyncadd.s32 @!p5 $0xFFFFFF80  }
0x77: {  	[tilespmem:s0], [sflag:$0x2] =	stream.indirect.gather @!p5 [hbm4b:s5+s31], $0x80, s3, s31, $0xb8;
	[tilespmem:$0x1FC80] =	vst v63  }
0x78: {  	p4 =	sge.u32 s24, s6;
	s23 =	simm.s32 @!p0 $0x0;
	s22 =	sand.u32 @!p0 $0x180, s22  }
0x79: {  	[tilespmem:s22], [sflag:$0x9] =	stream.linear.gather @!p0 [hbm4b:s21+s23], $0x80, $0x38;
	[tilespmem:$0x1FC80] =	vst v63  }
0x7a: {  	s30 =	sand.u32 @!p6 $0x180, s13;
	s0 =	sor.u32 @!p0 $0x200, s22;
	s3 =	simm.s32 @!p6 $0x1  }
0x7b: {  	[tilespmem:s0], [sflag:$0x9] =	stream.linear.gather @!p0 [hbm4b:s20+s23], $0x80, $0x38;
	[tilespmem:$0x1FC80] =	vst v63  }
0x7c: {  	s30 =	sor.u32 @!p6 $0x200, s30;
	p5 =	seq.s32 @!p4 s13, $0x0;
	_ =	swait.ge @!p6 [sflag:s3], $0x4000  }
0x7d: {  	p5 =	por p5, p4;
	s0 =	simm.s32 @!p6 $0x400;
	[sflag:s3] =	ssyncset.done @!p6 $0x0  }
0x7e: {  	s23 =	simm.s32 @!p5 $0x6;
	[sflag:s3] =	ssyncadd.s32 @!p6 $0xFFFFC000;
	s3 =	simm.s32 @!p6 $0x80  }
0x7f: {  	[spmem:s2] =	stream.indirect.scatter.add.f32 @!p6 [tilespmem:s0], [sflag:$0x4], $0x80, s30, s3, $0xb8;
	[tilespmem:$0x1FC80] =	vst v63  }
0x80: {  	_ =	swait.ge @!p5 [sflag:s23], $0x4000  }
0x81: {  	s28 =	smov.u32 s25;
	[sflag:s23] =	ssyncset.done @!p5 $0x0  }
0x82: {  	s24 =	sadd.s32 @!p4 $0x100, s13;
	[sflag:s23] =	ssyncadd.s32 @!p5 $0xFFFFC000;
	s23 =	simm.s32 @!p5 $0x9  }
0x83: {  	s29 =	sand.u32 @!p4 $0x180, s24;
	s24 =	smov.u32 s8;
	_ =	swait.ge @!p5 [sflag:s23], $0x80  }
0x84: {  	s31 =	sor.u32 @!p4 $0x200, s29;
	s22 =	smov.u32 s13;
	[sflag:s23] =	ssyncset.done @!p5 $0x0  }
0x85: {  	s13 =	smov.u32 s4;
	s4 =	smov.u32 s28;
	[sflag:s23] =	ssyncadd.s32 @!p5 $0xFFFFFF80  }
0x86: {  	s0 =	simm.s32 @!p4 $0x80;
	p6 =	sge.u32 s19, s6;
	_ =	swait.ge @!p5 [sflag:s23], $0x80  }
0x87: {  	s19 =	smov.u32 s7;
	[sflag:s23] =	ssyncset.done @!p5 $0x0;
	s8 =	rddreg [dreg:$0x4]  }
0x88: {  	s7 =	simm.s32 @!p4 $0x8400;
	[sflag:s23] =	ssyncadd.s32 @!p5 $0xFFFFFF80;
	s8 =	sadd.s32 @!p6 s22, s8  }
0x89: {  	[tilespmem:s7], [sflag:$0x3] =	stream.indirect.gather @!p4 [hbm4b:s5+s0], $0x80, s29, s0, $0xb8;
	[tilespmem:$0x1FC80] =	vst v63  }
0x8a: {  	s20 =	smov.u32 s17;
	s3 =	sadd.s32 @!p6 $0x180, s22;
	s8 =	sshrl.u32 @!p6 s8, $0x3  }
0x8b: {  	s28 =	simm.s32 @!p6 $0x0;
	s3 =	sand.u32 @!p6 $0x180, s3;
	s8 =	sadd.s32 @!p6 s1, s8  }
0x8c: {  	[tilespmem:s3], [sflag:$0x7] =	stream.linear.gather @!p6 [hbm4b:s8+s28], $0x80, $0x38;
	[tilespmem:$0x1FC80] =	vst v63  }
0x8d: {  	s23 =	sadd.s32 @!p6 $0xFFFFFFE0, s20;
	s29 =	simm.s32 @!p2 $0x2;
	s8 =	sor.u32 @!p6 $0x200, s3  }
0x8e: {  	[tilespmem:s8], [sflag:$0x7] =	stream.linear.gather @!p6 [hbm4b:s23+s28], $0x80, $0x38;
	[tilespmem:$0x1FC80] =	vst v63  }
0x8f: {  	s8 =	sadd.s32 @!p2 $0x80, s22;
	s23 =	simm.s32 @!p2 $0x4400;
	_ =	swait.ge @!p2 [sflag:s29], $0x4000  }
0x90: {  	s28 =	simm.s32 @!p6 $0x4;
	s8 =	sand.u32 @!p2 $0x180, s8;
	[sflag:s29] =	ssyncset.done @!p2 $0x0  }
0x91: {  	s8 =	sor.u32 @!p2 $0x200, s8;
	[sflag:s29] =	ssyncadd.s32 @!p2 $0xFFFFC000;
	s29 =	simm.s32 @!p2 $0x80  }
0x92: {  	[spmem:s2] =	stream.indirect.scatter.add.f32 @!p2 [tilespmem:s23], [sflag:$0x5], $0x80, s8, s29, $0xb8;
	[tilespmem:$0x1FC80] =	vst v63  }
0x93: {  	_ =	swait.ge @!p6 [sflag:s28], $0x4000  }
0x94: {  	[sflag:s28] =	ssyncset.done @!p6 $0x0  }
0x95: {  	s26 =	sadd.s32 $0xFFFFFFFF, s10;
	[sflag:s28] =	ssyncadd.s32 @!p6 $0xFFFFC000;
	s28 =	simm.s32 @!p6 $0x7  }
0x96: {  	s12 =	sadd.s32 $0x30, s12;
	s25 =	sadd.s32 $0x180, s25;
	_ =	swait.ge @!p6 [sflag:s28], $0x80  }
0x97: {  	p3 =	sne.s32 s25, $0x2880;
	s21 =	smov.u32 s14;
	[sflag:s28] =	ssyncset.done @!p6 $0x0  }
0x98: {  	s14 =	smov.u32 s9;
	s9 =	sadd.s32 $0x30, s9;
	[sflag:s28] =	ssyncadd.s32 @!p6 $0xFFFFFF80  }
0x99: {  	s17 =	smov.u32 s12;
	s30 =	smov.u32 s15;
	_ =	swait.ge @!p6 [sflag:s28], $0x80  }
0x9a: {  	s15 =	smov.u32 s10;
	p5 =	sge.u32 s18, s6;
	[sflag:s28] =	ssyncset.done @!p6 $0x0  }
0x9b: {  	s8 =	simm.s32 @!p6 $0x80;
	s23 =	simm.s32 @!p6 $0x400;
	[sflag:s28] =	ssyncadd.s32 @!p6 $0xFFFFFF80  }
0x9c: {  	[tilespmem:s23], [sflag:$0x1] =	stream.indirect.gather @!p6 [hbm4b:s5+s8], $0x80, s3, s8, $0xb8;
	[tilespmem:$0x1FC80] =	vst v63  }
0x9d: {  	s18 =	smov.u32 s26;
	s3 =	sand.u32 @!p5 $0x180, s22;
	s8 =	simm.s32 @!p5 $0x0  }
0x9e: {  	[tilespmem:s3], [sflag:$0x8] =	stream.linear.gather @!p5 [hbm4b:s16+s8], $0x80, $0x38;
	[tilespmem:$0x1FC80] =	vst v63  }
0x9f: {  	s26 =	simm.s32 @!p4 $0x3;
	s23 =	sadd.s32 @!p5 $0xFFFFFFF0, s20;
	s16 =	sor.u32 @!p5 $0x200, s3  }
0xa0: {  	[tilespmem:s16], [sflag:$0x8] =	stream.linear.gather @!p5 [hbm4b:s23+s8], $0x80, $0x38;
	[tilespmem:$0x1FC80] =	vst v63  }
0xa1: {  	s10 =	sadd.s32 $0x3, s10;
	p2 =	por p1, p1;
	_ =	swait.ge @!p4 [sflag:s26], $0x4000  }
0xa2: {  	s29 =	simm.s32 @!p5 $0x8;
	s16 =	smov.u32 s11;
	[sflag:s26] =	ssyncset.done @!p4 $0x0  }
.Ltmp0:
0xa3: {  	s23 =	simm.s32 @!p5 $0x5;
	[sflag:s26] =	ssyncadd.s32 @!p4 $0xFFFFC000;
	(pc) =	sbr.rel @p3 .LBB2_2-.Ltmp0, $4  }
0xa4: {  	[spmem:s2] =	stream.indirect.scatter.add.f32 @!p4 [tilespmem:s7], [sflag:$0x6], $0x80, s31, s0, $0xb8;
	[tilespmem:$0x1FC80] =	vst v63  }
0xa5: {  	s11 =	sadd.s32 $0x30, s11;
	s8 =	sadd.s32 $0xFFFFFFFD, s10;
	_ =	swait.ge @!p5 [sflag:s23], $0x4000  }
0xa6: {  	s0 =	sadd.s32 $0xFFFFFFFB, s15;
	s31 =	sadd.s32 $0xFFFFFFFC, s10;
	[sflag:s23] =	ssyncset.done @!p5 $0x0  }
0xa7: {  	s7 =	sadd.s32 $0xFFFFFFFE, s10;
	p1 =	sge.u32 s31, s6;
	[sflag:s23] =	ssyncadd.s32 @!p5 $0xFFFFC000  }
0xa8: {  	_ =	swait.ge @!p5 [sflag:s29], $0x80  }
0xa9: {  	[sflag:s29] =	ssyncset.done @!p5 $0x0  }
0xaa: {  	[sflag:s29] =	ssyncadd.s32 @!p5 $0xFFFFFF80  }
0xab: {  	s23 =	simm.s32 @!p5 $0x4400;
	_ =	swait.ge @!p5 [sflag:s29], $0x80  }
0xac: {  	s25 =	simm.s32 @!p5 $0x80;
	p0 =	sge.u32 s30, s6;
	[sflag:s29] =	ssyncset.done @!p5 $0x0  }
0xad: {  	p4 =	sge.u32 s0, s6;
	s0 =	sadd.s32 @!p0 $0x280, s22;
	[sflag:s29] =	ssyncadd.s32 @!p5 $0xFFFFFF80  }
0xae: {  	[tilespmem:s23], [sflag:$0x2] =	stream.indirect.gather @!p5 [hbm4b:s5+s25], $0x80, s3, s25, $0xb8;
	[tilespmem:$0x1FC80] =	vst v63  }
0xaf: {  	p3 =	sge.u32 s24, s6;
	s22 =	simm.s32 @!p0 $0x0;
	s0 =	sand.u32 @!p0 $0x180, s0  }
0xb0: {  	[tilespmem:s0], [sflag:$0x9] =	stream.linear.gather @!p0 [hbm4b:s21+s22], $0x80, $0x38;
	[tilespmem:$0x1FC80] =	vst v63  }
0xb1: {  	s3 =	sand.u32 @!p4 $0x180, s13;
	s0 =	sor.u32 @!p0 $0x200, s0;
	s21 =	simm.s32 @!p4 $0x1  }
0xb2: {  	[tilespmem:s0], [sflag:$0x9] =	stream.linear.gather @!p0 [hbm4b:s20+s22], $0x80, $0x38;
	[tilespmem:$0x1FC80] =	vst v63  }
0xb3: {  	s0 =	sor.u32 @!p4 $0x200, s3;
	p0 =	seq.s32 @!p3 s13, $0x0;
	_ =	swait.ge @!p4 [sflag:s21], $0x4000  }
0xb4: {  	s3 =	simm.s32 @!p4 $0x400;
	p0 =	por p0, p3;
	[sflag:s21] =	ssyncset.done @!p4 $0x0  }
0xb5: {  	s20 =	simm.s32 @!p4 $0x80;
	[sflag:s21] =	ssyncadd.s32 @!p4 $0xFFFFC000;
	s21 =	simm.s32 @!p0 $0x6  }
0xb6: {  	[spmem:s2] =	stream.indirect.scatter.add.f32 @!p4 [tilespmem:s3], [sflag:$0x4], $0x80, s0, s20, $0xb8;
	[tilespmem:$0x1FC80] =	vst v63  }
0xb7: {  	_ =	swait.ge @!p0 [sflag:s21], $0x4000  }
0xb8: {  	[sflag:s21] =	ssyncset.done @!p0 $0x0  }
0xb9: {  	s0 =	simm.s32 @!p0 $0x9;
	[sflag:s21] =	ssyncadd.s32 @!p0 $0xFFFFC000  }
0xba: {  	_ =	swait.ge @!p0 [sflag:s0], $0x80  }
0xbb: {  	[sflag:s0] =	ssyncset.done @!p0 $0x0  }
0xbc: {  	s3 =	sadd.s32 @!p3 $0x100, s13;
	[sflag:s0] =	ssyncadd.s32 @!p0 $0xFFFFFF80  }
0xbd: {  	s20 =	simm.s32 @!p3 $0x80;
	p4 =	sge.u32 s19, s6;
	_ =	swait.ge @!p0 [sflag:s0], $0x80  }
0xbe: {  	s3 =	sand.u32 @!p3 $0x180, s3;
	[sflag:s0] =	ssyncset.done @!p0 $0x0;
	s21 =	rddreg [dreg:$0x4]  }
0xbf: {  	[sflag:s0] =	ssyncadd.s32 @!p0 $0xFFFFFF80;
	s0 =	simm.s32 @!p3 $0x8400;
	s19 =	sadd.s32 @!p4 s13, s21  }
0xc0: {  	[tilespmem:s0], [sflag:$0x3] =	stream.indirect.gather @!p3 [hbm4b:s5+s20], $0x80, s3, s20, $0xb8;
	[tilespmem:$0x1FC80] =	vst v63  }
0xc1: {  	s21 =	sadd.s32 @!p4 $0x180, s13;
	s19 =	sshrl.u32 @!p4 s19, $0x3  }
0xc2: {  	s22 =	simm.s32 @!p4 $0x0;
	s21 =	sand.u32 @!p4 $0x180, s21;
	s19 =	sadd.s32 @!p4 s1, s19  }
0xc3: {  	[tilespmem:s21], [sflag:$0x7] =	stream.linear.gather @!p4 [hbm4b:s19+s22], $0x80, $0x38;
	[tilespmem:$0x1FC80] =	vst v63  }
0xc4: {  	s23 =	sadd.s32 @!p4 $0xFFFFFFE0, s17;
	s19 =	sor.u32 @!p4 $0x200, s21  }
0xc5: {  	[tilespmem:s19], [sflag:$0x7] =	stream.linear.gather @!p4 [hbm4b:s23+s22], $0x80, $0x38;
	[tilespmem:$0x1FC80] =	vst v63  }
0xc6: {  	s19 =	simm.s32 @!p2 $0x2  }
0xc7: {  	s22 =	sadd.s32 @!p2 $0x80, s13;
	_ =	swait.ge @!p2 [sflag:s19], $0x4000  }
0xc8: {  	s23 =	simm.s32 @!p2 $0x4400;
	s22 =	sand.u32 @!p2 $0x180, s22;
	[sflag:s19] =	ssyncset.done @!p2 $0x0  }
0xc9: {  	[sflag:s19] =	ssyncadd.s32 @!p2 $0xFFFFC000;
	s19 =	sor.u32 @!p2 $0x200, s22;
	s22 =	simm.s32 @!p2 $0x80  }
0xca: {  	[spmem:s2] =	stream.indirect.scatter.add.f32 @!p2 [tilespmem:s23], [sflag:$0x5], $0x80, s19, s22, $0xb8;
	[tilespmem:$0x1FC80] =	vst v63  }
0xcb: {  	s19 =	simm.s32 @!p4 $0x4  }
0xcc: {  	_ =	swait.ge @!p4 [sflag:s19], $0x4000  }
0xcd: {  	[sflag:s19] =	ssyncset.done @!p4 $0x0  }
0xce: {  	[sflag:s19] =	ssyncadd.s32 @!p4 $0xFFFFC000;
	s19 =	simm.s32 @!p4 $0x7  }
0xcf: {  	_ =	swait.ge @!p4 [sflag:s19], $0x80  }
0xd0: {  	[sflag:s19] =	ssyncset.done @!p4 $0x0  }
0xd1: {  	[sflag:s19] =	ssyncadd.s32 @!p4 $0xFFFFFF80  }
0xd2: {  	_ =	swait.ge @!p4 [sflag:s19], $0x80  }
0xd3: {  	p0 =	sge.u32 s18, s6;
	[sflag:s19] =	ssyncset.done @!p4 $0x0  }
0xd4: {  	s18 =	simm.s32 @!p4 $0x400;
	[sflag:s19] =	ssyncadd.s32 @!p4 $0xFFFFFF80;
	s19 =	simm.s32 @!p4 $0x80  }
0xd5: {  	[tilespmem:s18], [sflag:$0x1] =	stream.indirect.gather @!p4 [hbm4b:s5+s19], $0x80, s21, s19, $0xb8;
	[tilespmem:$0x1FC80] =	vst v63  }
0xd6: {  	s18 =	sand.u32 @!p0 $0x180, s13;
	s19 =	simm.s32 @!p0 $0x0  }
0xd7: {  	[tilespmem:s18], [sflag:$0x8] =	stream.linear.gather @!p0 [hbm4b:s16+s19], $0x80, $0x38;
	[tilespmem:$0x1FC80] =	vst v63  }
0xd8: {  	s21 =	sadd.s32 @!p0 $0xFFFFFFF0, s17;
	s16 =	sor.u32 @!p0 $0x200, s18  }
0xd9: {  	[tilespmem:s16], [sflag:$0x8] =	stream.linear.gather @!p0 [hbm4b:s21+s19], $0x80, $0x38;
	[tilespmem:$0x1FC80] =	vst v63  }
0xda: {  	s16 =	simm.s32 @!p3 $0x3  }
0xdb: {  	_ =	swait.ge @!p3 [sflag:s16], $0x4000  }
0xdc: {  	[sflag:s16] =	ssyncset.done @!p3 $0x0  }
0xdd: {  	s3 =	sor.u32 @!p3 $0x200, s3;
	[sflag:s16] =	ssyncadd.s32 @!p3 $0xFFFFC000  }
0xde: {  	[spmem:s2] =	stream.indirect.scatter.add.f32 @!p3 [tilespmem:s0], [sflag:$0x6], $0x80, s3, s20, $0xb8;
	[tilespmem:$0x1FC80] =	vst v63  }
0xdf: {  	s0 =	simm.s32 @!p0 $0x5  }
0xe0: {  	_ =	swait.ge @!p0 [sflag:s0], $0x4000  }
0xe1: {  	[sflag:s0] =	ssyncset.done @!p0 $0x0  }
0xe2: {  	s3 =	simm.s32 @!p0 $0x8;
	[sflag:s0] =	ssyncadd.s32 @!p0 $0xFFFFC000  }
0xe3: {  	_ =	swait.ge @!p0 [sflag:s3], $0x80  }
0xe4: {  	[sflag:s3] =	ssyncset.done @!p0 $0x0  }
0xe5: {  	[sflag:s3] =	ssyncadd.s32 @!p0 $0xFFFFFF80  }
0xe6: {  	_ =	swait.ge @!p0 [sflag:s3], $0x80  }
0xe7: {  	[sflag:s3] =	ssyncset.done @!p0 $0x0  }
0xe8: {  	s0 =	simm.s32 @!p0 $0x4400;
	[sflag:s3] =	ssyncadd.s32 @!p0 $0xFFFFFF80;
	s3 =	simm.s32 @!p0 $0x80  }
0xe9: {  	[tilespmem:s0], [sflag:$0x2] =	stream.indirect.gather @!p0 [hbm4b:s5+s3], $0x80, s18, s3, $0xb8;
	[tilespmem:$0x1FC80] =	vst v63  }
0xea: {  	p0 =	sge.u32 s15, s6  }
0xeb: {  	p2 =	sge.u32 s8, s6;
	s21 =	sadd.s32 $0xFFFFFFFB, s10;
	s0 =	sadd.s32 @!p0 $0x280, s13  }
0xec: {  	p3 =	sge.u32 s21, s6;
	s13 =	simm.s32 @!p0 $0x0;
	s0 =	sand.u32 @!p0 $0x180, s0  }
0xed: {  	[tilespmem:s0], [sflag:$0x9] =	stream.linear.gather @!p0 [hbm4b:s14+s13], $0x80, $0x38;
	[tilespmem:$0x1FC80] =	vst v63  }
0xee: {  	s8 =	simm.s32 @!p3 $0x1;
	s3 =	sand.u32 @!p3 $0x180, s4;
	s0 =	sor.u32 @!p0 $0x200, s0  }
0xef: {  	[tilespmem:s0], [sflag:$0x9] =	stream.linear.gather @!p0 [hbm4b:s17+s13], $0x80, $0x38;
	[tilespmem:$0x1FC80] =	vst v63  }
0xf0: {  	s0 =	sor.u32 @!p3 $0x200, s3;
	p0 =	seq.s32 @!p2 s4, $0x0;
	_ =	swait.ge @!p3 [sflag:s8], $0x4000  }
0xf1: {  	s3 =	simm.s32 @!p3 $0x400;
	p0 =	por p0, p2;
	[sflag:s8] =	ssyncset.done @!p3 $0x0  }
0xf2: {  	s13 =	simm.s32 @!p0 $0x6;
	[sflag:s8] =	ssyncadd.s32 @!p3 $0xFFFFC000;
	s8 =	simm.s32 @!p3 $0x80  }
0xf3: {  	[spmem:s2] =	stream.indirect.scatter.add.f32 @!p3 [tilespmem:s3], [sflag:$0x4], $0x80, s0, s8, $0xb8;
	[tilespmem:$0x1FC80] =	vst v63  }
0xf4: {  	_ =	swait.ge @!p0 [sflag:s13], $0x4000  }
0xf5: {  	[sflag:s13] =	ssyncset.done @!p0 $0x0  }
0xf6: {  	s0 =	simm.s32 @!p0 $0x9;
	[sflag:s13] =	ssyncadd.s32 @!p0 $0xFFFFC000  }
0xf7: {  	_ =	swait.ge @!p0 [sflag:s0], $0x80  }
0xf8: {  	[sflag:s0] =	ssyncset.done @!p0 $0x0  }
0xf9: {  	s3 =	sadd.s32 @!p2 $0x100, s4;
	[sflag:s0] =	ssyncadd.s32 @!p0 $0xFFFFFF80  }
0xfa: {  	s8 =	simm.s32 @!p2 $0x80;
	p3 =	sge.u32 s7, s6;
	_ =	swait.ge @!p0 [sflag:s0], $0x80  }
0xfb: {  	s7 =	simm.s32 @!p2 $0x8400;
	[sflag:s0] =	ssyncset.done @!p0 $0x0;
	s13 =	rddreg [dreg:$0x4]  }
0xfc: {  	s3 =	sand.u32 @!p2 $0x180, s3;
	[sflag:s0] =	ssyncadd.s32 @!p0 $0xFFFFFF80;
	s13 =	sadd.s32 @!p3 s4, s13  }
0xfd: {  	[tilespmem:s7], [sflag:$0x3] =	stream.indirect.gather @!p2 [hbm4b:s5+s8], $0x80, s3, s8, $0xb8;
	[tilespmem:$0x1FC80] =	vst v63  }
0xfe: {  	s0 =	sadd.s32 $0x30, s12;
	s12 =	sadd.s32 @!p3 $0x180, s4;
	s13 =	sshrl.u32 @!p3 s13, $0x3  }
0xff: {  	s14 =	simm.s32 @!p3 $0x0;
	s12 =	sand.u32 @!p3 $0x180, s12;
	s13 =	sadd.s32 @!p3 s1, s13  }
0x100: {  	[tilespmem:s12], [sflag:$0x7] =	stream.linear.gather @!p3 [hbm4b:s13+s14], $0x80, $0x38;
	[tilespmem:$0x1FC80] =	vst v63  }
0x101: {  	p0 =	por p1, p1;
	s15 =	sadd.s32 @!p3 $0xFFFFFFE0, s0;
	s13 =	sor.u32 @!p3 $0x200, s12  }
0x102: {  	[tilespmem:s13], [sflag:$0x7] =	stream.linear.gather @!p3 [hbm4b:s15+s14], $0x80, $0x38;
	[tilespmem:$0x1FC80] =	vst v63  }
0x103: {  	s13 =	simm.s32 @!p0 $0x2  }
0x104: {  	s14 =	sadd.s32 @!p0 $0x80, s4;
	_ =	swait.ge @!p0 [sflag:s13], $0x4000  }
0x105: {  	s15 =	simm.s32 @!p0 $0x4400;
	s14 =	sand.u32 @!p0 $0x180, s14;
	[sflag:s13] =	ssyncset.done @!p0 $0x0  }
0x106: {  	[sflag:s13] =	ssyncadd.s32 @!p0 $0xFFFFC000;
	s13 =	sor.u32 @!p0 $0x200, s14;
	s14 =	simm.s32 @!p0 $0x80  }
0x107: {  	[spmem:s2] =	stream.indirect.scatter.add.f32 @!p0 [tilespmem:s15], [sflag:$0x5], $0x80, s13, s14, $0xb8;
	[tilespmem:$0x1FC80] =	vst v63  }
0x108: {  	s13 =	simm.s32 @!p3 $0x4  }
0x109: {  	_ =	swait.ge @!p3 [sflag:s13], $0x4000  }
0x10a: {  	[sflag:s13] =	ssyncset.done @!p3 $0x0  }
0x10b: {  	[sflag:s13] =	ssyncadd.s32 @!p3 $0xFFFFC000;
	s13 =	simm.s32 @!p3 $0x7  }
0x10c: {  	_ =	swait.ge @!p3 [sflag:s13], $0x80  }
0x10d: {  	[sflag:s13] =	ssyncset.done @!p3 $0x0  }
0x10e: {  	[sflag:s13] =	ssyncadd.s32 @!p3 $0xFFFFFF80  }
0x10f: {  	s22 =	sadd.s32 $0xFFFFFFFF, s10;
	_ =	swait.ge @!p3 [sflag:s13], $0x80  }
0x110: {  	p0 =	sge.u32 s22, s6;
	[sflag:s13] =	ssyncset.done @!p3 $0x0  }
0x111: {  	s14 =	simm.s32 @!p3 $0x400;
	[sflag:s13] =	ssyncadd.s32 @!p3 $0xFFFFFF80;
	s13 =	simm.s32 @!p3 $0x80  }
0x112: {  	[tilespmem:s14], [sflag:$0x1] =	stream.indirect.gather @!p3 [hbm4b:s5+s13], $0x80, s12, s13, $0xb8;
	[tilespmem:$0x1FC80] =	vst v63  }
0x113: {  	s12 =	sand.u32 @!p0 $0x180, s4;
	s13 =	simm.s32 @!p0 $0x0  }
0x114: {  	[tilespmem:s12], [sflag:$0x8] =	stream.linear.gather @!p0 [hbm4b:s11+s13], $0x80, $0x38;
	[tilespmem:$0x1FC80] =	vst v63  }
0x115: {  	s14 =	sadd.s32 @!p0 $0xFFFFFFF0, s0;
	s11 =	sor.u32 @!p0 $0x200, s12  }
0x116: {  	[tilespmem:s11], [sflag:$0x8] =	stream.linear.gather @!p0 [hbm4b:s14+s13], $0x80, $0x38;
	[tilespmem:$0x1FC80] =	vst v63  }
0x117: {  	s11 =	simm.s32 @!p2 $0x3  }
0x118: {  	_ =	swait.ge @!p2 [sflag:s11], $0x4000  }
0x119: {  	[sflag:s11] =	ssyncset.done @!p2 $0x0  }
0x11a: {  	s3 =	sor.u32 @!p2 $0x200, s3;
	[sflag:s11] =	ssyncadd.s32 @!p2 $0xFFFFC000  }
0x11b: {  	[spmem:s2] =	stream.indirect.scatter.add.f32 @!p2 [tilespmem:s7], [sflag:$0x6], $0x80, s3, s8, $0xb8;
	[tilespmem:$0x1FC80] =	vst v63  }
0x11c: {  	s3 =	simm.s32 @!p0 $0x5  }
0x11d: {  	_ =	swait.ge @!p0 [sflag:s3], $0x4000  }
0x11e: {  	[sflag:s3] =	ssyncset.done @!p0 $0x0  }
0x11f: {  	s7 =	simm.s32 @!p0 $0x8;
	[sflag:s3] =	ssyncadd.s32 @!p0 $0xFFFFC000  }
0x120: {  	_ =	swait.ge @!p0 [sflag:s7], $0x80  }
0x121: {  	[sflag:s7] =	ssyncset.done @!p0 $0x0  }
0x122: {  	[sflag:s7] =	ssyncadd.s32 @!p0 $0xFFFFFF80  }
0x123: {  	_ =	swait.ge @!p0 [sflag:s7], $0x80  }
0x124: {  	[sflag:s7] =	ssyncset.done @!p0 $0x0  }
0x125: {  	s3 =	simm.s32 @!p0 $0x4400;
	[sflag:s7] =	ssyncadd.s32 @!p0 $0xFFFFFF80;
	s7 =	simm.s32 @!p0 $0x80  }
0x126: {  	[tilespmem:s3], [sflag:$0x2] =	stream.indirect.gather @!p0 [hbm4b:s5+s7], $0x80, s12, s7, $0xb8;
	[tilespmem:$0x1FC80] =	vst v63  }
0x127: {  	p0 =	sge.u32 s10, s6  }
0x128: {  	s3 =	sadd.s32 @!p0 $0x280, s4  }
0x129: {  	s4 =	simm.s32 @!p0 $0x0;
	s3 =	sand.u32 @!p0 $0x180, s3  }
0x12a: {  	[tilespmem:s3], [sflag:$0x9] =	stream.linear.gather @!p0 [hbm4b:s9+s4], $0x80, $0x38;
	[tilespmem:$0x1FC80] =	vst v63  }
0x12b: {  	s23 =	simm.s32 $0x4;
	s3 =	sor.u32 @!p0 $0x200, s3  }
0x12c: {  	[tilespmem:s3], [sflag:$0x9] =	stream.linear.gather @!p0 [hbm4b:s0+s4], $0x80, $0x38;
	[tilespmem:$0x1FC80] =	vst v63  }
0x12d: {  	_ =	swait.ge [sflag:s23], $0x4000  }
0x12e: {  	[sflag:s23] =	ssyncset.done $0x0  }
0x12f: {  	s24 =	simm.s32 $0x5;
	[sflag:s23] =	ssyncadd.s32 $0xFFFFC000  }
0x130: {  	_ =	swait.ge [sflag:s24], $0x4000  }
0x131: {  	[sflag:s24] =	ssyncset.done $0x0  }
0x132: {  	s25 =	simm.s32 $0x6;
	[sflag:s24] =	ssyncadd.s32 $0xFFFFC000  }
0x133: {  	_ =	swait.ge [sflag:s25], $0x4000  }
0x134: {  	[sflag:s25] =	ssyncset.done $0x0  }
0x135: {  	[sflag:s25] =	ssyncadd.s32 $0xFFFFC000  }
0x136: {  	[bflag:$0x0] =	sbarrier.arrive $0xFFFF  }
0x137: {  	s26 =	rddreg [dreg:$0xf]  }
0x138: {  	s3 =	rddreg [dreg:$0x16]  }
0x139: {  	s4 =	simm.s32 $0xA;
	s28 =	rddreg [dreg:$0x17]  }
0x13a: {  	[hbm:s26], [sflag:s3] =	dma.local [spmem:s28], $0x2700  }
0x13b: {  	_ =	swait.ge [sflag:s4], $0x2700  }
0x13c: {  	s29 =	sld [smem:$0x7FD];
	_ =	sdelay $0x1  }
0x13d: {  	[sflag:s4] =	ssyncset.done $0x0;
	s0 =	rddreg [dreg:$0x10]  }
0x13e: {  	s7 =	rddreg [dreg:$0x18];
	[sflag:s4] =	ssyncadd.s32 $0xFFFFD900;
	p1 =	seq.s32 s29, $0x1  }
0x13f: {  	[hbm:s0], [sflag:s3] =	dma.local @!p1 [spmem:s7], $0x100  }
0x140: {  	s0 =	simm.s32 @!p1 $0xA  }
0x141: {  	_ =	swait.ge @!p1 [sflag:s0], $0x100  }
0x142: {  	s30 =	rddreg [dreg:$0x15]  }
0x143: {  	s31 =	rddreg [dreg:$0x11];
	s7 =	sadd.s32 $0x1, s30  }
0x144: {  	p0 =	sne.s32 s7, s31  }
.Ltmp1:
0x145: {  	_ = 	snop;
	(pc) =	sbr.rel @p0 .LBB2_1-.Ltmp1, $3  }
0x146: {  	_ =	sdelay $0x1  }
0x147: {  	[sflag:s0] =	ssyncset.done @!p1 $0x0  }
0x148: {  	[sflag:s0] =	ssyncadd.s32 @!p1 $0xFFFFFF00  }
0x149: {  	_ =	sfence.sel $0x180000  }
0x14a: {  	[bflag:$0x0] =	sbarrier.arrive $0xFFFF  }
0x14b: {  	_ =	strace $0x9000004D  }
0x14c: {  	[bflag:$0x2] =	sbarrier.arrive $0xFFFF  }
0x14d: {  	s0 =	rddreg [dreg:$0x3]  }
0x14e: {  	s0 =	sadd.s32 @!p1 $0x100000, s0  }
0x14f: {  	[sflag:s0] =	ssyncadd.tile.s32 @!p1 $0x1;
	_ =	shalt  }
.Lfunc_end2:
_tile_overlayer_lowered:
.L_overlay_start_2:
0x150: {  	(tag) =	ssettag $0x2  }
0x151: {  	s0 =	rddreg [dreg:$0x0];
	s2 =	stileid.u32  }
0x152: {  	s1 =	rddreg [dreg:$0x1];
	p0 =	sne.s32 s2, $0x0  }
0x153: {  	s3 =	rddreg [dreg:$0x2];
	[bflag:$0x3] =	sbarrier.arrive $0xFFFF;
	s2 =	simm.s32 @!p0 $0x1C0A  }
0x154: {  	[timem:s3], [sflag:s2] =	dma.local @!p0 [hbm:s0], s1  }
0x155: {  	s0 =	simm.s32 @!p0 $0xA  }
0x156: {  	_ =	swait.ge @!p0 [sflag:s0], s1  }
0x157: {  	s1 =	ssub.s32 @!p0 $0x0, s1;
	[sflag:s0] =	ssyncset.done @!p0 $0x0  }
0x158: {  	[sflag:s0] =	ssyncadd.s32 @!p0 s1  }
0x159: {  	[bflag:$0x3] =	sbarrier.arrive $0xFFFF  }
0x15a: {  	_ =	shalt  }

// kernel: kernel.19.cloned.1.call-start
scs
__scs_entry_jumppad:
0x0: {  	(pc) =	sbr.rel $0x88, $3  }
0x1: {  	(tag) =	ssettag $0x0;
	lr =	simm.s32 $0x1  }
0x2: {  	[smem:$0x3F91] =	sst lr;
	_ =	strace $0xD0000000  }
0x3: {  	_ = 	snop  }
0x4: {  	_ = 	snop  }
0x5: {  	_ = 	snop  }
0x6: {  	_ = 	snop  }
0x7: {  	_ = 	snop  }
__scs_overlays_trampoline_lowered:
0x8: {  	[smem:$0x3FA0] =	sst s0  }
0x9: {  	[smem:$0x3FA1] =	sst s1  }
0xa: {  	[smem:$0x3FA2] =	sst s2  }
0xb: {  	[smem:$0x3FA3] =	sst s3  }
0xc: {  	[smem:$0x3FA4] =	sst s4  }
0xd: {  	[smem:$0x3FA5] =	sst s5  }
0xe: {  	[smem:$0x3FA6] =	sst s6  }
0xf: {  	[smem:$0x3FA7] =	sst s7  }
0x10: {  	[smem:$0x3FA8] =	sst s8  }
0x11: {  	[smem:$0x3FA9] =	sst s9;
	s0 =	simm.s32 @!p0 $0x0  }
0x12: {  	s1 =	sld [smem:$0x3F8F];
	s0 =	simm.s32 @p0 $0x1  }
0x13: {  	[smem:$0x3FAA] =	sst s0;
	s0 =	simm.s32 @!p1 $0x0  }
0x14: {  	s2 =	sld [smem:$0x3F8E];
	s0 =	simm.s32 @p1 $0x1  }
0x15: {  	[smem:$0x3FAB] =	sst s0;
	s0 =	simm.s32 @!p2 $0x0  }
0x16: {  	s3 =	sld [smem:$0x3FDB];
	s0 =	simm.s32 @p2 $0x1  }
0x17: {  	s4 =	simm.s32 $0x1BF5;
	[smem:$0x3FAD] =	sst s0  }
0x18: {  	s0 =	sld [smem:$0x3F90];
	_ =	swait.ge [sflag:s4], $0x0  }
0x19: {  	s7 =	sld [smem:$0x3F91]  }
0x1a: {  	s8 =	sadd.s32 $0xFFFFE003, lr  }
0x1b: {  	s9 =	sadd.s32 $0xFFFFFEF7, lr;
	s5 =	simm.s32 $0xFFFFFFFF;
	p2 =	slt.u32 s8, $0xFFFFF086  }
0x1c: {  	p1 =	slt.u32 s9, $0xF7A;
	s5 =	simm.s32 @!p2 $0x0  }
0x1d: {  	s5 =	simm.s32 @p1 $0x1;
	p0 =	seq.s32 s7, s2  }
0x1e: {  	s7 =	smul.u32 @!p0 $0xF7A, s2;
	p2 =	seq.s32 @!p0 s5, $0x0  }
0x1f: {  	s9 =	smul.u32 $0xF7A, s1;
	s8 =	simm.s32 @!p0 $0x1BF5;
	p2 =	por !p2, p0  }
0x20: {  	[sflag:s8] =	ssyncset.s32 @!p0 $0xFFFFF086;
	s6 =	sadd.s32 @!p0 s3, s7;
	s7 =	simm.s32 @!p0 $0x108  }
0x21: {  	s3 =	sadd.s32 s3, s9;
	s6 =	sadd.s32 @!p0 $0x88, s6;
	s7 =	simm.s32 @p2 $0x1082  }
0x22: {  	[simem:s7], [sflag:s8] =	dma.local @!p0 [hbm:s6], $0xF7A  }
0x23: {  	s9 =	sor.u32 $0xD0000000, s2;
	s6 =	simm.s32 $0x108;
	_ =	swait.ge @!p0 [sflag:s8], $0x0  }
0x24: {  	s3 =	sadd.s32 $0x88, s3;
	s6 =	simm.s32 @!p1 $0x1082;
	[sflag:s4] =	ssyncset.s32 $0xFFFFF086  }
0x25: {  	[simem:s6], [sflag:s4] =	dma.local [hbm:s3], $0xF7A  }
0x26: {  	[smem:$0x3F91] =	sst s1;
	(tag) =	ssettag s2;
	_ =	strace s9  }
0x27: {  	s1 =	sld [smem:$0x3FA1]  }
0x28: {  	s2 =	sld [smem:$0x3FA2]  }
0x29: {  	s4 =	sld [smem:$0x3FA4]  }
0x2a: {  	p0 =	seq.s32 s5, $0x0;
	s5 =	sld [smem:$0x3FA5]  }
0x2b: {  	s6 =	sld [smem:$0x3FA6]  }
0x2c: {  	s7 =	sld [smem:$0x3FA7]  }
0x2d: {  	s3 =	simm.s32 $0x108;
	s8 =	sld [smem:$0x3FA8]  }
0x2e: {  	s3 =	simm.s32 @!p0 $0x1082;
	s9 =	sld [smem:$0x3FA9]  }
0x2f: {  	lr =	sadd.s32 s0, s3;
	s0 =	sld [smem:$0x3FA0]  }
0x30: {  	s3 =	sld [smem:$0x3FA3]  }
0x31: {  	[smem:$0x3FAC] =	sst s10  }
0x32: {  	s10 =	sld [smem:$0x3FAA];
	_ =	sdelay $0x3  }
0x33: {  	p0 =	seq.s32 s10, $0x1;
	s10 =	sld [smem:$0x3FAC];
	_ =	sdelay $0x3  }
0x34: {  	[smem:$0x3FAC] =	sst s10  }
0x35: {  	s10 =	sld [smem:$0x3FAB];
	_ =	sdelay $0x3  }
0x36: {  	p1 =	seq.s32 s10, $0x1;
	s10 =	sld [smem:$0x3FAC];
	_ =	sdelay $0x3  }
0x37: {  	[smem:$0x3FAC] =	sst s10  }
0x38: {  	s10 =	sld [smem:$0x3FAD]  }
0x39: {  	_ = 	snop;
	(pc) =	sbr.ind lr, $3  }
0x3a: {  	_ = 	snop  }
0x3b: {  	_ = 	snop  }
0x3c: {  	p2 =	seq.s32 s10, $0x1;
	s10 =	sld [smem:$0x3FAC]  }
0x3d: {  	_ =	shalt  }
0x3e: {  	_ =	shalt  }
0x3f: {  	_ =	shalt  }
0x40: {  	_ =	shalt  }
0x41: {  	_ =	shalt  }
0x42: {  	_ =	shalt  }
0x43: {  	_ =	shalt  }
0x44: {  	_ =	shalt  }
0x45: {  	_ =	shalt  }
0x46: {  	_ =	shalt  }
0x47: {  	_ =	shalt  }
0x48: {  	_ =	shalt  }
0x49: {  	_ =	shalt  }
0x4a: {  	_ =	shalt  }
0x4b: {  	_ =	shalt  }
0x4c: {  	_ =	shalt  }
0x4d: {  	_ =	shalt  }
0x4e: {  	_ =	shalt  }
0x4f: {  	_ =	shalt  }
0x50: {  	_ =	shalt  }
0x51: {  	_ =	shalt  }
0x52: {  	_ =	shalt  }
0x53: {  	_ =	shalt  }
0x54: {  	_ =	shalt  }
0x55: {  	_ =	shalt  }
0x56: {  	_ =	shalt  }
0x57: {  	_ =	shalt  }
0x58: {  	_ =	shalt  }
0x59: {  	_ =	shalt  }
0x5a: {  	_ =	shalt  }
0x5b: {  	_ =	shalt  }
0x5c: {  	_ =	shalt  }
0x5d: {  	_ =	shalt  }
0x5e: {  	_ =	shalt  }
0x5f: {  	_ =	shalt  }
0x60: {  	_ =	shalt  }
0x61: {  	_ =	shalt  }
0x62: {  	_ =	shalt  }
0x63: {  	_ =	shalt  }
0x64: {  	_ =	shalt  }
0x65: {  	_ =	shalt  }
0x66: {  	_ =	shalt  }
0x67: {  	_ =	shalt  }
0x68: {  	_ =	shalt  }
0x69: {  	_ =	shalt  }
0x6a: {  	_ =	shalt  }
0x6b: {  	_ =	shalt  }
0x6c: {  	_ =	shalt  }
0x6d: {  	_ =	shalt  }
0x6e: {  	_ =	shalt  }
0x6f: {  	_ =	shalt  }
0x70: {  	_ =	shalt  }
0x71: {  	_ =	shalt  }
0x72: {  	_ =	shalt  }
0x73: {  	_ =	shalt  }
0x74: {  	_ =	shalt  }
0x75: {  	_ =	shalt  }
0x76: {  	_ =	shalt  }
0x77: {  	_ =	shalt  }
0x78: {  	_ =	shalt  }
0x79: {  	_ =	shalt  }
0x7a: {  	_ =	shalt  }
0x7b: {  	_ =	shalt  }
0x7c: {  	_ =	shalt  }
0x7d: {  	_ =	shalt  }
0x7e: {  	_ =	shalt  }
0x7f: {  	_ =	shalt  }
0x80: {  	_ =	shalt  }
0x81: {  	_ =	shalt  }
0x82: {  	_ =	shalt  }
0x83: {  	_ =	shalt  }
0x84: {  	_ =	shalt  }
0x85: {  	_ =	shalt  }
0x86: {  	_ =	shalt  }
0x87: {  	_ =	shalt  }
.Lfunc_end0:
.L_simem_size_0:
called_computation.3_lowered:
.L_overlay_start_0:
0x88: {  	s2 =	sld [smem:$0x3FD9]  }
0x89: {  	s3 =	sld [smem:$0x3FFE];
	_ =	sdelay $0x1  }
0x8a: {  	s1 =	srdreg.scid  }
0x8b: {  	s0 =	sand.u32 $0x1, s1  }
0x8c: {  	s17 =	sshll.u32 s0, $0xA;
	s2 =	sadd.s32 s3, s2  }
0x8d: {  	s2 =	sadd.s32 s2, s17  }
0x8e: {  	[smem:$0x3FB8] =	sst s2  }
0x8f: {  	_ = 	snop  }
0x90: {  	s2 =	sld [smem:$0x3FD0];
	(tm) =	ssettm $0x1  }
0x91: {  	s18 =	sld [smem:$0x3FFB];
	_ =	sdelay $0x3  }
0x92: {  	_ =	strace s18  }
0x93: {  	s3 =	sld [smem:$0x3FFC];
	_ =	sdelay $0x3  }
0x94: {  	_ =	strace s3  }
0x95: {  	s3 =	sld [smem:$0x3FFD];
	_ =	sdelay $0x3  }
0x96: {  	_ =	strace s3  }
0x97: {  	_ =	strace $0x8FFFFFFF  }
0x98: {  	s19 =	sld [smem:$0x3FDB];
	_ =	sdelay $0x1  }
0x99: {  	s4 =	simm.s32 $_scs_section_size  }
0x9a: {  	s5 =	simm.s32 $_size__tile_overlayer_lowered;
	s6 =	simm.s32 $_tile_overlayer_lowered  }
0x9b: {  	s22 =	simm.s32 $0x1BFF;
	s21 =	sshll.u32 s6, $0x1;
	s3 =	sadd.s32 s4, s19  }
0x9c: {  	s7 =	simm.s32 $0x0;
	s20 =	sshll.u32 s5, $0x1;
	s5 =	sadd.s32 s21, s3  }
0x9d: {  	[timem:s7], [sflag:s22] =	dma.local [hbm:s5], s20  }
0x9e: {  	_ =	swait.ge [sflag:s22], s20  }
0x9f: {  	s4 =	ssub.s32 $0x0, s20;
	[sflag:s22] =	ssyncset.done $0x0  }
0xa0: {  	[sflag:s22] =	ssyncadd.s32 s4;
	_ =	sdelay $0x1  }
0xa1: {  	s23 =	simm.s32 $0x1B8B  }
0xa2: {  	_ =	swait.ge [sflag:s23], $0x1  }
0xa3: {  	[sflag:s23] =	ssyncset.done $0x0  }
0xa4: {  	s25 =	simm.s32 $0x1B8E;
	s24 =	sld [smem:$0x3FFE];
	[sflag:s23] =	ssyncadd.s32 $0xFFFFFFFF  }
0xa5: {  	s26 =	simm.s32 $execute0_lowered;
	[smem:$0x3FD2] =	sst s25  }
0xa6: {  	s5 =	sshll.u32 s26, $0x1;
	_ =	strace $0x8000004F;
	[dreg:$0x1] =	wrdreg $0xFFFFFFFF  }
0xa7: {  	s28 =	simm.s32 $_size_execute0_lowered;
	s3 =	sadd.s32 s3, s5;
	[dreg:$0x0] =	wrdreg $0x0  }
0xa8: {  	s5 =	sshll.u32 s28, $0x1;
	[dreg:$0x2] =	wrdreg s3  }
0xa9: {  	[dreg:$0x3] =	wrdreg s5  }
0xaa: {  	[dreg:$0x4] =	wrdreg $0xC0  }
0xab: {  	_ =	task [dreg:s7], $0x5FFFF  }
0xac: {  	[dreg:$0x1] =	wrdreg $0xFFFFFFFF  }
0xad: {  	[dreg:$0x0] =	wrdreg $0x60  }
0xae: {  	[dreg:$0x2] =	wrdreg s24  }
0xaf: {  	[dreg:$0x3] =	wrdreg s2  }
0xb0: {  	[dreg:$0x4] =	wrdreg $0xC4000  }
0xb1: {  	[dreg:$0x5] =	wrdreg $0x9  }
0xb2: {  	_ =	task.clear_ibuf [dreg:s7], $0x6FFFF;
	_ =	strace $0x9000004F  }
0xb3: {  	s29 =	simm.s32 $0x9;
	_ =	strace $0x80000051  }
0xb4: {  	_ =	swait.ge [sflag:s29], $0x1  }
0xb5: {  	[sflag:s29] =	ssyncadd.s32 $0xFFFFFFFF  }
0xb6: {  	_ =	strace $0x90000051  }
0xb7: {  	_ =	sfence  }
0xb8: {  	s30 =	sld [smem:$0x0];
	_ =	sdelay $0x2  }
0xb9: {  	s31 =	sshll.u32 s1, $0xD;
	s1 =	sshrl.u32 s1, $0x2  }
0xba: {  	s3 =	sand.u32 $0x4000, s31;
	s1 =	sadd.s32 s1, s30  }
0xbb: {  	s0 =	sor.u32 s3, s0;
	s1 =	sshll.u32 s1, $0x11  }
0xbc: {  	s0 =	sor.u32 s1, s0  }
0xbd: {  	s0 =	sadd.s32 $0x8F2B, s0  }
0xbe: {  	[sflag:s0] =	ssyncadd.remote.s32 $0x1  }
0xbf: {  	_ =	sfence.sel $0xFFFF  }
0xc0: {  	[dreg:$0x0] =	wrdreg $0xFFFFFFFF;
	(pc) =	sbr.abs _section_cstart, $3  }
0xc1: {  	[dreg:$0x1] =	wrdreg $0xFFFFFFFF  }
0xc2: {  	_ =	task.clear_ibuf [dreg:s7], $0x2FFFF;
	_ =	strace $0x9FFFFFFF  }
0xc3: {  	(tm) =	ssettm $0x7FFFFFFF  }
tec
execute0_lowered:
.L_overlay_start_1:
0x0: {  	(tag) =	ssettag $0x1  }
0x1: {  	s0 =	rddreg [dreg:$0x0]  }
0x2: {  	s1 =	rddreg [dreg:$0x1]  }
0x3: {  	s2 =	rddreg [dreg:$0x2]  }
0x4: {  	s4 =	simm.s32 $0x0;
	s3 =	srdreg.scid;
	s11 =	stileid.u32  }
0x5: {  	[smem:$0x7FF] =	sst s4;
	s7 =	smul.u32 $0x2700, s11  }
0x6: {  	s3 =	sand.u32 $0x1, s3;
	s5 =	sadd.s32 $0x7C00, s0;
	s16 =	smul.u32 $0x4E000, s11  }
0x7: {  	s9 =	sadd.s32 $0x2C00, s0;
	s0 =	sadd.s32 $0x55E00, s0;
	s18 =	smul.u32 $0x13800, s11  }
0x8: {  	p0 =	seq.s32 s11, $0xF;
	s20 =	sadd.s32 $0x138000, s2;
	s8 =	smul.u32 $0x27100, s3  }
0x9: {  	s22 =	smul.u32 $0x4E0, s11;
	_ =	strace $0x80000050;
	s15 =	ssub.s32 $0x2, s3  }
0xa: {  	s3 =	smul.u32 $0x138800, s3;
	s8 =	sadd.s32 s7, s8;
	s7 =	sshrl.u32 s7, $0x3  }
0xb: {  	[dreg:$0xd] =	wrdreg s20;
	s6 =	sshrl.u32 s15, $0x1;
	s12 =	sadd.s32 s9, s7  }
0xc: {  	s4 =	ssub.s32 s15, s6;
	s19 =	sadd.s32 s5, s8;
	[dreg:$0x6] =	wrdreg s12  }
0xd: {  	p1 =	sne.s32 s11, $0x0;
	s24 =	smax.u32 s4, $0x1;
	[dreg:$0xc] =	wrdreg s19  }
0xe: {  	s21 =	sshrl.u32 s3, $0x3;
	s31 =	sadd.s32 $0x180, s8;
	[dreg:$0x11] =	wrdreg s24  }
0xf: {  	s10 =	sshrl.u32 s8, $0x3;
	s17 =	sadd.s32 $0x10, s12;
	[dreg:$0x4] =	wrdreg s31  }
0x10: {  	s3 =	sadd.s32 s18, s3;
	s10 =	sadd.s32 s1, s10;
	[dreg:$0x8] =	wrdreg s17  }
0x11: {  	s7 =	sshrl.u32 s16, $0x2;
	s12 =	sadd.s32 $0x20, s12;
	[dreg:$0x5] =	wrdreg s10  }
0x12: {  	s3 =	sshrl.u32 s3, $0x3;
	s7 =	sadd.s32 s7, s2;
	[dreg:$0xa] =	wrdreg s12  }
0x13: {  	s25 =	sadd.s32 s22, s9;
	s3 =	sadd.s32 s0, s3;
	[dreg:$0xb] =	wrdreg s7  }
0x14: {  	s26 =	sadd.s32 $0x280, s8;
	s13 =	sadd.s32 $0x10, s10;
	[dreg:$0xf] =	wrdreg s3  }
0x15: {  	s10 =	sadd.s32 $0x20, s10;
	s7 =	sadd.s32 $0x27000, s21;
	[dreg:$0x7] =	wrdreg s13  }
0x16: {  	s29 =	sadd.s32 $0x200, s8;
	[dreg:$0x9] =	wrdreg s10;
	s0 =	sadd.s32 s0, s7  }
0x17: {  	s28 =	sshrl.u32 s26, $0x3;
	[dreg:$0x10] =	wrdreg s0;
	s0 =	sadd.s32 $0x50, s25  }
0x18: {  	s30 =	sshrl.u32 s29, $0x3;
	[dreg:$0x12] =	wrdreg s0;
	s0 =	sadd.s32 s28, s1  }
0x19: {  	s6 =	simm.s32 $0x50;
	[dreg:$0x13] =	wrdreg s0;
	s0 =	sadd.s32 s30, s1  }
0x1a: {  	s23 =	sadd.s32 s5, s7;
	[dreg:$0x14] =	wrdreg s0;
	s0 =	simm.s32 @!p1 $0x0  }
0x1b: {  	s6 =	simm.s32 @!p0 $0x4E;
	[dreg:$0xe] =	wrdreg s23;
	s0 =	simm.s32 @p1 $0x1  }
0x1c: {  	s4 =	simm.s32 $0xA;
	s7 =	simm.s32 $0x0;
	[smem:$0x7FD] =	sst s0  }
.LBB2_1:
0x1d: {  	[dreg:$0x15] =	wrdreg s7  }
0x1e: {  	s12 =	simm.s32 $0x0;
	s0 =	rddreg [dreg:$0x5]  }
0x1f: {  	[tilespmem:s12], [sflag:$0xA] =	stream.linear.gather [hbm4b:s0+s12], $0x80, $0x38;
	[tilespmem:$0x1FC80] =	vst v63  }
0x20: {  	_ =	swait.ge [sflag:s4], $0x80  }
0x21: {  	[sflag:s4] =	ssyncset.done $0x0  }
0x22: {  	s3 =	simm.s32 $0x200;
	s14 =	rddreg [dreg:$0x6];
	[sflag:s4] =	ssyncadd.s32 $0xFFFFFF80  }
0x23: {  	[tilespmem:s3], [sflag:$0xA] =	stream.linear.gather [hbm4b:s14+s12], $0x80, $0x38;
	[tilespmem:$0x1FC80] =	vst v63  }
0x24: {  	_ =	swait.ge [sflag:s4], $0x80  }
0x25: {  	[sflag:s4] =	ssyncset.done $0x0  }
0x26: {  	s16 =	simm.s32 $0x80;
	s15 =	rddreg [dreg:$0x7];
	[sflag:s4] =	ssyncadd.s32 $0xFFFFFF80  }
0x27: {  	[tilespmem:s16], [sflag:$0xA] =	stream.linear.gather [hbm4b:s15+s12], $0x80, $0x38;
	[tilespmem:$0x1FC80] =	vst v63  }
0x28: {  	_ =	swait.ge [sflag:s4], $0x80  }
0x29: {  	[sflag:s4] =	ssyncset.done $0x0  }
0x2a: {  	s18 =	simm.s32 $0x280;
	s17 =	rddreg [dreg:$0x8];
	[sflag:s4] =	ssyncadd.s32 $0xFFFFFF80  }
0x2b: {  	[tilespmem:s18], [sflag:$0xA] =	stream.linear.gather [hbm4b:s17+s12], $0x80, $0x38;
	[tilespmem:$0x1FC80] =	vst v63  }
0x2c: {  	_ =	swait.ge [sflag:s4], $0x80  }
0x2d: {  	[sflag:s4] =	ssyncset.done $0x0  }
0x2e: {  	s20 =	simm.s32 $0x100;
	s19 =	rddreg [dreg:$0x9];
	[sflag:s4] =	ssyncadd.s32 $0xFFFFFF80  }
0x2f: {  	[tilespmem:s20], [sflag:$0xA] =	stream.linear.gather [hbm4b:s19+s12], $0x80, $0x38;
	[tilespmem:$0x1FC80] =	vst v63  }
0x30: {  	_ =	swait.ge [sflag:s4], $0x80  }
0x31: {  	[sflag:s4] =	ssyncset.done $0x0  }
0x32: {  	s22 =	simm.s32 $0x300;
	s21 =	rddreg [dreg:$0xa];
	[sflag:s4] =	ssyncadd.s32 $0xFFFFFF80  }
0x33: {  	[tilespmem:s22], [sflag:$0xA] =	stream.linear.gather [hbm4b:s21+s12], $0x80, $0x38;
	[tilespmem:$0x1FC80] =	vst v63  }
0x34: {  	s23 =	simm.s32 $0x400;
	s25 =	stileid.u32;
	_ =	swait.ge [sflag:s4], $0x80  }
0x35: {  	s0 =	sshll.u32 s25, $0x6;
	[sflag:s4] =	ssyncset.done $0x0;
	s26 =	rddreg [dreg:$0xb]  }
0x36: {  	s31 =	rddreg [dreg:$0xc];
	[sflag:s4] =	ssyncadd.s32 $0xFFFFFF80;
	s28 =	sshrl.u32 s26, $0x3  }
0x37: {  	[tilespmem:s23], [sflag:$0x1] =	stream.indirect.gather [hbm4b:s5+s16], $0x80, s12, s16, $0xb8;
	[tilespmem:$0x1FC80] =	vst v63  }
0x38: {  	s24 =	simm.s32 $0x4400;
	s3 =	sor.u32 $0x1C0A, s0;
	[dreg:$0x17] =	wrdreg s28  }
0x39: {  	[tilespmem:s24], [sflag:$0x2] =	stream.indirect.gather [hbm4b:s5+s16], $0x80, s16, s16, $0xb8;
	[tilespmem:$0x1FC80] =	vst v63  }
0x3a: {  	[spmem:s28], [sflag:s3] =	dma.local [hbm:s31], $0x2700  }
0x3b: {  	_ =	swait.ge [sflag:s4], $0x2700;
	[dreg:$0x16] =	wrdreg s3  }
0x3c: {  	[sflag:s4] =	ssyncset.done $0x0;
	s0 =	rddreg [dreg:$0xd]  }
0x3d: {  	[sflag:s4] =	ssyncadd.s32 $0xFFFFD900;
	s4 =	sshrl.u32 @!p1 s0, $0x3;
	s0 =	rddreg [dreg:$0xe]  }
0x3e: {  	[dreg:$0x18] =	wrdreg s4  }
0x3f: {  	[spmem:s4], [sflag:s3] =	dma.local @!p1 [hbm:s0], $0x100  }
0x40: {  	s0 =	simm.s32 @!p1 $0xA  }
0x41: {  	_ =	swait.ge @!p1 [sflag:s0], $0x100  }
0x42: {  	p2 =	sle.u32 s6, $0x0;
	[sflag:s0] =	ssyncset.done @!p1 $0x0  }
0x43: {  	s3 =	simm.s32 @!p2 $0x1;
	[sflag:s0] =	ssyncadd.s32 @!p1 $0xFFFFFF00  }
0x44: {  	s4 =	simm.s32 @!p2 $0x400;
	p1 =	sle.u32 s6, $0x2;
	[bflag:$0x0] =	sbarrier.arrive $0xFFFF  }
0x45: {  	s0 =	sand.u32 @!p2 $0x180, s12;
	p0 =	por @!p1 $0x1, $0x1;
	_ =	swait.ge @!p2 [sflag:s3], $0x4000  }
0x46: {  	s0 =	sor.u32 @!p2 $0x200, s0;
	p0 =	por p0, p1;
	[sflag:s3] =	ssyncset.done @!p2 $0x0  }
0x47: {  	s7 =	simm.s32 @!p0 $0x6;
	[sflag:s3] =	ssyncadd.s32 @!p2 $0xFFFFC000;
	s3 =	simm.s32 @!p2 $0x80  }
0x48: {  	[spmem:s2] =	stream.indirect.scatter.add.f32 @!p2 [tilespmem:s4], [sflag:$0x4], $0x80, s0, s3, $0xb8;
	[tilespmem:$0x1FC80] =	vst v63  }
0x49: {  	_ =	swait.ge @!p0 [sflag:s7], $0x4000  }
0x4a: {  	[sflag:s7] =	ssyncset.done @!p0 $0x0  }
0x4b: {  	s3 =	simm.s32 @!p0 $0x9;
	[sflag:s7] =	ssyncadd.s32 @!p0 $0xFFFFC000  }
0x4c: {  	_ =	swait.ge @!p0 [sflag:s3], $0x80  }
0x4d: {  	p5 =	sle.u32 s6, $0x1;
	[sflag:s3] =	ssyncset.done @!p0 $0x0  }
0x4e: {  	s8 =	simm.s32 @!p1 $0x8400;
	s0 =	simm.s32 @!p1 $0x100;
	[sflag:s3] =	ssyncadd.s32 @!p0 $0xFFFFFF80  }
0x4f: {  	p2 =	sle.u32 s6, $0x3;
	s7 =	sand.u32 @!p1 $0x180, s0;
	_ =	swait.ge @!p0 [sflag:s3], $0x80  }
0x50: {  	s0 =	simm.s32 @!p1 $0x80;
	[sflag:s3] =	ssyncset.done @!p0 $0x0;
	s4 =	rddreg [dreg:$0x4]  }
0x51: {  	s20 =	rddreg [dreg:$0x12];
	[sflag:s3] =	ssyncadd.s32 @!p0 $0xFFFFFF80;
	s3 =	sadd.s32 @!p2 $0x0, s4  }
0x52: {  	[tilespmem:s8], [sflag:$0x3] =	stream.indirect.gather @!p1 [hbm4b:s5+s0], $0x80, s7, s0, $0xb8;
	[tilespmem:$0x1FC80] =	vst v63  }
0x53: {  	p0 =	por p5, p5;
	s4 =	simm.s32 @!p2 $0x180;
	s3 =	sshrl.u32 @!p2 s3, $0x3  }
0x54: {  	s9 =	sand.u32 @!p2 $0x180, s4;
	s4 =	simm.s32 @!p2 $0x0;
	s3 =	sadd.s32 @!p2 s1, s3  }
0x55: {  	[tilespmem:s9], [sflag:$0x7] =	stream.linear.gather @!p2 [hbm4b:s3+s4], $0x80, $0x38;
	[tilespmem:$0x1FC80] =	vst v63  }
0x56: {  	s10 =	sadd.s32 @!p2 $0xFFFFFFE0, s20;
	s11 =	simm.s32 @!p0 $0x2;
	s3 =	sor.u32 @!p2 $0x200, s9  }
0x57: {  	[tilespmem:s3], [sflag:$0x7] =	stream.linear.gather @!p2 [hbm4b:s10+s4], $0x80, $0x38;
	[tilespmem:$0x1FC80] =	vst v63  }
0x58: {  	s3 =	simm.s32 @!p0 $0x80;
	s4 =	simm.s32 @!p0 $0x4400;
	_ =	swait.ge @!p0 [sflag:s11], $0x4000  }
0x59: {  	s10 =	simm.s32 @!p2 $0x4;
	s3 =	sand.u32 @!p0 $0x180, s3;
	[sflag:s11] =	ssyncset.done @!p0 $0x0  }
0x5a: {  	s3 =	sor.u32 @!p0 $0x200, s3;
	[sflag:s11] =	ssyncadd.s32 @!p0 $0xFFFFC000;
	s11 =	simm.s32 @!p0 $0x80  }
0x5b: {  	[spmem:s2] =	stream.indirect.scatter.add.f32 @!p0 [tilespmem:s4], [sflag:$0x5], $0x80, s3, s11, $0xb8;
	[tilespmem:$0x1FC80] =	vst v63  }
0x5c: {  	s13 =	simm.s32 $0x180;
	p6 =	sle.u32 s6, $0x4;
	_ =	swait.ge @!p2 [sflag:s10], $0x4000  }
0x5d: {  	s30 =	simm.s32 $0x5;
	s25 =	simm.s32 $0x480;
	[sflag:s10] =	ssyncset.done @!p2 $0x0  }
0x5e: {  	s15 =	simm.s32 $0x8;
	s3 =	simm.s32 @!p2 $0x7;
	[sflag:s10] =	ssyncadd.s32 @!p2 $0xFFFFC000  }
0x5f: {  	s18 =	simm.s32 $0x7;
	s19 =	simm.s32 $0x6;
	_ =	swait.ge @!p2 [sflag:s3], $0x80  }
0x60: {  	s22 =	simm.s32 $0x0;
	s24 =	simm.s32 $0x5;
	[sflag:s3] =	ssyncset.done @!p2 $0x0  }
0x61: {  	p5 =	sle.u32 s6, $0x4;
	s21 =	rddreg [dreg:$0x13];
	[sflag:s3] =	ssyncadd.s32 @!p2 $0xFFFFFF80  }
0x62: {  	s7 =	sor.u32 @!p1 $0x200, s7;
	s17 =	rddreg [dreg:$0x14];
	_ =	swait.ge @!p2 [sflag:s3], $0x80  }
0x63: {  	s29 =	simm.s32 @!p5 $0x8;
	s4 =	simm.s32 $0x300;
	[sflag:s3] =	ssyncset.done @!p2 $0x0  }
0x64: {  	s11 =	simm.s32 @!p2 $0x400;
	s10 =	simm.s32 @!p2 $0x80;
	[sflag:s3] =	ssyncadd.s32 @!p2 $0xFFFFFF80  }
0x65: {  	[tilespmem:s11], [sflag:$0x1] =	stream.indirect.gather @!p2 [hbm4b:s5+s10], $0x80, s9, s10, $0xb8;
	[tilespmem:$0x1FC80] =	vst v63  }
0x66: {  	s16 =	sadd.s32 $0x30, s17;
	s3 =	sand.u32 @!p5 $0x180, s12;
	s9 =	simm.s32 @!p5 $0x0  }
0x67: {  	[tilespmem:s3], [sflag:$0x8] =	stream.linear.gather @!p5 [hbm4b:s17+s9], $0x80, $0x38;
	[tilespmem:$0x1FC80] =	vst v63  }
0x68: {  	s10 =	sor.u32 @!p5 $0x200, s3;
	s11 =	sadd.s32 @!p5 $0xFFFFFFF0, s20;
	s17 =	simm.s32 @!p1 $0x3  }
0x69: {  	[tilespmem:s10], [sflag:$0x8] =	stream.linear.gather @!p5 [hbm4b:s11+s9], $0x80, $0x38;
	[tilespmem:$0x1FC80] =	vst v63  }
0x6a: {  	s14 =	sadd.s32 $0x30, s21;
	s12 =	sadd.s32 $0x30, s20;
	_ =	swait.ge @!p1 [sflag:s17], $0x4000  }
0x6b: {  	p2 =	por p6, p6;
	s9 =	sadd.s32 $0x30, s14;
	[sflag:s17] =	ssyncset.done @!p1 $0x0  }
0x6c: {  	s11 =	sadd.s32 $0x30, s16;
	[sflag:s17] =	ssyncadd.s32 @!p1 $0xFFFFC000;
	s17 =	simm.s32 @!p5 $0x5  }
0x6d: {  	[spmem:s2] =	stream.indirect.scatter.add.f32 @!p1 [tilespmem:s8], [sflag:$0x6], $0x80, s7, s0, $0xb8;
	[tilespmem:$0x1FC80] =	vst v63  }
0x6e: {  	s10 =	simm.s32 $0xB;
	s0 =	simm.s32 $0x3;
	_ =	swait.ge @!p5 [sflag:s17], $0x4000  }
0x6f: {  	s8 =	simm.s32 $0x8;
	s7 =	simm.s32 $0x9;
	[sflag:s17] =	ssyncset.done @!p5 $0x0  }
0x70: {  	p1 =	sle.u32 s6, $0x7;
	[sflag:s17] =	ssyncadd.s32 @!p5 $0xFFFFC000;
	s17 =	smov.u32 s12  }
.LBB2_2:
0x71: {  	_ =	swait.ge @!p5 [sflag:s29], $0x80  }
0x72: {  	[sflag:s29] =	ssyncset.done @!p5 $0x0  }
0x73: {  	[sflag:s29] =	ssyncadd.s32 @!p5 $0xFFFFFF80  }
0x74: {  	p0 =	sge.u32 s30, s6;
	_ =	swait.ge @!p5 [sflag:s29], $0x80  }
0x75: {  	p6 =	sge.u32 s0, s6;
	s0 =	simm.s32 @!p5 $0x4400;
	[sflag:s29] =	ssyncset.done @!p5 $0x0  }
0x76: {  	s31 =	simm.s32 @!p5 $0x80;
	s22 =	sadd.s32 @!p0 $0x280, s22;
	[sflag:s29] =	ssyncadd.s32 @!p5 $0xFFFFFF80  }
0x77: {  	[tilespmem:s0], [sflag:$0x2] =	stream.indirect.gather @!p5 [hbm4b:s5+s31], $0x80, s3, s31, $0xb8;
	[tilespmem:$0x1FC80] =	vst v63  }
0x78: {  	p4 =	sge.u32 s24, s6;
	s23 =	simm.s32 @!p0 $0x0;
	s22 =	sand.u32 @!p0 $0x180, s22  }
0x79: {  	[tilespmem:s22], [sflag:$0x9] =	stream.linear.gather @!p0 [hbm4b:s21+s23], $0x80, $0x38;
	[tilespmem:$0x1FC80] =	vst v63  }
0x7a: {  	s30 =	sand.u32 @!p6 $0x180, s13;
	s0 =	sor.u32 @!p0 $0x200, s22;
	s3 =	simm.s32 @!p6 $0x1  }
0x7b: {  	[tilespmem:s0], [sflag:$0x9] =	stream.linear.gather @!p0 [hbm4b:s20+s23], $0x80, $0x38;
	[tilespmem:$0x1FC80] =	vst v63  }
0x7c: {  	s30 =	sor.u32 @!p6 $0x200, s30;
	p5 =	seq.s32 @!p4 s13, $0x0;
	_ =	swait.ge @!p6 [sflag:s3], $0x4000  }
0x7d: {  	p5 =	por p5, p4;
	s0 =	simm.s32 @!p6 $0x400;
	[sflag:s3] =	ssyncset.done @!p6 $0x0  }
0x7e: {  	s23 =	simm.s32 @!p5 $0x6;
	[sflag:s3] =	ssyncadd.s32 @!p6 $0xFFFFC000;
	s3 =	simm.s32 @!p6 $0x80  }
0x7f: {  	[spmem:s2] =	stream.indirect.scatter.add.f32 @!p6 [tilespmem:s0], [sflag:$0x4], $0x80, s30, s3, $0xb8;
	[tilespmem:$0x1FC80] =	vst v63  }
0x80: {  	_ =	swait.ge @!p5 [sflag:s23], $0x4000  }
0x81: {  	s28 =	smov.u32 s25;
	[sflag:s23] =	ssyncset.done @!p5 $0x0  }
0x82: {  	s24 =	sadd.s32 @!p4 $0x100, s13;
	[sflag:s23] =	ssyncadd.s32 @!p5 $0xFFFFC000;
	s23 =	simm.s32 @!p5 $0x9  }
0x83: {  	s29 =	sand.u32 @!p4 $0x180, s24;
	s24 =	smov.u32 s8;
	_ =	swait.ge @!p5 [sflag:s23], $0x80  }
0x84: {  	s31 =	sor.u32 @!p4 $0x200, s29;
	s22 =	smov.u32 s13;
	[sflag:s23] =	ssyncset.done @!p5 $0x0  }
0x85: {  	s13 =	smov.u32 s4;
	s4 =	smov.u32 s28;
	[sflag:s23] =	ssyncadd.s32 @!p5 $0xFFFFFF80  }
0x86: {  	s0 =	simm.s32 @!p4 $0x80;
	p6 =	sge.u32 s19, s6;
	_ =	swait.ge @!p5 [sflag:s23], $0x80  }
0x87: {  	s19 =	smov.u32 s7;
	[sflag:s23] =	ssyncset.done @!p5 $0x0;
	s8 =	rddreg [dreg:$0x4]  }
0x88: {  	s7 =	simm.s32 @!p4 $0x8400;
	[sflag:s23] =	ssyncadd.s32 @!p5 $0xFFFFFF80;
	s8 =	sadd.s32 @!p6 s22, s8  }
0x89: {  	[tilespmem:s7], [sflag:$0x3] =	stream.indirect.gather @!p4 [hbm4b:s5+s0], $0x80, s29, s0, $0xb8;
	[tilespmem:$0x1FC80] =	vst v63  }
0x8a: {  	s20 =	smov.u32 s17;
	s3 =	sadd.s32 @!p6 $0x180, s22;
	s8 =	sshrl.u32 @!p6 s8, $0x3  }
0x8b: {  	s28 =	simm.s32 @!p6 $0x0;
	s3 =	sand.u32 @!p6 $0x180, s3;
	s8 =	sadd.s32 @!p6 s1, s8  }
0x8c: {  	[tilespmem:s3], [sflag:$0x7] =	stream.linear.gather @!p6 [hbm4b:s8+s28], $0x80, $0x38;
	[tilespmem:$0x1FC80] =	vst v63  }
0x8d: {  	s23 =	sadd.s32 @!p6 $0xFFFFFFE0, s20;
	s29 =	simm.s32 @!p2 $0x2;
	s8 =	sor.u32 @!p6 $0x200, s3  }
0x8e: {  	[tilespmem:s8], [sflag:$0x7] =	stream.linear.gather @!p6 [hbm4b:s23+s28], $0x80, $0x38;
	[tilespmem:$0x1FC80] =	vst v63  }
0x8f: {  	s8 =	sadd.s32 @!p2 $0x80, s22;
	s23 =	simm.s32 @!p2 $0x4400;
	_ =	swait.ge @!p2 [sflag:s29], $0x4000  }
0x90: {  	s28 =	simm.s32 @!p6 $0x4;
	s8 =	sand.u32 @!p2 $0x180, s8;
	[sflag:s29] =	ssyncset.done @!p2 $0x0  }
0x91: {  	s8 =	sor.u32 @!p2 $0x200, s8;
	[sflag:s29] =	ssyncadd.s32 @!p2 $0xFFFFC000;
	s29 =	simm.s32 @!p2 $0x80  }
0x92: {  	[spmem:s2] =	stream.indirect.scatter.add.f32 @!p2 [tilespmem:s23], [sflag:$0x5], $0x80, s8, s29, $0xb8;
	[tilespmem:$0x1FC80] =	vst v63  }
0x93: {  	_ =	swait.ge @!p6 [sflag:s28], $0x4000  }
0x94: {  	[sflag:s28] =	ssyncset.done @!p6 $0x0  }
0x95: {  	s26 =	sadd.s32 $0xFFFFFFFF, s10;
	[sflag:s28] =	ssyncadd.s32 @!p6 $0xFFFFC000;
	s28 =	simm.s32 @!p6 $0x7  }
0x96: {  	s12 =	sadd.s32 $0x30, s12;
	s25 =	sadd.s32 $0x180, s25;
	_ =	swait.ge @!p6 [sflag:s28], $0x80  }
0x97: {  	p3 =	sne.s32 s25, $0x2880;
	s21 =	smov.u32 s14;
	[sflag:s28] =	ssyncset.done @!p6 $0x0  }
0x98: {  	s14 =	smov.u32 s9;
	s9 =	sadd.s32 $0x30, s9;
	[sflag:s28] =	ssyncadd.s32 @!p6 $0xFFFFFF80  }
0x99: {  	s17 =	smov.u32 s12;
	s30 =	smov.u32 s15;
	_ =	swait.ge @!p6 [sflag:s28], $0x80  }
0x9a: {  	s15 =	smov.u32 s10;
	p5 =	sge.u32 s18, s6;
	[sflag:s28] =	ssyncset.done @!p6 $0x0  }
0x9b: {  	s8 =	simm.s32 @!p6 $0x80;
	s23 =	simm.s32 @!p6 $0x400;
	[sflag:s28] =	ssyncadd.s32 @!p6 $0xFFFFFF80  }
0x9c: {  	[tilespmem:s23], [sflag:$0x1] =	stream.indirect.gather @!p6 [hbm4b:s5+s8], $0x80, s3, s8, $0xb8;
	[tilespmem:$0x1FC80] =	vst v63  }
0x9d: {  	s18 =	smov.u32 s26;
	s3 =	sand.u32 @!p5 $0x180, s22;
	s8 =	simm.s32 @!p5 $0x0  }
0x9e: {  	[tilespmem:s3], [sflag:$0x8] =	stream.linear.gather @!p5 [hbm4b:s16+s8], $0x80, $0x38;
	[tilespmem:$0x1FC80] =	vst v63  }
0x9f: {  	s26 =	simm.s32 @!p4 $0x3;
	s23 =	sadd.s32 @!p5 $0xFFFFFFF0, s20;
	s16 =	sor.u32 @!p5 $0x200, s3  }
0xa0: {  	[tilespmem:s16], [sflag:$0x8] =	stream.linear.gather @!p5 [hbm4b:s23+s8], $0x80, $0x38;
	[tilespmem:$0x1FC80] =	vst v63  }
0xa1: {  	s10 =	sadd.s32 $0x3, s10;
	p2 =	por p1, p1;
	_ =	swait.ge @!p4 [sflag:s26], $0x4000  }
0xa2: {  	s29 =	simm.s32 @!p5 $0x8;
	s16 =	smov.u32 s11;
	[sflag:s26] =	ssyncset.done @!p4 $0x0  }
.Ltmp0:
0xa3: {  	s23 =	simm.s32 @!p5 $0x5;
	[sflag:s26] =	ssyncadd.s32 @!p4 $0xFFFFC000;
	(pc) =	sbr.rel @p3 .LBB2_2-.Ltmp0, $4  }
0xa4: {  	[spmem:s2] =	stream.indirect.scatter.add.f32 @!p4 [tilespmem:s7], [sflag:$0x6], $0x80, s31, s0, $0xb8;
	[tilespmem:$0x1FC80] =	vst v63  }
0xa5: {  	s11 =	sadd.s32 $0x30, s11;
	s8 =	sadd.s32 $0xFFFFFFFD, s10;
	_ =	swait.ge @!p5 [sflag:s23], $0x4000  }
0xa6: {  	s0 =	sadd.s32 $0xFFFFFFFB, s15;
	s31 =	sadd.s32 $0xFFFFFFFC, s10;
	[sflag:s23] =	ssyncset.done @!p5 $0x0  }
0xa7: {  	s7 =	sadd.s32 $0xFFFFFFFE, s10;
	p1 =	sge.u32 s31, s6;
	[sflag:s23] =	ssyncadd.s32 @!p5 $0xFFFFC000  }
0xa8: {  	_ =	swait.ge @!p5 [sflag:s29], $0x80  }
0xa9: {  	[sflag:s29] =	ssyncset.done @!p5 $0x0  }
0xaa: {  	[sflag:s29] =	ssyncadd.s32 @!p5 $0xFFFFFF80  }
0xab: {  	s23 =	simm.s32 @!p5 $0x4400;
	_ =	swait.ge @!p5 [sflag:s29], $0x80  }
0xac: {  	s25 =	simm.s32 @!p5 $0x80;
	p0 =	sge.u32 s30, s6;
	[sflag:s29] =	ssyncset.done @!p5 $0x0  }
0xad: {  	p4 =	sge.u32 s0, s6;
	s0 =	sadd.s32 @!p0 $0x280, s22;
	[sflag:s29] =	ssyncadd.s32 @!p5 $0xFFFFFF80  }
0xae: {  	[tilespmem:s23], [sflag:$0x2] =	stream.indirect.gather @!p5 [hbm4b:s5+s25], $0x80, s3, s25, $0xb8;
	[tilespmem:$0x1FC80] =	vst v63  }
0xaf: {  	p3 =	sge.u32 s24, s6;
	s22 =	simm.s32 @!p0 $0x0;
	s0 =	sand.u32 @!p0 $0x180, s0  }
0xb0: {  	[tilespmem:s0], [sflag:$0x9] =	stream.linear.gather @!p0 [hbm4b:s21+s22], $0x80, $0x38;
	[tilespmem:$0x1FC80] =	vst v63  }
0xb1: {  	s3 =	sand.u32 @!p4 $0x180, s13;
	s0 =	sor.u32 @!p0 $0x200, s0;
	s21 =	simm.s32 @!p4 $0x1  }
0xb2: {  	[tilespmem:s0], [sflag:$0x9] =	stream.linear.gather @!p0 [hbm4b:s20+s22], $0x80, $0x38;
	[tilespmem:$0x1FC80] =	vst v63  }
0xb3: {  	s0 =	sor.u32 @!p4 $0x200, s3;
	p0 =	seq.s32 @!p3 s13, $0x0;
	_ =	swait.ge @!p4 [sflag:s21], $0x4000  }
0xb4: {  	s3 =	simm.s32 @!p4 $0x400;
	p0 =	por p0, p3;
	[sflag:s21] =	ssyncset.done @!p4 $0x0  }
0xb5: {  	s20 =	simm.s32 @!p4 $0x80;
	[sflag:s21] =	ssyncadd.s32 @!p4 $0xFFFFC000;
	s21 =	simm.s32 @!p0 $0x6  }
0xb6: {  	[spmem:s2] =	stream.indirect.scatter.add.f32 @!p4 [tilespmem:s3], [sflag:$0x4], $0x80, s0, s20, $0xb8;
	[tilespmem:$0x1FC80] =	vst v63  }
0xb7: {  	_ =	swait.ge @!p0 [sflag:s21], $0x4000  }
0xb8: {  	[sflag:s21] =	ssyncset.done @!p0 $0x0  }
0xb9: {  	s0 =	simm.s32 @!p0 $0x9;
	[sflag:s21] =	ssyncadd.s32 @!p0 $0xFFFFC000  }
0xba: {  	_ =	swait.ge @!p0 [sflag:s0], $0x80  }
0xbb: {  	[sflag:s0] =	ssyncset.done @!p0 $0x0  }
0xbc: {  	s3 =	sadd.s32 @!p3 $0x100, s13;
	[sflag:s0] =	ssyncadd.s32 @!p0 $0xFFFFFF80  }
0xbd: {  	s20 =	simm.s32 @!p3 $0x80;
	p4 =	sge.u32 s19, s6;
	_ =	swait.ge @!p0 [sflag:s0], $0x80  }
0xbe: {  	s3 =	sand.u32 @!p3 $0x180, s3;
	[sflag:s0] =	ssyncset.done @!p0 $0x0;
	s21 =	rddreg [dreg:$0x4]  }
0xbf: {  	[sflag:s0] =	ssyncadd.s32 @!p0 $0xFFFFFF80;
	s0 =	simm.s32 @!p3 $0x8400;
	s19 =	sadd.s32 @!p4 s13, s21  }
0xc0: {  	[tilespmem:s0], [sflag:$0x3] =	stream.indirect.gather @!p3 [hbm4b:s5+s20], $0x80, s3, s20, $0xb8;
	[tilespmem:$0x1FC80] =	vst v63  }
0xc1: {  	s21 =	sadd.s32 @!p4 $0x180, s13;
	s19 =	sshrl.u32 @!p4 s19, $0x3  }
0xc2: {  	s22 =	simm.s32 @!p4 $0x0;
	s21 =	sand.u32 @!p4 $0x180, s21;
	s19 =	sadd.s32 @!p4 s1, s19  }
0xc3: {  	[tilespmem:s21], [sflag:$0x7] =	stream.linear.gather @!p4 [hbm4b:s19+s22], $0x80, $0x38;
	[tilespmem:$0x1FC80] =	vst v63  }
0xc4: {  	s23 =	sadd.s32 @!p4 $0xFFFFFFE0, s17;
	s19 =	sor.u32 @!p4 $0x200, s21  }
0xc5: {  	[tilespmem:s19], [sflag:$0x7] =	stream.linear.gather @!p4 [hbm4b:s23+s22], $0x80, $0x38;
	[tilespmem:$0x1FC80] =	vst v63  }
0xc6: {  	s19 =	simm.s32 @!p2 $0x2  }
0xc7: {  	s22 =	sadd.s32 @!p2 $0x80, s13;
	_ =	swait.ge @!p2 [sflag:s19], $0x4000  }
0xc8: {  	s23 =	simm.s32 @!p2 $0x4400;
	s22 =	sand.u32 @!p2 $0x180, s22;
	[sflag:s19] =	ssyncset.done @!p2 $0x0  }
0xc9: {  	[sflag:s19] =	ssyncadd.s32 @!p2 $0xFFFFC000;
	s19 =	sor.u32 @!p2 $0x200, s22;
	s22 =	simm.s32 @!p2 $0x80  }
0xca: {  	[spmem:s2] =	stream.indirect.scatter.add.f32 @!p2 [tilespmem:s23], [sflag:$0x5], $0x80, s19, s22, $0xb8;
	[tilespmem:$0x1FC80] =	vst v63  }
0xcb: {  	s19 =	simm.s32 @!p4 $0x4  }
0xcc: {  	_ =	swait.ge @!p4 [sflag:s19], $0x4000  }
0xcd: {  	[sflag:s19] =	ssyncset.done @!p4 $0x0  }
0xce: {  	[sflag:s19] =	ssyncadd.s32 @!p4 $0xFFFFC000;
	s19 =	simm.s32 @!p4 $0x7  }
0xcf: {  	_ =	swait.ge @!p4 [sflag:s19], $0x80  }
0xd0: {  	[sflag:s19] =	ssyncset.done @!p4 $0x0  }
0xd1: {  	[sflag:s19] =	ssyncadd.s32 @!p4 $0xFFFFFF80  }
0xd2: {  	_ =	swait.ge @!p4 [sflag:s19], $0x80  }
0xd3: {  	p0 =	sge.u32 s18, s6;
	[sflag:s19] =	ssyncset.done @!p4 $0x0  }
0xd4: {  	s18 =	simm.s32 @!p4 $0x400;
	[sflag:s19] =	ssyncadd.s32 @!p4 $0xFFFFFF80;
	s19 =	simm.s32 @!p4 $0x80  }
0xd5: {  	[tilespmem:s18], [sflag:$0x1] =	stream.indirect.gather @!p4 [hbm4b:s5+s19], $0x80, s21, s19, $0xb8;
	[tilespmem:$0x1FC80] =	vst v63  }
0xd6: {  	s18 =	sand.u32 @!p0 $0x180, s13;
	s19 =	simm.s32 @!p0 $0x0  }
0xd7: {  	[tilespmem:s18], [sflag:$0x8] =	stream.linear.gather @!p0 [hbm4b:s16+s19], $0x80, $0x38;
	[tilespmem:$0x1FC80] =	vst v63  }
0xd8: {  	s21 =	sadd.s32 @!p0 $0xFFFFFFF0, s17;
	s16 =	sor.u32 @!p0 $0x200, s18  }
0xd9: {  	[tilespmem:s16], [sflag:$0x8] =	stream.linear.gather @!p0 [hbm4b:s21+s19], $0x80, $0x38;
	[tilespmem:$0x1FC80] =	vst v63  }
0xda: {  	s16 =	simm.s32 @!p3 $0x3  }
0xdb: {  	_ =	swait.ge @!p3 [sflag:s16], $0x4000  }
0xdc: {  	[sflag:s16] =	ssyncset.done @!p3 $0x0  }
0xdd: {  	s3 =	sor.u32 @!p3 $0x200, s3;
	[sflag:s16] =	ssyncadd.s32 @!p3 $0xFFFFC000  }
0xde: {  	[spmem:s2] =	stream.indirect.scatter.add.f32 @!p3 [tilespmem:s0], [sflag:$0x6], $0x80, s3, s20, $0xb8;
	[tilespmem:$0x1FC80] =	vst v63  }
0xdf: {  	s0 =	simm.s32 @!p0 $0x5  }
0xe0: {  	_ =	swait.ge @!p0 [sflag:s0], $0x4000  }
0xe1: {  	[sflag:s0] =	ssyncset.done @!p0 $0x0  }
0xe2: {  	s3 =	simm.s32 @!p0 $0x8;
	[sflag:s0] =	ssyncadd.s32 @!p0 $0xFFFFC000  }
0xe3: {  	_ =	swait.ge @!p0 [sflag:s3], $0x80  }
0xe4: {  	[sflag:s3] =	ssyncset.done @!p0 $0x0  }
0xe5: {  	[sflag:s3] =	ssyncadd.s32 @!p0 $0xFFFFFF80  }
0xe6: {  	_ =	swait.ge @!p0 [sflag:s3], $0x80  }
0xe7: {  	[sflag:s3] =	ssyncset.done @!p0 $0x0  }
0xe8: {  	s0 =	simm.s32 @!p0 $0x4400;
	[sflag:s3] =	ssyncadd.s32 @!p0 $0xFFFFFF80;
	s3 =	simm.s32 @!p0 $0x80  }
0xe9: {  	[tilespmem:s0], [sflag:$0x2] =	stream.indirect.gather @!p0 [hbm4b:s5+s3], $0x80, s18, s3, $0xb8;
	[tilespmem:$0x1FC80] =	vst v63  }
0xea: {  	p0 =	sge.u32 s15, s6  }
0xeb: {  	p2 =	sge.u32 s8, s6;
	s21 =	sadd.s32 $0xFFFFFFFB, s10;
	s0 =	sadd.s32 @!p0 $0x280, s13  }
0xec: {  	p3 =	sge.u32 s21, s6;
	s13 =	simm.s32 @!p0 $0x0;
	s0 =	sand.u32 @!p0 $0x180, s0  }
0xed: {  	[tilespmem:s0], [sflag:$0x9] =	stream.linear.gather @!p0 [hbm4b:s14+s13], $0x80, $0x38;
	[tilespmem:$0x1FC80] =	vst v63  }
0xee: {  	s8 =	simm.s32 @!p3 $0x1;
	s3 =	sand.u32 @!p3 $0x180, s4;
	s0 =	sor.u32 @!p0 $0x200, s0  }
0xef: {  	[tilespmem:s0], [sflag:$0x9] =	stream.linear.gather @!p0 [hbm4b:s17+s13], $0x80, $0x38;
	[tilespmem:$0x1FC80] =	vst v63  }
0xf0: {  	s0 =	sor.u32 @!p3 $0x200, s3;
	p0 =	seq.s32 @!p2 s4, $0x0;
	_ =	swait.ge @!p3 [sflag:s8], $0x4000  }
0xf1: {  	s3 =	simm.s32 @!p3 $0x400;
	p0 =	por p0, p2;
	[sflag:s8] =	ssyncset.done @!p3 $0x0  }
0xf2: {  	s13 =	simm.s32 @!p0 $0x6;
	[sflag:s8] =	ssyncadd.s32 @!p3 $0xFFFFC000;
	s8 =	simm.s32 @!p3 $0x80  }
0xf3: {  	[spmem:s2] =	stream.indirect.scatter.add.f32 @!p3 [tilespmem:s3], [sflag:$0x4], $0x80, s0, s8, $0xb8;
	[tilespmem:$0x1FC80] =	vst v63  }
0xf4: {  	_ =	swait.ge @!p0 [sflag:s13], $0x4000  }
0xf5: {  	[sflag:s13] =	ssyncset.done @!p0 $0x0  }
0xf6: {  	s0 =	simm.s32 @!p0 $0x9;
	[sflag:s13] =	ssyncadd.s32 @!p0 $0xFFFFC000  }
0xf7: {  	_ =	swait.ge @!p0 [sflag:s0], $0x80  }
0xf8: {  	[sflag:s0] =	ssyncset.done @!p0 $0x0  }
0xf9: {  	s3 =	sadd.s32 @!p2 $0x100, s4;
	[sflag:s0] =	ssyncadd.s32 @!p0 $0xFFFFFF80  }
0xfa: {  	s8 =	simm.s32 @!p2 $0x80;
	p3 =	sge.u32 s7, s6;
	_ =	swait.ge @!p0 [sflag:s0], $0x80  }
0xfb: {  	s7 =	simm.s32 @!p2 $0x8400;
	[sflag:s0] =	ssyncset.done @!p0 $0x0;
	s13 =	rddreg [dreg:$0x4]  }
0xfc: {  	s3 =	sand.u32 @!p2 $0x180, s3;
	[sflag:s0] =	ssyncadd.s32 @!p0 $0xFFFFFF80;
	s13 =	sadd.s32 @!p3 s4, s13  }
0xfd: {  	[tilespmem:s7], [sflag:$0x3] =	stream.indirect.gather @!p2 [hbm4b:s5+s8], $0x80, s3, s8, $0xb8;
	[tilespmem:$0x1FC80] =	vst v63  }
0xfe: {  	s0 =	sadd.s32 $0x30, s12;
	s12 =	sadd.s32 @!p3 $0x180, s4;
	s13 =	sshrl.u32 @!p3 s13, $0x3  }
0xff: {  	s14 =	simm.s32 @!p3 $0x0;
	s12 =	sand.u32 @!p3 $0x180, s12;
	s13 =	sadd.s32 @!p3 s1, s13  }
0x100: {  	[tilespmem:s12], [sflag:$0x7] =	stream.linear.gather @!p3 [hbm4b:s13+s14], $0x80, $0x38;
	[tilespmem:$0x1FC80] =	vst v63  }
0x101: {  	p0 =	por p1, p1;
	s15 =	sadd.s32 @!p3 $0xFFFFFFE0, s0;
	s13 =	sor.u32 @!p3 $0x200, s12  }
0x102: {  	[tilespmem:s13], [sflag:$0x7] =	stream.linear.gather @!p3 [hbm4b:s15+s14], $0x80, $0x38;
	[tilespmem:$0x1FC80] =	vst v63  }
0x103: {  	s13 =	simm.s32 @!p0 $0x2  }
0x104: {  	s14 =	sadd.s32 @!p0 $0x80, s4;
	_ =	swait.ge @!p0 [sflag:s13], $0x4000  }
0x105: {  	s15 =	simm.s32 @!p0 $0x4400;
	s14 =	sand.u32 @!p0 $0x180, s14;
	[sflag:s13] =	ssyncset.done @!p0 $0x0  }
0x106: {  	[sflag:s13] =	ssyncadd.s32 @!p0 $0xFFFFC000;
	s13 =	sor.u32 @!p0 $0x200, s14;
	s14 =	simm.s32 @!p0 $0x80  }
0x107: {  	[spmem:s2] =	stream.indirect.scatter.add.f32 @!p0 [tilespmem:s15], [sflag:$0x5], $0x80, s13, s14, $0xb8;
	[tilespmem:$0x1FC80] =	vst v63  }
0x108: {  	s13 =	simm.s32 @!p3 $0x4  }
0x109: {  	_ =	swait.ge @!p3 [sflag:s13], $0x4000  }
0x10a: {  	[sflag:s13] =	ssyncset.done @!p3 $0x0  }
0x10b: {  	[sflag:s13] =	ssyncadd.s32 @!p3 $0xFFFFC000;
	s13 =	simm.s32 @!p3 $0x7  }
0x10c: {  	_ =	swait.ge @!p3 [sflag:s13], $0x80  }
0x10d: {  	[sflag:s13] =	ssyncset.done @!p3 $0x0  }
0x10e: {  	[sflag:s13] =	ssyncadd.s32 @!p3 $0xFFFFFF80  }
0x10f: {  	s22 =	sadd.s32 $0xFFFFFFFF, s10;
	_ =	swait.ge @!p3 [sflag:s13], $0x80  }
0x110: {  	p0 =	sge.u32 s22, s6;
	[sflag:s13] =	ssyncset.done @!p3 $0x0  }
0x111: {  	s14 =	simm.s32 @!p3 $0x400;
	[sflag:s13] =	ssyncadd.s32 @!p3 $0xFFFFFF80;
	s13 =	simm.s32 @!p3 $0x80  }
0x112: {  	[tilespmem:s14], [sflag:$0x1] =	stream.indirect.gather @!p3 [hbm4b:s5+s13], $0x80, s12, s13, $0xb8;
	[tilespmem:$0x1FC80] =	vst v63  }
0x113: {  	s12 =	sand.u32 @!p0 $0x180, s4;
	s13 =	simm.s32 @!p0 $0x0  }
0x114: {  	[tilespmem:s12], [sflag:$0x8] =	stream.linear.gather @!p0 [hbm4b:s11+s13], $0x80, $0x38;
	[tilespmem:$0x1FC80] =	vst v63  }
0x115: {  	s14 =	sadd.s32 @!p0 $0xFFFFFFF0, s0;
	s11 =	sor.u32 @!p0 $0x200, s12  }
0x116: {  	[tilespmem:s11], [sflag:$0x8] =	stream.linear.gather @!p0 [hbm4b:s14+s13], $0x80, $0x38;
	[tilespmem:$0x1FC80] =	vst v63  }
0x117: {  	s11 =	simm.s32 @!p2 $0x3  }
0x118: {  	_ =	swait.ge @!p2 [sflag:s11], $0x4000  }
0x119: {  	[sflag:s11] =	ssyncset.done @!p2 $0x0  }
0x11a: {  	s3 =	sor.u32 @!p2 $0x200, s3;
	[sflag:s11] =	ssyncadd.s32 @!p2 $0xFFFFC000  }
0x11b: {  	[spmem:s2] =	stream.indirect.scatter.add.f32 @!p2 [tilespmem:s7], [sflag:$0x6], $0x80, s3, s8, $0xb8;
	[tilespmem:$0x1FC80] =	vst v63  }
0x11c: {  	s3 =	simm.s32 @!p0 $0x5  }
0x11d: {  	_ =	swait.ge @!p0 [sflag:s3], $0x4000  }
0x11e: {  	[sflag:s3] =	ssyncset.done @!p0 $0x0  }
0x11f: {  	s7 =	simm.s32 @!p0 $0x8;
	[sflag:s3] =	ssyncadd.s32 @!p0 $0xFFFFC000  }
0x120: {  	_ =	swait.ge @!p0 [sflag:s7], $0x80  }
0x121: {  	[sflag:s7] =	ssyncset.done @!p0 $0x0  }
0x122: {  	[sflag:s7] =	ssyncadd.s32 @!p0 $0xFFFFFF80  }
0x123: {  	_ =	swait.ge @!p0 [sflag:s7], $0x80  }
0x124: {  	[sflag:s7] =	ssyncset.done @!p0 $0x0  }
0x125: {  	s3 =	simm.s32 @!p0 $0x4400;
	[sflag:s7] =	ssyncadd.s32 @!p0 $0xFFFFFF80;
	s7 =	simm.s32 @!p0 $0x80  }
0x126: {  	[tilespmem:s3], [sflag:$0x2] =	stream.indirect.gather @!p0 [hbm4b:s5+s7], $0x80, s12, s7, $0xb8;
	[tilespmem:$0x1FC80] =	vst v63  }
0x127: {  	p0 =	sge.u32 s10, s6  }
0x128: {  	s3 =	sadd.s32 @!p0 $0x280, s4  }
0x129: {  	s4 =	simm.s32 @!p0 $0x0;
	s3 =	sand.u32 @!p0 $0x180, s3  }
0x12a: {  	[tilespmem:s3], [sflag:$0x9] =	stream.linear.gather @!p0 [hbm4b:s9+s4], $0x80, $0x38;
	[tilespmem:$0x1FC80] =	vst v63  }
0x12b: {  	s23 =	simm.s32 $0x4;
	s3 =	sor.u32 @!p0 $0x200, s3  }
0x12c: {  	[tilespmem:s3], [sflag:$0x9] =	stream.linear.gather @!p0 [hbm4b:s0+s4], $0x80, $0x38;
	[tilespmem:$0x1FC80] =	vst v63  }
0x12d: {  	_ =	swait.ge [sflag:s23], $0x4000  }
0x12e: {  	[sflag:s23] =	ssyncset.done $0x0  }
0x12f: {  	s24 =	simm.s32 $0x5;
	[sflag:s23] =	ssyncadd.s32 $0xFFFFC000  }
0x130: {  	_ =	swait.ge [sflag:s24], $0x4000  }
0x131: {  	[sflag:s24] =	ssyncset.done $0x0  }
0x132: {  	s25 =	simm.s32 $0x6;
	[sflag:s24] =	ssyncadd.s32 $0xFFFFC000  }
0x133: {  	_ =	swait.ge [sflag:s25], $0x4000  }
0x134: {  	[sflag:s25] =	ssyncset.done $0x0  }
0x135: {  	[sflag:s25] =	ssyncadd.s32 $0xFFFFC000  }
0x136: {  	[bflag:$0x0] =	sbarrier.arrive $0xFFFF  }
0x137: {  	s26 =	rddreg [dreg:$0xf]  }
0x138: {  	s3 =	rddreg [dreg:$0x16]  }
0x139: {  	s4 =	simm.s32 $0xA;
	s28 =	rddreg [dreg:$0x17]  }
0x13a: {  	[hbm:s26], [sflag:s3] =	dma.local [spmem:s28], $0x2700  }
0x13b: {  	_ =	swait.ge [sflag:s4], $0x2700  }
0x13c: {  	s29 =	sld [smem:$0x7FD];
	_ =	sdelay $0x1  }
0x13d: {  	[sflag:s4] =	ssyncset.done $0x0;
	s0 =	rddreg [dreg:$0x10]  }
0x13e: {  	s7 =	rddreg [dreg:$0x18];
	[sflag:s4] =	ssyncadd.s32 $0xFFFFD900;
	p1 =	seq.s32 s29, $0x1  }
0x13f: {  	[hbm:s0], [sflag:s3] =	dma.local @!p1 [spmem:s7], $0x100  }
0x140: {  	s0 =	simm.s32 @!p1 $0xA  }
0x141: {  	_ =	swait.ge @!p1 [sflag:s0], $0x100  }
0x142: {  	s30 =	rddreg [dreg:$0x15]  }
0x143: {  	s31 =	rddreg [dreg:$0x11];
	s7 =	sadd.s32 $0x1, s30  }
0x144: {  	p0 =	sne.s32 s7, s31  }
.Ltmp1:
0x145: {  	_ = 	snop;
	(pc) =	sbr.rel @p0 .LBB2_1-.Ltmp1, $3  }
0x146: {  	_ =	sdelay $0x1  }
0x147: {  	[sflag:s0] =	ssyncset.done @!p1 $0x0  }
0x148: {  	[sflag:s0] =	ssyncadd.s32 @!p1 $0xFFFFFF00  }
0x149: {  	_ =	sfence.sel $0x180000  }
0x14a: {  	[bflag:$0x0] =	sbarrier.arrive $0xFFFF  }
0x14b: {  	_ =	strace $0x90000050  }
0x14c: {  	[bflag:$0x2] =	sbarrier.arrive $0xFFFF  }
0x14d: {  	s0 =	rddreg [dreg:$0x3]  }
0x14e: {  	s0 =	sadd.s32 @!p1 $0x100000, s0  }
0x14f: {  	[sflag:s0] =	ssyncadd.tile.s32 @!p1 $0x1;
	_ =	shalt  }
.Lfunc_end2:
_tile_overlayer_lowered:
.L_overlay_start_2:
0x150: {  	(tag) =	ssettag $0x2  }
0x151: {  	s0 =	rddreg [dreg:$0x0];
	s2 =	stileid.u32  }
0x152: {  	s1 =	rddreg [dreg:$0x1];
	p0 =	sne.s32 s2, $0x0  }
0x153: {  	s3 =	rddreg [dreg:$0x2];
	[bflag:$0x3] =	sbarrier.arrive $0xFFFF;
	s2 =	simm.s32 @!p0 $0x1C0A  }
0x154: {  	[timem:s3], [sflag:s2] =	dma.local @!p0 [hbm:s0], s1  }
0x155: {  	s0 =	simm.s32 @!p0 $0xA  }
0x156: {  	_ =	swait.ge @!p0 [sflag:s0], s1  }
0x157: {  	s1 =	ssub.s32 @!p0 $0x0, s1;
	[sflag:s0] =	ssyncset.done @!p0 $0x0  }
0x158: {  	[sflag:s0] =	ssyncadd.s32 @!p0 s1  }
0x159: {  	[bflag:$0x3] =	sbarrier.arrive $0xFFFF  }
0x15a: {  	_ =	shalt  }

</sc_bundles>
